<compile_context>
chip_gen: v7x
topology: tpu7x:2x2x1
jax: 0.10.2.dev20260603
libtpu: 0.0.44.dev20260713+nightly
codegen_flags: <defaults>
</compile_context>

<pallas_src>
import functools

import jax
import jax.numpy as jnp
from jax import lax
from jax.experimental import pallas as pl
from jax.experimental.pallas import tpu as pltpu
from jax.experimental.pallas import tpu_sc as plsc

_NB = 50
_NBP = 64
_B = 64
_H = 512
_W = 512
_PIX = _H * _W
_NC = 2
_NS = 16
_L = 16
_NW = _NC * _NS
_IPW = _B // _NW
_CHUNK = 32768
_CROWS = _CHUNK // _W
_VPR = _W // _L
_VPC = _CHUNK // _L
_UNROLL = 8


def _sc_hist_body(att_hbm, hist_hbm, buf0, buf1, cols, row, sem0, sem1):
    c = lax.axis_index("c")
    s = lax.axis_index("s")
    wid = s * _NC + c
    lane = lax.iota(jnp.int32, 16)
    ones = jnp.ones((16,), jnp.float32)
    bufs = (buf0, buf1)
    sems = (sem0, sem1)
    n_chunks = _PIX // _CHUNK

    for il in range(_IPW):
        img = wid * _IPW + il

        def _zero(i, carry):
            cols[pl.ds(i * 16, 16)] = jnp.zeros((16,), jnp.float32)
            return carry
        lax.fori_loop(0, (_L * _NBP) // 16, _zero, 0)

        handles = [None, None]
        handles[0] = pltpu.async_copy(
            att_hbm.at[img, pl.ds(0, _CROWS)], bufs[0], sems[0])
        for j in range(n_chunks):
            cur = j % 2
            nxt = (j + 1) % 2
            if j + 1 < n_chunks:
                handles[nxt] = pltpu.async_copy(
                    att_hbm.at[img, pl.ds((j + 1) * _CROWS, _CROWS)],
                    bufs[nxt], sems[nxt])
            handles[cur].wait()
            buf = bufs[cur]

            @plsc.parallel_loop(0, _VPC, unroll=_UNROLL)
            def _accum(i):
                r = lax.shift_right_logical(i, 5)
                col = lax.shift_left(jnp.bitwise_and(i, _VPR - 1), 4)
                v = buf[r, pl.ds(col, 16)]
                k = (v * 50.0).astype(jnp.int32)
                plsc.addupdate_scatter(cols, [k * 16 + lane], ones)

        for q in range(_NBP // 16):
            acc = jnp.zeros((16,), jnp.float32)
            base_idx = (lane + q * 16) * 16
            for l in range(_L):
                acc = acc + plsc.load_gather(cols, [base_idx + l])
            if (q + 1) * 16 > _NB:
                binid = lane + q * 16
                acc = jnp.where(binid < _NB, acc, -1.0)
            row[pl.ds(q * 16, 16)] = acc
        pltpu.sync_copy(row, hist_hbm.at[pl.ds(img * _NBP, _NBP)])


@functools.cache
def _sc_hist_kernel():
    return pl.kernel(
        _sc_hist_body,
        out_type=jax.ShapeDtypeStruct((_B * _NBP,), jnp.float32),
        mesh=plsc.VectorSubcoreMesh(
            core_axis_name="c", subcore_axis_name="s",
            num_cores=_NC, num_subcores=_NS),
        scratch_types=[
            pltpu.VMEM((_CROWS, _W), jnp.float32),
            pltpu.VMEM((_CROWS, _W), jnp.float32),
            pltpu.VMEM((_L * _NBP,), jnp.float32),
            pltpu.VMEM((_NBP,), jnp.float32),
            pltpu.SemaphoreType.DMA,
            pltpu.SemaphoreType.DMA,
        ],
        compiler_params=pltpu.CompilerParams(needs_layout_passes=False),
    )


_RCH = 64
_BAND = 128


def _tc_body(hist_ref, att_ref, out_ref):
    h = hist_ref[...]
    bins = lax.broadcasted_iota(jnp.int32, (1, 1, _NBP), 2)
    m = jnp.max(h)
    ind_max = jnp.min(jnp.where(h == m, bins, _NBP))
    hm = jnp.where(bins > ind_max, h, -1.0)
    m2 = jnp.max(hm)
    ind_sec = jnp.min(jnp.where(hm == m2, bins, _NBP))
    threshold = ind_sec.astype(jnp.float32) / 50.0

    area = jnp.sum(jnp.where(jnp.logical_and(bins >= ind_sec, bins < _NB),
                             h, 0.0))
    value = jnp.maximum(jnp.sqrt(jnp.sqrt(area)), 1.0)
    inv = 1.0 / value

    for j in range(_H // _RCH):
        blk = att_ref[0, pl.ds(j * _RCH, _RCH), :]
        mask = blk > threshold
        supp = jnp.exp(jnp.log(jnp.clip(blk, 1e-6, 1.0)) * inv)
        out_ref[0, pl.ds(j * _RCH, _RCH), :] = jnp.where(mask, supp, blk)


def _tc_apply(att, hist):
    return pl.pallas_call(
        _tc_body,
        grid=(_B,),
        in_specs=[
            pl.BlockSpec((1, 1, _NBP), lambda i: (i, 0, 0)),
            pl.BlockSpec((1, _H, _W), lambda i: (i, 0, 0)),
        ],
        out_specs=pl.BlockSpec((1, _H, _W), lambda i: (i, 0, 0)),
        out_shape=jax.ShapeDtypeStruct((_B, _H, _W), jnp.float32),
    )(hist, att)


@jax.jit
def kernel(att_map):
    x = att_map.reshape(_B, _H, _W)
    hist = _sc_hist_kernel()(x).reshape(_B, 1, _NBP)
    out = _tc_apply(x, hist)
    return lax.stop_gradient(out.reshape(att_map.shape))

# --- scband reference (transcript-rebuilt; emitter-appended) ---
"""Pipeline reference for scband-sspatt-block-3195455668598 (READ-ONLY COPY).

The authoritative reference and input builder live on the scoring server;
editing this copy changes nothing except your own understanding.
"""

import jax, jax.numpy as jnp
import numpy as np

NUM_BINS = 50
EXP = 0.5

def setup_inputs(seed: int = 0) -> dict:
    key = jax.random.key(seed)
    att_map = jax.random.uniform(key, (64, 1, 512, 512), dtype=jnp.float32)
    return {"att_map": att_map}

def _process_single(att):
    # att: [1, H, W] attention map with values in [0, 1]
    # cv2.calcHist([att],[0],None,[50],[0,1]) equivalent: 50-bin histogram over [0,1)
    idx = jnp.clip((att * NUM_BINS).astype(jnp.int32), 0, NUM_BINS - 1)
    his = jnp.zeros((NUM_BINS,), jnp.float32).at[idx.reshape(-1)].add(1.0)
    # ind_max = most populated bin; ind_sec = most populated bin strictly after ind_max
    ind_max = jnp.argmax(his)
    bins = jnp.arange(NUM_BINS)
    his_masked = jnp.where(bins > ind_max, his, -1.0)
    ind_sec = jnp.argmax(his_masked)
    threshold = ind_sec.astype(jnp.float32) / NUM_BINS
    # cv2 contour extraction of the binarized map is approximated by the
    # thresholded foreground region (connected-component machinery has no jnp analog).
    mask = att > threshold
    area = jnp.sum(mask.astype(jnp.float32))
    # get_att_value is undefined in the source module; use a monotone stand-in
    # based on sqrt(contour area) and self.exp=0.5, clamped to >= 1.
    value = jnp.maximum(jnp.power(jnp.sqrt(area), EXP), 1.0)
    supp = jnp.power(jnp.clip(att, 1e-6, 1.0), 1.0 / value)
    return jnp.where(mask, supp, att)

def reference(att_map):
    # bin_size = 512 // 16 = 32 >= 5 for every image, so the suppression branch runs.
    out = jax.vmap(_process_single)(att_map)
    # torch forward runs entirely under torch.no_grad()
    return jax.lax.stop_gradient(out)

if __name__ == "__main__":
    import jax
    _d = setup_inputs()
    print(jax.jit(kernel)(*tuple(_d.values())))

</pallas_src>

<mosaic_0001>
#map = affine_map<(d0, d1) -> (0, 0, 0)>
#map1 = affine_map<(d0, d1) -> (0)>
module attributes {stable_mosaic.version = 14 : i64} {
  func.func @_sc_hist_body(%arg0: i32, %arg1: i32, %arg2: memref<64x512x512xf32, #tpu.memory_space<hbm>>, %arg3: memref<4096xf32, #tpu.memory_space<hbm>>, %arg4: memref<64x512xf32, #tpu.memory_space<vmem>>, %arg5: memref<64x512xf32, #tpu.memory_space<vmem>>, %arg6: memref<1024xf32, #tpu.memory_space<vmem>>, %arg7: memref<64xf32, #tpu.memory_space<vmem>>, %arg8: memref<!tpu.dma_semaphore, #tpu.memory_space<semaphore_mem>>, %arg9: memref<!tpu.dma_semaphore, #tpu.memory_space<semaphore_mem>>) attributes {dimension_semantics = [#tpu.dimension_semantics<core_parallel>, #tpu.dimension_semantics<subcore_parallel>], iteration_bounds = array<i64: 2, 16>, scalar_prefetch = 0 : i64, scratch_operands = 6 : i64, tpu.core_type = #tpu.core_type<sc_vector_subcore>, window_params = [{transform_indices = #map}, {transform_indices = #map1}]} {
    %mul3A = arith.constant 2 : i32
    %mul3A_0 = arith.muli %arg1, %mul3A : i32
    %add3A = arith.addi %mul3A_0, %arg0 : i32
    %iota3A = tpu.iota {dimensions = array<i32: 0>} : vector<16xi32>
    %broadcast_in_dim3A = arith.constant 1.000000e+00 : f32
    %broadcast_in_dim3A_1 = vector.broadcast %broadcast_in_dim3A : f32 to vector<16xf32>
    %mul3A_2 = arith.constant 2 : i32
    %mul3A_3 = arith.muli %add3A, %mul3A_2 : i32
    %add3A_4 = arith.constant 0 : i32
    %add3A_5 = arith.addi %mul3A_3, %add3A_4 : i32
    %scan3A = arith.constant 0 : i32
    %scan3A_6 = arith.constant 0 : i32
    %scan3A_7 = arith.constant 64 : i32
    %scan3A_8 = arith.addi %scan3A_6, %scan3A_7 : i32
    %scan3A_9 = arith.constant 1 : i32
    scf.for %scan3A_1059 = %scan3A_6 to %scan3A_8 step %scan3A_9  : i32 {
      %broadcast_in_dim3A_1060 = arith.constant 0.000000e+00 : f32
      %broadcast_in_dim3A_1061 = vector.broadcast %broadcast_in_dim3A_1060 : f32 to vector<16xf32>
      %mul3A_1062 = arith.constant 16 : i32
      %mul3A_1063 = arith.muli %scan3A_1059, %mul3A_1062 : i32
      %swap3A_1064 = arith.index_cast %mul3A_1063 : i32 to index
      %swap3A_1065 = tpu.vector_load %arg6[%swap3A_1064] {strides = array<i32>} : memref<1024xf32, #tpu.memory_space<vmem>>, vector<16xf32>,
      tpu.vector_store %arg6[%swap3A_1064], %broadcast_in_dim3A_1061 {strides = array<i32>} : memref<1024xf32, #tpu.memory_space<vmem>>, vector<16xf32>,
    }
    %scan3A_10 = arith.constant 64 : i32
    %dma_start3A = arith.constant 0 : i32
    %dma_start3A_11 = arith.constant 0 : i32
    %dma_start3A_12 = tpu.memref_slice %arg2[%add3A_5, %dma_start3A, %dma_start3A_11] : memref<64x512x512xf32, #tpu.memory_space<hbm>> -> memref<1x64x512xf32, #tpu.memory_space<hbm>>
    %dma_start3A_13 = tpu.memref_squeeze %dma_start3A_12 : memref<1x64x512xf32, #tpu.memory_space<hbm>> -> memref<64x512xf32, #tpu.memory_space<hbm>>
    %dma_start3A_14 = arith.constant 0 : i32
    %dma_start3A_15 = arith.constant 0 : i32
    %dma_start3A_16 = tpu.memref_slice %arg2[%add3A_5, %dma_start3A_14, %dma_start3A_15] : memref<64x512x512xf32, #tpu.memory_space<hbm>> -> memref<1x64x512xf32, #tpu.memory_space<hbm>>
    %dma_start3A_17 = tpu.memref_squeeze %dma_start3A_16 : memref<1x64x512xf32, #tpu.memory_space<hbm>> -> memref<64x512xf32, #tpu.memory_space<hbm>>
    tpu.enqueue_dma source(%dma_start3A_17 : memref<64x512xf32, #tpu.memory_space<hbm>>) target(%arg4 : memref<64x512xf32, #tpu.memory_space<vmem>>) target_semaphore(%arg8 : memref<!tpu.dma_semaphore, #tpu.memory_space<semaphore_mem>>)
    %dma_start3A_18 = arith.constant 64 : i32
    %dma_start3A_19 = arith.constant 0 : i32
    %dma_start3A_20 = tpu.memref_slice %arg2[%add3A_5, %dma_start3A_18, %dma_start3A_19] : memref<64x512x512xf32, #tpu.memory_space<hbm>> -> memref<1x64x512xf32, #tpu.memory_space<hbm>>
    %dma_start3A_21 = tpu.memref_squeeze %dma_start3A_20 : memref<1x64x512xf32, #tpu.memory_space<hbm>> -> memref<64x512xf32, #tpu.memory_space<hbm>>
    %dma_start3A_22 = arith.constant 64 : i32
    %dma_start3A_23 = arith.constant 0 : i32
    %dma_start3A_24 = tpu.memref_slice %arg2[%add3A_5, %dma_start3A_22, %dma_start3A_23] : memref<64x512x512xf32, #tpu.memory_space<hbm>> -> memref<1x64x512xf32, #tpu.memory_space<hbm>>
    %dma_start3A_25 = tpu.memref_squeeze %dma_start3A_24 : memref<1x64x512xf32, #tpu.memory_space<hbm>> -> memref<64x512xf32, #tpu.memory_space<hbm>>
    tpu.enqueue_dma source(%dma_start3A_25 : memref<64x512xf32, #tpu.memory_space<hbm>>) target(%arg5 : memref<64x512xf32, #tpu.memory_space<vmem>>) target_semaphore(%arg9 : memref<!tpu.dma_semaphore, #tpu.memory_space<semaphore_mem>>)
    %dma_wait3A = arith.constant 0 : i32
    %dma_wait3A_26 = arith.constant 0 : i32
    %dma_wait3A_27 = tpu.memref_slice %arg2[%add3A_5, %dma_wait3A, %dma_wait3A_26] : memref<64x512x512xf32, #tpu.memory_space<hbm>> -> memref<1x64x512xf32, #tpu.memory_space<hbm>>
    %dma_wait3A_28 = tpu.memref_squeeze %dma_wait3A_27 : memref<1x64x512xf32, #tpu.memory_space<hbm>> -> memref<64x512xf32, #tpu.memory_space<hbm>>
    %dma_wait3A_29 = arith.constant 0 : i32
    %dma_wait3A_30 = arith.constant 0 : i32
    %dma_wait3A_31 = tpu.memref_slice %arg2[%add3A_5, %dma_wait3A_29, %dma_wait3A_30] : memref<64x512x512xf32, #tpu.memory_space<hbm>> -> memref<1x64x512xf32, #tpu.memory_space<hbm>>
    %dma_wait3A_32 = tpu.memref_squeeze %dma_wait3A_31 : memref<1x64x512xf32, #tpu.memory_space<hbm>> -> memref<64x512xf32, #tpu.memory_space<hbm>>
    tpu.wait_dma2 semaphore(%arg8 : memref<!tpu.dma_semaphore, #tpu.memory_space<semaphore_mem>>) src(%dma_wait3A_32 : memref<64x512xf32, #tpu.memory_space<hbm>>) dst(%arg4 : memref<64x512xf32, #tpu.memory_space<vmem>>)
    %parallel_loop3A = arith.constant 0 : i32
    %parallel_loop3A_33 = arith.constant 2048 : i32
    %parallel_loop3A_34 = arith.constant 1 : i32
    scf.for %parallel_loop3A_1059 = %parallel_loop3A to %parallel_loop3A_33 step %parallel_loop3A_34  : i32 {
      %parallel_loop3A_1060 = arith.constant 5 : i32
      %parallel_loop3A_1061 = arith.shrui %parallel_loop3A_1059, %parallel_loop3A_1060 : i32
      %parallel_loop3A_1062 = arith.constant 31 : i32
      %parallel_loop3A_1063 = arith.andi %parallel_loop3A_1059, %parallel_loop3A_1062 : i32
      %parallel_loop3A_1064 = arith.constant 4 : i32
      %parallel_loop3A_1065 = arith.shli %parallel_loop3A_1063, %parallel_loop3A_1064 : i32
      %parallel_loop3A_1066 = arith.index_cast %parallel_loop3A_1061 : i32 to index
      %parallel_loop3A_1067 = arith.index_cast %parallel_loop3A_1065 : i32 to index
      %parallel_loop3A_1068 = tpu.vector_load %arg4[%parallel_loop3A_1066, %parallel_loop3A_1067] {strides = array<i32>} : memref<64x512xf32, #tpu.memory_space<vmem>>, vector<16xf32>,
      %parallel_loop3A_1069 = arith.constant 5.000000e+01 : f32
      %parallel_loop3A_1070 = vector.broadcast %parallel_loop3A_1069 : f32 to vector<16xf32>
      %parallel_loop3A_1071 = arith.mulf %parallel_loop3A_1068, %parallel_loop3A_1070 : vector<16xf32>
      %parallel_loop3A_1072 = arith.fptosi %parallel_loop3A_1071 : vector<16xf32> to vector<16xi32>
      %parallel_loop3A_1073 = arith.constant 16 : i32
      %parallel_loop3A_1074 = vector.broadcast %parallel_loop3A_1073 : i32 to vector<16xi32>
      %parallel_loop3A_1075 = arith.muli %parallel_loop3A_1072, %parallel_loop3A_1074 : vector<16xi32>
      %parallel_loop3A_1076 = arith.addi %parallel_loop3A_1075, %iota3A : vector<16xi32>
      tpu.vector_store_idx %arg6[%parallel_loop3A_1076], %broadcast_in_dim3A_1 {add = true} : memref<1024xf32, #tpu.memory_space<vmem>>[vector<16xi32>], vector<16xf32>,
    } {sc.loop_unroll_factor = 8 : i64, sc.parallel_access}
    %dma_start3A_35 = arith.constant 128 : i32
    %dma_start3A_36 = arith.constant 0 : i32
    %dma_start3A_37 = tpu.memref_slice %arg2[%add3A_5, %dma_start3A_35, %dma_start3A_36] : memref<64x512x512xf32, #tpu.memory_space<hbm>> -> memref<1x64x512xf32, #tpu.memory_space<hbm>>
    %dma_start3A_38 = tpu.memref_squeeze %dma_start3A_37 : memref<1x64x512xf32, #tpu.memory_space<hbm>> -> memref<64x512xf32, #tpu.memory_space<hbm>>
    %dma_start3A_39 = arith.constant 128 : i32
    %dma_start3A_40 = arith.constant 0 : i32
    %dma_start3A_41 = tpu.memref_slice %arg2[%add3A_5, %dma_start3A_39, %dma_start3A_40] : memref<64x512x512xf32, #tpu.memory_space<hbm>> -> memref<1x64x512xf32, #tpu.memory_space<hbm>>
    %dma_start3A_42 = tpu.memref_squeeze %dma_start3A_41 : memref<1x64x512xf32, #tpu.memory_space<hbm>> -> memref<64x512xf32, #tpu.memory_space<hbm>>
    tpu.enqueue_dma source(%dma_start3A_42 : memref<64x512xf32, #tpu.memory_space<hbm>>) target(%arg4 : memref<64x512xf32, #tpu.memory_space<vmem>>) target_semaphore(%arg8 : memref<!tpu.dma_semaphore, #tpu.memory_space<semaphore_mem>>)
    %dma_wait3A_43 = arith.constant 64 : i32
    %dma_wait3A_44 = arith.constant 0 : i32
    %dma_wait3A_45 = tpu.memref_slice %arg2[%add3A_5, %dma_wait3A_43, %dma_wait3A_44] : memref<64x512x512xf32, #tpu.memory_space<hbm>> -> memref<1x64x512xf32, #tpu.memory_space<hbm>>
    %dma_wait3A_46 = tpu.memref_squeeze %dma_wait3A_45 : memref<1x64x512xf32, #tpu.memory_space<hbm>> -> memref<64x512xf32, #tpu.memory_space<hbm>>
    %dma_wait3A_47 = arith.constant 64 : i32
    %dma_wait3A_48 = arith.constant 0 : i32
    %dma_wait3A_49 = tpu.memref_slice %arg2[%add3A_5, %dma_wait3A_47, %dma_wait3A_48] : memref<64x512x512xf32, #tpu.memory_space<hbm>> -> memref<1x64x512xf32, #tpu.memory_space<hbm>>
    %dma_wait3A_50 = tpu.memref_squeeze %dma_wait3A_49 : memref<1x64x512xf32, #tpu.memory_space<hbm>> -> memref<64x512xf32, #tpu.memory_space<hbm>>
    tpu.wait_dma2 semaphore(%arg9 : memref<!tpu.dma_semaphore, #tpu.memory_space<semaphore_mem>>) src(%dma_wait3A_50 : memref<64x512xf32, #tpu.memory_space<hbm>>) dst(%arg5 : memref<64x512xf32, #tpu.memory_space<vmem>>)
    %parallel_loop3A_51 = arith.constant 0 : i32
    %parallel_loop3A_52 = arith.constant 2048 : i32
    %parallel_loop3A_53 = arith.constant 1 : i32
    scf.for %parallel_loop3A_1059 = %parallel_loop3A_51 to %parallel_loop3A_52 step %parallel_loop3A_53  : i32 {
      %parallel_loop3A_1060 = arith.constant 5 : i32
      %parallel_loop3A_1061 = arith.shrui %parallel_loop3A_1059, %parallel_loop3A_1060 : i32
      %parallel_loop3A_1062 = arith.constant 31 : i32
      %parallel_loop3A_1063 = arith.andi %parallel_loop3A_1059, %parallel_loop3A_1062 : i32
      %parallel_loop3A_1064 = arith.constant 4 : i32
      %parallel_loop3A_1065 = arith.shli %parallel_loop3A_1063, %parallel_loop3A_1064 : i32
      %parallel_loop3A_1066 = arith.index_cast %parallel_loop3A_1061 : i32 to index
      %parallel_loop3A_1067 = arith.index_cast %parallel_loop3A_1065 : i32 to index
      %parallel_loop3A_1068 = tpu.vector_load %arg5[%parallel_loop3A_1066, %parallel_loop3A_1067] {strides = array<i32>} : memref<64x512xf32, #tpu.memory_space<vmem>>, vector<16xf32>,
      %parallel_loop3A_1069 = arith.constant 5.000000e+01 : f32
      %parallel_loop3A_1070 = vector.broadcast %parallel_loop3A_1069 : f32 to vector<16xf32>
      %parallel_loop3A_1071 = arith.mulf %parallel_loop3A_1068, %parallel_loop3A_1070 : vector<16xf32>
      %parallel_loop3A_1072 = arith.fptosi %parallel_loop3A_1071 : vector<16xf32> to vector<16xi32>
      %parallel_loop3A_1073 = arith.constant 16 : i32
      %parallel_loop3A_1074 = vector.broadcast %parallel_loop3A_1073 : i32 to vector<16xi32>
      %parallel_loop3A_1075 = arith.muli %parallel_loop3A_1072, %parallel_loop3A_1074 : vector<16xi32>
      %parallel_loop3A_1076 = arith.addi %parallel_loop3A_1075, %iota3A : vector<16xi32>
      tpu.vector_store_idx %arg6[%parallel_loop3A_1076], %broadcast_in_dim3A_1 {add = true} : memref<1024xf32, #tpu.memory_space<vmem>>[vector<16xi32>], vector<16xf32>,
    } {sc.loop_unroll_factor = 8 : i64, sc.parallel_access}
    %dma_start3A_54 = arith.constant 192 : i32
    %dma_start3A_55 = arith.constant 0 : i32
    %dma_start3A_56 = tpu.memref_slice %arg2[%add3A_5, %dma_start3A_54, %dma_start3A_55] : memref<64x512x512xf32, #tpu.memory_space<hbm>> -> memref<1x64x512xf32, #tpu.memory_space<hbm>>
    %dma_start3A_57 = tpu.memref_squeeze %dma_start3A_56 : memref<1x64x512xf32, #tpu.memory_space<hbm>> -> memref<64x512xf32, #tpu.memory_space<hbm>>
    %dma_start3A_58 = arith.constant 192 : i32
    %dma_start3A_59 = arith.constant 0 : i32
    %dma_start3A_60 = tpu.memref_slice %arg2[%add3A_5, %dma_start3A_58, %dma_start3A_59] : memref<64x512x512xf32, #tpu.memory_space<hbm>> -> memref<1x64x512xf32, #tpu.memory_space<hbm>>
    %dma_start3A_61 = tpu.memref_squeeze %dma_start3A_60 : memref<1x64x512xf32, #tpu.memory_space<hbm>> -> memref<64x512xf32, #tpu.memory_space<hbm>>
    tpu.enqueue_dma source(%dma_start3A_61 : memref<64x512xf32, #tpu.memory_space<hbm>>) target(%arg5 : memref<64x512xf32, #tpu.memory_space<vmem>>) target_semaphore(%arg9 : memref<!tpu.dma_semaphore, #tpu.memory_space<semaphore_mem>>)
    %dma_wait3A_62 = arith.constant 128 : i32
    %dma_wait3A_63 = arith.constant 0 : i32
    %dma_wait3A_64 = tpu.memref_slice %arg2[%add3A_5, %dma_wait3A_62, %dma_wait3A_63] : memref<64x512x512xf32, #tpu.memory_space<hbm>> -> memref<1x64x512xf32, #tpu.memory_space<hbm>>
    %dma_wait3A_65 = tpu.memref_squeeze %dma_wait3A_64 : memref<1x64x512xf32, #tpu.memory_space<hbm>> -> memref<64x512xf32, #tpu.memory_space<hbm>>
    %dma_wait3A_66 = arith.constant 128 : i32
    %dma_wait3A_67 = arith.constant 0 : i32
    %dma_wait3A_68 = tpu.memref_slice %arg2[%add3A_5, %dma_wait3A_66, %dma_wait3A_67] : memref<64x512x512xf32, #tpu.memory_space<hbm>> -> memref<1x64x512xf32, #tpu.memory_space<hbm>>
    %dma_wait3A_69 = tpu.memref_squeeze %dma_wait3A_68 : memref<1x64x512xf32, #tpu.memory_space<hbm>> -> memref<64x512xf32, #tpu.memory_space<hbm>>
    tpu.wait_dma2 semaphore(%arg8 : memref<!tpu.dma_semaphore, #tpu.memory_space<semaphore_mem>>) src(%dma_wait3A_69 : memref<64x512xf32, #tpu.memory_space<hbm>>) dst(%arg4 : memref<64x512xf32, #tpu.memory_space<vmem>>)
    %parallel_loop3A_70 = arith.constant 0 : i32
    %parallel_loop3A_71 = arith.constant 2048 : i32
    %parallel_loop3A_72 = arith.constant 1 : i32
    scf.for %parallel_loop3A_1059 = %parallel_loop3A_70 to %parallel_loop3A_71 step %parallel_loop3A_72  : i32 {
      %parallel_loop3A_1060 = arith.constant 5 : i32
      %parallel_loop3A_1061 = arith.shrui %parallel_loop3A_1059, %parallel_loop3A_1060 : i32
      %parallel_loop3A_1062 = arith.constant 31 : i32
      %parallel_loop3A_1063 = arith.andi %parallel_loop3A_1059, %parallel_loop3A_1062 : i32
      %parallel_loop3A_1064 = arith.constant 4 : i32
      %parallel_loop3A_1065 = arith.shli %parallel_loop3A_1063, %parallel_loop3A_1064 : i32
      %parallel_loop3A_1066 = arith.index_cast %parallel_loop3A_1061 : i32 to index
      %parallel_loop3A_1067 = arith.index_cast %parallel_loop3A_1065 : i32 to index
      %parallel_loop3A_1068 = tpu.vector_load %arg4[%parallel_loop3A_1066, %parallel_loop3A_1067] {strides = array<i32>} : memref<64x512xf32, #tpu.memory_space<vmem>>, vector<16xf32>,
      %parallel_loop3A_1069 = arith.constant 5.000000e+01 : f32
      %parallel_loop3A_1070 = vector.broadcast %parallel_loop3A_1069 : f32 to vector<16xf32>
      %parallel_loop3A_1071 = arith.mulf %parallel_loop3A_1068, %parallel_loop3A_1070 : vector<16xf32>
      %parallel_loop3A_1072 = arith.fptosi %parallel_loop3A_1071 : vector<16xf32> to vector<16xi32>
      %parallel_loop3A_1073 = arith.constant 16 : i32
      %parallel_loop3A_1074 = vector.broadcast %parallel_loop3A_1073 : i32 to vector<16xi32>
      %parallel_loop3A_1075 = arith.muli %parallel_loop3A_1072, %parallel_loop3A_1074 : vector<16xi32>
      %parallel_loop3A_1076 = arith.addi %parallel_loop3A_1075, %iota3A : vector<16xi32>
      tpu.vector_store_idx %arg6[%parallel_loop3A_1076], %broadcast_in_dim3A_1 {add = true} : memref<1024xf32, #tpu.memory_space<vmem>>[vector<16xi32>], vector<16xf32>,
    } {sc.loop_unroll_factor = 8 : i64, sc.parallel_access}
    %dma_start3A_73 = arith.constant 256 : i32
    %dma_start3A_74 = arith.constant 0 : i32
    %dma_start3A_75 = tpu.memref_slice %arg2[%add3A_5, %dma_start3A_73, %dma_start3A_74] : memref<64x512x512xf32, #tpu.memory_space<hbm>> -> memref<1x64x512xf32, #tpu.memory_space<hbm>>
    %dma_start3A_76 = tpu.memref_squeeze %dma_start3A_75 : memref<1x64x512xf32, #tpu.memory_space<hbm>> -> memref<64x512xf32, #tpu.memory_space<hbm>>
    %dma_start3A_77 = arith.constant 256 : i32
    %dma_start3A_78 = arith.constant 0 : i32
    %dma_start3A_79 = tpu.memref_slice %arg2[%add3A_5, %dma_start3A_77, %dma_start3A_78] : memref<64x512x512xf32, #tpu.memory_space<hbm>> -> memref<1x64x512xf32, #tpu.memory_space<hbm>>
    %dma_start3A_80 = tpu.memref_squeeze %dma_start3A_79 : memref<1x64x512xf32, #tpu.memory_space<hbm>> -> memref<64x512xf32, #tpu.memory_space<hbm>>
    tpu.enqueue_dma source(%dma_start3A_80 : memref<64x512xf32, #tpu.memory_space<hbm>>) target(%arg4 : memref<64x512xf32, #tpu.memory_space<vmem>>) target_semaphore(%arg8 : memref<!tpu.dma_semaphore, #tpu.memory_space<semaphore_mem>>)
    %dma_wait3A_81 = arith.constant 192 : i32
    %dma_wait3A_82 = arith.constant 0 : i32
    %dma_wait3A_83 = tpu.memref_slice %arg2[%add3A_5, %dma_wait3A_81, %dma_wait3A_82] : memref<64x512x512xf32, #tpu.memory_space<hbm>> -> memref<1x64x512xf32, #tpu.memory_space<hbm>>
    %dma_wait3A_84 = tpu.memref_squeeze %dma_wait3A_83 : memref<1x64x512xf32, #tpu.memory_space<hbm>> -> memref<64x512xf32, #tpu.memory_space<hbm>>
    %dma_wait3A_85 = arith.constant 192 : i32
    %dma_wait3A_86 = arith.constant 0 : i32
    %dma_wait3A_87 = tpu.memref_slice %arg2[%add3A_5, %dma_wait3A_85, %dma_wait3A_86] : memref<64x512x512xf32, #tpu.memory_space<hbm>> -> memref<1x64x512xf32, #tpu.memory_space<hbm>>
    %dma_wait3A_88 = tpu.memref_squeeze %dma_wait3A_87 : memref<1x64x512xf32, #tpu.memory_space<hbm>> -> memref<64x512xf32, #tpu.memory_space<hbm>>
    tpu.wait_dma2 semaphore(%arg9 : memref<!tpu.dma_semaphore, #tpu.memory_space<semaphore_mem>>) src(%dma_wait3A_88 : memref<64x512xf32, #tpu.memory_space<hbm>>) dst(%arg5 : memref<64x512xf32, #tpu.memory_space<vmem>>)
    %parallel_loop3A_89 = arith.constant 0 : i32
    %parallel_loop3A_90 = arith.constant 2048 : i32
    %parallel_loop3A_91 = arith.constant 1 : i32
    scf.for %parallel_loop3A_1059 = %parallel_loop3A_89 to %parallel_loop3A_90 step %parallel_loop3A_91  : i32 {
      %parallel_loop3A_1060 = arith.constant 5 : i32
      %parallel_loop3A_1061 = arith.shrui %parallel_loop3A_1059, %parallel_loop3A_1060 : i32
      %parallel_loop3A_1062 = arith.constant 31 : i32
      %parallel_loop3A_1063 = arith.andi %parallel_loop3A_1059, %parallel_loop3A_1062 : i32
      %parallel_loop3A_1064 = arith.constant 4 : i32
      %parallel_loop3A_1065 = arith.shli %parallel_loop3A_1063, %parallel_loop3A_1064 : i32
      %parallel_loop3A_1066 = arith.index_cast %parallel_loop3A_1061 : i32 to index
      %parallel_loop3A_1067 = arith.index_cast %parallel_loop3A_1065 : i32 to index
      %parallel_loop3A_1068 = tpu.vector_load %arg5[%parallel_loop3A_1066, %parallel_loop3A_1067] {strides = array<i32>} : memref<64x512xf32, #tpu.memory_space<vmem>>, vector<16xf32>,
      %parallel_loop3A_1069 = arith.constant 5.000000e+01 : f32
      %parallel_loop3A_1070 = vector.broadcast %parallel_loop3A_1069 : f32 to vector<16xf32>
      %parallel_loop3A_1071 = arith.mulf %parallel_loop3A_1068, %parallel_loop3A_1070 : vector<16xf32>
      %parallel_loop3A_1072 = arith.fptosi %parallel_loop3A_1071 : vector<16xf32> to vector<16xi32>
      %parallel_loop3A_1073 = arith.constant 16 : i32
      %parallel_loop3A_1074 = vector.broadcast %parallel_loop3A_1073 : i32 to vector<16xi32>
      %parallel_loop3A_1075 = arith.muli %parallel_loop3A_1072, %parallel_loop3A_1074 : vector<16xi32>
      %parallel_loop3A_1076 = arith.addi %parallel_loop3A_1075, %iota3A : vector<16xi32>
      tpu.vector_store_idx %arg6[%parallel_loop3A_1076], %broadcast_in_dim3A_1 {add = true} : memref<1024xf32, #tpu.memory_space<vmem>>[vector<16xi32>], vector<16xf32>,
    } {sc.loop_unroll_factor = 8 : i64, sc.parallel_access}
    %dma_start3A_92 = arith.constant 320 : i32
    %dma_start3A_93 = arith.constant 0 : i32
    %dma_start3A_94 = tpu.memref_slice %arg2[%add3A_5, %dma_start3A_92, %dma_start3A_93] : memref<64x512x512xf32, #tpu.memory_space<hbm>> -> memref<1x64x512xf32, #tpu.memory_space<hbm>>
    %dma_start3A_95 = tpu.memref_squeeze %dma_start3A_94 : memref<1x64x512xf32, #tpu.memory_space<hbm>> -> memref<64x512xf32, #tpu.memory_space<hbm>>
    %dma_start3A_96 = arith.constant 320 : i32
    %dma_start3A_97 = arith.constant 0 : i32
    %dma_start3A_98 = tpu.memref_slice %arg2[%add3A_5, %dma_start3A_96, %dma_start3A_97] : memref<64x512x512xf32, #tpu.memory_space<hbm>> -> memref<1x64x512xf32, #tpu.memory_space<hbm>>
    %dma_start3A_99 = tpu.memref_squeeze %dma_start3A_98 : memref<1x64x512xf32, #tpu.memory_space<hbm>> -> memref<64x512xf32, #tpu.memory_space<hbm>>
    tpu.enqueue_dma source(%dma_start3A_99 : memref<64x512xf32, #tpu.memory_space<hbm>>) target(%arg5 : memref<64x512xf32, #tpu.memory_space<vmem>>) target_semaphore(%arg9 : memref<!tpu.dma_semaphore, #tpu.memory_space<semaphore_mem>>)
    %dma_wait3A_100 = arith.constant 256 : i32
    %dma_wait3A_101 = arith.constant 0 : i32
    %dma_wait3A_102 = tpu.memref_slice %arg2[%add3A_5, %dma_wait3A_100, %dma_wait3A_101] : memref<64x512x512xf32, #tpu.memory_space<hbm>> -> memref<1x64x512xf32, #tpu.memory_space<hbm>>
    %dma_wait3A_103 = tpu.memref_squeeze %dma_wait3A_102 : memref<1x64x512xf32, #tpu.memory_space<hbm>> -> memref<64x512xf32, #tpu.memory_space<hbm>>
    %dma_wait3A_104 = arith.constant 256 : i32
    %dma_wait3A_105 = arith.constant 0 : i32
    %dma_wait3A_106 = tpu.memref_slice %arg2[%add3A_5, %dma_wait3A_104, %dma_wait3A_105] : memref<64x512x512xf32, #tpu.memory_space<hbm>> -> memref<1x64x512xf32, #tpu.memory_space<hbm>>
    %dma_wait3A_107 = tpu.memref_squeeze %dma_wait3A_106 : memref<1x64x512xf32, #tpu.memory_space<hbm>> -> memref<64x512xf32, #tpu.memory_space<hbm>>
    tpu.wait_dma2 semaphore(%arg8 : memref<!tpu.dma_semaphore, #tpu.memory_space<semaphore_mem>>) src(%dma_wait3A_107 : memref<64x512xf32, #tpu.memory_space<hbm>>) dst(%arg4 : memref<64x512xf32, #tpu.memory_space<vmem>>)
    %parallel_loop3A_108 = arith.constant 0 : i32
    %parallel_loop3A_109 = arith.constant 2048 : i32
    %parallel_loop3A_110 = arith.constant 1 : i32
    scf.for %parallel_loop3A_1059 = %parallel_loop3A_108 to %parallel_loop3A_109 step %parallel_loop3A_110  : i32 {
      %parallel_loop3A_1060 = arith.constant 5 : i32
      %parallel_loop3A_1061 = arith.shrui %parallel_loop3A_1059, %parallel_loop3A_1060 : i32
      %parallel_loop3A_1062 = arith.constant 31 : i32
      %parallel_loop3A_1063 = arith.andi %parallel_loop3A_1059, %parallel_loop3A_1062 : i32
      %parallel_loop3A_1064 = arith.constant 4 : i32
      %parallel_loop3A_1065 = arith.shli %parallel_loop3A_1063, %parallel_loop3A_1064 : i32
      %parallel_loop3A_1066 = arith.index_cast %parallel_loop3A_1061 : i32 to index
      %parallel_loop3A_1067 = arith.index_cast %parallel_loop3A_1065 : i32 to index
      %parallel_loop3A_1068 = tpu.vector_load %arg4[%parallel_loop3A_1066, %parallel_loop3A_1067] {strides = array<i32>} : memref<64x512xf32, #tpu.memory_space<vmem>>, vector<16xf32>,
      %parallel_loop3A_1069 = arith.constant 5.000000e+01 : f32
      %parallel_loop3A_1070 = vector.broadcast %parallel_loop3A_1069 : f32 to vector<16xf32>
      %parallel_loop3A_1071 = arith.mulf %parallel_loop3A_1068, %parallel_loop3A_1070 : vector<16xf32>
      %parallel_loop3A_1072 = arith.fptosi %parallel_loop3A_1071 : vector<16xf32> to vector<16xi32>
      %parallel_loop3A_1073 = arith.constant 16 : i32
      %parallel_loop3A_1074 = vector.broadcast %parallel_loop3A_1073 : i32 to vector<16xi32>
      %parallel_loop3A_1075 = arith.muli %parallel_loop3A_1072, %parallel_loop3A_1074 : vector<16xi32>
      %parallel_loop3A_1076 = arith.addi %parallel_loop3A_1075, %iota3A : vector<16xi32>
      tpu.vector_store_idx %arg6[%parallel_loop3A_1076], %broadcast_in_dim3A_1 {add = true} : memref<1024xf32, #tpu.memory_space<vmem>>[vector<16xi32>], vector<16xf32>,
    } {sc.loop_unroll_factor = 8 : i64, sc.parallel_access}
    %dma_start3A_111 = arith.constant 384 : i32
    %dma_start3A_112 = arith.constant 0 : i32
    %dma_start3A_113 = tpu.memref_slice %arg2[%add3A_5, %dma_start3A_111, %dma_start3A_112] : memref<64x512x512xf32, #tpu.memory_space<hbm>> -> memref<1x64x512xf32, #tpu.memory_space<hbm>>
    %dma_start3A_114 = tpu.memref_squeeze %dma_start3A_113 : memref<1x64x512xf32, #tpu.memory_space<hbm>> -> memref<64x512xf32, #tpu.memory_space<hbm>>
    %dma_start3A_115 = arith.constant 384 : i32
    %dma_start3A_116 = arith.constant 0 : i32
    %dma_start3A_117 = tpu.memref_slice %arg2[%add3A_5, %dma_start3A_115, %dma_start3A_116] : memref<64x512x512xf32, #tpu.memory_space<hbm>> -> memref<1x64x512xf32, #tpu.memory_space<hbm>>
    %dma_start3A_118 = tpu.memref_squeeze %dma_start3A_117 : memref<1x64x512xf32, #tpu.memory_space<hbm>> -> memref<64x512xf32, #tpu.memory_space<hbm>>
    tpu.enqueue_dma source(%dma_start3A_118 : memref<64x512xf32, #tpu.memory_space<hbm>>) target(%arg4 : memref<64x512xf32, #tpu.memory_space<vmem>>) target_semaphore(%arg8 : memref<!tpu.dma_semaphore, #tpu.memory_space<semaphore_mem>>)
    %dma_wait3A_119 = arith.constant 320 : i32
    %dma_wait3A_120 = arith.constant 0 : i32
    %dma_wait3A_121 = tpu.memref_slice %arg2[%add3A_5, %dma_wait3A_119, %dma_wait3A_120] : memref<64x512x512xf32, #tpu.memory_space<hbm>> -> memref<1x64x512xf32, #tpu.memory_space<hbm>>
    %dma_wait3A_122 = tpu.memref_squeeze %dma_wait3A_121 : memref<1x64x512xf32, #tpu.memory_space<hbm>> -> memref<64x512xf32, #tpu.memory_space<hbm>>
    %dma_wait3A_123 = arith.constant 320 : i32
    %dma_wait3A_124 = arith.constant 0 : i32
    %dma_wait3A_125 = tpu.memref_slice %arg2[%add3A_5, %dma_wait3A_123, %dma_wait3A_124] : memref<64x512x512xf32, #tpu.memory_space<hbm>> -> memref<1x64x512xf32, #tpu.memory_space<hbm>>
    %dma_wait3A_126 = tpu.memref_squeeze %dma_wait3A_125 : memref<1x64x512xf32, #tpu.memory_space<hbm>> -> memref<64x512xf32, #tpu.memory_space<hbm>>
    tpu.wait_dma2 semaphore(%arg9 : memref<!tpu.dma_semaphore, #tpu.memory_space<semaphore_mem>>) src(%dma_wait3A_126 : memref<64x512xf32, #tpu.memory_space<hbm>>) dst(%arg5 : memref<64x512xf32, #tpu.memory_space<vmem>>)
    %parallel_loop3A_127 = arith.constant 0 : i32
    %parallel_loop3A_128 = arith.constant 2048 : i32
    %parallel_loop3A_129 = arith.constant 1 : i32
    scf.for %parallel_loop3A_1059 = %parallel_loop3A_127 to %parallel_loop3A_128 step %parallel_loop3A_129  : i32 {
      %parallel_loop3A_1060 = arith.constant 5 : i32
      %parallel_loop3A_1061 = arith.shrui %parallel_loop3A_1059, %parallel_loop3A_1060 : i32
      %parallel_loop3A_1062 = arith.constant 31 : i32
      %parallel_loop3A_1063 = arith.andi %parallel_loop3A_1059, %parallel_loop3A_1062 : i32
      %parallel_loop3A_1064 = arith.constant 4 : i32
      %parallel_loop3A_1065 = arith.shli %parallel_loop3A_1063, %parallel_loop3A_1064 : i32
      %parallel_loop3A_1066 = arith.index_cast %parallel_loop3A_1061 : i32 to index
      %parallel_loop3A_1067 = arith.index_cast %parallel_loop3A_1065 : i32 to index
      %parallel_loop3A_1068 = tpu.vector_load %arg5[%parallel_loop3A_1066, %parallel_loop3A_1067] {strides = array<i32>} : memref<64x512xf32, #tpu.memory_space<vmem>>, vector<16xf32>,
      %parallel_loop3A_1069 = arith.constant 5.000000e+01 : f32
      %parallel_loop3A_1070 = vector.broadcast %parallel_loop3A_1069 : f32 to vector<16xf32>
      %parallel_loop3A_1071 = arith.mulf %parallel_loop3A_1068, %parallel_loop3A_1070 : vector<16xf32>
      %parallel_loop3A_1072 = arith.fptosi %parallel_loop3A_1071 : vector<16xf32> to vector<16xi32>
      %parallel_loop3A_1073 = arith.constant 16 : i32
      %parallel_loop3A_1074 = vector.broadcast %parallel_loop3A_1073 : i32 to vector<16xi32>
      %parallel_loop3A_1075 = arith.muli %parallel_loop3A_1072, %parallel_loop3A_1074 : vector<16xi32>
      %parallel_loop3A_1076 = arith.addi %parallel_loop3A_1075, %iota3A : vector<16xi32>
      tpu.vector_store_idx %arg6[%parallel_loop3A_1076], %broadcast_in_dim3A_1 {add = true} : memref<1024xf32, #tpu.memory_space<vmem>>[vector<16xi32>], vector<16xf32>,
    } {sc.loop_unroll_factor = 8 : i64, sc.parallel_access}
    %dma_start3A_130 = arith.constant 448 : i32
    %dma_start3A_131 = arith.constant 0 : i32
    %dma_start3A_132 = tpu.memref_slice %arg2[%add3A_5, %dma_start3A_130, %dma_start3A_131] : memref<64x512x512xf32, #tpu.memory_space<hbm>> -> memref<1x64x512xf32, #tpu.memory_space<hbm>>
    %dma_start3A_133 = tpu.memref_squeeze %dma_start3A_132 : memref<1x64x512xf32, #tpu.memory_space<hbm>> -> memref<64x512xf32, #tpu.memory_space<hbm>>
    %dma_start3A_134 = arith.constant 448 : i32
    %dma_start3A_135 = arith.constant 0 : i32
    %dma_start3A_136 = tpu.memref_slice %arg2[%add3A_5, %dma_start3A_134, %dma_start3A_135] : memref<64x512x512xf32, #tpu.memory_space<hbm>> -> memref<1x64x512xf32, #tpu.memory_space<hbm>>
    %dma_start3A_137 = tpu.memref_squeeze %dma_start3A_136 : memref<1x64x512xf32, #tpu.memory_space<hbm>> -> memref<64x512xf32, #tpu.memory_space<hbm>>
    tpu.enqueue_dma source(%dma_start3A_137 : memref<64x512xf32, #tpu.memory_space<hbm>>) target(%arg5 : memref<64x512xf32, #tpu.memory_space<vmem>>) target_semaphore(%arg9 : memref<!tpu.dma_semaphore, #tpu.memory_space<semaphore_mem>>)
    %dma_wait3A_138 = arith.constant 384 : i32
    %dma_wait3A_139 = arith.constant 0 : i32
    %dma_wait3A_140 = tpu.memref_slice %arg2[%add3A_5, %dma_wait3A_138, %dma_wait3A_139] : memref<64x512x512xf32, #tpu.memory_space<hbm>> -> memref<1x64x512xf32, #tpu.memory_space<hbm>>
    %dma_wait3A_141 = tpu.memref_squeeze %dma_wait3A_140 : memref<1x64x512xf32, #tpu.memory_space<hbm>> -> memref<64x512xf32, #tpu.memory_space<hbm>>
    %dma_wait3A_142 = arith.constant 384 : i32
    %dma_wait3A_143 = arith.constant 0 : i32
    %dma_wait3A_144 = tpu.memref_slice %arg2[%add3A_5, %dma_wait3A_142, %dma_wait3A_143] : memref<64x512x512xf32, #tpu.memory_space<hbm>> -> memref<1x64x512xf32, #tpu.memory_space<hbm>>
    %dma_wait3A_145 = tpu.memref_squeeze %dma_wait3A_144 : memref<1x64x512xf32, #tpu.memory_space<hbm>> -> memref<64x512xf32, #tpu.memory_space<hbm>>
    tpu.wait_dma2 semaphore(%arg8 : memref<!tpu.dma_semaphore, #tpu.memory_space<semaphore_mem>>) src(%dma_wait3A_145 : memref<64x512xf32, #tpu.memory_space<hbm>>) dst(%arg4 : memref<64x512xf32, #tpu.memory_space<vmem>>)
    %parallel_loop3A_146 = arith.constant 0 : i32
    %parallel_loop3A_147 = arith.constant 2048 : i32
    %parallel_loop3A_148 = arith.constant 1 : i32
    scf.for %parallel_loop3A_1059 = %parallel_loop3A_146 to %parallel_loop3A_147 step %parallel_loop3A_148  : i32 {
      %parallel_loop3A_1060 = arith.constant 5 : i32
      %parallel_loop3A_1061 = arith.shrui %parallel_loop3A_1059, %parallel_loop3A_1060 : i32
      %parallel_loop3A_1062 = arith.constant 31 : i32
      %parallel_loop3A_1063 = arith.andi %parallel_loop3A_1059, %parallel_loop3A_1062 : i32
      %parallel_loop3A_1064 = arith.constant 4 : i32
      %parallel_loop3A_1065 = arith.shli %parallel_loop3A_1063, %parallel_loop3A_1064 : i32
      %parallel_loop3A_1066 = arith.index_cast %parallel_loop3A_1061 : i32 to index
      %parallel_loop3A_1067 = arith.index_cast %parallel_loop3A_1065 : i32 to index
      %parallel_loop3A_1068 = tpu.vector_load %arg4[%parallel_loop3A_1066, %parallel_loop3A_1067] {strides = array<i32>} : memref<64x512xf32, #tpu.memory_space<vmem>>, vector<16xf32>,
      %parallel_loop3A_1069 = arith.constant 5.000000e+01 : f32
      %parallel_loop3A_1070 = vector.broadcast %parallel_loop3A_1069 : f32 to vector<16xf32>
      %parallel_loop3A_1071 = arith.mulf %parallel_loop3A_1068, %parallel_loop3A_1070 : vector<16xf32>
      %parallel_loop3A_1072 = arith.fptosi %parallel_loop3A_1071 : vector<16xf32> to vector<16xi32>
      %parallel_loop3A_1073 = arith.constant 16 : i32
      %parallel_loop3A_1074 = vector.broadcast %parallel_loop3A_1073 : i32 to vector<16xi32>
      %parallel_loop3A_1075 = arith.muli %parallel_loop3A_1072, %parallel_loop3A_1074 : vector<16xi32>
      %parallel_loop3A_1076 = arith.addi %parallel_loop3A_1075, %iota3A : vector<16xi32>
      tpu.vector_store_idx %arg6[%parallel_loop3A_1076], %broadcast_in_dim3A_1 {add = true} : memref<1024xf32, #tpu.memory_space<vmem>>[vector<16xi32>], vector<16xf32>,
    } {sc.loop_unroll_factor = 8 : i64, sc.parallel_access}
    %dma_wait3A_149 = arith.constant 448 : i32
    %dma_wait3A_150 = arith.constant 0 : i32
    %dma_wait3A_151 = tpu.memref_slice %arg2[%add3A_5, %dma_wait3A_149, %dma_wait3A_150] : memref<64x512x512xf32, #tpu.memory_space<hbm>> -> memref<1x64x512xf32, #tpu.memory_space<hbm>>
    %dma_wait3A_152 = tpu.memref_squeeze %dma_wait3A_151 : memref<1x64x512xf32, #tpu.memory_space<hbm>> -> memref<64x512xf32, #tpu.memory_space<hbm>>
    %dma_wait3A_153 = arith.constant 448 : i32
    %dma_wait3A_154 = arith.constant 0 : i32
    %dma_wait3A_155 = tpu.memref_slice %arg2[%add3A_5, %dma_wait3A_153, %dma_wait3A_154] : memref<64x512x512xf32, #tpu.memory_space<hbm>> -> memref<1x64x512xf32, #tpu.memory_space<hbm>>
    %dma_wait3A_156 = tpu.memref_squeeze %dma_wait3A_155 : memref<1x64x512xf32, #tpu.memory_space<hbm>> -> memref<64x512xf32, #tpu.memory_space<hbm>>
    tpu.wait_dma2 semaphore(%arg9 : memref<!tpu.dma_semaphore, #tpu.memory_space<semaphore_mem>>) src(%dma_wait3A_156 : memref<64x512xf32, #tpu.memory_space<hbm>>) dst(%arg5 : memref<64x512xf32, #tpu.memory_space<vmem>>)
    %parallel_loop3A_157 = arith.constant 0 : i32
    %parallel_loop3A_158 = arith.constant 2048 : i32
    %parallel_loop3A_159 = arith.constant 1 : i32
    scf.for %parallel_loop3A_1059 = %parallel_loop3A_157 to %parallel_loop3A_158 step %parallel_loop3A_159  : i32 {
      %parallel_loop3A_1060 = arith.constant 5 : i32
      %parallel_loop3A_1061 = arith.shrui %parallel_loop3A_1059, %parallel_loop3A_1060 : i32
      %parallel_loop3A_1062 = arith.constant 31 : i32
      %parallel_loop3A_1063 = arith.andi %parallel_loop3A_1059, %parallel_loop3A_1062 : i32
      %parallel_loop3A_1064 = arith.constant 4 : i32
      %parallel_loop3A_1065 = arith.shli %parallel_loop3A_1063, %parallel_loop3A_1064 : i32
      %parallel_loop3A_1066 = arith.index_cast %parallel_loop3A_1061 : i32 to index
      %parallel_loop3A_1067 = arith.index_cast %parallel_loop3A_1065 : i32 to index
      %parallel_loop3A_1068 = tpu.vector_load %arg5[%parallel_loop3A_1066, %parallel_loop3A_1067] {strides = array<i32>} : memref<64x512xf32, #tpu.memory_space<vmem>>, vector<16xf32>,
      %parallel_loop3A_1069 = arith.constant 5.000000e+01 : f32
      %parallel_loop3A_1070 = vector.broadcast %parallel_loop3A_1069 : f32 to vector<16xf32>
      %parallel_loop3A_1071 = arith.mulf %parallel_loop3A_1068, %parallel_loop3A_1070 : vector<16xf32>
      %parallel_loop3A_1072 = arith.fptosi %parallel_loop3A_1071 : vector<16xf32> to vector<16xi32>
      %parallel_loop3A_1073 = arith.constant 16 : i32
      %parallel_loop3A_1074 = vector.broadcast %parallel_loop3A_1073 : i32 to vector<16xi32>
      %parallel_loop3A_1075 = arith.muli %parallel_loop3A_1072, %parallel_loop3A_1074 : vector<16xi32>
      %parallel_loop3A_1076 = arith.addi %parallel_loop3A_1075, %iota3A : vector<16xi32>
      tpu.vector_store_idx %arg6[%parallel_loop3A_1076], %broadcast_in_dim3A_1 {add = true} : memref<1024xf32, #tpu.memory_space<vmem>>[vector<16xi32>], vector<16xf32>,
    } {sc.loop_unroll_factor = 8 : i64, sc.parallel_access}
    %broadcast_in_dim3A_160 = arith.constant 0.000000e+00 : f32
    %broadcast_in_dim3A_161 = vector.broadcast %broadcast_in_dim3A_160 : f32 to vector<16xf32>
    %add3A_162 = arith.constant 0 : i32
    %add3A_163 = vector.broadcast %add3A_162 : i32 to vector<16xi32>
    %add3A_164 = arith.addi %iota3A, %add3A_163 : vector<16xi32>
    %mul3A_165 = arith.constant 16 : i32
    %mul3A_166 = vector.broadcast %mul3A_165 : i32 to vector<16xi32>
    %mul3A_167 = arith.muli %add3A_164, %mul3A_166 : vector<16xi32>
    %add3A_168 = arith.constant 0 : i32
    %add3A_169 = vector.broadcast %add3A_168 : i32 to vector<16xi32>
    %add3A_170 = arith.addi %mul3A_167, %add3A_169 : vector<16xi32>
    %gather3A = tpu.vector_load_idx %arg6[%add3A_170] : memref<1024xf32, #tpu.memory_space<vmem>>[vector<16xi32>], vector<16xf32>,
    %add3A_171 = arith.addf %broadcast_in_dim3A_161, %gather3A : vector<16xf32>
    %add3A_172 = arith.constant 1 : i32
    %add3A_173 = vector.broadcast %add3A_172 : i32 to vector<16xi32>
    %add3A_174 = arith.addi %mul3A_167, %add3A_173 : vector<16xi32>
    %gather3A_175 = tpu.vector_load_idx %arg6[%add3A_174] : memref<1024xf32, #tpu.memory_space<vmem>>[vector<16xi32>], vector<16xf32>,
    %add3A_176 = arith.addf %add3A_171, %gather3A_175 : vector<16xf32>
    %add3A_177 = arith.constant 2 : i32
    %add3A_178 = vector.broadcast %add3A_177 : i32 to vector<16xi32>
    %add3A_179 = arith.addi %mul3A_167, %add3A_178 : vector<16xi32>
    %gather3A_180 = tpu.vector_load_idx %arg6[%add3A_179] : memref<1024xf32, #tpu.memory_space<vmem>>[vector<16xi32>], vector<16xf32>,
    %add3A_181 = arith.addf %add3A_176, %gather3A_180 : vector<16xf32>
    %add3A_182 = arith.constant 3 : i32
    %add3A_183 = vector.broadcast %add3A_182 : i32 to vector<16xi32>
    %add3A_184 = arith.addi %mul3A_167, %add3A_183 : vector<16xi32>
    %gather3A_185 = tpu.vector_load_idx %arg6[%add3A_184] : memref<1024xf32, #tpu.memory_space<vmem>>[vector<16xi32>], vector<16xf32>,
    %add3A_186 = arith.addf %add3A_181, %gather3A_185 : vector<16xf32>
    %add3A_187 = arith.constant 4 : i32
    %add3A_188 = vector.broadcast %add3A_187 : i32 to vector<16xi32>
    %add3A_189 = arith.addi %mul3A_167, %add3A_188 : vector<16xi32>
    %gather3A_190 = tpu.vector_load_idx %arg6[%add3A_189] : memref<1024xf32, #tpu.memory_space<vmem>>[vector<16xi32>], vector<16xf32>,
    %add3A_191 = arith.addf %add3A_186, %gather3A_190 : vector<16xf32>
    %add3A_192 = arith.constant 5 : i32
    %add3A_193 = vector.broadcast %add3A_192 : i32 to vector<16xi32>
    %add3A_194 = arith.addi %mul3A_167, %add3A_193 : vector<16xi32>
    %gather3A_195 = tpu.vector_load_idx %arg6[%add3A_194] : memref<1024xf32, #tpu.memory_space<vmem>>[vector<16xi32>], vector<16xf32>,
    %add3A_196 = arith.addf %add3A_191, %gather3A_195 : vector<16xf32>
    %add3A_197 = arith.constant 6 : i32
    %add3A_198 = vector.broadcast %add3A_197 : i32 to vector<16xi32>
    %add3A_199 = arith.addi %mul3A_167, %add3A_198 : vector<16xi32>
    %gather3A_200 = tpu.vector_load_idx %arg6[%add3A_199] : memref<1024xf32, #tpu.memory_space<vmem>>[vector<16xi32>], vector<16xf32>,
    %add3A_201 = arith.addf %add3A_196, %gather3A_200 : vector<16xf32>
    %add3A_202 = arith.constant 7 : i32
    %add3A_203 = vector.broadcast %add3A_202 : i32 to vector<16xi32>
    %add3A_204 = arith.addi %mul3A_167, %add3A_203 : vector<16xi32>
    %gather3A_205 = tpu.vector_load_idx %arg6[%add3A_204] : memref<1024xf32, #tpu.memory_space<vmem>>[vector<16xi32>], vector<16xf32>,
    %add3A_206 = arith.addf %add3A_201, %gather3A_205 : vector<16xf32>
    %add3A_207 = arith.constant 8 : i32
    %add3A_208 = vector.broadcast %add3A_207 : i32 to vector<16xi32>
    %add3A_209 = arith.addi %mul3A_167, %add3A_208 : vector<16xi32>
    %gather3A_210 = tpu.vector_load_idx %arg6[%add3A_209] : memref<1024xf32, #tpu.memory_space<vmem>>[vector<16xi32>], vector<16xf32>,
    %add3A_211 = arith.addf %add3A_206, %gather3A_210 : vector<16xf32>
    %add3A_212 = arith.constant 9 : i32
    %add3A_213 = vector.broadcast %add3A_212 : i32 to vector<16xi32>
    %add3A_214 = arith.addi %mul3A_167, %add3A_213 : vector<16xi32>
    %gather3A_215 = tpu.vector_load_idx %arg6[%add3A_214] : memref<1024xf32, #tpu.memory_space<vmem>>[vector<16xi32>], vector<16xf32>,
    %add3A_216 = arith.addf %add3A_211, %gather3A_215 : vector<16xf32>
    %add3A_217 = arith.constant 10 : i32
    %add3A_218 = vector.broadcast %add3A_217 : i32 to vector<16xi32>
    %add3A_219 = arith.addi %mul3A_167, %add3A_218 : vector<16xi32>
    %gather3A_220 = tpu.vector_load_idx %arg6[%add3A_219] : memref<1024xf32, #tpu.memory_space<vmem>>[vector<16xi32>], vector<16xf32>,
    %add3A_221 = arith.addf %add3A_216, %gather3A_220 : vector<16xf32>
    %add3A_222 = arith.constant 11 : i32
    %add3A_223 = vector.broadcast %add3A_222 : i32 to vector<16xi32>
    %add3A_224 = arith.addi %mul3A_167, %add3A_223 : vector<16xi32>
    %gather3A_225 = tpu.vector_load_idx %arg6[%add3A_224] : memref<1024xf32, #tpu.memory_space<vmem>>[vector<16xi32>], vector<16xf32>,
    %add3A_226 = arith.addf %add3A_221, %gather3A_225 : vector<16xf32>
    %add3A_227 = arith.constant 12 : i32
    %add3A_228 = vector.broadcast %add3A_227 : i32 to vector<16xi32>
    %add3A_229 = arith.addi %mul3A_167, %add3A_228 : vector<16xi32>
    %gather3A_230 = tpu.vector_load_idx %arg6[%add3A_229] : memref<1024xf32, #tpu.memory_space<vmem>>[vector<16xi32>], vector<16xf32>,
    %add3A_231 = arith.addf %add3A_226, %gather3A_230 : vector<16xf32>
    %add3A_232 = arith.constant 13 : i32
    %add3A_233 = vector.broadcast %add3A_232 : i32 to vector<16xi32>
    %add3A_234 = arith.addi %mul3A_167, %add3A_233 : vector<16xi32>
    %gather3A_235 = tpu.vector_load_idx %arg6[%add3A_234] : memref<1024xf32, #tpu.memory_space<vmem>>[vector<16xi32>], vector<16xf32>,
    %add3A_236 = arith.addf %add3A_231, %gather3A_235 : vector<16xf32>
    %add3A_237 = arith.constant 14 : i32
    %add3A_238 = vector.broadcast %add3A_237 : i32 to vector<16xi32>
    %add3A_239 = arith.addi %mul3A_167, %add3A_238 : vector<16xi32>
    %gather3A_240 = tpu.vector_load_idx %arg6[%add3A_239] : memref<1024xf32, #tpu.memory_space<vmem>>[vector<16xi32>], vector<16xf32>,
    %add3A_241 = arith.addf %add3A_236, %gather3A_240 : vector<16xf32>
    %add3A_242 = arith.constant 15 : i32
    %add3A_243 = vector.broadcast %add3A_242 : i32 to vector<16xi32>
    %add3A_244 = arith.addi %mul3A_167, %add3A_243 : vector<16xi32>
    %gather3A_245 = tpu.vector_load_idx %arg6[%add3A_244] : memref<1024xf32, #tpu.memory_space<vmem>>[vector<16xi32>], vector<16xf32>,
    %add3A_246 = arith.addf %add3A_241, %gather3A_245 : vector<16xf32>
    %swap3A = arith.constant 0 : index
    %swap3A_247 = tpu.vector_load %arg7[%swap3A] {strides = array<i32>} : memref<64xf32, #tpu.memory_space<vmem>>, vector<16xf32>,
    tpu.vector_store %arg7[%swap3A], %add3A_246 {strides = array<i32>} : memref<64xf32, #tpu.memory_space<vmem>>, vector<16xf32>,
    %broadcast_in_dim3A_248 = arith.constant 0.000000e+00 : f32
    %broadcast_in_dim3A_249 = vector.broadcast %broadcast_in_dim3A_248 : f32 to vector<16xf32>
    %add3A_250 = arith.constant 16 : i32
    %add3A_251 = vector.broadcast %add3A_250 : i32 to vector<16xi32>
    %add3A_252 = arith.addi %iota3A, %add3A_251 : vector<16xi32>
    %mul3A_253 = arith.constant 16 : i32
    %mul3A_254 = vector.broadcast %mul3A_253 : i32 to vector<16xi32>
    %mul3A_255 = arith.muli %add3A_252, %mul3A_254 : vector<16xi32>
    %add3A_256 = arith.constant 0 : i32
    %add3A_257 = vector.broadcast %add3A_256 : i32 to vector<16xi32>
    %add3A_258 = arith.addi %mul3A_255, %add3A_257 : vector<16xi32>
    %gather3A_259 = tpu.vector_load_idx %arg6[%add3A_258] : memref<1024xf32, #tpu.memory_space<vmem>>[vector<16xi32>], vector<16xf32>,
    %add3A_260 = arith.addf %broadcast_in_dim3A_249, %gather3A_259 : vector<16xf32>
    %add3A_261 = arith.constant 1 : i32
    %add3A_262 = vector.broadcast %add3A_261 : i32 to vector<16xi32>
    %add3A_263 = arith.addi %mul3A_255, %add3A_262 : vector<16xi32>
    %gather3A_264 = tpu.vector_load_idx %arg6[%add3A_263] : memref<1024xf32, #tpu.memory_space<vmem>>[vector<16xi32>], vector<16xf32>,
    %add3A_265 = arith.addf %add3A_260, %gather3A_264 : vector<16xf32>
    %add3A_266 = arith.constant 2 : i32
    %add3A_267 = vector.broadcast %add3A_266 : i32 to vector<16xi32>
    %add3A_268 = arith.addi %mul3A_255, %add3A_267 : vector<16xi32>
    %gather3A_269 = tpu.vector_load_idx %arg6[%add3A_268] : memref<1024xf32, #tpu.memory_space<vmem>>[vector<16xi32>], vector<16xf32>,
    %add3A_270 = arith.addf %add3A_265, %gather3A_269 : vector<16xf32>
    %add3A_271 = arith.constant 3 : i32
    %add3A_272 = vector.broadcast %add3A_271 : i32 to vector<16xi32>
    %add3A_273 = arith.addi %mul3A_255, %add3A_272 : vector<16xi32>
    %gather3A_274 = tpu.vector_load_idx %arg6[%add3A_273] : memref<1024xf32, #tpu.memory_space<vmem>>[vector<16xi32>], vector<16xf32>,
    %add3A_275 = arith.addf %add3A_270, %gather3A_274 : vector<16xf32>
    %add3A_276 = arith.constant 4 : i32
    %add3A_277 = vector.broadcast %add3A_276 : i32 to vector<16xi32>
    %add3A_278 = arith.addi %mul3A_255, %add3A_277 : vector<16xi32>
    %gather3A_279 = tpu.vector_load_idx %arg6[%add3A_278] : memref<1024xf32, #tpu.memory_space<vmem>>[vector<16xi32>], vector<16xf32>,
    %add3A_280 = arith.addf %add3A_275, %gather3A_279 : vector<16xf32>
    %add3A_281 = arith.constant 5 : i32
    %add3A_282 = vector.broadcast %add3A_281 : i32 to vector<16xi32>
    %add3A_283 = arith.addi %mul3A_255, %add3A_282 : vector<16xi32>
    %gather3A_284 = tpu.vector_load_idx %arg6[%add3A_283] : memref<1024xf32, #tpu.memory_space<vmem>>[vector<16xi32>], vector<16xf32>,
    %add3A_285 = arith.addf %add3A_280, %gather3A_284 : vector<16xf32>
    %add3A_286 = arith.constant 6 : i32
    %add3A_287 = vector.broadcast %add3A_286 : i32 to vector<16xi32>
    %add3A_288 = arith.addi %mul3A_255, %add3A_287 : vector<16xi32>
    %gather3A_289 = tpu.vector_load_idx %arg6[%add3A_288] : memref<1024xf32, #tpu.memory_space<vmem>>[vector<16xi32>], vector<16xf32>,
    %add3A_290 = arith.addf %add3A_285, %gather3A_289 : vector<16xf32>
    %add3A_291 = arith.constant 7 : i32
    %add3A_292 = vector.broadcast %add3A_291 : i32 to vector<16xi32>
    %add3A_293 = arith.addi %mul3A_255, %add3A_292 : vector<16xi32>
    %gather3A_294 = tpu.vector_load_idx %arg6[%add3A_293] : memref<1024xf32, #tpu.memory_space<vmem>>[vector<16xi32>], vector<16xf32>,
    %add3A_295 = arith.addf %add3A_290, %gather3A_294 : vector<16xf32>
    %add3A_296 = arith.constant 8 : i32
    %add3A_297 = vector.broadcast %add3A_296 : i32 to vector<16xi32>
    %add3A_298 = arith.addi %mul3A_255, %add3A_297 : vector<16xi32>
    %gather3A_299 = tpu.vector_load_idx %arg6[%add3A_298] : memref<1024xf32, #tpu.memory_space<vmem>>[vector<16xi32>], vector<16xf32>,
    %add3A_300 = arith.addf %add3A_295, %gather3A_299 : vector<16xf32>
    %add3A_301 = arith.constant 9 : i32
    %add3A_302 = vector.broadcast %add3A_301 : i32 to vector<16xi32>
    %add3A_303 = arith.addi %mul3A_255, %add3A_302 : vector<16xi32>
    %gather3A_304 = tpu.vector_load_idx %arg6[%add3A_303] : memref<1024xf32, #tpu.memory_space<vmem>>[vector<16xi32>], vector<16xf32>,
    %add3A_305 = arith.addf %add3A_300, %gather3A_304 : vector<16xf32>
    %add3A_306 = arith.constant 10 : i32
    %add3A_307 = vector.broadcast %add3A_306 : i32 to vector<16xi32>
    %add3A_308 = arith.addi %mul3A_255, %add3A_307 : vector<16xi32>
    %gather3A_309 = tpu.vector_load_idx %arg6[%add3A_308] : memref<1024xf32, #tpu.memory_space<vmem>>[vector<16xi32>], vector<16xf32>,
    %add3A_310 = arith.addf %add3A_305, %gather3A_309 : vector<16xf32>
    %add3A_311 = arith.constant 11 : i32
    %add3A_312 = vector.broadcast %add3A_311 : i32 to vector<16xi32>
    %add3A_313 = arith.addi %mul3A_255, %add3A_312 : vector<16xi32>
    %gather3A_314 = tpu.vector_load_idx %arg6[%add3A_313] : memref<1024xf32, #tpu.memory_space<vmem>>[vector<16xi32>], vector<16xf32>,
    %add3A_315 = arith.addf %add3A_310, %gather3A_314 : vector<16xf32>
    %add3A_316 = arith.constant 12 : i32
    %add3A_317 = vector.broadcast %add3A_316 : i32 to vector<16xi32>
    %add3A_318 = arith.addi %mul3A_255, %add3A_317 : vector<16xi32>
    %gather3A_319 = tpu.vector_load_idx %arg6[%add3A_318] : memref<1024xf32, #tpu.memory_space<vmem>>[vector<16xi32>], vector<16xf32>,
    %add3A_320 = arith.addf %add3A_315, %gather3A_319 : vector<16xf32>
    %add3A_321 = arith.constant 13 : i32
    %add3A_322 = vector.broadcast %add3A_321 : i32 to vector<16xi32>
    %add3A_323 = arith.addi %mul3A_255, %add3A_322 : vector<16xi32>
    %gather3A_324 = tpu.vector_load_idx %arg6[%add3A_323] : memref<1024xf32, #tpu.memory_space<vmem>>[vector<16xi32>], vector<16xf32>,
    %add3A_325 = arith.addf %add3A_320, %gather3A_324 : vector<16xf32>
    %add3A_326 = arith.constant 14 : i32
    %add3A_327 = vector.broadcast %add3A_326 : i32 to vector<16xi32>
    %add3A_328 = arith.addi %mul3A_255, %add3A_327 : vector<16xi32>
    %gather3A_329 = tpu.vector_load_idx %arg6[%add3A_328] : memref<1024xf32, #tpu.memory_space<vmem>>[vector<16xi32>], vector<16xf32>,
    %add3A_330 = arith.addf %add3A_325, %gather3A_329 : vector<16xf32>
    %add3A_331 = arith.constant 15 : i32
    %add3A_332 = vector.broadcast %add3A_331 : i32 to vector<16xi32>
    %add3A_333 = arith.addi %mul3A_255, %add3A_332 : vector<16xi32>
    %gather3A_334 = tpu.vector_load_idx %arg6[%add3A_333] : memref<1024xf32, #tpu.memory_space<vmem>>[vector<16xi32>], vector<16xf32>,
    %add3A_335 = arith.addf %add3A_330, %gather3A_334 : vector<16xf32>
    %swap3A_336 = arith.constant 16 : index
    %swap3A_337 = tpu.vector_load %arg7[%swap3A_336] {strides = array<i32>} : memref<64xf32, #tpu.memory_space<vmem>>, vector<16xf32>,
    tpu.vector_store %arg7[%swap3A_336], %add3A_335 {strides = array<i32>} : memref<64xf32, #tpu.memory_space<vmem>>, vector<16xf32>,
    %broadcast_in_dim3A_338 = arith.constant 0.000000e+00 : f32
    %broadcast_in_dim3A_339 = vector.broadcast %broadcast_in_dim3A_338 : f32 to vector<16xf32>
    %add3A_340 = arith.constant 32 : i32
    %add3A_341 = vector.broadcast %add3A_340 : i32 to vector<16xi32>
    %add3A_342 = arith.addi %iota3A, %add3A_341 : vector<16xi32>
    %mul3A_343 = arith.constant 16 : i32
    %mul3A_344 = vector.broadcast %mul3A_343 : i32 to vector<16xi32>
    %mul3A_345 = arith.muli %add3A_342, %mul3A_344 : vector<16xi32>
    %add3A_346 = arith.constant 0 : i32
    %add3A_347 = vector.broadcast %add3A_346 : i32 to vector<16xi32>
    %add3A_348 = arith.addi %mul3A_345, %add3A_347 : vector<16xi32>
    %gather3A_349 = tpu.vector_load_idx %arg6[%add3A_348] : memref<1024xf32, #tpu.memory_space<vmem>>[vector<16xi32>], vector<16xf32>,
    %add3A_350 = arith.addf %broadcast_in_dim3A_339, %gather3A_349 : vector<16xf32>
    %add3A_351 = arith.constant 1 : i32
    %add3A_352 = vector.broadcast %add3A_351 : i32 to vector<16xi32>
    %add3A_353 = arith.addi %mul3A_345, %add3A_352 : vector<16xi32>
    %gather3A_354 = tpu.vector_load_idx %arg6[%add3A_353] : memref<1024xf32, #tpu.memory_space<vmem>>[vector<16xi32>], vector<16xf32>,
    %add3A_355 = arith.addf %add3A_350, %gather3A_354 : vector<16xf32>
    %add3A_356 = arith.constant 2 : i32
    %add3A_357 = vector.broadcast %add3A_356 : i32 to vector<16xi32>
    %add3A_358 = arith.addi %mul3A_345, %add3A_357 : vector<16xi32>
    %gather3A_359 = tpu.vector_load_idx %arg6[%add3A_358] : memref<1024xf32, #tpu.memory_space<vmem>>[vector<16xi32>], vector<16xf32>,
    %add3A_360 = arith.addf %add3A_355, %gather3A_359 : vector<16xf32>
    %add3A_361 = arith.constant 3 : i32
    %add3A_362 = vector.broadcast %add3A_361 : i32 to vector<16xi32>
    %add3A_363 = arith.addi %mul3A_345, %add3A_362 : vector<16xi32>
    %gather3A_364 = tpu.vector_load_idx %arg6[%add3A_363] : memref<1024xf32, #tpu.memory_space<vmem>>[vector<16xi32>], vector<16xf32>,
    %add3A_365 = arith.addf %add3A_360, %gather3A_364 : vector<16xf32>
    %add3A_366 = arith.constant 4 : i32
    %add3A_367 = vector.broadcast %add3A_366 : i32 to vector<16xi32>
    %add3A_368 = arith.addi %mul3A_345, %add3A_367 : vector<16xi32>
    %gather3A_369 = tpu.vector_load_idx %arg6[%add3A_368] : memref<1024xf32, #tpu.memory_space<vmem>>[vector<16xi32>], vector<16xf32>,
    %add3A_370 = arith.addf %add3A_365, %gather3A_369 : vector<16xf32>
    %add3A_371 = arith.constant 5 : i32
    %add3A_372 = vector.broadcast %add3A_371 : i32 to vector<16xi32>
    %add3A_373 = arith.addi %mul3A_345, %add3A_372 : vector<16xi32>
    %gather3A_374 = tpu.vector_load_idx %arg6[%add3A_373] : memref<1024xf32, #tpu.memory_space<vmem>>[vector<16xi32>], vector<16xf32>,
    %add3A_375 = arith.addf %add3A_370, %gather3A_374 : vector<16xf32>
    %add3A_376 = arith.constant 6 : i32
    %add3A_377 = vector.broadcast %add3A_376 : i32 to vector<16xi32>
    %add3A_378 = arith.addi %mul3A_345, %add3A_377 : vector<16xi32>
    %gather3A_379 = tpu.vector_load_idx %arg6[%add3A_378] : memref<1024xf32, #tpu.memory_space<vmem>>[vector<16xi32>], vector<16xf32>,
    %add3A_380 = arith.addf %add3A_375, %gather3A_379 : vector<16xf32>
    %add3A_381 = arith.constant 7 : i32
    %add3A_382 = vector.broadcast %add3A_381 : i32 to vector<16xi32>
    %add3A_383 = arith.addi %mul3A_345, %add3A_382 : vector<16xi32>
    %gather3A_384 = tpu.vector_load_idx %arg6[%add3A_383] : memref<1024xf32, #tpu.memory_space<vmem>>[vector<16xi32>], vector<16xf32>,
    %add3A_385 = arith.addf %add3A_380, %gather3A_384 : vector<16xf32>
    %add3A_386 = arith.constant 8 : i32
    %add3A_387 = vector.broadcast %add3A_386 : i32 to vector<16xi32>
    %add3A_388 = arith.addi %mul3A_345, %add3A_387 : vector<16xi32>
    %gather3A_389 = tpu.vector_load_idx %arg6[%add3A_388] : memref<1024xf32, #tpu.memory_space<vmem>>[vector<16xi32>], vector<16xf32>,
    %add3A_390 = arith.addf %add3A_385, %gather3A_389 : vector<16xf32>
    %add3A_391 = arith.constant 9 : i32
    %add3A_392 = vector.broadcast %add3A_391 : i32 to vector<16xi32>
    %add3A_393 = arith.addi %mul3A_345, %add3A_392 : vector<16xi32>
    %gather3A_394 = tpu.vector_load_idx %arg6[%add3A_393] : memref<1024xf32, #tpu.memory_space<vmem>>[vector<16xi32>], vector<16xf32>,
    %add3A_395 = arith.addf %add3A_390, %gather3A_394 : vector<16xf32>
    %add3A_396 = arith.constant 10 : i32
    %add3A_397 = vector.broadcast %add3A_396 : i32 to vector<16xi32>
    %add3A_398 = arith.addi %mul3A_345, %add3A_397 : vector<16xi32>
    %gather3A_399 = tpu.vector_load_idx %arg6[%add3A_398] : memref<1024xf32, #tpu.memory_space<vmem>>[vector<16xi32>], vector<16xf32>,
    %add3A_400 = arith.addf %add3A_395, %gather3A_399 : vector<16xf32>
    %add3A_401 = arith.constant 11 : i32
    %add3A_402 = vector.broadcast %add3A_401 : i32 to vector<16xi32>
    %add3A_403 = arith.addi %mul3A_345, %add3A_402 : vector<16xi32>
    %gather3A_404 = tpu.vector_load_idx %arg6[%add3A_403] : memref<1024xf32, #tpu.memory_space<vmem>>[vector<16xi32>], vector<16xf32>,
    %add3A_405 = arith.addf %add3A_400, %gather3A_404 : vector<16xf32>
    %add3A_406 = arith.constant 12 : i32
    %add3A_407 = vector.broadcast %add3A_406 : i32 to vector<16xi32>
    %add3A_408 = arith.addi %mul3A_345, %add3A_407 : vector<16xi32>
    %gather3A_409 = tpu.vector_load_idx %arg6[%add3A_408] : memref<1024xf32, #tpu.memory_space<vmem>>[vector<16xi32>], vector<16xf32>,
    %add3A_410 = arith.addf %add3A_405, %gather3A_409 : vector<16xf32>
    %add3A_411 = arith.constant 13 : i32
    %add3A_412 = vector.broadcast %add3A_411 : i32 to vector<16xi32>
    %add3A_413 = arith.addi %mul3A_345, %add3A_412 : vector<16xi32>
    %gather3A_414 = tpu.vector_load_idx %arg6[%add3A_413] : memref<1024xf32, #tpu.memory_space<vmem>>[vector<16xi32>], vector<16xf32>,
    %add3A_415 = arith.addf %add3A_410, %gather3A_414 : vector<16xf32>
    %add3A_416 = arith.constant 14 : i32
    %add3A_417 = vector.broadcast %add3A_416 : i32 to vector<16xi32>
    %add3A_418 = arith.addi %mul3A_345, %add3A_417 : vector<16xi32>
    %gather3A_419 = tpu.vector_load_idx %arg6[%add3A_418] : memref<1024xf32, #tpu.memory_space<vmem>>[vector<16xi32>], vector<16xf32>,
    %add3A_420 = arith.addf %add3A_415, %gather3A_419 : vector<16xf32>
    %add3A_421 = arith.constant 15 : i32
    %add3A_422 = vector.broadcast %add3A_421 : i32 to vector<16xi32>
    %add3A_423 = arith.addi %mul3A_345, %add3A_422 : vector<16xi32>
    %gather3A_424 = tpu.vector_load_idx %arg6[%add3A_423] : memref<1024xf32, #tpu.memory_space<vmem>>[vector<16xi32>], vector<16xf32>,
    %add3A_425 = arith.addf %add3A_420, %gather3A_424 : vector<16xf32>
    %swap3A_426 = arith.constant 32 : index
    %swap3A_427 = tpu.vector_load %arg7[%swap3A_426] {strides = array<i32>} : memref<64xf32, #tpu.memory_space<vmem>>, vector<16xf32>,
    tpu.vector_store %arg7[%swap3A_426], %add3A_425 {strides = array<i32>} : memref<64xf32, #tpu.memory_space<vmem>>, vector<16xf32>,
    %broadcast_in_dim3A_428 = arith.constant 0.000000e+00 : f32
    %broadcast_in_dim3A_429 = vector.broadcast %broadcast_in_dim3A_428 : f32 to vector<16xf32>
    %add3A_430 = arith.constant 48 : i32
    %add3A_431 = vector.broadcast %add3A_430 : i32 to vector<16xi32>
    %add3A_432 = arith.addi %iota3A, %add3A_431 : vector<16xi32>
    %mul3A_433 = arith.constant 16 : i32
    %mul3A_434 = vector.broadcast %mul3A_433 : i32 to vector<16xi32>
    %mul3A_435 = arith.muli %add3A_432, %mul3A_434 : vector<16xi32>
    %add3A_436 = arith.constant 0 : i32
    %add3A_437 = vector.broadcast %add3A_436 : i32 to vector<16xi32>
    %add3A_438 = arith.addi %mul3A_435, %add3A_437 : vector<16xi32>
    %gather3A_439 = tpu.vector_load_idx %arg6[%add3A_438] : memref<1024xf32, #tpu.memory_space<vmem>>[vector<16xi32>], vector<16xf32>,
    %add3A_440 = arith.addf %broadcast_in_dim3A_429, %gather3A_439 : vector<16xf32>
    %add3A_441 = arith.constant 1 : i32
    %add3A_442 = vector.broadcast %add3A_441 : i32 to vector<16xi32>
    %add3A_443 = arith.addi %mul3A_435, %add3A_442 : vector<16xi32>
    %gather3A_444 = tpu.vector_load_idx %arg6[%add3A_443] : memref<1024xf32, #tpu.memory_space<vmem>>[vector<16xi32>], vector<16xf32>,
    %add3A_445 = arith.addf %add3A_440, %gather3A_444 : vector<16xf32>
    %add3A_446 = arith.constant 2 : i32
    %add3A_447 = vector.broadcast %add3A_446 : i32 to vector<16xi32>
    %add3A_448 = arith.addi %mul3A_435, %add3A_447 : vector<16xi32>
    %gather3A_449 = tpu.vector_load_idx %arg6[%add3A_448] : memref<1024xf32, #tpu.memory_space<vmem>>[vector<16xi32>], vector<16xf32>,
    %add3A_450 = arith.addf %add3A_445, %gather3A_449 : vector<16xf32>
    %add3A_451 = arith.constant 3 : i32
    %add3A_452 = vector.broadcast %add3A_451 : i32 to vector<16xi32>
    %add3A_453 = arith.addi %mul3A_435, %add3A_452 : vector<16xi32>
    %gather3A_454 = tpu.vector_load_idx %arg6[%add3A_453] : memref<1024xf32, #tpu.memory_space<vmem>>[vector<16xi32>], vector<16xf32>,
    %add3A_455 = arith.addf %add3A_450, %gather3A_454 : vector<16xf32>
    %add3A_456 = arith.constant 4 : i32
    %add3A_457 = vector.broadcast %add3A_456 : i32 to vector<16xi32>
    %add3A_458 = arith.addi %mul3A_435, %add3A_457 : vector<16xi32>
    %gather3A_459 = tpu.vector_load_idx %arg6[%add3A_458] : memref<1024xf32, #tpu.memory_space<vmem>>[vector<16xi32>], vector<16xf32>,
    %add3A_460 = arith.addf %add3A_455, %gather3A_459 : vector<16xf32>
    %add3A_461 = arith.constant 5 : i32
    %add3A_462 = vector.broadcast %add3A_461 : i32 to vector<16xi32>
    %add3A_463 = arith.addi %mul3A_435, %add3A_462 : vector<16xi32>
    %gather3A_464 = tpu.vector_load_idx %arg6[%add3A_463] : memref<1024xf32, #tpu.memory_space<vmem>>[vector<16xi32>], vector<16xf32>,
    %add3A_465 = arith.addf %add3A_460, %gather3A_464 : vector<16xf32>
    %add3A_466 = arith.constant 6 : i32
    %add3A_467 = vector.broadcast %add3A_466 : i32 to vector<16xi32>
    %add3A_468 = arith.addi %mul3A_435, %add3A_467 : vector<16xi32>
    %gather3A_469 = tpu.vector_load_idx %arg6[%add3A_468] : memref<1024xf32, #tpu.memory_space<vmem>>[vector<16xi32>], vector<16xf32>,
    %add3A_470 = arith.addf %add3A_465, %gather3A_469 : vector<16xf32>
    %add3A_471 = arith.constant 7 : i32
    %add3A_472 = vector.broadcast %add3A_471 : i32 to vector<16xi32>
    %add3A_473 = arith.addi %mul3A_435, %add3A_472 : vector<16xi32>
    %gather3A_474 = tpu.vector_load_idx %arg6[%add3A_473] : memref<1024xf32, #tpu.memory_space<vmem>>[vector<16xi32>], vector<16xf32>,
    %add3A_475 = arith.addf %add3A_470, %gather3A_474 : vector<16xf32>
    %add3A_476 = arith.constant 8 : i32
    %add3A_477 = vector.broadcast %add3A_476 : i32 to vector<16xi32>
    %add3A_478 = arith.addi %mul3A_435, %add3A_477 : vector<16xi32>
    %gather3A_479 = tpu.vector_load_idx %arg6[%add3A_478] : memref<1024xf32, #tpu.memory_space<vmem>>[vector<16xi32>], vector<16xf32>,
    %add3A_480 = arith.addf %add3A_475, %gather3A_479 : vector<16xf32>
    %add3A_481 = arith.constant 9 : i32
    %add3A_482 = vector.broadcast %add3A_481 : i32 to vector<16xi32>
    %add3A_483 = arith.addi %mul3A_435, %add3A_482 : vector<16xi32>
    %gather3A_484 = tpu.vector_load_idx %arg6[%add3A_483] : memref<1024xf32, #tpu.memory_space<vmem>>[vector<16xi32>], vector<16xf32>,
    %add3A_485 = arith.addf %add3A_480, %gather3A_484 : vector<16xf32>
    %add3A_486 = arith.constant 10 : i32
    %add3A_487 = vector.broadcast %add3A_486 : i32 to vector<16xi32>
    %add3A_488 = arith.addi %mul3A_435, %add3A_487 : vector<16xi32>
    %gather3A_489 = tpu.vector_load_idx %arg6[%add3A_488] : memref<1024xf32, #tpu.memory_space<vmem>>[vector<16xi32>], vector<16xf32>,
    %add3A_490 = arith.addf %add3A_485, %gather3A_489 : vector<16xf32>
    %add3A_491 = arith.constant 11 : i32
    %add3A_492 = vector.broadcast %add3A_491 : i32 to vector<16xi32>
    %add3A_493 = arith.addi %mul3A_435, %add3A_492 : vector<16xi32>
    %gather3A_494 = tpu.vector_load_idx %arg6[%add3A_493] : memref<1024xf32, #tpu.memory_space<vmem>>[vector<16xi32>], vector<16xf32>,
    %add3A_495 = arith.addf %add3A_490, %gather3A_494 : vector<16xf32>
    %add3A_496 = arith.constant 12 : i32
    %add3A_497 = vector.broadcast %add3A_496 : i32 to vector<16xi32>
    %add3A_498 = arith.addi %mul3A_435, %add3A_497 : vector<16xi32>
    %gather3A_499 = tpu.vector_load_idx %arg6[%add3A_498] : memref<1024xf32, #tpu.memory_space<vmem>>[vector<16xi32>], vector<16xf32>,
    %add3A_500 = arith.addf %add3A_495, %gather3A_499 : vector<16xf32>
    %add3A_501 = arith.constant 13 : i32
    %add3A_502 = vector.broadcast %add3A_501 : i32 to vector<16xi32>
    %add3A_503 = arith.addi %mul3A_435, %add3A_502 : vector<16xi32>
    %gather3A_504 = tpu.vector_load_idx %arg6[%add3A_503] : memref<1024xf32, #tpu.memory_space<vmem>>[vector<16xi32>], vector<16xf32>,
    %add3A_505 = arith.addf %add3A_500, %gather3A_504 : vector<16xf32>
    %add3A_506 = arith.constant 14 : i32
    %add3A_507 = vector.broadcast %add3A_506 : i32 to vector<16xi32>
    %add3A_508 = arith.addi %mul3A_435, %add3A_507 : vector<16xi32>
    %gather3A_509 = tpu.vector_load_idx %arg6[%add3A_508] : memref<1024xf32, #tpu.memory_space<vmem>>[vector<16xi32>], vector<16xf32>,
    %add3A_510 = arith.addf %add3A_505, %gather3A_509 : vector<16xf32>
    %add3A_511 = arith.constant 15 : i32
    %add3A_512 = vector.broadcast %add3A_511 : i32 to vector<16xi32>
    %add3A_513 = arith.addi %mul3A_435, %add3A_512 : vector<16xi32>
    %gather3A_514 = tpu.vector_load_idx %arg6[%add3A_513] : memref<1024xf32, #tpu.memory_space<vmem>>[vector<16xi32>], vector<16xf32>,
    %add3A_515 = arith.addf %add3A_510, %gather3A_514 : vector<16xf32>
    %add3A_516 = arith.constant 48 : i32
    %add3A_517 = vector.broadcast %add3A_516 : i32 to vector<16xi32>
    %add3A_518 = arith.addi %iota3A, %add3A_517 : vector<16xi32>
    %lt3A = arith.constant 50 : i32
    %lt3A_519 = vector.broadcast %lt3A : i32 to vector<16xi32>
    %lt3A_520 = arith.cmpi slt, %add3A_518, %lt3A_519 : vector<16xi32>
    %jit3A = arith.constant -1.000000e+00 : f32
    %broadcast_in_dim3A_521 = vector.broadcast %jit3A : f32 to vector<16xf32>
    %select_n3A = arith.select %lt3A_520, %add3A_515, %broadcast_in_dim3A_521 : vector<16xi1>, vector<16xf32>
    %swap3A_522 = arith.constant 48 : index
    %swap3A_523 = tpu.vector_load %arg7[%swap3A_522] {strides = array<i32>} : memref<64xf32, #tpu.memory_space<vmem>>, vector<16xf32>,
    tpu.vector_store %arg7[%swap3A_522], %select_n3A {strides = array<i32>} : memref<64xf32, #tpu.memory_space<vmem>>, vector<16xf32>,
    %mul3A_524 = arith.constant 64 : i32
    %mul3A_525 = arith.muli %add3A_5, %mul3A_524 : i32
    "tpu.region"() ({
      %run_scoped3A = tpu.sem_alloc : memref<!tpu.dma_semaphore, #tpu.memory_space<semaphore_mem>>
      %dma_start3A_1059 = tpu.memref_slice %arg3[%mul3A_525] : memref<4096xf32, #tpu.memory_space<hbm>> -> memref<64xf32, #tpu.memory_space<hbm>>
      %dma_start3A_1060 = tpu.memref_slice %arg3[%mul3A_525] : memref<4096xf32, #tpu.memory_space<hbm>> -> memref<64xf32, #tpu.memory_space<hbm>>
      tpu.enqueue_dma source(%arg7 : memref<64xf32, #tpu.memory_space<vmem>>) target(%dma_start3A_1060 : memref<64xf32, #tpu.memory_space<hbm>>) target_semaphore(%run_scoped3A : memref<!tpu.dma_semaphore, #tpu.memory_space<semaphore_mem>>)
      %dma_wait3A_1061 = tpu.memref_slice %arg3[%mul3A_525] : memref<4096xf32, #tpu.memory_space<hbm>> -> memref<64xf32, #tpu.memory_space<hbm>>
      %dma_wait3A_1062 = tpu.memref_slice %arg3[%mul3A_525] : memref<4096xf32, #tpu.memory_space<hbm>> -> memref<64xf32, #tpu.memory_space<hbm>>
      tpu.wait_dma2 semaphore(%run_scoped3A : memref<!tpu.dma_semaphore, #tpu.memory_space<semaphore_mem>>) src(%arg7 : memref<64xf32, #tpu.memory_space<vmem>>) dst(%dma_wait3A_1062 : memref<64xf32, #tpu.memory_space<hbm>>)
      tpu.yield
    }) : () -> ()
    %mul3A_526 = arith.constant 2 : i32
    %mul3A_527 = arith.muli %add3A, %mul3A_526 : i32
    %add3A_528 = arith.constant 1 : i32
    %add3A_529 = arith.addi %mul3A_527, %add3A_528 : i32
    %scan3A_530 = arith.constant 0 : i32
    %scan3A_531 = arith.constant 0 : i32
    %scan3A_532 = arith.constant 64 : i32
    %scan3A_533 = arith.addi %scan3A_531, %scan3A_532 : i32
    %scan3A_534 = arith.constant 1 : i32
    scf.for %scan3A_1059 = %scan3A_531 to %scan3A_533 step %scan3A_534  : i32 {
      %broadcast_in_dim3A_1060 = arith.constant 0.000000e+00 : f32
      %broadcast_in_dim3A_1061 = vector.broadcast %broadcast_in_dim3A_1060 : f32 to vector<16xf32>
      %mul3A_1062 = arith.constant 16 : i32
      %mul3A_1063 = arith.muli %scan3A_1059, %mul3A_1062 : i32
      %swap3A_1064 = arith.index_cast %mul3A_1063 : i32 to index
      %swap3A_1065 = tpu.vector_load %arg6[%swap3A_1064] {strides = array<i32>} : memref<1024xf32, #tpu.memory_space<vmem>>, vector<16xf32>,
      tpu.vector_store %arg6[%swap3A_1064], %broadcast_in_dim3A_1061 {strides = array<i32>} : memref<1024xf32, #tpu.memory_space<vmem>>, vector<16xf32>,
    }
    %scan3A_535 = arith.constant 64 : i32
    %dma_start3A_536 = arith.constant 0 : i32
    %dma_start3A_537 = arith.constant 0 : i32
    %dma_start3A_538 = tpu.memref_slice %arg2[%add3A_529, %dma_start3A_536, %dma_start3A_537] : memref<64x512x512xf32, #tpu.memory_space<hbm>> -> memref<1x64x512xf32, #tpu.memory_space<hbm>>
    %dma_start3A_539 = tpu.memref_squeeze %dma_start3A_538 : memref<1x64x512xf32, #tpu.memory_space<hbm>> -> memref<64x512xf32, #tpu.memory_space<hbm>>
    %dma_start3A_540 = arith.constant 0 : i32
    %dma_start3A_541 = arith.constant 0 : i32
    %dma_start3A_542 = tpu.memref_slice %arg2[%add3A_529, %dma_start3A_540, %dma_start3A_541] : memref<64x512x512xf32, #tpu.memory_space<hbm>> -> memref<1x64x512xf32, #tpu.memory_space<hbm>>
    %dma_start3A_543 = tpu.memref_squeeze %dma_start3A_542 : memref<1x64x512xf32, #tpu.memory_space<hbm>> -> memref<64x512xf32, #tpu.memory_space<hbm>>
    tpu.enqueue_dma source(%dma_start3A_543 : memref<64x512xf32, #tpu.memory_space<hbm>>) target(%arg4 : memref<64x512xf32, #tpu.memory_space<vmem>>) target_semaphore(%arg8 : memref<!tpu.dma_semaphore, #tpu.memory_space<semaphore_mem>>)
    %dma_start3A_544 = arith.constant 64 : i32
    %dma_start3A_545 = arith.constant 0 : i32
    %dma_start3A_546 = tpu.memref_slice %arg2[%add3A_529, %dma_start3A_544, %dma_start3A_545] : memref<64x512x512xf32, #tpu.memory_space<hbm>> -> memref<1x64x512xf32, #tpu.memory_space<hbm>>
    %dma_start3A_547 = tpu.memref_squeeze %dma_start3A_546 : memref<1x64x512xf32, #tpu.memory_space<hbm>> -> memref<64x512xf32, #tpu.memory_space<hbm>>
    %dma_start3A_548 = arith.constant 64 : i32
    %dma_start3A_549 = arith.constant 0 : i32
    %dma_start3A_550 = tpu.memref_slice %arg2[%add3A_529, %dma_start3A_548, %dma_start3A_549] : memref<64x512x512xf32, #tpu.memory_space<hbm>> -> memref<1x64x512xf32, #tpu.memory_space<hbm>>
    %dma_start3A_551 = tpu.memref_squeeze %dma_start3A_550 : memref<1x64x512xf32, #tpu.memory_space<hbm>> -> memref<64x512xf32, #tpu.memory_space<hbm>>
    tpu.enqueue_dma source(%dma_start3A_551 : memref<64x512xf32, #tpu.memory_space<hbm>>) target(%arg5 : memref<64x512xf32, #tpu.memory_space<vmem>>) target_semaphore(%arg9 : memref<!tpu.dma_semaphore, #tpu.memory_space<semaphore_mem>>)
    %dma_wait3A_552 = arith.constant 0 : i32
    %dma_wait3A_553 = arith.constant 0 : i32
    %dma_wait3A_554 = tpu.memref_slice %arg2[%add3A_529, %dma_wait3A_552, %dma_wait3A_553] : memref<64x512x512xf32, #tpu.memory_space<hbm>> -> memref<1x64x512xf32, #tpu.memory_space<hbm>>
    %dma_wait3A_555 = tpu.memref_squeeze %dma_wait3A_554 : memref<1x64x512xf32, #tpu.memory_space<hbm>> -> memref<64x512xf32, #tpu.memory_space<hbm>>
    %dma_wait3A_556 = arith.constant 0 : i32
    %dma_wait3A_557 = arith.constant 0 : i32
    %dma_wait3A_558 = tpu.memref_slice %arg2[%add3A_529, %dma_wait3A_556, %dma_wait3A_557] : memref<64x512x512xf32, #tpu.memory_space<hbm>> -> memref<1x64x512xf32, #tpu.memory_space<hbm>>
    %dma_wait3A_559 = tpu.memref_squeeze %dma_wait3A_558 : memref<1x64x512xf32, #tpu.memory_space<hbm>> -> memref<64x512xf32, #tpu.memory_space<hbm>>
    tpu.wait_dma2 semaphore(%arg8 : memref<!tpu.dma_semaphore, #tpu.memory_space<semaphore_mem>>) src(%dma_wait3A_559 : memref<64x512xf32, #tpu.memory_space<hbm>>) dst(%arg4 : memref<64x512xf32, #tpu.memory_space<vmem>>)
    %parallel_loop3A_560 = arith.constant 0 : i32
    %parallel_loop3A_561 = arith.constant 2048 : i32
    %parallel_loop3A_562 = arith.constant 1 : i32
    scf.for %parallel_loop3A_1059 = %parallel_loop3A_560 to %parallel_loop3A_561 step %parallel_loop3A_562  : i32 {
      %parallel_loop3A_1060 = arith.constant 5 : i32
      %parallel_loop3A_1061 = arith.shrui %parallel_loop3A_1059, %parallel_loop3A_1060 : i32
      %parallel_loop3A_1062 = arith.constant 31 : i32
      %parallel_loop3A_1063 = arith.andi %parallel_loop3A_1059, %parallel_loop3A_1062 : i32
      %parallel_loop3A_1064 = arith.constant 4 : i32
      %parallel_loop3A_1065 = arith.shli %parallel_loop3A_1063, %parallel_loop3A_1064 : i32
      %parallel_loop3A_1066 = arith.index_cast %parallel_loop3A_1061 : i32 to index
      %parallel_loop3A_1067 = arith.index_cast %parallel_loop3A_1065 : i32 to index
      %parallel_loop3A_1068 = tpu.vector_load %arg4[%parallel_loop3A_1066, %parallel_loop3A_1067] {strides = array<i32>} : memref<64x512xf32, #tpu.memory_space<vmem>>, vector<16xf32>,
      %parallel_loop3A_1069 = arith.constant 5.000000e+01 : f32
      %parallel_loop3A_1070 = vector.broadcast %parallel_loop3A_1069 : f32 to vector<16xf32>
      %parallel_loop3A_1071 = arith.mulf %parallel_loop3A_1068, %parallel_loop3A_1070 : vector<16xf32>
      %parallel_loop3A_1072 = arith.fptosi %parallel_loop3A_1071 : vector<16xf32> to vector<16xi32>
      %parallel_loop3A_1073 = arith.constant 16 : i32
      %parallel_loop3A_1074 = vector.broadcast %parallel_loop3A_1073 : i32 to vector<16xi32>
      %parallel_loop3A_1075 = arith.muli %parallel_loop3A_1072, %parallel_loop3A_1074 : vector<16xi32>
      %parallel_loop3A_1076 = arith.addi %parallel_loop3A_1075, %iota3A : vector<16xi32>
      tpu.vector_store_idx %arg6[%parallel_loop3A_1076], %broadcast_in_dim3A_1 {add = true} : memref<1024xf32, #tpu.memory_space<vmem>>[vector<16xi32>], vector<16xf32>,
    } {sc.loop_unroll_factor = 8 : i64, sc.parallel_access}
    %dma_start3A_563 = arith.constant 128 : i32
    %dma_start3A_564 = arith.constant 0 : i32
    %dma_start3A_565 = tpu.memref_slice %arg2[%add3A_529, %dma_start3A_563, %dma_start3A_564] : memref<64x512x512xf32, #tpu.memory_space<hbm>> -> memref<1x64x512xf32, #tpu.memory_space<hbm>>
    %dma_start3A_566 = tpu.memref_squeeze %dma_start3A_565 : memref<1x64x512xf32, #tpu.memory_space<hbm>> -> memref<64x512xf32, #tpu.memory_space<hbm>>
    %dma_start3A_567 = arith.constant 128 : i32
    %dma_start3A_568 = arith.constant 0 : i32
    %dma_start3A_569 = tpu.memref_slice %arg2[%add3A_529, %dma_start3A_567, %dma_start3A_568] : memref<64x512x512xf32, #tpu.memory_space<hbm>> -> memref<1x64x512xf32, #tpu.memory_space<hbm>>
    %dma_start3A_570 = tpu.memref_squeeze %dma_start3A_569 : memref<1x64x512xf32, #tpu.memory_space<hbm>> -> memref<64x512xf32, #tpu.memory_space<hbm>>
    tpu.enqueue_dma source(%dma_start3A_570 : memref<64x512xf32, #tpu.memory_space<hbm>>) target(%arg4 : memref<64x512xf32, #tpu.memory_space<vmem>>) target_semaphore(%arg8 : memref<!tpu.dma_semaphore, #tpu.memory_space<semaphore_mem>>)
    %dma_wait3A_571 = arith.constant 64 : i32
    %dma_wait3A_572 = arith.constant 0 : i32
    %dma_wait3A_573 = tpu.memref_slice %arg2[%add3A_529, %dma_wait3A_571, %dma_wait3A_572] : memref<64x512x512xf32, #tpu.memory_space<hbm>> -> memref<1x64x512xf32, #tpu.memory_space<hbm>>
    %dma_wait3A_574 = tpu.memref_squeeze %dma_wait3A_573 : memref<1x64x512xf32, #tpu.memory_space<hbm>> -> memref<64x512xf32, #tpu.memory_space<hbm>>
    %dma_wait3A_575 = arith.constant 64 : i32
    %dma_wait3A_576 = arith.constant 0 : i32
    %dma_wait3A_577 = tpu.memref_slice %arg2[%add3A_529, %dma_wait3A_575, %dma_wait3A_576] : memref<64x512x512xf32, #tpu.memory_space<hbm>> -> memref<1x64x512xf32, #tpu.memory_space<hbm>>
    %dma_wait3A_578 = tpu.memref_squeeze %dma_wait3A_577 : memref<1x64x512xf32, #tpu.memory_space<hbm>> -> memref<64x512xf32, #tpu.memory_space<hbm>>
    tpu.wait_dma2 semaphore(%arg9 : memref<!tpu.dma_semaphore, #tpu.memory_space<semaphore_mem>>) src(%dma_wait3A_578 : memref<64x512xf32, #tpu.memory_space<hbm>>) dst(%arg5 : memref<64x512xf32, #tpu.memory_space<vmem>>)
    %parallel_loop3A_579 = arith.constant 0 : i32
    %parallel_loop3A_580 = arith.constant 2048 : i32
    %parallel_loop3A_581 = arith.constant 1 : i32
    scf.for %parallel_loop3A_1059 = %parallel_loop3A_579 to %parallel_loop3A_580 step %parallel_loop3A_581  : i32 {
      %parallel_loop3A_1060 = arith.constant 5 : i32
      %parallel_loop3A_1061 = arith.shrui %parallel_loop3A_1059, %parallel_loop3A_1060 : i32
      %parallel_loop3A_1062 = arith.constant 31 : i32
      %parallel_loop3A_1063 = arith.andi %parallel_loop3A_1059, %parallel_loop3A_1062 : i32
      %parallel_loop3A_1064 = arith.constant 4 : i32
      %parallel_loop3A_1065 = arith.shli %parallel_loop3A_1063, %parallel_loop3A_1064 : i32
      %parallel_loop3A_1066 = arith.index_cast %parallel_loop3A_1061 : i32 to index
      %parallel_loop3A_1067 = arith.index_cast %parallel_loop3A_1065 : i32 to index
      %parallel_loop3A_1068 = tpu.vector_load %arg5[%parallel_loop3A_1066, %parallel_loop3A_1067] {strides = array<i32>} : memref<64x512xf32, #tpu.memory_space<vmem>>, vector<16xf32>,
      %parallel_loop3A_1069 = arith.constant 5.000000e+01 : f32
      %parallel_loop3A_1070 = vector.broadcast %parallel_loop3A_1069 : f32 to vector<16xf32>
      %parallel_loop3A_1071 = arith.mulf %parallel_loop3A_1068, %parallel_loop3A_1070 : vector<16xf32>
      %parallel_loop3A_1072 = arith.fptosi %parallel_loop3A_1071 : vector<16xf32> to vector<16xi32>
      %parallel_loop3A_1073 = arith.constant 16 : i32
      %parallel_loop3A_1074 = vector.broadcast %parallel_loop3A_1073 : i32 to vector<16xi32>
      %parallel_loop3A_1075 = arith.muli %parallel_loop3A_1072, %parallel_loop3A_1074 : vector<16xi32>
      %parallel_loop3A_1076 = arith.addi %parallel_loop3A_1075, %iota3A : vector<16xi32>
      tpu.vector_store_idx %arg6[%parallel_loop3A_1076], %broadcast_in_dim3A_1 {add = true} : memref<1024xf32, #tpu.memory_space<vmem>>[vector<16xi32>], vector<16xf32>,
    } {sc.loop_unroll_factor = 8 : i64, sc.parallel_access}
    %dma_start3A_582 = arith.constant 192 : i32
    %dma_start3A_583 = arith.constant 0 : i32
    %dma_start3A_584 = tpu.memref_slice %arg2[%add3A_529, %dma_start3A_582, %dma_start3A_583] : memref<64x512x512xf32, #tpu.memory_space<hbm>> -> memref<1x64x512xf32, #tpu.memory_space<hbm>>
    %dma_start3A_585 = tpu.memref_squeeze %dma_start3A_584 : memref<1x64x512xf32, #tpu.memory_space<hbm>> -> memref<64x512xf32, #tpu.memory_space<hbm>>
    %dma_start3A_586 = arith.constant 192 : i32
    %dma_start3A_587 = arith.constant 0 : i32
    %dma_start3A_588 = tpu.memref_slice %arg2[%add3A_529, %dma_start3A_586, %dma_start3A_587] : memref<64x512x512xf32, #tpu.memory_space<hbm>> -> memref<1x64x512xf32, #tpu.memory_space<hbm>>
    %dma_start3A_589 = tpu.memref_squeeze %dma_start3A_588 : memref<1x64x512xf32, #tpu.memory_space<hbm>> -> memref<64x512xf32, #tpu.memory_space<hbm>>
    tpu.enqueue_dma source(%dma_start3A_589 : memref<64x512xf32, #tpu.memory_space<hbm>>) target(%arg5 : memref<64x512xf32, #tpu.memory_space<vmem>>) target_semaphore(%arg9 : memref<!tpu.dma_semaphore, #tpu.memory_space<semaphore_mem>>)
    %dma_wait3A_590 = arith.constant 128 : i32
    %dma_wait3A_591 = arith.constant 0 : i32
    %dma_wait3A_592 = tpu.memref_slice %arg2[%add3A_529, %dma_wait3A_590, %dma_wait3A_591] : memref<64x512x512xf32, #tpu.memory_space<hbm>> -> memref<1x64x512xf32, #tpu.memory_space<hbm>>
    %dma_wait3A_593 = tpu.memref_squeeze %dma_wait3A_592 : memref<1x64x512xf32, #tpu.memory_space<hbm>> -> memref<64x512xf32, #tpu.memory_space<hbm>>
    %dma_wait3A_594 = arith.constant 128 : i32
    %dma_wait3A_595 = arith.constant 0 : i32
    %dma_wait3A_596 = tpu.memref_slice %arg2[%add3A_529, %dma_wait3A_594, %dma_wait3A_595] : memref<64x512x512xf32, #tpu.memory_space<hbm>> -> memref<1x64x512xf32, #tpu.memory_space<hbm>>
    %dma_wait3A_597 = tpu.memref_squeeze %dma_wait3A_596 : memref<1x64x512xf32, #tpu.memory_space<hbm>> -> memref<64x512xf32, #tpu.memory_space<hbm>>
    tpu.wait_dma2 semaphore(%arg8 : memref<!tpu.dma_semaphore, #tpu.memory_space<semaphore_mem>>) src(%dma_wait3A_597 : memref<64x512xf32, #tpu.memory_space<hbm>>) dst(%arg4 : memref<64x512xf32, #tpu.memory_space<vmem>>)
    %parallel_loop3A_598 = arith.constant 0 : i32
    %parallel_loop3A_599 = arith.constant 2048 : i32
    %parallel_loop3A_600 = arith.constant 1 : i32
    scf.for %parallel_loop3A_1059 = %parallel_loop3A_598 to %parallel_loop3A_599 step %parallel_loop3A_600  : i32 {
      %parallel_loop3A_1060 = arith.constant 5 : i32
      %parallel_loop3A_1061 = arith.shrui %parallel_loop3A_1059, %parallel_loop3A_1060 : i32
      %parallel_loop3A_1062 = arith.constant 31 : i32
      %parallel_loop3A_1063 = arith.andi %parallel_loop3A_1059, %parallel_loop3A_1062 : i32
      %parallel_loop3A_1064 = arith.constant 4 : i32
      %parallel_loop3A_1065 = arith.shli %parallel_loop3A_1063, %parallel_loop3A_1064 : i32
      %parallel_loop3A_1066 = arith.index_cast %parallel_loop3A_1061 : i32 to index
      %parallel_loop3A_1067 = arith.index_cast %parallel_loop3A_1065 : i32 to index
      %parallel_loop3A_1068 = tpu.vector_load %arg4[%parallel_loop3A_1066, %parallel_loop3A_1067] {strides = array<i32>} : memref<64x512xf32, #tpu.memory_space<vmem>>, vector<16xf32>,
      %parallel_loop3A_1069 = arith.constant 5.000000e+01 : f32
      %parallel_loop3A_1070 = vector.broadcast %parallel_loop3A_1069 : f32 to vector<16xf32>
      %parallel_loop3A_1071 = arith.mulf %parallel_loop3A_1068, %parallel_loop3A_1070 : vector<16xf32>
      %parallel_loop3A_1072 = arith.fptosi %parallel_loop3A_1071 : vector<16xf32> to vector<16xi32>
      %parallel_loop3A_1073 = arith.constant 16 : i32
      %parallel_loop3A_1074 = vector.broadcast %parallel_loop3A_1073 : i32 to vector<16xi32>
      %parallel_loop3A_1075 = arith.muli %parallel_loop3A_1072, %parallel_loop3A_1074 : vector<16xi32>
      %parallel_loop3A_1076 = arith.addi %parallel_loop3A_1075, %iota3A : vector<16xi32>
      tpu.vector_store_idx %arg6[%parallel_loop3A_1076], %broadcast_in_dim3A_1 {add = true} : memref<1024xf32, #tpu.memory_space<vmem>>[vector<16xi32>], vector<16xf32>,
    } {sc.loop_unroll_factor = 8 : i64, sc.parallel_access}
    %dma_start3A_601 = arith.constant 256 : i32
    %dma_start3A_602 = arith.constant 0 : i32
    %dma_start3A_603 = tpu.memref_slice %arg2[%add3A_529, %dma_start3A_601, %dma_start3A_602] : memref<64x512x512xf32, #tpu.memory_space<hbm>> -> memref<1x64x512xf32, #tpu.memory_space<hbm>>
    %dma_start3A_604 = tpu.memref_squeeze %dma_start3A_603 : memref<1x64x512xf32, #tpu.memory_space<hbm>> -> memref<64x512xf32, #tpu.memory_space<hbm>>
    %dma_start3A_605 = arith.constant 256 : i32
    %dma_start3A_606 = arith.constant 0 : i32
    %dma_start3A_607 = tpu.memref_slice %arg2[%add3A_529, %dma_start3A_605, %dma_start3A_606] : memref<64x512x512xf32, #tpu.memory_space<hbm>> -> memref<1x64x512xf32, #tpu.memory_space<hbm>>
    %dma_start3A_608 = tpu.memref_squeeze %dma_start3A_607 : memref<1x64x512xf32, #tpu.memory_space<hbm>> -> memref<64x512xf32, #tpu.memory_space<hbm>>
    tpu.enqueue_dma source(%dma_start3A_608 : memref<64x512xf32, #tpu.memory_space<hbm>>) target(%arg4 : memref<64x512xf32, #tpu.memory_space<vmem>>) target_semaphore(%arg8 : memref<!tpu.dma_semaphore, #tpu.memory_space<semaphore_mem>>)
    %dma_wait3A_609 = arith.constant 192 : i32
    %dma_wait3A_610 = arith.constant 0 : i32
    %dma_wait3A_611 = tpu.memref_slice %arg2[%add3A_529, %dma_wait3A_609, %dma_wait3A_610] : memref<64x512x512xf32, #tpu.memory_space<hbm>> -> memref<1x64x512xf32, #tpu.memory_space<hbm>>
    %dma_wait3A_612 = tpu.memref_squeeze %dma_wait3A_611 : memref<1x64x512xf32, #tpu.memory_space<hbm>> -> memref<64x512xf32, #tpu.memory_space<hbm>>
    %dma_wait3A_613 = arith.constant 192 : i32
    %dma_wait3A_614 = arith.constant 0 : i32
    %dma_wait3A_615 = tpu.memref_slice %arg2[%add3A_529, %dma_wait3A_613, %dma_wait3A_614] : memref<64x512x512xf32, #tpu.memory_space<hbm>> -> memref<1x64x512xf32, #tpu.memory_space<hbm>>
    %dma_wait3A_616 = tpu.memref_squeeze %dma_wait3A_615 : memref<1x64x512xf32, #tpu.memory_space<hbm>> -> memref<64x512xf32, #tpu.memory_space<hbm>>
    tpu.wait_dma2 semaphore(%arg9 : memref<!tpu.dma_semaphore, #tpu.memory_space<semaphore_mem>>) src(%dma_wait3A_616 : memref<64x512xf32, #tpu.memory_space<hbm>>) dst(%arg5 : memref<64x512xf32, #tpu.memory_space<vmem>>)
    %parallel_loop3A_617 = arith.constant 0 : i32
    %parallel_loop3A_618 = arith.constant 2048 : i32
    %parallel_loop3A_619 = arith.constant 1 : i32
    scf.for %parallel_loop3A_1059 = %parallel_loop3A_617 to %parallel_loop3A_618 step %parallel_loop3A_619  : i32 {
      %parallel_loop3A_1060 = arith.constant 5 : i32
      %parallel_loop3A_1061 = arith.shrui %parallel_loop3A_1059, %parallel_loop3A_1060 : i32
      %parallel_loop3A_1062 = arith.constant 31 : i32
      %parallel_loop3A_1063 = arith.andi %parallel_loop3A_1059, %parallel_loop3A_1062 : i32
      %parallel_loop3A_1064 = arith.constant 4 : i32
      %parallel_loop3A_1065 = arith.shli %parallel_loop3A_1063, %parallel_loop3A_1064 : i32
      %parallel_loop3A_1066 = arith.index_cast %parallel_loop3A_1061 : i32 to index
      %parallel_loop3A_1067 = arith.index_cast %parallel_loop3A_1065 : i32 to index
      %parallel_loop3A_1068 = tpu.vector_load %arg5[%parallel_loop3A_1066, %parallel_loop3A_1067] {strides = array<i32>} : memref<64x512xf32, #tpu.memory_space<vmem>>, vector<16xf32>,
      %parallel_loop3A_1069 = arith.constant 5.000000e+01 : f32
      %parallel_loop3A_1070 = vector.broadcast %parallel_loop3A_1069 : f32 to vector<16xf32>
      %parallel_loop3A_1071 = arith.mulf %parallel_loop3A_1068, %parallel_loop3A_1070 : vector<16xf32>
      %parallel_loop3A_1072 = arith.fptosi %parallel_loop3A_1071 : vector<16xf32> to vector<16xi32>
      %parallel_loop3A_1073 = arith.constant 16 : i32
      %parallel_loop3A_1074 = vector.broadcast %parallel_loop3A_1073 : i32 to vector<16xi32>
      %parallel_loop3A_1075 = arith.muli %parallel_loop3A_1072, %parallel_loop3A_1074 : vector<16xi32>
      %parallel_loop3A_1076 = arith.addi %parallel_loop3A_1075, %iota3A : vector<16xi32>
      tpu.vector_store_idx %arg6[%parallel_loop3A_1076], %broadcast_in_dim3A_1 {add = true} : memref<1024xf32, #tpu.memory_space<vmem>>[vector<16xi32>], vector<16xf32>,
    } {sc.loop_unroll_factor = 8 : i64, sc.parallel_access}
    %dma_start3A_620 = arith.constant 320 : i32
    %dma_start3A_621 = arith.constant 0 : i32
    %dma_start3A_622 = tpu.memref_slice %arg2[%add3A_529, %dma_start3A_620, %dma_start3A_621] : memref<64x512x512xf32, #tpu.memory_space<hbm>> -> memref<1x64x512xf32, #tpu.memory_space<hbm>>
    %dma_start3A_623 = tpu.memref_squeeze %dma_start3A_622 : memref<1x64x512xf32, #tpu.memory_space<hbm>> -> memref<64x512xf32, #tpu.memory_space<hbm>>
    %dma_start3A_624 = arith.constant 320 : i32
    %dma_start3A_625 = arith.constant 0 : i32
    %dma_start3A_626 = tpu.memref_slice %arg2[%add3A_529, %dma_start3A_624, %dma_start3A_625] : memref<64x512x512xf32, #tpu.memory_space<hbm>> -> memref<1x64x512xf32, #tpu.memory_space<hbm>>
    %dma_start3A_627 = tpu.memref_squeeze %dma_start3A_626 : memref<1x64x512xf32, #tpu.memory_space<hbm>> -> memref<64x512xf32, #tpu.memory_space<hbm>>
    tpu.enqueue_dma source(%dma_start3A_627 : memref<64x512xf32, #tpu.memory_space<hbm>>) target(%arg5 : memref<64x512xf32, #tpu.memory_space<vmem>>) target_semaphore(%arg9 : memref<!tpu.dma_semaphore, #tpu.memory_space<semaphore_mem>>)
    %dma_wait3A_628 = arith.constant 256 : i32
    %dma_wait3A_629 = arith.constant 0 : i32
    %dma_wait3A_630 = tpu.memref_slice %arg2[%add3A_529, %dma_wait3A_628, %dma_wait3A_629] : memref<64x512x512xf32, #tpu.memory_space<hbm>> -> memref<1x64x512xf32, #tpu.memory_space<hbm>>
    %dma_wait3A_631 = tpu.memref_squeeze %dma_wait3A_630 : memref<1x64x512xf32, #tpu.memory_space<hbm>> -> memref<64x512xf32, #tpu.memory_space<hbm>>
    %dma_wait3A_632 = arith.constant 256 : i32
    %dma_wait3A_633 = arith.constant 0 : i32
    %dma_wait3A_634 = tpu.memref_slice %arg2[%add3A_529, %dma_wait3A_632, %dma_wait3A_633] : memref<64x512x512xf32, #tpu.memory_space<hbm>> -> memref<1x64x512xf32, #tpu.memory_space<hbm>>
    %dma_wait3A_635 = tpu.memref_squeeze %dma_wait3A_634 : memref<1x64x512xf32, #tpu.memory_space<hbm>> -> memref<64x512xf32, #tpu.memory_space<hbm>>
    tpu.wait_dma2 semaphore(%arg8 : memref<!tpu.dma_semaphore, #tpu.memory_space<semaphore_mem>>) src(%dma_wait3A_635 : memref<64x512xf32, #tpu.memory_space<hbm>>) dst(%arg4 : memref<64x512xf32, #tpu.memory_space<vmem>>)
    %parallel_loop3A_636 = arith.constant 0 : i32
    %parallel_loop3A_637 = arith.constant 2048 : i32
    %parallel_loop3A_638 = arith.constant 1 : i32
    scf.for %parallel_loop3A_1059 = %parallel_loop3A_636 to %parallel_loop3A_637 step %parallel_loop3A_638  : i32 {
      %parallel_loop3A_1060 = arith.constant 5 : i32
      %parallel_loop3A_1061 = arith.shrui %parallel_loop3A_1059, %parallel_loop3A_1060 : i32
      %parallel_loop3A_1062 = arith.constant 31 : i32
      %parallel_loop3A_1063 = arith.andi %parallel_loop3A_1059, %parallel_loop3A_1062 : i32
      %parallel_loop3A_1064 = arith.constant 4 : i32
      %parallel_loop3A_1065 = arith.shli %parallel_loop3A_1063, %parallel_loop3A_1064 : i32
      %parallel_loop3A_1066 = arith.index_cast %parallel_loop3A_1061 : i32 to index
      %parallel_loop3A_1067 = arith.index_cast %parallel_loop3A_1065 : i32 to index
      %parallel_loop3A_1068 = tpu.vector_load %arg4[%parallel_loop3A_1066, %parallel_loop3A_1067] {strides = array<i32>} : memref<64x512xf32, #tpu.memory_space<vmem>>, vector<16xf32>,
      %parallel_loop3A_1069 = arith.constant 5.000000e+01 : f32
      %parallel_loop3A_1070 = vector.broadcast %parallel_loop3A_1069 : f32 to vector<16xf32>
      %parallel_loop3A_1071 = arith.mulf %parallel_loop3A_1068, %parallel_loop3A_1070 : vector<16xf32>
      %parallel_loop3A_1072 = arith.fptosi %parallel_loop3A_1071 : vector<16xf32> to vector<16xi32>
      %parallel_loop3A_1073 = arith.constant 16 : i32
      %parallel_loop3A_1074 = vector.broadcast %parallel_loop3A_1073 : i32 to vector<16xi32>
      %parallel_loop3A_1075 = arith.muli %parallel_loop3A_1072, %parallel_loop3A_1074 : vector<16xi32>
      %parallel_loop3A_1076 = arith.addi %parallel_loop3A_1075, %iota3A : vector<16xi32>
      tpu.vector_store_idx %arg6[%parallel_loop3A_1076], %broadcast_in_dim3A_1 {add = true} : memref<1024xf32, #tpu.memory_space<vmem>>[vector<16xi32>], vector<16xf32>,
    } {sc.loop_unroll_factor = 8 : i64, sc.parallel_access}
    %dma_start3A_639 = arith.constant 384 : i32
    %dma_start3A_640 = arith.constant 0 : i32
    %dma_start3A_641 = tpu.memref_slice %arg2[%add3A_529, %dma_start3A_639, %dma_start3A_640] : memref<64x512x512xf32, #tpu.memory_space<hbm>> -> memref<1x64x512xf32, #tpu.memory_space<hbm>>
    %dma_start3A_642 = tpu.memref_squeeze %dma_start3A_641 : memref<1x64x512xf32, #tpu.memory_space<hbm>> -> memref<64x512xf32, #tpu.memory_space<hbm>>
    %dma_start3A_643 = arith.constant 384 : i32
    %dma_start3A_644 = arith.constant 0 : i32
    %dma_start3A_645 = tpu.memref_slice %arg2[%add3A_529, %dma_start3A_643, %dma_start3A_644] : memref<64x512x512xf32, #tpu.memory_space<hbm>> -> memref<1x64x512xf32, #tpu.memory_space<hbm>>
    %dma_start3A_646 = tpu.memref_squeeze %dma_start3A_645 : memref<1x64x512xf32, #tpu.memory_space<hbm>> -> memref<64x512xf32, #tpu.memory_space<hbm>>
    tpu.enqueue_dma source(%dma_start3A_646 : memref<64x512xf32, #tpu.memory_space<hbm>>) target(%arg4 : memref<64x512xf32, #tpu.memory_space<vmem>>) target_semaphore(%arg8 : memref<!tpu.dma_semaphore, #tpu.memory_space<semaphore_mem>>)
    %dma_wait3A_647 = arith.constant 320 : i32
    %dma_wait3A_648 = arith.constant 0 : i32
    %dma_wait3A_649 = tpu.memref_slice %arg2[%add3A_529, %dma_wait3A_647, %dma_wait3A_648] : memref<64x512x512xf32, #tpu.memory_space<hbm>> -> memref<1x64x512xf32, #tpu.memory_space<hbm>>
    %dma_wait3A_650 = tpu.memref_squeeze %dma_wait3A_649 : memref<1x64x512xf32, #tpu.memory_space<hbm>> -> memref<64x512xf32, #tpu.memory_space<hbm>>
    %dma_wait3A_651 = arith.constant 320 : i32
    %dma_wait3A_652 = arith.constant 0 : i32
    %dma_wait3A_653 = tpu.memref_slice %arg2[%add3A_529, %dma_wait3A_651, %dma_wait3A_652] : memref<64x512x512xf32, #tpu.memory_space<hbm>> -> memref<1x64x512xf32, #tpu.memory_space<hbm>>
    %dma_wait3A_654 = tpu.memref_squeeze %dma_wait3A_653 : memref<1x64x512xf32, #tpu.memory_space<hbm>> -> memref<64x512xf32, #tpu.memory_space<hbm>>
    tpu.wait_dma2 semaphore(%arg9 : memref<!tpu.dma_semaphore, #tpu.memory_space<semaphore_mem>>) src(%dma_wait3A_654 : memref<64x512xf32, #tpu.memory_space<hbm>>) dst(%arg5 : memref<64x512xf32, #tpu.memory_space<vmem>>)
    %parallel_loop3A_655 = arith.constant 0 : i32
    %parallel_loop3A_656 = arith.constant 2048 : i32
    %parallel_loop3A_657 = arith.constant 1 : i32
    scf.for %parallel_loop3A_1059 = %parallel_loop3A_655 to %parallel_loop3A_656 step %parallel_loop3A_657  : i32 {
      %parallel_loop3A_1060 = arith.constant 5 : i32
      %parallel_loop3A_1061 = arith.shrui %parallel_loop3A_1059, %parallel_loop3A_1060 : i32
      %parallel_loop3A_1062 = arith.constant 31 : i32
      %parallel_loop3A_1063 = arith.andi %parallel_loop3A_1059, %parallel_loop3A_1062 : i32
      %parallel_loop3A_1064 = arith.constant 4 : i32
      %parallel_loop3A_1065 = arith.shli %parallel_loop3A_1063, %parallel_loop3A_1064 : i32
      %parallel_loop3A_1066 = arith.index_cast %parallel_loop3A_1061 : i32 to index
      %parallel_loop3A_1067 = arith.index_cast %parallel_loop3A_1065 : i32 to index
      %parallel_loop3A_1068 = tpu.vector_load %arg5[%parallel_loop3A_1066, %parallel_loop3A_1067] {strides = array<i32>} : memref<64x512xf32, #tpu.memory_space<vmem>>, vector<16xf32>,
      %parallel_loop3A_1069 = arith.constant 5.000000e+01 : f32
      %parallel_loop3A_1070 = vector.broadcast %parallel_loop3A_1069 : f32 to vector<16xf32>
      %parallel_loop3A_1071 = arith.mulf %parallel_loop3A_1068, %parallel_loop3A_1070 : vector<16xf32>
      %parallel_loop3A_1072 = arith.fptosi %parallel_loop3A_1071 : vector<16xf32> to vector<16xi32>
      %parallel_loop3A_1073 = arith.constant 16 : i32
      %parallel_loop3A_1074 = vector.broadcast %parallel_loop3A_1073 : i32 to vector<16xi32>
      %parallel_loop3A_1075 = arith.muli %parallel_loop3A_1072, %parallel_loop3A_1074 : vector<16xi32>
      %parallel_loop3A_1076 = arith.addi %parallel_loop3A_1075, %iota3A : vector<16xi32>
      tpu.vector_store_idx %arg6[%parallel_loop3A_1076], %broadcast_in_dim3A_1 {add = true} : memref<1024xf32, #tpu.memory_space<vmem>>[vector<16xi32>], vector<16xf32>,
    } {sc.loop_unroll_factor = 8 : i64, sc.parallel_access}
    %dma_start3A_658 = arith.constant 448 : i32
    %dma_start3A_659 = arith.constant 0 : i32
    %dma_start3A_660 = tpu.memref_slice %arg2[%add3A_529, %dma_start3A_658, %dma_start3A_659] : memref<64x512x512xf32, #tpu.memory_space<hbm>> -> memref<1x64x512xf32, #tpu.memory_space<hbm>>
    %dma_start3A_661 = tpu.memref_squeeze %dma_start3A_660 : memref<1x64x512xf32, #tpu.memory_space<hbm>> -> memref<64x512xf32, #tpu.memory_space<hbm>>
    %dma_start3A_662 = arith.constant 448 : i32
    %dma_start3A_663 = arith.constant 0 : i32
    %dma_start3A_664 = tpu.memref_slice %arg2[%add3A_529, %dma_start3A_662, %dma_start3A_663] : memref<64x512x512xf32, #tpu.memory_space<hbm>> -> memref<1x64x512xf32, #tpu.memory_space<hbm>>
    %dma_start3A_665 = tpu.memref_squeeze %dma_start3A_664 : memref<1x64x512xf32, #tpu.memory_space<hbm>> -> memref<64x512xf32, #tpu.memory_space<hbm>>
    tpu.enqueue_dma source(%dma_start3A_665 : memref<64x512xf32, #tpu.memory_space<hbm>>) target(%arg5 : memref<64x512xf32, #tpu.memory_space<vmem>>) target_semaphore(%arg9 : memref<!tpu.dma_semaphore, #tpu.memory_space<semaphore_mem>>)
    %dma_wait3A_666 = arith.constant 384 : i32
    %dma_wait3A_667 = arith.constant 0 : i32
    %dma_wait3A_668 = tpu.memref_slice %arg2[%add3A_529, %dma_wait3A_666, %dma_wait3A_667] : memref<64x512x512xf32, #tpu.memory_space<hbm>> -> memref<1x64x512xf32, #tpu.memory_space<hbm>>
    %dma_wait3A_669 = tpu.memref_squeeze %dma_wait3A_668 : memref<1x64x512xf32, #tpu.memory_space<hbm>> -> memref<64x512xf32, #tpu.memory_space<hbm>>
    %dma_wait3A_670 = arith.constant 384 : i32
    %dma_wait3A_671 = arith.constant 0 : i32
    %dma_wait3A_672 = tpu.memref_slice %arg2[%add3A_529, %dma_wait3A_670, %dma_wait3A_671] : memref<64x512x512xf32, #tpu.memory_space<hbm>> -> memref<1x64x512xf32, #tpu.memory_space<hbm>>
    %dma_wait3A_673 = tpu.memref_squeeze %dma_wait3A_672 : memref<1x64x512xf32, #tpu.memory_space<hbm>> -> memref<64x512xf32, #tpu.memory_space<hbm>>
    tpu.wait_dma2 semaphore(%arg8 : memref<!tpu.dma_semaphore, #tpu.memory_space<semaphore_mem>>) src(%dma_wait3A_673 : memref<64x512xf32, #tpu.memory_space<hbm>>) dst(%arg4 : memref<64x512xf32, #tpu.memory_space<vmem>>)
    %parallel_loop3A_674 = arith.constant 0 : i32
    %parallel_loop3A_675 = arith.constant 2048 : i32
    %parallel_loop3A_676 = arith.constant 1 : i32
    scf.for %parallel_loop3A_1059 = %parallel_loop3A_674 to %parallel_loop3A_675 step %parallel_loop3A_676  : i32 {
      %parallel_loop3A_1060 = arith.constant 5 : i32
      %parallel_loop3A_1061 = arith.shrui %parallel_loop3A_1059, %parallel_loop3A_1060 : i32
      %parallel_loop3A_1062 = arith.constant 31 : i32
      %parallel_loop3A_1063 = arith.andi %parallel_loop3A_1059, %parallel_loop3A_1062 : i32
      %parallel_loop3A_1064 = arith.constant 4 : i32
      %parallel_loop3A_1065 = arith.shli %parallel_loop3A_1063, %parallel_loop3A_1064 : i32
      %parallel_loop3A_1066 = arith.index_cast %parallel_loop3A_1061 : i32 to index
      %parallel_loop3A_1067 = arith.index_cast %parallel_loop3A_1065 : i32 to index
      %parallel_loop3A_1068 = tpu.vector_load %arg4[%parallel_loop3A_1066, %parallel_loop3A_1067] {strides = array<i32>} : memref<64x512xf32, #tpu.memory_space<vmem>>, vector<16xf32>,
      %parallel_loop3A_1069 = arith.constant 5.000000e+01 : f32
      %parallel_loop3A_1070 = vector.broadcast %parallel_loop3A_1069 : f32 to vector<16xf32>
      %parallel_loop3A_1071 = arith.mulf %parallel_loop3A_1068, %parallel_loop3A_1070 : vector<16xf32>
      %parallel_loop3A_1072 = arith.fptosi %parallel_loop3A_1071 : vector<16xf32> to vector<16xi32>
      %parallel_loop3A_1073 = arith.constant 16 : i32
      %parallel_loop3A_1074 = vector.broadcast %parallel_loop3A_1073 : i32 to vector<16xi32>
      %parallel_loop3A_1075 = arith.muli %parallel_loop3A_1072, %parallel_loop3A_1074 : vector<16xi32>
      %parallel_loop3A_1076 = arith.addi %parallel_loop3A_1075, %iota3A : vector<16xi32>
      tpu.vector_store_idx %arg6[%parallel_loop3A_1076], %broadcast_in_dim3A_1 {add = true} : memref<1024xf32, #tpu.memory_space<vmem>>[vector<16xi32>], vector<16xf32>,
    } {sc.loop_unroll_factor = 8 : i64, sc.parallel_access}
    %dma_wait3A_677 = arith.constant 448 : i32
    %dma_wait3A_678 = arith.constant 0 : i32
    %dma_wait3A_679 = tpu.memref_slice %arg2[%add3A_529, %dma_wait3A_677, %dma_wait3A_678] : memref<64x512x512xf32, #tpu.memory_space<hbm>> -> memref<1x64x512xf32, #tpu.memory_space<hbm>>
    %dma_wait3A_680 = tpu.memref_squeeze %dma_wait3A_679 : memref<1x64x512xf32, #tpu.memory_space<hbm>> -> memref<64x512xf32, #tpu.memory_space<hbm>>
    %dma_wait3A_681 = arith.constant 448 : i32
    %dma_wait3A_682 = arith.constant 0 : i32
    %dma_wait3A_683 = tpu.memref_slice %arg2[%add3A_529, %dma_wait3A_681, %dma_wait3A_682] : memref<64x512x512xf32, #tpu.memory_space<hbm>> -> memref<1x64x512xf32, #tpu.memory_space<hbm>>
    %dma_wait3A_684 = tpu.memref_squeeze %dma_wait3A_683 : memref<1x64x512xf32, #tpu.memory_space<hbm>> -> memref<64x512xf32, #tpu.memory_space<hbm>>
    tpu.wait_dma2 semaphore(%arg9 : memref<!tpu.dma_semaphore, #tpu.memory_space<semaphore_mem>>) src(%dma_wait3A_684 : memref<64x512xf32, #tpu.memory_space<hbm>>) dst(%arg5 : memref<64x512xf32, #tpu.memory_space<vmem>>)
    %parallel_loop3A_685 = arith.constant 0 : i32
    %parallel_loop3A_686 = arith.constant 2048 : i32
    %parallel_loop3A_687 = arith.constant 1 : i32
    scf.for %parallel_loop3A_1059 = %parallel_loop3A_685 to %parallel_loop3A_686 step %parallel_loop3A_687  : i32 {
      %parallel_loop3A_1060 = arith.constant 5 : i32
      %parallel_loop3A_1061 = arith.shrui %parallel_loop3A_1059, %parallel_loop3A_1060 : i32
      %parallel_loop3A_1062 = arith.constant 31 : i32
      %parallel_loop3A_1063 = arith.andi %parallel_loop3A_1059, %parallel_loop3A_1062 : i32
      %parallel_loop3A_1064 = arith.constant 4 : i32
      %parallel_loop3A_1065 = arith.shli %parallel_loop3A_1063, %parallel_loop3A_1064 : i32
      %parallel_loop3A_1066 = arith.index_cast %parallel_loop3A_1061 : i32 to index
      %parallel_loop3A_1067 = arith.index_cast %parallel_loop3A_1065 : i32 to index
      %parallel_loop3A_1068 = tpu.vector_load %arg5[%parallel_loop3A_1066, %parallel_loop3A_1067] {strides = array<i32>} : memref<64x512xf32, #tpu.memory_space<vmem>>, vector<16xf32>,
      %parallel_loop3A_1069 = arith.constant 5.000000e+01 : f32
      %parallel_loop3A_1070 = vector.broadcast %parallel_loop3A_1069 : f32 to vector<16xf32>
      %parallel_loop3A_1071 = arith.mulf %parallel_loop3A_1068, %parallel_loop3A_1070 : vector<16xf32>
      %parallel_loop3A_1072 = arith.fptosi %parallel_loop3A_1071 : vector<16xf32> to vector<16xi32>
      %parallel_loop3A_1073 = arith.constant 16 : i32
      %parallel_loop3A_1074 = vector.broadcast %parallel_loop3A_1073 : i32 to vector<16xi32>
      %parallel_loop3A_1075 = arith.muli %parallel_loop3A_1072, %parallel_loop3A_1074 : vector<16xi32>
      %parallel_loop3A_1076 = arith.addi %parallel_loop3A_1075, %iota3A : vector<16xi32>
      tpu.vector_store_idx %arg6[%parallel_loop3A_1076], %broadcast_in_dim3A_1 {add = true} : memref<1024xf32, #tpu.memory_space<vmem>>[vector<16xi32>], vector<16xf32>,
    } {sc.loop_unroll_factor = 8 : i64, sc.parallel_access}
    %broadcast_in_dim3A_688 = arith.constant 0.000000e+00 : f32
    %broadcast_in_dim3A_689 = vector.broadcast %broadcast_in_dim3A_688 : f32 to vector<16xf32>
    %add3A_690 = arith.constant 0 : i32
    %add3A_691 = vector.broadcast %add3A_690 : i32 to vector<16xi32>
    %add3A_692 = arith.addi %iota3A, %add3A_691 : vector<16xi32>
    %mul3A_693 = arith.constant 16 : i32
    %mul3A_694 = vector.broadcast %mul3A_693 : i32 to vector<16xi32>
    %mul3A_695 = arith.muli %add3A_692, %mul3A_694 : vector<16xi32>
    %add3A_696 = arith.constant 0 : i32
    %add3A_697 = vector.broadcast %add3A_696 : i32 to vector<16xi32>
    %add3A_698 = arith.addi %mul3A_695, %add3A_697 : vector<16xi32>
    %gather3A_699 = tpu.vector_load_idx %arg6[%add3A_698] : memref<1024xf32, #tpu.memory_space<vmem>>[vector<16xi32>], vector<16xf32>,
    %add3A_700 = arith.addf %broadcast_in_dim3A_689, %gather3A_699 : vector<16xf32>
    %add3A_701 = arith.constant 1 : i32
    %add3A_702 = vector.broadcast %add3A_701 : i32 to vector<16xi32>
    %add3A_703 = arith.addi %mul3A_695, %add3A_702 : vector<16xi32>
    %gather3A_704 = tpu.vector_load_idx %arg6[%add3A_703] : memref<1024xf32, #tpu.memory_space<vmem>>[vector<16xi32>], vector<16xf32>,
    %add3A_705 = arith.addf %add3A_700, %gather3A_704 : vector<16xf32>
    %add3A_706 = arith.constant 2 : i32
    %add3A_707 = vector.broadcast %add3A_706 : i32 to vector<16xi32>
    %add3A_708 = arith.addi %mul3A_695, %add3A_707 : vector<16xi32>
    %gather3A_709 = tpu.vector_load_idx %arg6[%add3A_708] : memref<1024xf32, #tpu.memory_space<vmem>>[vector<16xi32>], vector<16xf32>,
    %add3A_710 = arith.addf %add3A_705, %gather3A_709 : vector<16xf32>
    %add3A_711 = arith.constant 3 : i32
    %add3A_712 = vector.broadcast %add3A_711 : i32 to vector<16xi32>
    %add3A_713 = arith.addi %mul3A_695, %add3A_712 : vector<16xi32>
    %gather3A_714 = tpu.vector_load_idx %arg6[%add3A_713] : memref<1024xf32, #tpu.memory_space<vmem>>[vector<16xi32>], vector<16xf32>,
    %add3A_715 = arith.addf %add3A_710, %gather3A_714 : vector<16xf32>
    %add3A_716 = arith.constant 4 : i32
    %add3A_717 = vector.broadcast %add3A_716 : i32 to vector<16xi32>
    %add3A_718 = arith.addi %mul3A_695, %add3A_717 : vector<16xi32>
    %gather3A_719 = tpu.vector_load_idx %arg6[%add3A_718] : memref<1024xf32, #tpu.memory_space<vmem>>[vector<16xi32>], vector<16xf32>,
    %add3A_720 = arith.addf %add3A_715, %gather3A_719 : vector<16xf32>
    %add3A_721 = arith.constant 5 : i32
    %add3A_722 = vector.broadcast %add3A_721 : i32 to vector<16xi32>
    %add3A_723 = arith.addi %mul3A_695, %add3A_722 : vector<16xi32>
    %gather3A_724 = tpu.vector_load_idx %arg6[%add3A_723] : memref<1024xf32, #tpu.memory_space<vmem>>[vector<16xi32>], vector<16xf32>,
    %add3A_725 = arith.addf %add3A_720, %gather3A_724 : vector<16xf32>
    %add3A_726 = arith.constant 6 : i32
    %add3A_727 = vector.broadcast %add3A_726 : i32 to vector<16xi32>
    %add3A_728 = arith.addi %mul3A_695, %add3A_727 : vector<16xi32>
    %gather3A_729 = tpu.vector_load_idx %arg6[%add3A_728] : memref<1024xf32, #tpu.memory_space<vmem>>[vector<16xi32>], vector<16xf32>,
    %add3A_730 = arith.addf %add3A_725, %gather3A_729 : vector<16xf32>
    %add3A_731 = arith.constant 7 : i32
    %add3A_732 = vector.broadcast %add3A_731 : i32 to vector<16xi32>
    %add3A_733 = arith.addi %mul3A_695, %add3A_732 : vector<16xi32>
    %gather3A_734 = tpu.vector_load_idx %arg6[%add3A_733] : memref<1024xf32, #tpu.memory_space<vmem>>[vector<16xi32>], vector<16xf32>,
    %add3A_735 = arith.addf %add3A_730, %gather3A_734 : vector<16xf32>
    %add3A_736 = arith.constant 8 : i32
    %add3A_737 = vector.broadcast %add3A_736 : i32 to vector<16xi32>
    %add3A_738 = arith.addi %mul3A_695, %add3A_737 : vector<16xi32>
    %gather3A_739 = tpu.vector_load_idx %arg6[%add3A_738] : memref<1024xf32, #tpu.memory_space<vmem>>[vector<16xi32>], vector<16xf32>,
    %add3A_740 = arith.addf %add3A_735, %gather3A_739 : vector<16xf32>
    %add3A_741 = arith.constant 9 : i32
    %add3A_742 = vector.broadcast %add3A_741 : i32 to vector<16xi32>
    %add3A_743 = arith.addi %mul3A_695, %add3A_742 : vector<16xi32>
    %gather3A_744 = tpu.vector_load_idx %arg6[%add3A_743] : memref<1024xf32, #tpu.memory_space<vmem>>[vector<16xi32>], vector<16xf32>,
    %add3A_745 = arith.addf %add3A_740, %gather3A_744 : vector<16xf32>
    %add3A_746 = arith.constant 10 : i32
    %add3A_747 = vector.broadcast %add3A_746 : i32 to vector<16xi32>
    %add3A_748 = arith.addi %mul3A_695, %add3A_747 : vector<16xi32>
    %gather3A_749 = tpu.vector_load_idx %arg6[%add3A_748] : memref<1024xf32, #tpu.memory_space<vmem>>[vector<16xi32>], vector<16xf32>,
    %add3A_750 = arith.addf %add3A_745, %gather3A_749 : vector<16xf32>
    %add3A_751 = arith.constant 11 : i32
    %add3A_752 = vector.broadcast %add3A_751 : i32 to vector<16xi32>
    %add3A_753 = arith.addi %mul3A_695, %add3A_752 : vector<16xi32>
    %gather3A_754 = tpu.vector_load_idx %arg6[%add3A_753] : memref<1024xf32, #tpu.memory_space<vmem>>[vector<16xi32>], vector<16xf32>,
    %add3A_755 = arith.addf %add3A_750, %gather3A_754 : vector<16xf32>
    %add3A_756 = arith.constant 12 : i32
    %add3A_757 = vector.broadcast %add3A_756 : i32 to vector<16xi32>
    %add3A_758 = arith.addi %mul3A_695, %add3A_757 : vector<16xi32>
    %gather3A_759 = tpu.vector_load_idx %arg6[%add3A_758] : memref<1024xf32, #tpu.memory_space<vmem>>[vector<16xi32>], vector<16xf32>,
    %add3A_760 = arith.addf %add3A_755, %gather3A_759 : vector<16xf32>
    %add3A_761 = arith.constant 13 : i32
    %add3A_762 = vector.broadcast %add3A_761 : i32 to vector<16xi32>
    %add3A_763 = arith.addi %mul3A_695, %add3A_762 : vector<16xi32>
    %gather3A_764 = tpu.vector_load_idx %arg6[%add3A_763] : memref<1024xf32, #tpu.memory_space<vmem>>[vector<16xi32>], vector<16xf32>,
    %add3A_765 = arith.addf %add3A_760, %gather3A_764 : vector<16xf32>
    %add3A_766 = arith.constant 14 : i32
    %add3A_767 = vector.broadcast %add3A_766 : i32 to vector<16xi32>
    %add3A_768 = arith.addi %mul3A_695, %add3A_767 : vector<16xi32>
    %gather3A_769 = tpu.vector_load_idx %arg6[%add3A_768] : memref<1024xf32, #tpu.memory_space<vmem>>[vector<16xi32>], vector<16xf32>,
    %add3A_770 = arith.addf %add3A_765, %gather3A_769 : vector<16xf32>
    %add3A_771 = arith.constant 15 : i32
    %add3A_772 = vector.broadcast %add3A_771 : i32 to vector<16xi32>
    %add3A_773 = arith.addi %mul3A_695, %add3A_772 : vector<16xi32>
    %gather3A_774 = tpu.vector_load_idx %arg6[%add3A_773] : memref<1024xf32, #tpu.memory_space<vmem>>[vector<16xi32>], vector<16xf32>,
    %add3A_775 = arith.addf %add3A_770, %gather3A_774 : vector<16xf32>
    %swap3A_776 = arith.constant 0 : index
    %swap3A_777 = tpu.vector_load %arg7[%swap3A_776] {strides = array<i32>} : memref<64xf32, #tpu.memory_space<vmem>>, vector<16xf32>,
    tpu.vector_store %arg7[%swap3A_776], %add3A_775 {strides = array<i32>} : memref<64xf32, #tpu.memory_space<vmem>>, vector<16xf32>,
    %broadcast_in_dim3A_778 = arith.constant 0.000000e+00 : f32
    %broadcast_in_dim3A_779 = vector.broadcast %broadcast_in_dim3A_778 : f32 to vector<16xf32>
    %add3A_780 = arith.constant 16 : i32
    %add3A_781 = vector.broadcast %add3A_780 : i32 to vector<16xi32>
    %add3A_782 = arith.addi %iota3A, %add3A_781 : vector<16xi32>
    %mul3A_783 = arith.constant 16 : i32
    %mul3A_784 = vector.broadcast %mul3A_783 : i32 to vector<16xi32>
    %mul3A_785 = arith.muli %add3A_782, %mul3A_784 : vector<16xi32>
    %add3A_786 = arith.constant 0 : i32
    %add3A_787 = vector.broadcast %add3A_786 : i32 to vector<16xi32>
    %add3A_788 = arith.addi %mul3A_785, %add3A_787 : vector<16xi32>
    %gather3A_789 = tpu.vector_load_idx %arg6[%add3A_788] : memref<1024xf32, #tpu.memory_space<vmem>>[vector<16xi32>], vector<16xf32>,
    %add3A_790 = arith.addf %broadcast_in_dim3A_779, %gather3A_789 : vector<16xf32>
    %add3A_791 = arith.constant 1 : i32
    %add3A_792 = vector.broadcast %add3A_791 : i32 to vector<16xi32>
    %add3A_793 = arith.addi %mul3A_785, %add3A_792 : vector<16xi32>
    %gather3A_794 = tpu.vector_load_idx %arg6[%add3A_793] : memref<1024xf32, #tpu.memory_space<vmem>>[vector<16xi32>], vector<16xf32>,
    %add3A_795 = arith.addf %add3A_790, %gather3A_794 : vector<16xf32>
    %add3A_796 = arith.constant 2 : i32
    %add3A_797 = vector.broadcast %add3A_796 : i32 to vector<16xi32>
    %add3A_798 = arith.addi %mul3A_785, %add3A_797 : vector<16xi32>
    %gather3A_799 = tpu.vector_load_idx %arg6[%add3A_798] : memref<1024xf32, #tpu.memory_space<vmem>>[vector<16xi32>], vector<16xf32>,
    %add3A_800 = arith.addf %add3A_795, %gather3A_799 : vector<16xf32>
    %add3A_801 = arith.constant 3 : i32
    %add3A_802 = vector.broadcast %add3A_801 : i32 to vector<16xi32>
    %add3A_803 = arith.addi %mul3A_785, %add3A_802 : vector<16xi32>
    %gather3A_804 = tpu.vector_load_idx %arg6[%add3A_803] : memref<1024xf32, #tpu.memory_space<vmem>>[vector<16xi32>], vector<16xf32>,
    %add3A_805 = arith.addf %add3A_800, %gather3A_804 : vector<16xf32>
    %add3A_806 = arith.constant 4 : i32
    %add3A_807 = vector.broadcast %add3A_806 : i32 to vector<16xi32>
    %add3A_808 = arith.addi %mul3A_785, %add3A_807 : vector<16xi32>
    %gather3A_809 = tpu.vector_load_idx %arg6[%add3A_808] : memref<1024xf32, #tpu.memory_space<vmem>>[vector<16xi32>], vector<16xf32>,
    %add3A_810 = arith.addf %add3A_805, %gather3A_809 : vector<16xf32>
    %add3A_811 = arith.constant 5 : i32
    %add3A_812 = vector.broadcast %add3A_811 : i32 to vector<16xi32>
    %add3A_813 = arith.addi %mul3A_785, %add3A_812 : vector<16xi32>
    %gather3A_814 = tpu.vector_load_idx %arg6[%add3A_813] : memref<1024xf32, #tpu.memory_space<vmem>>[vector<16xi32>], vector<16xf32>,
    %add3A_815 = arith.addf %add3A_810, %gather3A_814 : vector<16xf32>
    %add3A_816 = arith.constant 6 : i32
    %add3A_817 = vector.broadcast %add3A_816 : i32 to vector<16xi32>
    %add3A_818 = arith.addi %mul3A_785, %add3A_817 : vector<16xi32>
    %gather3A_819 = tpu.vector_load_idx %arg6[%add3A_818] : memref<1024xf32, #tpu.memory_space<vmem>>[vector<16xi32>], vector<16xf32>,
    %add3A_820 = arith.addf %add3A_815, %gather3A_819 : vector<16xf32>
    %add3A_821 = arith.constant 7 : i32
    %add3A_822 = vector.broadcast %add3A_821 : i32 to vector<16xi32>
    %add3A_823 = arith.addi %mul3A_785, %add3A_822 : vector<16xi32>
    %gather3A_824 = tpu.vector_load_idx %arg6[%add3A_823] : memref<1024xf32, #tpu.memory_space<vmem>>[vector<16xi32>], vector<16xf32>,
    %add3A_825 = arith.addf %add3A_820, %gather3A_824 : vector<16xf32>
    %add3A_826 = arith.constant 8 : i32
    %add3A_827 = vector.broadcast %add3A_826 : i32 to vector<16xi32>
    %add3A_828 = arith.addi %mul3A_785, %add3A_827 : vector<16xi32>
    %gather3A_829 = tpu.vector_load_idx %arg6[%add3A_828] : memref<1024xf32, #tpu.memory_space<vmem>>[vector<16xi32>], vector<16xf32>,
    %add3A_830 = arith.addf %add3A_825, %gather3A_829 : vector<16xf32>
    %add3A_831 = arith.constant 9 : i32
    %add3A_832 = vector.broadcast %add3A_831 : i32 to vector<16xi32>
    %add3A_833 = arith.addi %mul3A_785, %add3A_832 : vector<16xi32>
    %gather3A_834 = tpu.vector_load_idx %arg6[%add3A_833] : memref<1024xf32, #tpu.memory_space<vmem>>[vector<16xi32>], vector<16xf32>,
    %add3A_835 = arith.addf %add3A_830, %gather3A_834 : vector<16xf32>
    %add3A_836 = arith.constant 10 : i32
    %add3A_837 = vector.broadcast %add3A_836 : i32 to vector<16xi32>
    %add3A_838 = arith.addi %mul3A_785, %add3A_837 : vector<16xi32>
    %gather3A_839 = tpu.vector_load_idx %arg6[%add3A_838] : memref<1024xf32, #tpu.memory_space<vmem>>[vector<16xi32>], vector<16xf32>,
    %add3A_840 = arith.addf %add3A_835, %gather3A_839 : vector<16xf32>
    %add3A_841 = arith.constant 11 : i32
    %add3A_842 = vector.broadcast %add3A_841 : i32 to vector<16xi32>
    %add3A_843 = arith.addi %mul3A_785, %add3A_842 : vector<16xi32>
    %gather3A_844 = tpu.vector_load_idx %arg6[%add3A_843] : memref<1024xf32, #tpu.memory_space<vmem>>[vector<16xi32>], vector<16xf32>,
    %add3A_845 = arith.addf %add3A_840, %gather3A_844 : vector<16xf32>
    %add3A_846 = arith.constant 12 : i32
    %add3A_847 = vector.broadcast %add3A_846 : i32 to vector<16xi32>
    %add3A_848 = arith.addi %mul3A_785, %add3A_847 : vector<16xi32>
    %gather3A_849 = tpu.vector_load_idx %arg6[%add3A_848] : memref<1024xf32, #tpu.memory_space<vmem>>[vector<16xi32>], vector<16xf32>,
    %add3A_850 = arith.addf %add3A_845, %gather3A_849 : vector<16xf32>
    %add3A_851 = arith.constant 13 : i32
    %add3A_852 = vector.broadcast %add3A_851 : i32 to vector<16xi32>
    %add3A_853 = arith.addi %mul3A_785, %add3A_852 : vector<16xi32>
    %gather3A_854 = tpu.vector_load_idx %arg6[%add3A_853] : memref<1024xf32, #tpu.memory_space<vmem>>[vector<16xi32>], vector<16xf32>,
    %add3A_855 = arith.addf %add3A_850, %gather3A_854 : vector<16xf32>
    %add3A_856 = arith.constant 14 : i32
    %add3A_857 = vector.broadcast %add3A_856 : i32 to vector<16xi32>
    %add3A_858 = arith.addi %mul3A_785, %add3A_857 : vector<16xi32>
    %gather3A_859 = tpu.vector_load_idx %arg6[%add3A_858] : memref<1024xf32, #tpu.memory_space<vmem>>[vector<16xi32>], vector<16xf32>,
    %add3A_860 = arith.addf %add3A_855, %gather3A_859 : vector<16xf32>
    %add3A_861 = arith.constant 15 : i32
    %add3A_862 = vector.broadcast %add3A_861 : i32 to vector<16xi32>
    %add3A_863 = arith.addi %mul3A_785, %add3A_862 : vector<16xi32>
    %gather3A_864 = tpu.vector_load_idx %arg6[%add3A_863] : memref<1024xf32, #tpu.memory_space<vmem>>[vector<16xi32>], vector<16xf32>,
    %add3A_865 = arith.addf %add3A_860, %gather3A_864 : vector<16xf32>
    %swap3A_866 = arith.constant 16 : index
    %swap3A_867 = tpu.vector_load %arg7[%swap3A_866] {strides = array<i32>} : memref<64xf32, #tpu.memory_space<vmem>>, vector<16xf32>,
    tpu.vector_store %arg7[%swap3A_866], %add3A_865 {strides = array<i32>} : memref<64xf32, #tpu.memory_space<vmem>>, vector<16xf32>,
    %broadcast_in_dim3A_868 = arith.constant 0.000000e+00 : f32
    %broadcast_in_dim3A_869 = vector.broadcast %broadcast_in_dim3A_868 : f32 to vector<16xf32>
    %add3A_870 = arith.constant 32 : i32
    %add3A_871 = vector.broadcast %add3A_870 : i32 to vector<16xi32>
    %add3A_872 = arith.addi %iota3A, %add3A_871 : vector<16xi32>
    %mul3A_873 = arith.constant 16 : i32
    %mul3A_874 = vector.broadcast %mul3A_873 : i32 to vector<16xi32>
    %mul3A_875 = arith.muli %add3A_872, %mul3A_874 : vector<16xi32>
    %add3A_876 = arith.constant 0 : i32
    %add3A_877 = vector.broadcast %add3A_876 : i32 to vector<16xi32>
    %add3A_878 = arith.addi %mul3A_875, %add3A_877 : vector<16xi32>
    %gather3A_879 = tpu.vector_load_idx %arg6[%add3A_878] : memref<1024xf32, #tpu.memory_space<vmem>>[vector<16xi32>], vector<16xf32>,
    %add3A_880 = arith.addf %broadcast_in_dim3A_869, %gather3A_879 : vector<16xf32>
    %add3A_881 = arith.constant 1 : i32
    %add3A_882 = vector.broadcast %add3A_881 : i32 to vector<16xi32>
    %add3A_883 = arith.addi %mul3A_875, %add3A_882 : vector<16xi32>
    %gather3A_884 = tpu.vector_load_idx %arg6[%add3A_883] : memref<1024xf32, #tpu.memory_space<vmem>>[vector<16xi32>], vector<16xf32>,
    %add3A_885 = arith.addf %add3A_880, %gather3A_884 : vector<16xf32>
    %add3A_886 = arith.constant 2 : i32
    %add3A_887 = vector.broadcast %add3A_886 : i32 to vector<16xi32>
    %add3A_888 = arith.addi %mul3A_875, %add3A_887 : vector<16xi32>
    %gather3A_889 = tpu.vector_load_idx %arg6[%add3A_888] : memref<1024xf32, #tpu.memory_space<vmem>>[vector<16xi32>], vector<16xf32>,
    %add3A_890 = arith.addf %add3A_885, %gather3A_889 : vector<16xf32>
    %add3A_891 = arith.constant 3 : i32
    %add3A_892 = vector.broadcast %add3A_891 : i32 to vector<16xi32>
    %add3A_893 = arith.addi %mul3A_875, %add3A_892 : vector<16xi32>
    %gather3A_894 = tpu.vector_load_idx %arg6[%add3A_893] : memref<1024xf32, #tpu.memory_space<vmem>>[vector<16xi32>], vector<16xf32>,
    %add3A_895 = arith.addf %add3A_890, %gather3A_894 : vector<16xf32>
    %add3A_896 = arith.constant 4 : i32
    %add3A_897 = vector.broadcast %add3A_896 : i32 to vector<16xi32>
    %add3A_898 = arith.addi %mul3A_875, %add3A_897 : vector<16xi32>
    %gather3A_899 = tpu.vector_load_idx %arg6[%add3A_898] : memref<1024xf32, #tpu.memory_space<vmem>>[vector<16xi32>], vector<16xf32>,
    %add3A_900 = arith.addf %add3A_895, %gather3A_899 : vector<16xf32>
    %add3A_901 = arith.constant 5 : i32
    %add3A_902 = vector.broadcast %add3A_901 : i32 to vector<16xi32>
    %add3A_903 = arith.addi %mul3A_875, %add3A_902 : vector<16xi32>
    %gather3A_904 = tpu.vector_load_idx %arg6[%add3A_903] : memref<1024xf32, #tpu.memory_space<vmem>>[vector<16xi32>], vector<16xf32>,
    %add3A_905 = arith.addf %add3A_900, %gather3A_904 : vector<16xf32>
    %add3A_906 = arith.constant 6 : i32
    %add3A_907 = vector.broadcast %add3A_906 : i32 to vector<16xi32>
    %add3A_908 = arith.addi %mul3A_875, %add3A_907 : vector<16xi32>
    %gather3A_909 = tpu.vector_load_idx %arg6[%add3A_908] : memref<1024xf32, #tpu.memory_space<vmem>>[vector<16xi32>], vector<16xf32>,
    %add3A_910 = arith.addf %add3A_905, %gather3A_909 : vector<16xf32>
    %add3A_911 = arith.constant 7 : i32
    %add3A_912 = vector.broadcast %add3A_911 : i32 to vector<16xi32>
    %add3A_913 = arith.addi %mul3A_875, %add3A_912 : vector<16xi32>
    %gather3A_914 = tpu.vector_load_idx %arg6[%add3A_913] : memref<1024xf32, #tpu.memory_space<vmem>>[vector<16xi32>], vector<16xf32>,
    %add3A_915 = arith.addf %add3A_910, %gather3A_914 : vector<16xf32>
    %add3A_916 = arith.constant 8 : i32
    %add3A_917 = vector.broadcast %add3A_916 : i32 to vector<16xi32>
    %add3A_918 = arith.addi %mul3A_875, %add3A_917 : vector<16xi32>
    %gather3A_919 = tpu.vector_load_idx %arg6[%add3A_918] : memref<1024xf32, #tpu.memory_space<vmem>>[vector<16xi32>], vector<16xf32>,
    %add3A_920 = arith.addf %add3A_915, %gather3A_919 : vector<16xf32>
    %add3A_921 = arith.constant 9 : i32
    %add3A_922 = vector.broadcast %add3A_921 : i32 to vector<16xi32>
    %add3A_923 = arith.addi %mul3A_875, %add3A_922 : vector<16xi32>
    %gather3A_924 = tpu.vector_load_idx %arg6[%add3A_923] : memref<1024xf32, #tpu.memory_space<vmem>>[vector<16xi32>], vector<16xf32>,
    %add3A_925 = arith.addf %add3A_920, %gather3A_924 : vector<16xf32>
    %add3A_926 = arith.constant 10 : i32
    %add3A_927 = vector.broadcast %add3A_926 : i32 to vector<16xi32>
    %add3A_928 = arith.addi %mul3A_875, %add3A_927 : vector<16xi32>
    %gather3A_929 = tpu.vector_load_idx %arg6[%add3A_928] : memref<1024xf32, #tpu.memory_space<vmem>>[vector<16xi32>], vector<16xf32>,
    %add3A_930 = arith.addf %add3A_925, %gather3A_929 : vector<16xf32>
    %add3A_931 = arith.constant 11 : i32
    %add3A_932 = vector.broadcast %add3A_931 : i32 to vector<16xi32>
    %add3A_933 = arith.addi %mul3A_875, %add3A_932 : vector<16xi32>
    %gather3A_934 = tpu.vector_load_idx %arg6[%add3A_933] : memref<1024xf32, #tpu.memory_space<vmem>>[vector<16xi32>], vector<16xf32>,
    %add3A_935 = arith.addf %add3A_930, %gather3A_934 : vector<16xf32>
    %add3A_936 = arith.constant 12 : i32
    %add3A_937 = vector.broadcast %add3A_936 : i32 to vector<16xi32>
    %add3A_938 = arith.addi %mul3A_875, %add3A_937 : vector<16xi32>
    %gather3A_939 = tpu.vector_load_idx %arg6[%add3A_938] : memref<1024xf32, #tpu.memory_space<vmem>>[vector<16xi32>], vector<16xf32>,
    %add3A_940 = arith.addf %add3A_935, %gather3A_939 : vector<16xf32>
    %add3A_941 = arith.constant 13 : i32
    %add3A_942 = vector.broadcast %add3A_941 : i32 to vector<16xi32>
    %add3A_943 = arith.addi %mul3A_875, %add3A_942 : vector<16xi32>
    %gather3A_944 = tpu.vector_load_idx %arg6[%add3A_943] : memref<1024xf32, #tpu.memory_space<vmem>>[vector<16xi32>], vector<16xf32>,
    %add3A_945 = arith.addf %add3A_940, %gather3A_944 : vector<16xf32>
    %add3A_946 = arith.constant 14 : i32
    %add3A_947 = vector.broadcast %add3A_946 : i32 to vector<16xi32>
    %add3A_948 = arith.addi %mul3A_875, %add3A_947 : vector<16xi32>
    %gather3A_949 = tpu.vector_load_idx %arg6[%add3A_948] : memref<1024xf32, #tpu.memory_space<vmem>>[vector<16xi32>], vector<16xf32>,
    %add3A_950 = arith.addf %add3A_945, %gather3A_949 : vector<16xf32>
    %add3A_951 = arith.constant 15 : i32
    %add3A_952 = vector.broadcast %add3A_951 : i32 to vector<16xi32>
    %add3A_953 = arith.addi %mul3A_875, %add3A_952 : vector<16xi32>
    %gather3A_954 = tpu.vector_load_idx %arg6[%add3A_953] : memref<1024xf32, #tpu.memory_space<vmem>>[vector<16xi32>], vector<16xf32>,
    %add3A_955 = arith.addf %add3A_950, %gather3A_954 : vector<16xf32>
    %swap3A_956 = arith.constant 32 : index
    %swap3A_957 = tpu.vector_load %arg7[%swap3A_956] {strides = array<i32>} : memref<64xf32, #tpu.memory_space<vmem>>, vector<16xf32>,
    tpu.vector_store %arg7[%swap3A_956], %add3A_955 {strides = array<i32>} : memref<64xf32, #tpu.memory_space<vmem>>, vector<16xf32>,
    %broadcast_in_dim3A_958 = arith.constant 0.000000e+00 : f32
    %broadcast_in_dim3A_959 = vector.broadcast %broadcast_in_dim3A_958 : f32 to vector<16xf32>
    %add3A_960 = arith.constant 48 : i32
    %add3A_961 = vector.broadcast %add3A_960 : i32 to vector<16xi32>
    %add3A_962 = arith.addi %iota3A, %add3A_961 : vector<16xi32>
    %mul3A_963 = arith.constant 16 : i32
    %mul3A_964 = vector.broadcast %mul3A_963 : i32 to vector<16xi32>
    %mul3A_965 = arith.muli %add3A_962, %mul3A_964 : vector<16xi32>
    %add3A_966 = arith.constant 0 : i32
    %add3A_967 = vector.broadcast %add3A_966 : i32 to vector<16xi32>
    %add3A_968 = arith.addi %mul3A_965, %add3A_967 : vector<16xi32>
    %gather3A_969 = tpu.vector_load_idx %arg6[%add3A_968] : memref<1024xf32, #tpu.memory_space<vmem>>[vector<16xi32>], vector<16xf32>,
    %add3A_970 = arith.addf %broadcast_in_dim3A_959, %gather3A_969 : vector<16xf32>
    %add3A_971 = arith.constant 1 : i32
    %add3A_972 = vector.broadcast %add3A_971 : i32 to vector<16xi32>
    %add3A_973 = arith.addi %mul3A_965, %add3A_972 : vector<16xi32>
    %gather3A_974 = tpu.vector_load_idx %arg6[%add3A_973] : memref<1024xf32, #tpu.memory_space<vmem>>[vector<16xi32>], vector<16xf32>,
    %add3A_975 = arith.addf %add3A_970, %gather3A_974 : vector<16xf32>
    %add3A_976 = arith.constant 2 : i32
    %add3A_977 = vector.broadcast %add3A_976 : i32 to vector<16xi32>
    %add3A_978 = arith.addi %mul3A_965, %add3A_977 : vector<16xi32>
    %gather3A_979 = tpu.vector_load_idx %arg6[%add3A_978] : memref<1024xf32, #tpu.memory_space<vmem>>[vector<16xi32>], vector<16xf32>,
    %add3A_980 = arith.addf %add3A_975, %gather3A_979 : vector<16xf32>
    %add3A_981 = arith.constant 3 : i32
    %add3A_982 = vector.broadcast %add3A_981 : i32 to vector<16xi32>
    %add3A_983 = arith.addi %mul3A_965, %add3A_982 : vector<16xi32>
    %gather3A_984 = tpu.vector_load_idx %arg6[%add3A_983] : memref<1024xf32, #tpu.memory_space<vmem>>[vector<16xi32>], vector<16xf32>,
    %add3A_985 = arith.addf %add3A_980, %gather3A_984 : vector<16xf32>
    %add3A_986 = arith.constant 4 : i32
    %add3A_987 = vector.broadcast %add3A_986 : i32 to vector<16xi32>
    %add3A_988 = arith.addi %mul3A_965, %add3A_987 : vector<16xi32>
    %gather3A_989 = tpu.vector_load_idx %arg6[%add3A_988] : memref<1024xf32, #tpu.memory_space<vmem>>[vector<16xi32>], vector<16xf32>,
    %add3A_990 = arith.addf %add3A_985, %gather3A_989 : vector<16xf32>
    %add3A_991 = arith.constant 5 : i32
    %add3A_992 = vector.broadcast %add3A_991 : i32 to vector<16xi32>
    %add3A_993 = arith.addi %mul3A_965, %add3A_992 : vector<16xi32>
    %gather3A_994 = tpu.vector_load_idx %arg6[%add3A_993] : memref<1024xf32, #tpu.memory_space<vmem>>[vector<16xi32>], vector<16xf32>,
    %add3A_995 = arith.addf %add3A_990, %gather3A_994 : vector<16xf32>
    %add3A_996 = arith.constant 6 : i32
    %add3A_997 = vector.broadcast %add3A_996 : i32 to vector<16xi32>
    %add3A_998 = arith.addi %mul3A_965, %add3A_997 : vector<16xi32>
    %gather3A_999 = tpu.vector_load_idx %arg6[%add3A_998] : memref<1024xf32, #tpu.memory_space<vmem>>[vector<16xi32>], vector<16xf32>,
    %add3A_1000 = arith.addf %add3A_995, %gather3A_999 : vector<16xf32>
    %add3A_1001 = arith.constant 7 : i32
    %add3A_1002 = vector.broadcast %add3A_1001 : i32 to vector<16xi32>
    %add3A_1003 = arith.addi %mul3A_965, %add3A_1002 : vector<16xi32>
    %gather3A_1004 = tpu.vector_load_idx %arg6[%add3A_1003] : memref<1024xf32, #tpu.memory_space<vmem>>[vector<16xi32>], vector<16xf32>,
    %add3A_1005 = arith.addf %add3A_1000, %gather3A_1004 : vector<16xf32>
    %add3A_1006 = arith.constant 8 : i32
    %add3A_1007 = vector.broadcast %add3A_1006 : i32 to vector<16xi32>
    %add3A_1008 = arith.addi %mul3A_965, %add3A_1007 : vector<16xi32>
    %gather3A_1009 = tpu.vector_load_idx %arg6[%add3A_1008] : memref<1024xf32, #tpu.memory_space<vmem>>[vector<16xi32>], vector<16xf32>,
    %add3A_1010 = arith.addf %add3A_1005, %gather3A_1009 : vector<16xf32>
    %add3A_1011 = arith.constant 9 : i32
    %add3A_1012 = vector.broadcast %add3A_1011 : i32 to vector<16xi32>
    %add3A_1013 = arith.addi %mul3A_965, %add3A_1012 : vector<16xi32>
    %gather3A_1014 = tpu.vector_load_idx %arg6[%add3A_1013] : memref<1024xf32, #tpu.memory_space<vmem>>[vector<16xi32>], vector<16xf32>,
    %add3A_1015 = arith.addf %add3A_1010, %gather3A_1014 : vector<16xf32>
    %add3A_1016 = arith.constant 10 : i32
    %add3A_1017 = vector.broadcast %add3A_1016 : i32 to vector<16xi32>
    %add3A_1018 = arith.addi %mul3A_965, %add3A_1017 : vector<16xi32>
    %gather3A_1019 = tpu.vector_load_idx %arg6[%add3A_1018] : memref<1024xf32, #tpu.memory_space<vmem>>[vector<16xi32>], vector<16xf32>,
    %add3A_1020 = arith.addf %add3A_1015, %gather3A_1019 : vector<16xf32>
    %add3A_1021 = arith.constant 11 : i32
    %add3A_1022 = vector.broadcast %add3A_1021 : i32 to vector<16xi32>
    %add3A_1023 = arith.addi %mul3A_965, %add3A_1022 : vector<16xi32>
    %gather3A_1024 = tpu.vector_load_idx %arg6[%add3A_1023] : memref<1024xf32, #tpu.memory_space<vmem>>[vector<16xi32>], vector<16xf32>,
    %add3A_1025 = arith.addf %add3A_1020, %gather3A_1024 : vector<16xf32>
    %add3A_1026 = arith.constant 12 : i32
    %add3A_1027 = vector.broadcast %add3A_1026 : i32 to vector<16xi32>
    %add3A_1028 = arith.addi %mul3A_965, %add3A_1027 : vector<16xi32>
    %gather3A_1029 = tpu.vector_load_idx %arg6[%add3A_1028] : memref<1024xf32, #tpu.memory_space<vmem>>[vector<16xi32>], vector<16xf32>,
    %add3A_1030 = arith.addf %add3A_1025, %gather3A_1029 : vector<16xf32>
    %add3A_1031 = arith.constant 13 : i32
    %add3A_1032 = vector.broadcast %add3A_1031 : i32 to vector<16xi32>
    %add3A_1033 = arith.addi %mul3A_965, %add3A_1032 : vector<16xi32>
    %gather3A_1034 = tpu.vector_load_idx %arg6[%add3A_1033] : memref<1024xf32, #tpu.memory_space<vmem>>[vector<16xi32>], vector<16xf32>,
    %add3A_1035 = arith.addf %add3A_1030, %gather3A_1034 : vector<16xf32>
    %add3A_1036 = arith.constant 14 : i32
    %add3A_1037 = vector.broadcast %add3A_1036 : i32 to vector<16xi32>
    %add3A_1038 = arith.addi %mul3A_965, %add3A_1037 : vector<16xi32>
    %gather3A_1039 = tpu.vector_load_idx %arg6[%add3A_1038] : memref<1024xf32, #tpu.memory_space<vmem>>[vector<16xi32>], vector<16xf32>,
    %add3A_1040 = arith.addf %add3A_1035, %gather3A_1039 : vector<16xf32>
    %add3A_1041 = arith.constant 15 : i32
    %add3A_1042 = vector.broadcast %add3A_1041 : i32 to vector<16xi32>
    %add3A_1043 = arith.addi %mul3A_965, %add3A_1042 : vector<16xi32>
    %gather3A_1044 = tpu.vector_load_idx %arg6[%add3A_1043] : memref<1024xf32, #tpu.memory_space<vmem>>[vector<16xi32>], vector<16xf32>,
    %add3A_1045 = arith.addf %add3A_1040, %gather3A_1044 : vector<16xf32>
    %add3A_1046 = arith.constant 48 : i32
    %add3A_1047 = vector.broadcast %add3A_1046 : i32 to vector<16xi32>
    %add3A_1048 = arith.addi %iota3A, %add3A_1047 : vector<16xi32>
    %lt3A_1049 = arith.constant 50 : i32
    %lt3A_1050 = vector.broadcast %lt3A_1049 : i32 to vector<16xi32>
    %lt3A_1051 = arith.cmpi slt, %add3A_1048, %lt3A_1050 : vector<16xi32>
    %jit3A_1052 = arith.constant -1.000000e+00 : f32
    %broadcast_in_dim3A_1053 = vector.broadcast %jit3A_1052 : f32 to vector<16xf32>
    %select_n3A_1054 = arith.select %lt3A_1051, %add3A_1045, %broadcast_in_dim3A_1053 : vector<16xi1>, vector<16xf32>
    %swap3A_1055 = arith.constant 48 : index
    %swap3A_1056 = tpu.vector_load %arg7[%swap3A_1055] {strides = array<i32>} : memref<64xf32, #tpu.memory_space<vmem>>, vector<16xf32>,
    tpu.vector_store %arg7[%swap3A_1055], %select_n3A_1054 {strides = array<i32>} : memref<64xf32, #tpu.memory_space<vmem>>, vector<16xf32>,
    %mul3A_1057 = arith.constant 64 : i32
    %mul3A_1058 = arith.muli %add3A_529, %mul3A_1057 : i32
    "tpu.region"() ({
      %run_scoped3A = tpu.sem_alloc : memref<!tpu.dma_semaphore, #tpu.memory_space<semaphore_mem>>
      %dma_start3A_1059 = tpu.memref_slice %arg3[%mul3A_1058] : memref<4096xf32, #tpu.memory_space<hbm>> -> memref<64xf32, #tpu.memory_space<hbm>>
      %dma_start3A_1060 = tpu.memref_slice %arg3[%mul3A_1058] : memref<4096xf32, #tpu.memory_space<hbm>> -> memref<64xf32, #tpu.memory_space<hbm>>
      tpu.enqueue_dma source(%arg7 : memref<64xf32, #tpu.memory_space<vmem>>) target(%dma_start3A_1060 : memref<64xf32, #tpu.memory_space<hbm>>) target_semaphore(%run_scoped3A : memref<!tpu.dma_semaphore, #tpu.memory_space<semaphore_mem>>)
      %dma_wait3A_1061 = tpu.memref_slice %arg3[%mul3A_1058] : memref<4096xf32, #tpu.memory_space<hbm>> -> memref<64xf32, #tpu.memory_space<hbm>>
      %dma_wait3A_1062 = tpu.memref_slice %arg3[%mul3A_1058] : memref<4096xf32, #tpu.memory_space<hbm>> -> memref<64xf32, #tpu.memory_space<hbm>>
      tpu.wait_dma2 semaphore(%run_scoped3A : memref<!tpu.dma_semaphore, #tpu.memory_space<semaphore_mem>>) src(%arg7 : memref<64xf32, #tpu.memory_space<vmem>>) dst(%dma_wait3A_1062 : memref<64xf32, #tpu.memory_space<hbm>>)
      tpu.yield
    }) : () -> ()
    return
  }
}

module attributes {stable_mosaic.version = 14 : i64} {
  func.func @_tc_body(%arg0: i32, %arg1: memref<1x1x64xf32, #tpu.memory_space<vmem>>, %arg2: memref<1x512x512xf32, #tpu.memory_space<vmem>>, %arg3: memref<1x512x512xf32, #tpu.memory_space<vmem>>) attributes {dimension_semantics = [#tpu.dimension_semantics<arbitrary>], iteration_bounds = array<i64: 64>, scalar_prefetch = 0 : i64, scratch_operands = 0 : i64, tpu.core_type = #tpu.core_type<tc>, window_params = [{transform_indices = @transform_0, window_bounds = array<i64: 1, 1, 64>}, {transform_indices = @transform_1, window_bounds = array<i64: 1, 512, 512>}, {transform_indices = @transform_2, window_bounds = array<i64: 1, 512, 512>}]} {
    %get3A = arith.constant 0 : index
    %get3A_0 = arith.constant 0 : index
    %get3A_1 = arith.constant 0 : index
    %get3A_2 = vector.load %arg1[%get3A, %get3A_0, %get3A_1] : memref<1x1x64xf32, #tpu.memory_space<vmem>>, vector<1x1x64xf32>
    %iota3A = tpu.iota {dimensions = array<i32: 2>} : vector<1x1x64xi32>
    %reduce_max3A = vector.shape_cast %get3A_2 : vector<1x1x64xf32> to vector<1x1x1x64xf32>
    %reduce_max3A_3 = arith.constant dense<0xFF800000> : vector<1xf32>
    %reduce_max3A_4 = vector.multi_reduction <maximumf>, %reduce_max3A, %reduce_max3A_3 [1, 2, 3] : vector<1x1x1x64xf32> to vector<1xf32>
    %reduce_max3A_5 = vector.shape_cast %reduce_max3A_4 : vector<1xf32> to vector<1x1x1x1xf32>
    %reduce_max3A_6 = vector.extract %reduce_max3A_5[0, 0, 0, 0] : f32 from vector<1x1x1x1xf32>
    %eq3A = vector.broadcast %reduce_max3A_6 : f32 to vector<1x1x64xf32>
    %eq3A_7 = arith.cmpf oeq, %get3A_2, %eq3A : vector<1x1x64xf32>
    %jit3A = arith.constant 64 : i32
    %broadcast_in_dim3A = vector.broadcast %jit3A : i32 to vector<1x1x64xi32>
    %select_n3A = arith.select %eq3A_7, %iota3A, %broadcast_in_dim3A : vector<1x1x64xi1>, vector<1x1x64xi32>
    %reduce_min3A = vector.shape_cast %select_n3A : vector<1x1x64xi32> to vector<1x1x1x64xi32>
    %reduce_min3A_8 = arith.constant dense<2147483647> : vector<1xi32>
    %reduce_min3A_9 = vector.multi_reduction <minsi>, %reduce_min3A, %reduce_min3A_8 [1, 2, 3] : vector<1x1x1x64xi32> to vector<1xi32>
    %reduce_min3A_10 = vector.shape_cast %reduce_min3A_9 : vector<1xi32> to vector<1x1x1x1xi32>
    %reduce_min3A_11 = vector.extract %reduce_min3A_10[0, 0, 0, 0] : i32 from vector<1x1x1x1xi32>
    %gt3A = vector.broadcast %reduce_min3A_11 : i32 to vector<1x1x64xi32>
    %gt3A_12 = arith.cmpi sgt, %iota3A, %gt3A : vector<1x1x64xi32>
    %jit3A_13 = arith.constant -1.000000e+00 : f32
    %broadcast_in_dim3A_14 = vector.broadcast %jit3A_13 : f32 to vector<1x1x64xf32>
    %select_n3A_15 = arith.select %gt3A_12, %get3A_2, %broadcast_in_dim3A_14 : vector<1x1x64xi1>, vector<1x1x64xf32>
    %reduce_max3A_16 = vector.shape_cast %select_n3A_15 : vector<1x1x64xf32> to vector<1x1x1x64xf32>
    %reduce_max3A_17 = arith.constant dense<0xFF800000> : vector<1xf32>
    %reduce_max3A_18 = vector.multi_reduction <maximumf>, %reduce_max3A_16, %reduce_max3A_17 [1, 2, 3] : vector<1x1x1x64xf32> to vector<1xf32>
    %reduce_max3A_19 = vector.shape_cast %reduce_max3A_18 : vector<1xf32> to vector<1x1x1x1xf32>
    %reduce_max3A_20 = vector.extract %reduce_max3A_19[0, 0, 0, 0] : f32 from vector<1x1x1x1xf32>
    %eq3A_21 = vector.broadcast %reduce_max3A_20 : f32 to vector<1x1x64xf32>
    %eq3A_22 = arith.cmpf oeq, %select_n3A_15, %eq3A_21 : vector<1x1x64xf32>
    %jit3A_23 = arith.constant 64 : i32
    %broadcast_in_dim3A_24 = vector.broadcast %jit3A_23 : i32 to vector<1x1x64xi32>
    %select_n3A_25 = arith.select %eq3A_22, %iota3A, %broadcast_in_dim3A_24 : vector<1x1x64xi1>, vector<1x1x64xi32>
    %reduce_min3A_26 = vector.shape_cast %select_n3A_25 : vector<1x1x64xi32> to vector<1x1x1x64xi32>
    %reduce_min3A_27 = arith.constant dense<2147483647> : vector<1xi32>
    %reduce_min3A_28 = vector.multi_reduction <minsi>, %reduce_min3A_26, %reduce_min3A_27 [1, 2, 3] : vector<1x1x1x64xi32> to vector<1xi32>
    %reduce_min3A_29 = vector.shape_cast %reduce_min3A_28 : vector<1xi32> to vector<1x1x1x1xi32>
    %reduce_min3A_30 = vector.extract %reduce_min3A_29[0, 0, 0, 0] : i32 from vector<1x1x1x1xi32>
    %convert_element_type3A = arith.sitofp %reduce_min3A_30 : i32 to f32
    %div3A = arith.constant 5.000000e+01 : f32
    %div3A_31 = arith.divf %convert_element_type3A, %div3A : f32
    %ge3A = vector.broadcast %reduce_min3A_30 : i32 to vector<1x1x64xi32>
    %ge3A_32 = arith.cmpi sge, %iota3A, %ge3A : vector<1x1x64xi32>
    %lt3A = arith.constant 50 : i32
    %lt3A_33 = vector.broadcast %lt3A : i32 to vector<1x1x64xi32>
    %lt3A_34 = arith.cmpi slt, %iota3A, %lt3A_33 : vector<1x1x64xi32>
    %and3A = arith.andi %ge3A_32, %lt3A_34 : vector<1x1x64xi1>
    %jit3A_35 = arith.constant 0.000000e+00 : f32
    %broadcast_in_dim3A_36 = vector.broadcast %jit3A_35 : f32 to vector<1x1x64xf32>
    %select_n3A_37 = arith.select %and3A, %get3A_2, %broadcast_in_dim3A_36 : vector<1x1x64xi1>, vector<1x1x64xf32>
    %reduce_sum3A = vector.shape_cast %select_n3A_37 : vector<1x1x64xf32> to vector<1x1x1x64xf32>
    %reduce_sum3A_38 = arith.constant dense<0.000000e+00> : vector<1xf32>
    %reduce_sum3A_39 = vector.multi_reduction <add>, %reduce_sum3A, %reduce_sum3A_38 [1, 2, 3] : vector<1x1x1x64xf32> to vector<1xf32>
    %reduce_sum3A_40 = vector.shape_cast %reduce_sum3A_39 : vector<1xf32> to vector<1x1x1x1xf32>
    %reduce_sum3A_41 = vector.extract %reduce_sum3A_40[0, 0, 0, 0] : f32 from vector<1x1x1x1xf32>
    %sqrt3A = math.sqrt %reduce_sum3A_41 : f32
    %sqrt3A_42 = math.sqrt %sqrt3A : f32
    %max3A = arith.constant 1.000000e+00 : f32
    %max3A_43 = arith.maximumf %sqrt3A_42, %max3A : f32
    %div3A_44 = arith.constant 1.000000e+00 : f32
    %div3A_45 = arith.divf %div3A_44, %max3A_43 : f32
    %get3A_46 = arith.constant 0 : index
    %get3A_47 = arith.constant 0 : index
    %get3A_48 = arith.constant 0 : index
    %get3A_49 = vector.load %arg2[%get3A_46, %get3A_47, %get3A_48] : memref<1x512x512xf32, #tpu.memory_space<vmem>>, vector<1x64x512xf32>
    %get3A_50 = vector.shape_cast %get3A_49 : vector<1x64x512xf32> to vector<64x512xf32>
    %gt3A_51 = vector.broadcast %div3A_31 : f32 to vector<64x512xf32>
    %gt3A_52 = arith.cmpf ogt, %get3A_50, %gt3A_51 : vector<64x512xf32>
    %jit3A_53 = arith.constant 9.99999997E-7 : f32
    %jit3A_54 = arith.constant 1.000000e+00 : f32
    %max3A_55 = vector.broadcast %jit3A_53 : f32 to vector<64x512xf32>
    %max3A_56 = arith.maximumf %max3A_55, %get3A_50 : vector<64x512xf32>
    %min3A = vector.broadcast %jit3A_54 : f32 to vector<64x512xf32>
    %min3A_57 = arith.minimumf %min3A, %max3A_56 : vector<64x512xf32>
    %log3A = math.log %min3A_57 : vector<64x512xf32>
    %mul3A = vector.broadcast %div3A_45 : f32 to vector<64x512xf32>
    %mul3A_58 = arith.mulf %log3A, %mul3A : vector<64x512xf32>
    %exp3A = math.exp %mul3A_58 : vector<64x512xf32>
    %select_n3A_59 = arith.select %gt3A_52, %exp3A, %get3A_50 : vector<64x512xi1>, vector<64x512xf32>
    %swap3A = arith.constant 0 : index
    %swap3A_60 = arith.constant 0 : index
    %swap3A_61 = arith.constant 0 : index
    %swap3A_62 = vector.load %arg3[%swap3A, %swap3A_60, %swap3A_61] : memref<1x512x512xf32, #tpu.memory_space<vmem>>, vector<1x64x512xf32>
    %swap3A_63 = vector.shape_cast %swap3A_62 : vector<1x64x512xf32> to vector<64x512xf32>
    %swap3A_64 = vector.shape_cast %select_n3A_59 : vector<64x512xf32> to vector<1x64x512xf32>
    tpu.vector_store %arg3[%swap3A, %swap3A_60, %swap3A_61], %swap3A_64 {strides = array<i32>} : memref<1x512x512xf32, #tpu.memory_space<vmem>>, vector<1x64x512xf32>,
    %get3A_65 = arith.constant 0 : index
    %get3A_66 = arith.constant 64 : index
    %get3A_67 = arith.constant 0 : index
    %get3A_68 = vector.load %arg2[%get3A_65, %get3A_66, %get3A_67] : memref<1x512x512xf32, #tpu.memory_space<vmem>>, vector<1x64x512xf32>
    %get3A_69 = vector.shape_cast %get3A_68 : vector<1x64x512xf32> to vector<64x512xf32>
    %gt3A_70 = vector.broadcast %div3A_31 : f32 to vector<64x512xf32>
    %gt3A_71 = arith.cmpf ogt, %get3A_69, %gt3A_70 : vector<64x512xf32>
    %jit3A_72 = arith.constant 9.99999997E-7 : f32
    %jit3A_73 = arith.constant 1.000000e+00 : f32
    %max3A_74 = vector.broadcast %jit3A_72 : f32 to vector<64x512xf32>
    %max3A_75 = arith.maximumf %max3A_74, %get3A_69 : vector<64x512xf32>
    %min3A_76 = vector.broadcast %jit3A_73 : f32 to vector<64x512xf32>
    %min3A_77 = arith.minimumf %min3A_76, %max3A_75 : vector<64x512xf32>
    %log3A_78 = math.log %min3A_77 : vector<64x512xf32>
    %mul3A_79 = vector.broadcast %div3A_45 : f32 to vector<64x512xf32>
    %mul3A_80 = arith.mulf %log3A_78, %mul3A_79 : vector<64x512xf32>
    %exp3A_81 = math.exp %mul3A_80 : vector<64x512xf32>
    %select_n3A_82 = arith.select %gt3A_71, %exp3A_81, %get3A_69 : vector<64x512xi1>, vector<64x512xf32>
    %swap3A_83 = arith.constant 0 : index
    %swap3A_84 = arith.constant 64 : index
    %swap3A_85 = arith.constant 0 : index
    %swap3A_86 = vector.load %arg3[%swap3A_83, %swap3A_84, %swap3A_85] : memref<1x512x512xf32, #tpu.memory_space<vmem>>, vector<1x64x512xf32>
    %swap3A_87 = vector.shape_cast %swap3A_86 : vector<1x64x512xf32> to vector<64x512xf32>
    %swap3A_88 = vector.shape_cast %select_n3A_82 : vector<64x512xf32> to vector<1x64x512xf32>
    tpu.vector_store %arg3[%swap3A_83, %swap3A_84, %swap3A_85], %swap3A_88 {strides = array<i32>} : memref<1x512x512xf32, #tpu.memory_space<vmem>>, vector<1x64x512xf32>,
    %get3A_89 = arith.constant 0 : index
    %get3A_90 = arith.constant 128 : index
    %get3A_91 = arith.constant 0 : index
    %get3A_92 = vector.load %arg2[%get3A_89, %get3A_90, %get3A_91] : memref<1x512x512xf32, #tpu.memory_space<vmem>>, vector<1x64x512xf32>
    %get3A_93 = vector.shape_cast %get3A_92 : vector<1x64x512xf32> to vector<64x512xf32>
    %gt3A_94 = vector.broadcast %div3A_31 : f32 to vector<64x512xf32>
    %gt3A_95 = arith.cmpf ogt, %get3A_93, %gt3A_94 : vector<64x512xf32>
    %jit3A_96 = arith.constant 9.99999997E-7 : f32
    %jit3A_97 = arith.constant 1.000000e+00 : f32
    %max3A_98 = vector.broadcast %jit3A_96 : f32 to vector<64x512xf32>
    %max3A_99 = arith.maximumf %max3A_98, %get3A_93 : vector<64x512xf32>
    %min3A_100 = vector.broadcast %jit3A_97 : f32 to vector<64x512xf32>
    %min3A_101 = arith.minimumf %min3A_100, %max3A_99 : vector<64x512xf32>
    %log3A_102 = math.log %min3A_101 : vector<64x512xf32>
    %mul3A_103 = vector.broadcast %div3A_45 : f32 to vector<64x512xf32>
    %mul3A_104 = arith.mulf %log3A_102, %mul3A_103 : vector<64x512xf32>
    %exp3A_105 = math.exp %mul3A_104 : vector<64x512xf32>
    %select_n3A_106 = arith.select %gt3A_95, %exp3A_105, %get3A_93 : vector<64x512xi1>, vector<64x512xf32>
    %swap3A_107 = arith.constant 0 : index
    %swap3A_108 = arith.constant 128 : index
    %swap3A_109 = arith.constant 0 : index
    %swap3A_110 = vector.load %arg3[%swap3A_107, %swap3A_108, %swap3A_109] : memref<1x512x512xf32, #tpu.memory_space<vmem>>, vector<1x64x512xf32>
    %swap3A_111 = vector.shape_cast %swap3A_110 : vector<1x64x512xf32> to vector<64x512xf32>
    %swap3A_112 = vector.shape_cast %select_n3A_106 : vector<64x512xf32> to vector<1x64x512xf32>
    tpu.vector_store %arg3[%swap3A_107, %swap3A_108, %swap3A_109], %swap3A_112 {strides = array<i32>} : memref<1x512x512xf32, #tpu.memory_space<vmem>>, vector<1x64x512xf32>,
    %get3A_113 = arith.constant 0 : index
    %get3A_114 = arith.constant 192 : index
    %get3A_115 = arith.constant 0 : index
    %get3A_116 = vector.load %arg2[%get3A_113, %get3A_114, %get3A_115] : memref<1x512x512xf32, #tpu.memory_space<vmem>>, vector<1x64x512xf32>
    %get3A_117 = vector.shape_cast %get3A_116 : vector<1x64x512xf32> to vector<64x512xf32>
    %gt3A_118 = vector.broadcast %div3A_31 : f32 to vector<64x512xf32>
    %gt3A_119 = arith.cmpf ogt, %get3A_117, %gt3A_118 : vector<64x512xf32>
    %jit3A_120 = arith.constant 9.99999997E-7 : f32
    %jit3A_121 = arith.constant 1.000000e+00 : f32
    %max3A_122 = vector.broadcast %jit3A_120 : f32 to vector<64x512xf32>
    %max3A_123 = arith.maximumf %max3A_122, %get3A_117 : vector<64x512xf32>
    %min3A_124 = vector.broadcast %jit3A_121 : f32 to vector<64x512xf32>
    %min3A_125 = arith.minimumf %min3A_124, %max3A_123 : vector<64x512xf32>
    %log3A_126 = math.log %min3A_125 : vector<64x512xf32>
    %mul3A_127 = vector.broadcast %div3A_45 : f32 to vector<64x512xf32>
    %mul3A_128 = arith.mulf %log3A_126, %mul3A_127 : vector<64x512xf32>
    %exp3A_129 = math.exp %mul3A_128 : vector<64x512xf32>
    %select_n3A_130 = arith.select %gt3A_119, %exp3A_129, %get3A_117 : vector<64x512xi1>, vector<64x512xf32>
    %swap3A_131 = arith.constant 0 : index
    %swap3A_132 = arith.constant 192 : index
    %swap3A_133 = arith.constant 0 : index
    %swap3A_134 = vector.load %arg3[%swap3A_131, %swap3A_132, %swap3A_133] : memref<1x512x512xf32, #tpu.memory_space<vmem>>, vector<1x64x512xf32>
    %swap3A_135 = vector.shape_cast %swap3A_134 : vector<1x64x512xf32> to vector<64x512xf32>
    %swap3A_136 = vector.shape_cast %select_n3A_130 : vector<64x512xf32> to vector<1x64x512xf32>
    tpu.vector_store %arg3[%swap3A_131, %swap3A_132, %swap3A_133], %swap3A_136 {strides = array<i32>} : memref<1x512x512xf32, #tpu.memory_space<vmem>>, vector<1x64x512xf32>,
    %get3A_137 = arith.constant 0 : index
    %get3A_138 = arith.constant 256 : index
    %get3A_139 = arith.constant 0 : index
    %get3A_140 = vector.load %arg2[%get3A_137, %get3A_138, %get3A_139] : memref<1x512x512xf32, #tpu.memory_space<vmem>>, vector<1x64x512xf32>
    %get3A_141 = vector.shape_cast %get3A_140 : vector<1x64x512xf32> to vector<64x512xf32>
    %gt3A_142 = vector.broadcast %div3A_31 : f32 to vector<64x512xf32>
    %gt3A_143 = arith.cmpf ogt, %get3A_141, %gt3A_142 : vector<64x512xf32>
    %jit3A_144 = arith.constant 9.99999997E-7 : f32
    %jit3A_145 = arith.constant 1.000000e+00 : f32
    %max3A_146 = vector.broadcast %jit3A_144 : f32 to vector<64x512xf32>
    %max3A_147 = arith.maximumf %max3A_146, %get3A_141 : vector<64x512xf32>
    %min3A_148 = vector.broadcast %jit3A_145 : f32 to vector<64x512xf32>
    %min3A_149 = arith.minimumf %min3A_148, %max3A_147 : vector<64x512xf32>
    %log3A_150 = math.log %min3A_149 : vector<64x512xf32>
    %mul3A_151 = vector.broadcast %div3A_45 : f32 to vector<64x512xf32>
    %mul3A_152 = arith.mulf %log3A_150, %mul3A_151 : vector<64x512xf32>
    %exp3A_153 = math.exp %mul3A_152 : vector<64x512xf32>
    %select_n3A_154 = arith.select %gt3A_143, %exp3A_153, %get3A_141 : vector<64x512xi1>, vector<64x512xf32>
    %swap3A_155 = arith.constant 0 : index
    %swap3A_156 = arith.constant 256 : index
    %swap3A_157 = arith.constant 0 : index
    %swap3A_158 = vector.load %arg3[%swap3A_155, %swap3A_156, %swap3A_157] : memref<1x512x512xf32, #tpu.memory_space<vmem>>, vector<1x64x512xf32>
    %swap3A_159 = vector.shape_cast %swap3A_158 : vector<1x64x512xf32> to vector<64x512xf32>
    %swap3A_160 = vector.shape_cast %select_n3A_154 : vector<64x512xf32> to vector<1x64x512xf32>
    tpu.vector_store %arg3[%swap3A_155, %swap3A_156, %swap3A_157], %swap3A_160 {strides = array<i32>} : memref<1x512x512xf32, #tpu.memory_space<vmem>>, vector<1x64x512xf32>,
    %get3A_161 = arith.constant 0 : index
    %get3A_162 = arith.constant 320 : index
    %get3A_163 = arith.constant 0 : index
    %get3A_164 = vector.load %arg2[%get3A_161, %get3A_162, %get3A_163] : memref<1x512x512xf32, #tpu.memory_space<vmem>>, vector<1x64x512xf32>
    %get3A_165 = vector.shape_cast %get3A_164 : vector<1x64x512xf32> to vector<64x512xf32>
    %gt3A_166 = vector.broadcast %div3A_31 : f32 to vector<64x512xf32>
    %gt3A_167 = arith.cmpf ogt, %get3A_165, %gt3A_166 : vector<64x512xf32>
    %jit3A_168 = arith.constant 9.99999997E-7 : f32
    %jit3A_169 = arith.constant 1.000000e+00 : f32
    %max3A_170 = vector.broadcast %jit3A_168 : f32 to vector<64x512xf32>
    %max3A_171 = arith.maximumf %max3A_170, %get3A_165 : vector<64x512xf32>
    %min3A_172 = vector.broadcast %jit3A_169 : f32 to vector<64x512xf32>
    %min3A_173 = arith.minimumf %min3A_172, %max3A_171 : vector<64x512xf32>
    %log3A_174 = math.log %min3A_173 : vector<64x512xf32>
    %mul3A_175 = vector.broadcast %div3A_45 : f32 to vector<64x512xf32>
    %mul3A_176 = arith.mulf %log3A_174, %mul3A_175 : vector<64x512xf32>
    %exp3A_177 = math.exp %mul3A_176 : vector<64x512xf32>
    %select_n3A_178 = arith.select %gt3A_167, %exp3A_177, %get3A_165 : vector<64x512xi1>, vector<64x512xf32>
    %swap3A_179 = arith.constant 0 : index
    %swap3A_180 = arith.constant 320 : index
    %swap3A_181 = arith.constant 0 : index
    %swap3A_182 = vector.load %arg3[%swap3A_179, %swap3A_180, %swap3A_181] : memref<1x512x512xf32, #tpu.memory_space<vmem>>, vector<1x64x512xf32>
    %swap3A_183 = vector.shape_cast %swap3A_182 : vector<1x64x512xf32> to vector<64x512xf32>
    %swap3A_184 = vector.shape_cast %select_n3A_178 : vector<64x512xf32> to vector<1x64x512xf32>
    tpu.vector_store %arg3[%swap3A_179, %swap3A_180, %swap3A_181], %swap3A_184 {strides = array<i32>} : memref<1x512x512xf32, #tpu.memory_space<vmem>>, vector<1x64x512xf32>,
    %get3A_185 = arith.constant 0 : index
    %get3A_186 = arith.constant 384 : index
    %get3A_187 = arith.constant 0 : index
    %get3A_188 = vector.load %arg2[%get3A_185, %get3A_186, %get3A_187] : memref<1x512x512xf32, #tpu.memory_space<vmem>>, vector<1x64x512xf32>
    %get3A_189 = vector.shape_cast %get3A_188 : vector<1x64x512xf32> to vector<64x512xf32>
    %gt3A_190 = vector.broadcast %div3A_31 : f32 to vector<64x512xf32>
    %gt3A_191 = arith.cmpf ogt, %get3A_189, %gt3A_190 : vector<64x512xf32>
    %jit3A_192 = arith.constant 9.99999997E-7 : f32
    %jit3A_193 = arith.constant 1.000000e+00 : f32
    %max3A_194 = vector.broadcast %jit3A_192 : f32 to vector<64x512xf32>
    %max3A_195 = arith.maximumf %max3A_194, %get3A_189 : vector<64x512xf32>
    %min3A_196 = vector.broadcast %jit3A_193 : f32 to vector<64x512xf32>
    %min3A_197 = arith.minimumf %min3A_196, %max3A_195 : vector<64x512xf32>
    %log3A_198 = math.log %min3A_197 : vector<64x512xf32>
    %mul3A_199 = vector.broadcast %div3A_45 : f32 to vector<64x512xf32>
    %mul3A_200 = arith.mulf %log3A_198, %mul3A_199 : vector<64x512xf32>
    %exp3A_201 = math.exp %mul3A_200 : vector<64x512xf32>
    %select_n3A_202 = arith.select %gt3A_191, %exp3A_201, %get3A_189 : vector<64x512xi1>, vector<64x512xf32>
    %swap3A_203 = arith.constant 0 : index
    %swap3A_204 = arith.constant 384 : index
    %swap3A_205 = arith.constant 0 : index
    %swap3A_206 = vector.load %arg3[%swap3A_203, %swap3A_204, %swap3A_205] : memref<1x512x512xf32, #tpu.memory_space<vmem>>, vector<1x64x512xf32>
    %swap3A_207 = vector.shape_cast %swap3A_206 : vector<1x64x512xf32> to vector<64x512xf32>
    %swap3A_208 = vector.shape_cast %select_n3A_202 : vector<64x512xf32> to vector<1x64x512xf32>
    tpu.vector_store %arg3[%swap3A_203, %swap3A_204, %swap3A_205], %swap3A_208 {strides = array<i32>} : memref<1x512x512xf32, #tpu.memory_space<vmem>>, vector<1x64x512xf32>,
    %get3A_209 = arith.constant 0 : index
    %get3A_210 = arith.constant 448 : index
    %get3A_211 = arith.constant 0 : index
    %get3A_212 = vector.load %arg2[%get3A_209, %get3A_210, %get3A_211] : memref<1x512x512xf32, #tpu.memory_space<vmem>>, vector<1x64x512xf32>
    %get3A_213 = vector.shape_cast %get3A_212 : vector<1x64x512xf32> to vector<64x512xf32>
    %gt3A_214 = vector.broadcast %div3A_31 : f32 to vector<64x512xf32>
    %gt3A_215 = arith.cmpf ogt, %get3A_213, %gt3A_214 : vector<64x512xf32>
    %jit3A_216 = arith.constant 9.99999997E-7 : f32
    %jit3A_217 = arith.constant 1.000000e+00 : f32
    %max3A_218 = vector.broadcast %jit3A_216 : f32 to vector<64x512xf32>
    %max3A_219 = arith.maximumf %max3A_218, %get3A_213 : vector<64x512xf32>
    %min3A_220 = vector.broadcast %jit3A_217 : f32 to vector<64x512xf32>
    %min3A_221 = arith.minimumf %min3A_220, %max3A_219 : vector<64x512xf32>
    %log3A_222 = math.log %min3A_221 : vector<64x512xf32>
    %mul3A_223 = vector.broadcast %div3A_45 : f32 to vector<64x512xf32>
    %mul3A_224 = arith.mulf %log3A_222, %mul3A_223 : vector<64x512xf32>
    %exp3A_225 = math.exp %mul3A_224 : vector<64x512xf32>
    %select_n3A_226 = arith.select %gt3A_215, %exp3A_225, %get3A_213 : vector<64x512xi1>, vector<64x512xf32>
    %swap3A_227 = arith.constant 0 : index
    %swap3A_228 = arith.constant 448 : index
    %swap3A_229 = arith.constant 0 : index
    %swap3A_230 = vector.load %arg3[%swap3A_227, %swap3A_228, %swap3A_229] : memref<1x512x512xf32, #tpu.memory_space<vmem>>, vector<1x64x512xf32>
    %swap3A_231 = vector.shape_cast %swap3A_230 : vector<1x64x512xf32> to vector<64x512xf32>
    %swap3A_232 = vector.shape_cast %select_n3A_226 : vector<64x512xf32> to vector<1x64x512xf32>
    tpu.vector_store %arg3[%swap3A_227, %swap3A_228, %swap3A_229], %swap3A_232 {strides = array<i32>} : memref<1x512x512xf32, #tpu.memory_space<vmem>>, vector<1x64x512xf32>,
    return
  }
  func.func @transform_0(%arg0: i32) -> (i32, i32, i32) {
    %c0_i32 = arith.constant 0 : i32
    %c0_i32_0 = arith.constant 0 : i32
    %c0_i32_1 = arith.constant 0 : i32
    return %arg0, %c0_i32, %c0_i32_0 : i32, i32, i32
  }
  func.func @transform_1(%arg0: i32) -> (i32, i32, i32) {
    %c0_i32 = arith.constant 0 : i32
    %c0_i32_0 = arith.constant 0 : i32
    %c0_i32_1 = arith.constant 0 : i32
    return %arg0, %c0_i32, %c0_i32_0 : i32, i32, i32
  }
  func.func @transform_2(%arg0: i32) -> (i32, i32, i32) {
    %c0_i32 = arith.constant 0 : i32
    %c0_i32_0 = arith.constant 0 : i32
    %c0_i32_1 = arith.constant 0 : i32
    return %arg0, %c0_i32, %c0_i32_0 : i32, i32, i32
  }
}

</mosaic_0001>

<sc_bundles>
// kernel: kernel.4.cloned.1.call-start
scs
__scs_entry_jumppad:
0x0: {  	(pc) =	sbr.rel $0x88, $3  }
0x1: {  	(tag) =	ssettag $0x0;
	lr =	simm.s32 $0x1  }
0x2: {  	[smem:$0x3FA0] =	sst lr;
	_ =	strace $0xD0000000  }
0x3: {  	_ = 	snop  }
0x4: {  	_ = 	snop  }
0x5: {  	_ = 	snop  }
0x6: {  	_ = 	snop  }
0x7: {  	_ = 	snop  }
__scs_overlays_trampoline_lowered:
0x8: {  	[smem:$0x3FAF] =	sst s0  }
0x9: {  	[smem:$0x3FB0] =	sst s1  }
0xa: {  	[smem:$0x3FB1] =	sst s2  }
0xb: {  	[smem:$0x3FB2] =	sst s3  }
0xc: {  	[smem:$0x3FB3] =	sst s4  }
0xd: {  	[smem:$0x3FB4] =	sst s5  }
0xe: {  	[smem:$0x3FB5] =	sst s6  }
0xf: {  	[smem:$0x3FB6] =	sst s7  }
0x10: {  	[smem:$0x3FB7] =	sst s8  }
0x11: {  	[smem:$0x3FB8] =	sst s9;
	s0 =	simm.s32 @!p0 $0x0  }
0x12: {  	s1 =	sld [smem:$0x3F9E];
	s0 =	simm.s32 @p0 $0x1  }
0x13: {  	[smem:$0x3FB9] =	sst s0;
	s0 =	simm.s32 @!p1 $0x0  }
0x14: {  	s2 =	sld [smem:$0x3F9D];
	s0 =	simm.s32 @p1 $0x1  }
0x15: {  	[smem:$0x3FBA] =	sst s0;
	s0 =	simm.s32 @!p2 $0x0  }
0x16: {  	s3 =	sld [smem:$0x3FDB];
	s0 =	simm.s32 @p2 $0x1  }
0x17: {  	s4 =	simm.s32 $0x1BF5;
	[smem:$0x3FBC] =	sst s0  }
0x18: {  	s0 =	sld [smem:$0x3F9F];
	_ =	swait.ge [sflag:s4], $0x0  }
0x19: {  	s7 =	sld [smem:$0x3FA0]  }
0x1a: {  	s8 =	sadd.s32 $0xFFFFE003, lr  }
0x1b: {  	s9 =	sadd.s32 $0xFFFFFEF7, lr;
	s5 =	simm.s32 $0xFFFFFFFF;
	p2 =	slt.u32 s8, $0xFFFFF086  }
0x1c: {  	p1 =	slt.u32 s9, $0xF7A;
	s5 =	simm.s32 @!p2 $0x0  }
0x1d: {  	s5 =	simm.s32 @p1 $0x1;
	p0 =	seq.s32 s7, s2  }
0x1e: {  	s7 =	smul.u32 @!p0 $0xF7A, s2;
	p2 =	seq.s32 @!p0 s5, $0x0  }
0x1f: {  	s9 =	smul.u32 $0xF7A, s1;
	s8 =	simm.s32 @!p0 $0x1BF5;
	p2 =	por !p2, p0  }
0x20: {  	[sflag:s8] =	ssyncset.s32 @!p0 $0xFFFFF086;
	s6 =	sadd.s32 @!p0 s3, s7;
	s7 =	simm.s32 @!p0 $0x108  }
0x21: {  	s3 =	sadd.s32 s3, s9;
	s6 =	sadd.s32 @!p0 $0x88, s6;
	s7 =	simm.s32 @p2 $0x1082  }
0x22: {  	[simem:s7], [sflag:s8] =	dma.local @!p0 [hbm:s6], $0xF7A  }
0x23: {  	s9 =	sor.u32 $0xD0000000, s2;
	s6 =	simm.s32 $0x108;
	_ =	swait.ge @!p0 [sflag:s8], $0x0  }
0x24: {  	s3 =	sadd.s32 $0x88, s3;
	s6 =	simm.s32 @!p1 $0x1082;
	[sflag:s4] =	ssyncset.s32 $0xFFFFF086  }
0x25: {  	[simem:s6], [sflag:s4] =	dma.local [hbm:s3], $0xF7A  }
0x26: {  	[smem:$0x3FA0] =	sst s1;
	(tag) =	ssettag s2;
	_ =	strace s9  }
0x27: {  	s1 =	sld [smem:$0x3FB0]  }
0x28: {  	s2 =	sld [smem:$0x3FB1]  }
0x29: {  	s4 =	sld [smem:$0x3FB3]  }
0x2a: {  	p0 =	seq.s32 s5, $0x0;
	s5 =	sld [smem:$0x3FB4]  }
0x2b: {  	s6 =	sld [smem:$0x3FB5]  }
0x2c: {  	s7 =	sld [smem:$0x3FB6]  }
0x2d: {  	s3 =	simm.s32 $0x108;
	s8 =	sld [smem:$0x3FB7]  }
0x2e: {  	s3 =	simm.s32 @!p0 $0x1082;
	s9 =	sld [smem:$0x3FB8]  }
0x2f: {  	lr =	sadd.s32 s0, s3;
	s0 =	sld [smem:$0x3FAF]  }
0x30: {  	s3 =	sld [smem:$0x3FB2]  }
0x31: {  	[smem:$0x3FBB] =	sst s10  }
0x32: {  	s10 =	sld [smem:$0x3FB9];
	_ =	sdelay $0x3  }
0x33: {  	p0 =	seq.s32 s10, $0x1;
	s10 =	sld [smem:$0x3FBB];
	_ =	sdelay $0x3  }
0x34: {  	[smem:$0x3FBB] =	sst s10  }
0x35: {  	s10 =	sld [smem:$0x3FBA];
	_ =	sdelay $0x3  }
0x36: {  	p1 =	seq.s32 s10, $0x1;
	s10 =	sld [smem:$0x3FBB];
	_ =	sdelay $0x3  }
0x37: {  	[smem:$0x3FBB] =	sst s10  }
0x38: {  	s10 =	sld [smem:$0x3FBC]  }
0x39: {  	_ = 	snop;
	(pc) =	sbr.ind lr, $3  }
0x3a: {  	_ = 	snop  }
0x3b: {  	_ = 	snop  }
0x3c: {  	p2 =	seq.s32 s10, $0x1;
	s10 =	sld [smem:$0x3FBB]  }
0x3d: {  	_ =	shalt  }
0x3e: {  	_ =	shalt  }
0x3f: {  	_ =	shalt  }
0x40: {  	_ =	shalt  }
0x41: {  	_ =	shalt  }
0x42: {  	_ =	shalt  }
0x43: {  	_ =	shalt  }
0x44: {  	_ =	shalt  }
0x45: {  	_ =	shalt  }
0x46: {  	_ =	shalt  }
0x47: {  	_ =	shalt  }
0x48: {  	_ =	shalt  }
0x49: {  	_ =	shalt  }
0x4a: {  	_ =	shalt  }
0x4b: {  	_ =	shalt  }
0x4c: {  	_ =	shalt  }
0x4d: {  	_ =	shalt  }
0x4e: {  	_ =	shalt  }
0x4f: {  	_ =	shalt  }
0x50: {  	_ =	shalt  }
0x51: {  	_ =	shalt  }
0x52: {  	_ =	shalt  }
0x53: {  	_ =	shalt  }
0x54: {  	_ =	shalt  }
0x55: {  	_ =	shalt  }
0x56: {  	_ =	shalt  }
0x57: {  	_ =	shalt  }
0x58: {  	_ =	shalt  }
0x59: {  	_ =	shalt  }
0x5a: {  	_ =	shalt  }
0x5b: {  	_ =	shalt  }
0x5c: {  	_ =	shalt  }
0x5d: {  	_ =	shalt  }
0x5e: {  	_ =	shalt  }
0x5f: {  	_ =	shalt  }
0x60: {  	_ =	shalt  }
0x61: {  	_ =	shalt  }
0x62: {  	_ =	shalt  }
0x63: {  	_ =	shalt  }
0x64: {  	_ =	shalt  }
0x65: {  	_ =	shalt  }
0x66: {  	_ =	shalt  }
0x67: {  	_ =	shalt  }
0x68: {  	_ =	shalt  }
0x69: {  	_ =	shalt  }
0x6a: {  	_ =	shalt  }
0x6b: {  	_ =	shalt  }
0x6c: {  	_ =	shalt  }
0x6d: {  	_ =	shalt  }
0x6e: {  	_ =	shalt  }
0x6f: {  	_ =	shalt  }
0x70: {  	_ =	shalt  }
0x71: {  	_ =	shalt  }
0x72: {  	_ =	shalt  }
0x73: {  	_ =	shalt  }
0x74: {  	_ =	shalt  }
0x75: {  	_ =	shalt  }
0x76: {  	_ =	shalt  }
0x77: {  	_ =	shalt  }
0x78: {  	_ =	shalt  }
0x79: {  	_ =	shalt  }
0x7a: {  	_ =	shalt  }
0x7b: {  	_ =	shalt  }
0x7c: {  	_ =	shalt  }
0x7d: {  	_ =	shalt  }
0x7e: {  	_ =	shalt  }
0x7f: {  	_ =	shalt  }
0x80: {  	_ =	shalt  }
0x81: {  	_ =	shalt  }
0x82: {  	_ =	shalt  }
0x83: {  	_ =	shalt  }
0x84: {  	_ =	shalt  }
0x85: {  	_ =	shalt  }
0x86: {  	_ =	shalt  }
0x87: {  	_ =	shalt  }
.Lfunc_end0:
.L_simem_size_0:
called_computation_lowered:
.L_overlay_start_0:
0x88: {  	s2 =	sld [smem:$0x3FD9]  }
0x89: {  	s3 =	sld [smem:$0x3FFE];
	_ =	sdelay $0x1  }
0x8a: {  	s1 =	srdreg.scid  }
0x8b: {  	s0 =	sand.u32 $0x1, s1  }
0x8c: {  	s18 =	sshll.u32 s0, $0xA;
	s2 =	sadd.s32 s3, s2  }
0x8d: {  	s2 =	sadd.s32 s2, s18  }
0x8e: {  	[smem:$0x3FC7] =	sst s2  }
0x8f: {  	_ = 	snop  }
0x90: {  	s2 =	sld [smem:$0x3FC9]  }
0x91: {  	s19 =	sld [smem:$0x3FD0];
	(tm) =	ssettm $0x1  }
0x92: {  	s4 =	sld [smem:$0x3FFB];
	_ =	sdelay $0x3  }
0x93: {  	_ =	strace s4  }
0x94: {  	s4 =	sld [smem:$0x3FFC];
	_ =	sdelay $0x3  }
0x95: {  	_ =	strace s4  }
0x96: {  	s4 =	sld [smem:$0x3FFD];
	_ =	sdelay $0x3  }
0x97: {  	_ =	strace s4  }
0x98: {  	_ =	strace $0x8FFFFFFF  }
0x99: {  	s20 =	sld [smem:$0x3FDB];
	_ =	sdelay $0x1  }
0x9a: {  	s5 =	simm.s32 $_scs_section_size  }
0x9b: {  	s6 =	simm.s32 $_size__tile_overlayer_lowered;
	s7 =	simm.s32 $_tile_overlayer_lowered  }
0x9c: {  	s23 =	simm.s32 $0x1BFF;
	s22 =	sshll.u32 s7, $0x1;
	s4 =	sadd.s32 s5, s20  }
0x9d: {  	s8 =	simm.s32 $0x0;
	s21 =	sshll.u32 s6, $0x1;
	s6 =	sadd.s32 s22, s4  }
0x9e: {  	[timem:s8], [sflag:s23] =	dma.local [hbm:s6], s21  }
0x9f: {  	_ =	swait.ge [sflag:s23], s21  }
0xa0: {  	s5 =	ssub.s32 $0x0, s21;
	[sflag:s23] =	ssyncset.done $0x0  }
0xa1: {  	[sflag:s23] =	ssyncadd.s32 s5;
	_ =	sdelay $0x1  }
0xa2: {  	s24 =	simm.s32 $0x1B8B  }
0xa3: {  	_ =	swait.ge [sflag:s24], $0x1  }
0xa4: {  	[sflag:s24] =	ssyncset.done $0x0  }
0xa5: {  	s25 =	simm.s32 $0x1B8E;
	[sflag:s24] =	ssyncadd.s32 $0xFFFFFFFF  }
0xa6: {  	s26 =	simm.s32 $execute0_lowered;
	[smem:$0x3FD2] =	sst s25  }
0xa7: {  	s5 =	sshll.u32 s26, $0x1;
	_ =	strace $0x80000046;
	[dreg:$0x1] =	wrdreg $0xFFFFFFFF  }
0xa8: {  	s28 =	simm.s32 $_size_execute0_lowered;
	s4 =	sadd.s32 s4, s5;
	[dreg:$0x0] =	wrdreg $0x0  }
0xa9: {  	s5 =	sshll.u32 s28, $0x1;
	[dreg:$0x2] =	wrdreg s4  }
0xaa: {  	[dreg:$0x3] =	wrdreg s5  }
0xab: {  	[dreg:$0x4] =	wrdreg $0xC0  }
0xac: {  	_ =	task [dreg:s8], $0x5FFFF  }
0xad: {  	[dreg:$0x1] =	wrdreg $0xFFFFFFFF  }
0xae: {  	[dreg:$0x0] =	wrdreg $0x60  }
0xaf: {  	[dreg:$0x2] =	wrdreg s2  }
0xb0: {  	[dreg:$0x3] =	wrdreg s19  }
0xb1: {  	[dreg:$0x4] =	wrdreg $0x9  }
0xb2: {  	_ =	task.clear_ibuf [dreg:s8], $0x5FFFF;
	_ =	strace $0x90000046  }
0xb3: {  	s29 =	simm.s32 $0x9;
	_ =	strace $0x80000048  }
0xb4: {  	_ =	swait.ge [sflag:s29], $0x1  }
0xb5: {  	[sflag:s29] =	ssyncadd.s32 $0xFFFFFFFF  }
0xb6: {  	_ =	strace $0x90000048  }
0xb7: {  	_ =	sfence  }
0xb8: {  	s30 =	sld [smem:$0x0];
	_ =	sdelay $0x2  }
0xb9: {  	s31 =	sshll.u32 s1, $0xD;
	s1 =	sshrl.u32 s1, $0x2  }
0xba: {  	s3 =	sand.u32 $0x4000, s31;
	s1 =	sadd.s32 s1, s30  }
0xbb: {  	s0 =	sor.u32 s3, s0;
	s1 =	sshll.u32 s1, $0x11  }
0xbc: {  	s0 =	sor.u32 s1, s0  }
0xbd: {  	s0 =	sadd.s32 $0x8F2B, s0  }
0xbe: {  	[sflag:s0] =	ssyncadd.remote.s32 $0x1  }
0xbf: {  	_ =	sfence.sel $0xFFFF  }
0xc0: {  	[dreg:$0x0] =	wrdreg $0xFFFFFFFF;
	(pc) =	sbr.abs _section_cstart, $3  }
0xc1: {  	[dreg:$0x1] =	wrdreg $0xFFFFFFFF  }
0xc2: {  	_ =	task.clear_ibuf [dreg:s8], $0x2FFFF;
	_ =	strace $0x9FFFFFFF  }
0xc3: {  	(tm) =	ssettm $0x7FFFFFFF  }
tec
execute0_lowered:
.L_overlay_start_1:
0x0: {  	(tag) =	ssettag $0x1  }
0x1: {  	v0 =	vlaneseq.u32  }
0x2: {  	v1 =	vmul.u32 $0x10, v0;
	_ =	sdelay $0x1  }
0x3: {  	v4 =	vor.u32 $0x4, v1  }
0x4: {  	v2 =	vimm.f32 $0.0e+00;
	[tilespmem:$0x1FEB0] =	vst v4;
	v4 =	vor.u32 $0x5, v1  }
0x5: {  	v3 =	vimm.f32 $1.000000000e+00;
	vm0 =	vmmov $0x3;
	[tilespmem:$0x1FEC0] =	vst v4;
	v4 =	vor.u32 $0x6, v1  }
0x6: {  	s0 =	rddreg [dreg:$0x0];
	v22 =	vor.u32 $0x1, v1;
	v23 =	vor.u32 $0x2, v1;
	[tilespmem:$0x1FED0] =	vst v4;
	v4 =	vor.u32 $0x7, v1  }
0x7: {  	s1 =	rddreg [dreg:$0x1];
	v24 =	vor.u32 $0x3, v1;
	v28 =	vor.u32 $0x109, v1;
	[tilespmem:$0x1FEE0] =	vst v4;
	v4 =	vor.u32 $0x8, v1  }
0x8: {  	s2 =	srdreg.scid;
	s4 =	stileid.u32;
	s24 =	simm.s32 $0x0;
	v29 =	vor.u32 $0x10A, v1;
	v30 =	vor.u32 $0x10B, v1;
	[tilespmem:$0x1FEF0] =	vst v4;
	v4 =	vor.u32 $0x9, v1  }
0x9: {  	s23 =	simm.s32 $0x1;
	s28 =	simm.s32 $0x3;
	[smem:$0x7FF] =	sst s24;
	v31 =	vor.u32 $0x10C, v1;
	v32 =	vor.u32 $0x10D, v1;
	[tilespmem:$0x1FF00] =	vst v4;
	v4 =	vor.u32 $0xA, v1  }
0xa: {  	s29 =	simm.s32 $0x0;
	s13 =	sadd.s32 $0x1000, s0;
	s14 =	sadd.s32 $0x2000, s0;
	v33 =	vor.u32 $0x10E, v1;
	v34 =	vor.u32 $0x10F, v1;
	[tilespmem:$0x1FF10] =	vst v4;
	v4 =	vor.u32 $0xB, v1  }
0xb: {  	s3 =	sand.u32 $0x1, s2;
	s15 =	sadd.s32 $0x3000, s0;
	s16 =	sadd.s32 $0x4000, s0;
	v35 =	vor.u32 $0x200, v1;
	v36 =	vor.u32 $0x201, v1;
	[tilespmem:$0x1FF20] =	vst v4;
	v4 =	vor.u32 $0xC, v1  }
0xc: {  	s4 =	sshll.u32 s4, $0x1;
	s17 =	sadd.s32 $0x5000, s0;
	s18 =	sadd.s32 $0x6000, s0;
	v37 =	vor.u32 $0x202, v1;
	v38 =	vor.u32 $0x203, v1;
	[tilespmem:$0x1FF30] =	vst v4;
	v4 =	vor.u32 $0xD, v1  }
0xd: {  	s19 =	sadd.s32 $0x7000, s0;
	s5 =	ssub.s32 $0x2, s3;
	s10 =	sor.u32 s3, s4;
	v39 =	vor.u32 $0x204, v1;
	v40 =	vor.u32 $0x205, v1;
	[tilespmem:$0x1FF40] =	vst v4;
	v4 =	vor.u32 $0xE, v1  }
0xe: {  	s24 =	simm.s32 $0x10000;
	s25 =	sshrl.u32 s5, $0x1;
	s11 =	sshll.u32 s10, $0x10;
	v41 =	vor.u32 $0x206, v1;
	v42 =	vor.u32 $0x207, v1;
	[tilespmem:$0x1FF50] =	vst v4;
	v4 =	vor.u32 $0xF, v1  }
0xf: {  	s12 =	sshll.u32 s10, $0x4;
	s20 =	sshllo.u32 s10, $0x1;
	v43 =	vor.u32 $0x208, v1;
	v44 =	vor.u32 $0x209, v1;
	s21 =	ssub.s32 s5, s25;
	[tilespmem:$0x1FF60] =	vst v4;
	v4 =	vor.u32 $0x100, v1  }
0x10: {  	v45 =	vor.u32 $0x20A, v1;
	v46 =	vor.u32 $0x20B, v1;
	s26 =	sadd.s32 s0, s11;
	s30 =	sadd.s32 s11, s13;
	s5 =	sadd.s32 s11, s14;
	[tilespmem:$0x1FF70] =	vst v4;
	v4 =	vor.u32 $0x101, v1  }
0x11: {  	v47 =	vor.u32 $0x20C, v1;
	v48 =	vor.u32 $0x20D, v1;
	s6 =	sadd.s32 s11, s15;
	s7 =	sadd.s32 s11, s16;
	s8 =	sadd.s32 s11, s17;
	[tilespmem:$0x1FF80] =	vst v4;
	v4 =	vor.u32 $0x102, v1  }
0x12: {  	v49 =	vor.u32 $0x20E, v1;
	v50 =	vor.u32 $0x20F, v1;
	s9 =	sadd.s32 s11, s18;
	s10 =	sadd.s32 s11, s19;
	s11 =	sadd.s32 s1, s12;
	[tilespmem:$0x1FF90] =	vst v4;
	v4 =	vor.u32 $0x103, v1  }
0x13: {  	v51 =	vor.u32 $0x300, v1;
	v52 =	vor.u32 $0x301, v1;
	s22 =	sshll.u32 s20, $0xF;
	s31 =	sshll.u32 s20, $0x3;
	s25 =	simm.s32 $0x2;
	[tilespmem:$0x1FFA0] =	vst v4;
	v4 =	vor.u32 $0x104, v1  }
0x14: {  	v53 =	vor.u32 $0x302, v1;
	v54 =	vor.u32 $0x303, v1;
	s12 =	sadd.s32 s0, s22;
	s13 =	sadd.s32 s22, s13;
	s14 =	sadd.s32 s22, s14;
	[tilespmem:$0x1FFB0] =	vst v4;
	v4 =	vor.u32 $0x105, v1  }
0x15: {  	v55 =	vor.u32 $0x304, v1;
	v56 =	vor.u32 $0x305, v1;
	s15 =	sadd.s32 s22, s15;
	s16 =	sadd.s32 s22, s16;
	s17 =	sadd.s32 s22, s17;
	[tilespmem:$0x1FFC0] =	vst v4;
	v4 =	vor.u32 $0x106, v1  }
0x16: {  	v57 =	vor.u32 $0x306, v1;
	v58 =	vor.u32 $0x307, v1;
	s18 =	sadd.s32 s22, s18;
	s19 =	sadd.s32 s22, s19;
	s20 =	sadd.s32 s1, s31;
	[tilespmem:$0x1FFD0] =	vst v4;
	v4 =	vor.u32 $0x107, v1  }
0x17: {  	v59 =	vor.u32 $0x308, v1;
	v60 =	vor.u32 $0x309, v1;
	s21 =	smax.u32 s21, $0x1;
	_ =	strace $0x80000047;
	[dreg:$0x3] =	wrdreg s26;
	[tilespmem:$0x1FFE0] =	vst v4;
	v4 =	vor.u32 $0x108, v1  }
0x18: {  	v61 =	vor.u32 $0x30A, v1;
	v62 =	vor.u32 $0x30B, v1;
	v63 =	vor.u32 $0x30C, v1;
	s22 =	simm.s32 $0x8000;
	[dreg:$0x4] =	wrdreg s30;
	s26 =	simm.s32 $0x10400;
	[tilespmem:$0x1FFF0] =	vst v4  }
.LBB2_1:
0x19: {  	s0 =	simm.s32 $0x40;
	s1 =	simm.s32 $0x0  }
.LBB2_2:
0x1a: {  	p0 =	sne.s32 s0, $0xFC0;
	[tilespmem:s1+$0x10000] =	vst v2;
	s1 =	smov.u32 s0;
	s0 =	sadd.s32 $0x40, s0  }
.Ltmp0:
0x1b: {  	(pc) =	sbr.rel @p0 .LBB2_2-.Ltmp0, $2  }
0x1c: {  	_ =	sdelay $0x2  }
0x1d: {  	s1 =	sshra.s32 s1, $0x2  }
0x1e: {  	[tilespmem:s1+$0x10000] =	vst v2;
	s0 =	simm.s32 $0x0;
	s3 =	rddreg [dreg:$0x3]  }
0x1f: {  	[tilespmem:s0], [sflag:$0x1] =	stream.linear.gather [hbm4b:s3+s0], $0x8000, $0x38;
	[tilespmem:$0x10480] =	vst v63  }
0x20: {  	s4 =	rddreg [dreg:$0x4]  }
0x21: {  	[tilespmem:s22], [sflag:$0x2] =	stream.linear.gather [hbm4b:s4+s0], $0x8000, $0x38;
	[tilespmem:$0x10480] =	vst v63  }
0x22: {  	s2 =	sand.u32 $0x7000, s0;
	s30 =	sand.u32 $0xC00, s0;
	_ =	swait.ge [sflag:s23], $0x8000  }
0x23: {  	s1 =	sor.u32 s30, s2;
	s0 =	sand.u32 $0x380, s0;
	[sflag:s23] =	ssyncset.done $0x0  }
0x24: {  	s0 =	sor.u32 s0, s1;
	[sflag:s23] =	ssyncadd.s32 $0xFFFF8000  }
0x25: {  	v4 =	vld [tilespmem:s0+$0x70]  }
0x26: {  	v5 =	vld [tilespmem:s0+$0x0]  }
0x27: {  	v6 =	vld [tilespmem:s0+$0x10]  }
0x28: {  	v7 =	vld [tilespmem:s0+$0x20]  }
0x29: {  	v8 =	vld [tilespmem:s0+$0x30]  }
0x2a: {  	v9 =	vld [tilespmem:s0+$0x40]  }
0x2b: {  	v10 =	vld [tilespmem:s0+$0x50]  }
0x2c: {  	v11 =	vld [tilespmem:s0+$0x60]  }
0x2d: {  	v4 =	vmul.f32 $5.000000000e+01, v4;
	v5 =	vmul.f32 $5.000000000e+01, v5  }
0x2e: {  	v6 =	vmul.f32 $5.000000000e+01, v6;
	v7 =	vmul.f32 $5.000000000e+01, v7  }
0x2f: {  	v8 =	vmul.f32 $5.000000000e+01, v8;
	v4 =	vtrunc.f32 v4  }
0x30: {  	s3 =	simm.s32 $0x400;
	s4 =	simm.s32 $0x80;
	v9 =	vmul.f32 $5.000000000e+01, v9;
	v4 =	vcvt.f32.s32 v4  }
0x31: {  	s30 =	simm.s32 $0x20;
	s1 =	sand.u32 $0x7000, s4;
	s0 =	sand.u32 $0xC00, s3;
	v10 =	vmul.f32 $5.000000000e+01, v10;
	v11 =	vmul.f32 $5.000000000e+01, v11  }
0x32: {  	s31 =	sand.u32 $0x380, s30;
	s0 =	sor.u32 s0, s1;
	v5 =	vtrunc.f32 v5;
	v6 =	vtrunc.f32 v6;
	v4 =	vshll.u32 v4, $0x4  }
0x33: {  	s0 =	sor.u32 s31, s0;
	v7 =	vtrunc.f32 v7;
	v8 =	vtrunc.f32 v8;
	v4 =	vor.u32 v0, v4  }
0x34: {  	v14 =	vld [tilespmem:s0+$0x20];
	v9 =	vtrunc.f32 v9;
	v10 =	vtrunc.f32 v10  }
0x35: {  	v11 =	vtrunc.f32 v11;
	v5 =	vcvt.f32.s32 v5  }
0x36: {  	v12 =	vld [tilespmem:s0+$0x70];
	v6 =	vcvt.f32.s32 v6;
	v9 =	vcvt.f32.s32 v9  }
0x37: {  	v13 =	vld [tilespmem:s0+$0x10];
	v10 =	vcvt.f32.s32 v10;
	v11 =	vcvt.f32.s32 v11  }
0x38: {  	v5 =	vshll.u32 v5, $0x4;
	[tilespmem:v4+s24+$0x0] =	vst.idx.add.f32.msk $0xffff, v3;
	v4 =	vcvt.f32.s32 v7;
	v7 =	vcvt.f32.s32 v8  }
0x39: {  	v19 =	vld [tilespmem:s0+$0x40];
	v14 =	vmul.f32 $5.000000000e+01, v14;
	v6 =	vshll.u32 v6, $0x4;
	v15 =	vor.u32 v0, v5  }
0x3a: {  	v16 =	vor.u32 v0, v6;
	v8 =	vld [tilespmem:s0+$0x0];
	v4 =	vshll.u32 v4, $0x4;
	v5 =	vshll.u32 v7, $0x4  }
0x3b: {  	v7 =	vshll.u32 v9, $0x4;
	v9 =	vld [tilespmem:s0+$0x30];
	v18 =	vor.u32 v0, v4;
	v4 =	vmul.f32 $5.000000000e+01, v12  }
0x3c: {  	v21 =	vld [tilespmem:s0+$0x50];
	v17 =	vshll.u32 v10, $0x4;
	v11 =	vshll.u32 v11, $0x4;
	v20 =	vor.u32 v0, v5  }
0x3d: {  	v10 =	vld [tilespmem:s0+$0x60];
	v6 =	vor.u32 v0, v7;
	v7 =	vmul.f32 $5.000000000e+01, v13;
	v4 =	vtrunc.f32 v4  }
0x3e: {  	[tilespmem:v15+s24+$0x0] =	vst.idx.add.f32.msk $0xffff, v3;
	v5 =	vor.u32 v0, v17;
	v12 =	vmul.f32 $5.000000000e+01, v19;
	v17 =	vcvt.f32.s32 v4  }
0x3f: {  	[tilespmem:v16+s24+$0x0] =	vst.idx.add.f32.msk $0xffff, v3;
	v8 =	vmul.f32 $5.000000000e+01, v8;
	v4 =	vor.u32 v0, v11;
	v11 =	vtrunc.f32 v14  }
0x40: {  	v13 =	vmul.f32 $5.000000000e+01, v9;
	v9 =	vtrunc.f32 v7;
	v7 =	vshll.u32 v17, $0x4;
	[tilespmem:v18+s24+$0x0] =	vst.idx.add.f32.msk $0xffff, v3  }
0x41: {  	s1 =	simm.s32 $0x800;
	s31 =	simm.s32 $0x8;
	s0 =	simm.s32 $0x100;
	v14 =	vmul.f32 $5.000000000e+01, v21;
	v8 =	vtrunc.f32 v8;
	[tilespmem:v20+s24+$0x0] =	vst.idx.add.f32.msk $0xffff, v3;
	v7 =	vor.u32 v0, v7  }
.LBB2_4:
0x42: {  	s2 =	sand.u32 $0x7000, s0;
	s3 =	sand.u32 $0xC00, s1;
	v13 =	vtrunc.f32 v13;
	v10 =	vmul.f32 $5.000000000e+01, v10;
	s30 =	sadd.s32 $0x20, s30;
	[tilespmem:v6+s24+$0x0] =	vst.idx.add.f32.msk $0xffff, v3  }
0x43: {  	s31 =	sadd.s32 $0x8, s31;
	v6 =	vtrunc.f32 v12;
	s4 =	sand.u32 $0x380, s30;
	s2 =	sor.u32 s3, s2;
	v12 =	vtrunc.f32 v14;
	[tilespmem:v5+s24+$0x0] =	vst.idx.add.f32.msk $0xffff, v3  }
0x44: {  	p0 =	slt.u32 s31, $0x7F8;
	v5 =	vcvt.f32.s32 v8;
	s2 =	sor.u32 s4, s2;
	v8 =	vtrunc.f32 v10;
	[tilespmem:v4+s24+$0x0] =	vst.idx.add.f32.msk $0xffff, v3  }
0x45: {  	v9 =	vcvt.f32.s32 v9;
	v10 =	vcvt.f32.s32 v11;
	v4 =	vld [tilespmem:s2+$0x70]  }
0x46: {  	v6 =	vcvt.f32.s32 v6;
	v11 =	vcvt.f32.s32 v13;
	v5 =	vshll.u32 v5, $0x4;
	[tilespmem:v7+s24+$0x0] =	vst.idx.add.f32.msk $0xffff, v3  }
0x47: {  	v9 =	vshll.u32 v9, $0x4;
	v12 =	vcvt.f32.s32 v12;
	v8 =	vcvt.f32.s32 v8;
	v7 =	vld [tilespmem:s2+$0x0]  }
0x48: {  	v6 =	vshll.u32 v6, $0x4;
	v10 =	vshll.u32 v10, $0x4;
	v11 =	vshll.u32 v11, $0x4;
	v13 =	vld [tilespmem:s2+$0x10]  }
0x49: {  	v15 =	vor.u32 v0, v5;
	v5 =	vshll.u32 v12, $0x4;
	v8 =	vshll.u32 v8, $0x4;
	v14 =	vld [tilespmem:s2+$0x20]  }
0x4a: {  	v9 =	vor.u32 v0, v9;
	v16 =	vor.u32 v0, v10;
	v17 =	vor.u32 v0, v11;
	v12 =	vld [tilespmem:s2+$0x30]  }
0x4b: {  	v6 =	vor.u32 v0, v6;
	v5 =	vor.u32 v0, v5;
	v18 =	vmul.f32 $5.000000000e+01, v4;
	v11 =	vld [tilespmem:s2+$0x40]  }
0x4c: {  	v4 =	vor.u32 v0, v8;
	v7 =	vmul.f32 $5.000000000e+01, v7;
	v19 =	vld [tilespmem:s2+$0x50]  }
.Ltmp1:
0x4d: {  	v8 =	vtrunc.f32 v18;
	v20 =	vmul.f32 $5.000000000e+01, v13;
	v10 =	vld [tilespmem:s2+$0x60];
	(pc) =	sbr.rel @p0 .LBB2_4-.Ltmp1, $4  }
0x4e: {  	v18 =	vcvt.f32.s32 v8;
	v14 =	vmul.f32 $5.000000000e+01, v14;
	[tilespmem:v15+s24+$0x0] =	vst.idx.add.f32.msk $0xffff, v3  }
0x4f: {  	v8 =	vtrunc.f32 v7;
	v13 =	vmul.f32 $5.000000000e+01, v12;
	[tilespmem:v9+s24+$0x0] =	vst.idx.add.f32.msk $0xffff, v3  }
0x50: {  	v9 =	vtrunc.f32 v20;
	v7 =	vshll.u32 v18, $0x4;
	v12 =	vmul.f32 $5.000000000e+01, v11;
	[tilespmem:v16+s24+$0x0] =	vst.idx.add.f32.msk $0xffff, v3  }
0x51: {  	s1 =	sadd.s32 $0x400, s1;
	s0 =	sadd.s32 $0x80, s0;
	v11 =	vtrunc.f32 v14;
	v7 =	vor.u32 v0, v7;
	v14 =	vmul.f32 $5.000000000e+01, v19;
	[tilespmem:v17+s24+$0x0] =	vst.idx.add.f32.msk $0xffff, v3  }
0x52: {  	v13 =	vtrunc.f32 v13;
	v10 =	vmul.f32 $5.000000000e+01, v10  }
0x53: {  	v12 =	vtrunc.f32 v12;
	v8 =	vcvt.f32.s32 v8  }
0x54: {  	v9 =	vcvt.f32.s32 v9;
	v11 =	vcvt.f32.s32 v11  }
0x55: {  	v14 =	vtrunc.f32 v14;
	v13 =	vcvt.f32.s32 v13;
	v8 =	vshll.u32 v8, $0x4  }
0x56: {  	[tilespmem:v6+s24+$0x0] =	vst.idx.add.f32.msk $0xffff, v3;
	v6 =	vcvt.f32.s32 v12;
	v9 =	vshll.u32 v9, $0x4;
	v8 =	vor.u32 v0, v8  }
0x57: {  	v10 =	vtrunc.f32 v10;
	v11 =	vshll.u32 v11, $0x4;
	v9 =	vor.u32 v0, v9  }
0x58: {  	[tilespmem:v5+s24+$0x0] =	vst.idx.add.f32.msk $0xffff, v3;
	v5 =	vcvt.f32.s32 v14;
	v12 =	vshll.u32 v13, $0x4;
	v11 =	vor.u32 v0, v11  }
0x59: {  	[tilespmem:v4+s24+$0x0] =	vst.idx.add.f32.msk $0xffff, v3;
	v4 =	vcvt.f32.s32 v10;
	v6 =	vshll.u32 v6, $0x4;
	v10 =	vor.u32 v0, v12  }
0x5a: {  	[tilespmem:v7+s24+$0x0] =	vst.idx.add.f32.msk $0xffff, v3;
	v5 =	vshll.u32 v5, $0x4;
	v6 =	vor.u32 v0, v6  }
0x5b: {  	v4 =	vshll.u32 v4, $0x4;
	v5 =	vor.u32 v0, v5;
	[tilespmem:v8+s24+$0x0] =	vst.idx.add.f32.msk $0xffff, v3  }
0x5c: {  	v4 =	vor.u32 v0, v4;
	[tilespmem:v9+s24+$0x0] =	vst.idx.add.f32.msk $0xffff, v3  }
0x5d: {  	[tilespmem:v11+s24+$0x0] =	vst.idx.add.f32.msk $0xffff, v3  }
0x5e: {  	[tilespmem:v10+s24+$0x0] =	vst.idx.add.f32.msk $0xffff, v3  }
0x5f: {  	[tilespmem:v6+s24+$0x0] =	vst.idx.add.f32.msk $0xffff, v3  }
0x60: {  	[tilespmem:v5+s24+$0x0] =	vst.idx.add.f32.msk $0xffff, v3  }
0x61: {  	s0 =	simm.s32 $0x0;
	[tilespmem:v4+s24+$0x0] =	vst.idx.add.f32.msk $0xffff, v3  }
0x62: {  	[tilespmem:s0], [sflag:$0x1] =	stream.linear.gather [hbm4b:s5+s0], $0x8000, $0x38;
	[tilespmem:$0x10480] =	vst v63  }
0x63: {  	s1 =	sand.u32 $0x7000, s0;
	s2 =	sand.u32 $0xC00, s0;
	_ =	swait.ge [sflag:s25], $0x8000  }
0x64: {  	s1 =	sor.u32 s2, s1;
	s0 =	sand.u32 $0x380, s0;
	[sflag:s25] =	ssyncset.done $0x0  }
0x65: {  	s0 =	sor.u32 s0, s1;
	[sflag:s25] =	ssyncadd.s32 $0xFFFF8000  }
0x66: {  	v4 =	vld [tilespmem:s0+$0x8070]  }
0x67: {  	v5 =	vld [tilespmem:s0+$0x8000]  }
0x68: {  	v6 =	vld [tilespmem:s0+$0x8010]  }
0x69: {  	v7 =	vld [tilespmem:s0+$0x8020]  }
0x6a: {  	v8 =	vld [tilespmem:s0+$0x8030]  }
0x6b: {  	v9 =	vld [tilespmem:s0+$0x8040]  }
0x6c: {  	v10 =	vld [tilespmem:s0+$0x8050]  }
0x6d: {  	v11 =	vld [tilespmem:s0+$0x8060]  }
0x6e: {  	v4 =	vmul.f32 $5.000000000e+01, v4;
	v5 =	vmul.f32 $5.000000000e+01, v5  }
0x6f: {  	v6 =	vmul.f32 $5.000000000e+01, v6;
	v7 =	vmul.f32 $5.000000000e+01, v7  }
0x70: {  	v8 =	vmul.f32 $5.000000000e+01, v8;
	v4 =	vtrunc.f32 v4  }
0x71: {  	s3 =	simm.s32 $0x80;
	s2 =	simm.s32 $0x400;
	v9 =	vmul.f32 $5.000000000e+01, v9;
	v4 =	vcvt.f32.s32 v4  }
0x72: {  	s30 =	simm.s32 $0x20;
	s1 =	sand.u32 $0x7000, s3;
	s0 =	sand.u32 $0xC00, s2;
	v10 =	vmul.f32 $5.000000000e+01, v10;
	v11 =	vmul.f32 $5.000000000e+01, v11  }
0x73: {  	s4 =	sand.u32 $0x380, s30;
	s0 =	sor.u32 s0, s1;
	v5 =	vtrunc.f32 v5;
	v6 =	vtrunc.f32 v6;
	v4 =	vshll.u32 v4, $0x4  }
0x74: {  	s0 =	sor.u32 s4, s0;
	v7 =	vtrunc.f32 v7;
	v8 =	vtrunc.f32 v8;
	v4 =	vor.u32 v0, v4  }
0x75: {  	v14 =	vld [tilespmem:s0+$0x8020];
	v9 =	vtrunc.f32 v9;
	v10 =	vtrunc.f32 v10  }
0x76: {  	v11 =	vtrunc.f32 v11;
	v5 =	vcvt.f32.s32 v5  }
0x77: {  	v12 =	vld [tilespmem:s0+$0x8070];
	v6 =	vcvt.f32.s32 v6;
	v9 =	vcvt.f32.s32 v9  }
0x78: {  	v13 =	vld [tilespmem:s0+$0x8010];
	v10 =	vcvt.f32.s32 v10;
	v11 =	vcvt.f32.s32 v11  }
0x79: {  	v5 =	vshll.u32 v5, $0x4;
	[tilespmem:v4+s24+$0x0] =	vst.idx.add.f32.msk $0xffff, v3;
	v4 =	vcvt.f32.s32 v7;
	v7 =	vcvt.f32.s32 v8  }
0x7a: {  	v19 =	vld [tilespmem:s0+$0x8040];
	v14 =	vmul.f32 $5.000000000e+01, v14;
	v6 =	vshll.u32 v6, $0x4;
	v15 =	vor.u32 v0, v5  }
0x7b: {  	v16 =	vor.u32 v0, v6;
	v8 =	vld [tilespmem:s0+$0x8000];
	v4 =	vshll.u32 v4, $0x4;
	v5 =	vshll.u32 v7, $0x4  }
0x7c: {  	v7 =	vshll.u32 v9, $0x4;
	v9 =	vld [tilespmem:s0+$0x8030];
	v18 =	vor.u32 v0, v4;
	v4 =	vmul.f32 $5.000000000e+01, v12  }
0x7d: {  	v21 =	vld [tilespmem:s0+$0x8050];
	v17 =	vshll.u32 v10, $0x4;
	v11 =	vshll.u32 v11, $0x4;
	v20 =	vor.u32 v0, v5  }
0x7e: {  	v10 =	vld [tilespmem:s0+$0x8060];
	v6 =	vor.u32 v0, v7;
	v7 =	vmul.f32 $5.000000000e+01, v13;
	v4 =	vtrunc.f32 v4  }
0x7f: {  	[tilespmem:v15+s24+$0x0] =	vst.idx.add.f32.msk $0xffff, v3;
	v5 =	vor.u32 v0, v17;
	v12 =	vmul.f32 $5.000000000e+01, v19;
	v17 =	vcvt.f32.s32 v4  }
0x80: {  	[tilespmem:v16+s24+$0x0] =	vst.idx.add.f32.msk $0xffff, v3;
	v8 =	vmul.f32 $5.000000000e+01, v8;
	v4 =	vor.u32 v0, v11;
	v11 =	vtrunc.f32 v14  }
0x81: {  	v13 =	vmul.f32 $5.000000000e+01, v9;
	v9 =	vtrunc.f32 v7;
	v7 =	vshll.u32 v17, $0x4;
	[tilespmem:v18+s24+$0x0] =	vst.idx.add.f32.msk $0xffff, v3  }
0x82: {  	s31 =	simm.s32 $0x8;
	s1 =	simm.s32 $0x800;
	s0 =	simm.s32 $0x100;
	v14 =	vmul.f32 $5.000000000e+01, v21;
	v8 =	vtrunc.f32 v8;
	[tilespmem:v20+s24+$0x0] =	vst.idx.add.f32.msk $0xffff, v3;
	v7 =	vor.u32 v0, v7  }
.LBB2_6:
0x83: {  	s2 =	sand.u32 $0x7000, s0;
	s3 =	sand.u32 $0xC00, s1;
	v13 =	vtrunc.f32 v13;
	v10 =	vmul.f32 $5.000000000e+01, v10;
	s30 =	sadd.s32 $0x20, s30;
	[tilespmem:v6+s24+$0x0] =	vst.idx.add.f32.msk $0xffff, v3  }
0x84: {  	s31 =	sadd.s32 $0x8, s31;
	v6 =	vtrunc.f32 v12;
	s4 =	sand.u32 $0x380, s30;
	s2 =	sor.u32 s3, s2;
	v12 =	vtrunc.f32 v14;
	[tilespmem:v5+s24+$0x0] =	vst.idx.add.f32.msk $0xffff, v3  }
0x85: {  	p0 =	slt.u32 s31, $0x7F8;
	v5 =	vcvt.f32.s32 v8;
	s2 =	sor.u32 s4, s2;
	v8 =	vtrunc.f32 v10;
	[tilespmem:v4+s24+$0x0] =	vst.idx.add.f32.msk $0xffff, v3  }
0x86: {  	v9 =	vcvt.f32.s32 v9;
	v10 =	vcvt.f32.s32 v11;
	v4 =	vld [tilespmem:s2+$0x8070]  }
0x87: {  	v6 =	vcvt.f32.s32 v6;
	v11 =	vcvt.f32.s32 v13;
	v5 =	vshll.u32 v5, $0x4;
	[tilespmem:v7+s24+$0x0] =	vst.idx.add.f32.msk $0xffff, v3  }
0x88: {  	v9 =	vshll.u32 v9, $0x4;
	v12 =	vcvt.f32.s32 v12;
	v8 =	vcvt.f32.s32 v8;
	v7 =	vld [tilespmem:s2+$0x8000]  }
0x89: {  	v6 =	vshll.u32 v6, $0x4;
	v10 =	vshll.u32 v10, $0x4;
	v11 =	vshll.u32 v11, $0x4;
	v13 =	vld [tilespmem:s2+$0x8010]  }
0x8a: {  	v15 =	vor.u32 v0, v5;
	v5 =	vshll.u32 v12, $0x4;
	v8 =	vshll.u32 v8, $0x4;
	v14 =	vld [tilespmem:s2+$0x8020]  }
0x8b: {  	v9 =	vor.u32 v0, v9;
	v16 =	vor.u32 v0, v10;
	v17 =	vor.u32 v0, v11;
	v12 =	vld [tilespmem:s2+$0x8030]  }
0x8c: {  	v6 =	vor.u32 v0, v6;
	v5 =	vor.u32 v0, v5;
	v18 =	vmul.f32 $5.000000000e+01, v4;
	v11 =	vld [tilespmem:s2+$0x8040]  }
0x8d: {  	v4 =	vor.u32 v0, v8;
	v7 =	vmul.f32 $5.000000000e+01, v7;
	v19 =	vld [tilespmem:s2+$0x8050]  }
.Ltmp2:
0x8e: {  	v8 =	vtrunc.f32 v18;
	v20 =	vmul.f32 $5.000000000e+01, v13;
	v10 =	vld [tilespmem:s2+$0x8060];
	(pc) =	sbr.rel @p0 .LBB2_6-.Ltmp2, $4  }
0x8f: {  	v18 =	vcvt.f32.s32 v8;
	v14 =	vmul.f32 $5.000000000e+01, v14;
	[tilespmem:v15+s24+$0x0] =	vst.idx.add.f32.msk $0xffff, v3  }
0x90: {  	v8 =	vtrunc.f32 v7;
	v13 =	vmul.f32 $5.000000000e+01, v12;
	[tilespmem:v9+s24+$0x0] =	vst.idx.add.f32.msk $0xffff, v3  }
0x91: {  	v9 =	vtrunc.f32 v20;
	v7 =	vshll.u32 v18, $0x4;
	v12 =	vmul.f32 $5.000000000e+01, v11;
	[tilespmem:v16+s24+$0x0] =	vst.idx.add.f32.msk $0xffff, v3  }
0x92: {  	s1 =	sadd.s32 $0x400, s1;
	s0 =	sadd.s32 $0x80, s0;
	v11 =	vtrunc.f32 v14;
	v7 =	vor.u32 v0, v7;
	v14 =	vmul.f32 $5.000000000e+01, v19;
	[tilespmem:v17+s24+$0x0] =	vst.idx.add.f32.msk $0xffff, v3  }
0x93: {  	v13 =	vtrunc.f32 v13;
	v10 =	vmul.f32 $5.000000000e+01, v10  }
0x94: {  	v12 =	vtrunc.f32 v12;
	v8 =	vcvt.f32.s32 v8  }
0x95: {  	v9 =	vcvt.f32.s32 v9;
	v11 =	vcvt.f32.s32 v11  }
0x96: {  	v14 =	vtrunc.f32 v14;
	v13 =	vcvt.f32.s32 v13;
	v8 =	vshll.u32 v8, $0x4  }
0x97: {  	[tilespmem:v6+s24+$0x0] =	vst.idx.add.f32.msk $0xffff, v3;
	v6 =	vcvt.f32.s32 v12;
	v9 =	vshll.u32 v9, $0x4;
	v8 =	vor.u32 v0, v8  }
0x98: {  	v10 =	vtrunc.f32 v10;
	v11 =	vshll.u32 v11, $0x4;
	v9 =	vor.u32 v0, v9  }
0x99: {  	[tilespmem:v5+s24+$0x0] =	vst.idx.add.f32.msk $0xffff, v3;
	v5 =	vcvt.f32.s32 v14;
	v12 =	vshll.u32 v13, $0x4;
	v11 =	vor.u32 v0, v11  }
0x9a: {  	[tilespmem:v4+s24+$0x0] =	vst.idx.add.f32.msk $0xffff, v3;
	v4 =	vcvt.f32.s32 v10;
	v6 =	vshll.u32 v6, $0x4;
	v10 =	vor.u32 v0, v12  }
0x9b: {  	[tilespmem:v7+s24+$0x0] =	vst.idx.add.f32.msk $0xffff, v3;
	v5 =	vshll.u32 v5, $0x4;
	v6 =	vor.u32 v0, v6  }
0x9c: {  	v4 =	vshll.u32 v4, $0x4;
	v5 =	vor.u32 v0, v5;
	[tilespmem:v8+s24+$0x0] =	vst.idx.add.f32.msk $0xffff, v3  }
0x9d: {  	v4 =	vor.u32 v0, v4;
	[tilespmem:v9+s24+$0x0] =	vst.idx.add.f32.msk $0xffff, v3  }
0x9e: {  	[tilespmem:v11+s24+$0x0] =	vst.idx.add.f32.msk $0xffff, v3  }
0x9f: {  	[tilespmem:v10+s24+$0x0] =	vst.idx.add.f32.msk $0xffff, v3  }
0xa0: {  	[tilespmem:v6+s24+$0x0] =	vst.idx.add.f32.msk $0xffff, v3  }
0xa1: {  	[tilespmem:v5+s24+$0x0] =	vst.idx.add.f32.msk $0xffff, v3  }
0xa2: {  	s0 =	simm.s32 $0x0;
	[tilespmem:v4+s24+$0x0] =	vst.idx.add.f32.msk $0xffff, v3  }
0xa3: {  	[tilespmem:s22], [sflag:$0x2] =	stream.linear.gather [hbm4b:s6+s0], $0x8000, $0x38;
	[tilespmem:$0x10480] =	vst v63  }
0xa4: {  	s1 =	sand.u32 $0x7000, s0;
	s2 =	sand.u32 $0xC00, s0;
	_ =	swait.ge [sflag:s23], $0x8000  }
0xa5: {  	s1 =	sor.u32 s2, s1;
	s0 =	sand.u32 $0x380, s0;
	[sflag:s23] =	ssyncset.done $0x0  }
0xa6: {  	s0 =	sor.u32 s0, s1;
	[sflag:s23] =	ssyncadd.s32 $0xFFFF8000  }
0xa7: {  	v4 =	vld [tilespmem:s0+$0x70]  }
0xa8: {  	v5 =	vld [tilespmem:s0+$0x0]  }
0xa9: {  	v6 =	vld [tilespmem:s0+$0x10]  }
0xaa: {  	v7 =	vld [tilespmem:s0+$0x20]  }
0xab: {  	v8 =	vld [tilespmem:s0+$0x30]  }
0xac: {  	v9 =	vld [tilespmem:s0+$0x40]  }
0xad: {  	v10 =	vld [tilespmem:s0+$0x50]  }
0xae: {  	v11 =	vld [tilespmem:s0+$0x60]  }
0xaf: {  	v4 =	vmul.f32 $5.000000000e+01, v4;
	v5 =	vmul.f32 $5.000000000e+01, v5  }
0xb0: {  	v6 =	vmul.f32 $5.000000000e+01, v6;
	v7 =	vmul.f32 $5.000000000e+01, v7  }
0xb1: {  	v8 =	vmul.f32 $5.000000000e+01, v8;
	v4 =	vtrunc.f32 v4  }
0xb2: {  	s3 =	simm.s32 $0x80;
	s2 =	simm.s32 $0x400;
	v9 =	vmul.f32 $5.000000000e+01, v9;
	v4 =	vcvt.f32.s32 v4  }
0xb3: {  	s30 =	simm.s32 $0x20;
	s1 =	sand.u32 $0x7000, s3;
	s0 =	sand.u32 $0xC00, s2;
	v10 =	vmul.f32 $5.000000000e+01, v10;
	v11 =	vmul.f32 $5.000000000e+01, v11  }
0xb4: {  	s4 =	sand.u32 $0x380, s30;
	s0 =	sor.u32 s0, s1;
	v5 =	vtrunc.f32 v5;
	v6 =	vtrunc.f32 v6;
	v4 =	vshll.u32 v4, $0x4  }
0xb5: {  	s0 =	sor.u32 s4, s0;
	v7 =	vtrunc.f32 v7;
	v8 =	vtrunc.f32 v8;
	v4 =	vor.u32 v0, v4  }
0xb6: {  	v14 =	vld [tilespmem:s0+$0x20];
	v9 =	vtrunc.f32 v9;
	v10 =	vtrunc.f32 v10  }
0xb7: {  	v11 =	vtrunc.f32 v11;
	v5 =	vcvt.f32.s32 v5  }
0xb8: {  	v12 =	vld [tilespmem:s0+$0x70];
	v6 =	vcvt.f32.s32 v6;
	v9 =	vcvt.f32.s32 v9  }
0xb9: {  	v13 =	vld [tilespmem:s0+$0x10];
	v10 =	vcvt.f32.s32 v10;
	v11 =	vcvt.f32.s32 v11  }
0xba: {  	v5 =	vshll.u32 v5, $0x4;
	[tilespmem:v4+s24+$0x0] =	vst.idx.add.f32.msk $0xffff, v3;
	v4 =	vcvt.f32.s32 v7;
	v7 =	vcvt.f32.s32 v8  }
0xbb: {  	v19 =	vld [tilespmem:s0+$0x40];
	v14 =	vmul.f32 $5.000000000e+01, v14;
	v6 =	vshll.u32 v6, $0x4;
	v15 =	vor.u32 v0, v5  }
0xbc: {  	v16 =	vor.u32 v0, v6;
	v8 =	vld [tilespmem:s0+$0x0];
	v4 =	vshll.u32 v4, $0x4;
	v5 =	vshll.u32 v7, $0x4  }
0xbd: {  	v7 =	vshll.u32 v9, $0x4;
	v9 =	vld [tilespmem:s0+$0x30];
	v18 =	vor.u32 v0, v4;
	v4 =	vmul.f32 $5.000000000e+01, v12  }
0xbe: {  	v21 =	vld [tilespmem:s0+$0x50];
	v17 =	vshll.u32 v10, $0x4;
	v11 =	vshll.u32 v11, $0x4;
	v20 =	vor.u32 v0, v5  }
0xbf: {  	v10 =	vld [tilespmem:s0+$0x60];
	v6 =	vor.u32 v0, v7;
	v7 =	vmul.f32 $5.000000000e+01, v13;
	v4 =	vtrunc.f32 v4  }
0xc0: {  	[tilespmem:v15+s24+$0x0] =	vst.idx.add.f32.msk $0xffff, v3;
	v5 =	vor.u32 v0, v17;
	v12 =	vmul.f32 $5.000000000e+01, v19;
	v17 =	vcvt.f32.s32 v4  }
0xc1: {  	[tilespmem:v16+s24+$0x0] =	vst.idx.add.f32.msk $0xffff, v3;
	v8 =	vmul.f32 $5.000000000e+01, v8;
	v4 =	vor.u32 v0, v11;
	v11 =	vtrunc.f32 v14  }
0xc2: {  	v13 =	vmul.f32 $5.000000000e+01, v9;
	v9 =	vtrunc.f32 v7;
	v7 =	vshll.u32 v17, $0x4;
	[tilespmem:v18+s24+$0x0] =	vst.idx.add.f32.msk $0xffff, v3  }
0xc3: {  	s31 =	simm.s32 $0x8;
	s1 =	simm.s32 $0x800;
	s0 =	simm.s32 $0x100;
	v14 =	vmul.f32 $5.000000000e+01, v21;
	v8 =	vtrunc.f32 v8;
	[tilespmem:v20+s24+$0x0] =	vst.idx.add.f32.msk $0xffff, v3;
	v7 =	vor.u32 v0, v7  }
.LBB2_8:
0xc4: {  	s2 =	sand.u32 $0x7000, s0;
	s3 =	sand.u32 $0xC00, s1;
	v13 =	vtrunc.f32 v13;
	v10 =	vmul.f32 $5.000000000e+01, v10;
	s30 =	sadd.s32 $0x20, s30;
	[tilespmem:v6+s24+$0x0] =	vst.idx.add.f32.msk $0xffff, v3  }
0xc5: {  	s31 =	sadd.s32 $0x8, s31;
	v6 =	vtrunc.f32 v12;
	s4 =	sand.u32 $0x380, s30;
	s2 =	sor.u32 s3, s2;
	v12 =	vtrunc.f32 v14;
	[tilespmem:v5+s24+$0x0] =	vst.idx.add.f32.msk $0xffff, v3  }
0xc6: {  	p0 =	slt.u32 s31, $0x7F8;
	v5 =	vcvt.f32.s32 v8;
	s2 =	sor.u32 s4, s2;
	v8 =	vtrunc.f32 v10;
	[tilespmem:v4+s24+$0x0] =	vst.idx.add.f32.msk $0xffff, v3  }
0xc7: {  	v9 =	vcvt.f32.s32 v9;
	v10 =	vcvt.f32.s32 v11;
	v4 =	vld [tilespmem:s2+$0x70]  }
0xc8: {  	v6 =	vcvt.f32.s32 v6;
	v11 =	vcvt.f32.s32 v13;
	v5 =	vshll.u32 v5, $0x4;
	[tilespmem:v7+s24+$0x0] =	vst.idx.add.f32.msk $0xffff, v3  }
0xc9: {  	v9 =	vshll.u32 v9, $0x4;
	v12 =	vcvt.f32.s32 v12;
	v8 =	vcvt.f32.s32 v8;
	v7 =	vld [tilespmem:s2+$0x0]  }
0xca: {  	v6 =	vshll.u32 v6, $0x4;
	v10 =	vshll.u32 v10, $0x4;
	v11 =	vshll.u32 v11, $0x4;
	v13 =	vld [tilespmem:s2+$0x10]  }
0xcb: {  	v15 =	vor.u32 v0, v5;
	v5 =	vshll.u32 v12, $0x4;
	v8 =	vshll.u32 v8, $0x4;
	v14 =	vld [tilespmem:s2+$0x20]  }
0xcc: {  	v9 =	vor.u32 v0, v9;
	v16 =	vor.u32 v0, v10;
	v17 =	vor.u32 v0, v11;
	v12 =	vld [tilespmem:s2+$0x30]  }
0xcd: {  	v6 =	vor.u32 v0, v6;
	v5 =	vor.u32 v0, v5;
	v18 =	vmul.f32 $5.000000000e+01, v4;
	v11 =	vld [tilespmem:s2+$0x40]  }
0xce: {  	v4 =	vor.u32 v0, v8;
	v7 =	vmul.f32 $5.000000000e+01, v7;
	v19 =	vld [tilespmem:s2+$0x50]  }
.Ltmp3:
0xcf: {  	v8 =	vtrunc.f32 v18;
	v20 =	vmul.f32 $5.000000000e+01, v13;
	v10 =	vld [tilespmem:s2+$0x60];
	(pc) =	sbr.rel @p0 .LBB2_8-.Ltmp3, $4  }
0xd0: {  	v18 =	vcvt.f32.s32 v8;
	v14 =	vmul.f32 $5.000000000e+01, v14;
	[tilespmem:v15+s24+$0x0] =	vst.idx.add.f32.msk $0xffff, v3  }
0xd1: {  	v8 =	vtrunc.f32 v7;
	v13 =	vmul.f32 $5.000000000e+01, v12;
	[tilespmem:v9+s24+$0x0] =	vst.idx.add.f32.msk $0xffff, v3  }
0xd2: {  	v9 =	vtrunc.f32 v20;
	v7 =	vshll.u32 v18, $0x4;
	v12 =	vmul.f32 $5.000000000e+01, v11;
	[tilespmem:v16+s24+$0x0] =	vst.idx.add.f32.msk $0xffff, v3  }
0xd3: {  	s1 =	sadd.s32 $0x400, s1;
	s0 =	sadd.s32 $0x80, s0;
	v11 =	vtrunc.f32 v14;
	v7 =	vor.u32 v0, v7;
	v14 =	vmul.f32 $5.000000000e+01, v19;
	[tilespmem:v17+s24+$0x0] =	vst.idx.add.f32.msk $0xffff, v3  }
0xd4: {  	v13 =	vtrunc.f32 v13;
	v10 =	vmul.f32 $5.000000000e+01, v10  }
0xd5: {  	v12 =	vtrunc.f32 v12;
	v8 =	vcvt.f32.s32 v8  }
0xd6: {  	v9 =	vcvt.f32.s32 v9;
	v11 =	vcvt.f32.s32 v11  }
0xd7: {  	v14 =	vtrunc.f32 v14;
	v13 =	vcvt.f32.s32 v13;
	v8 =	vshll.u32 v8, $0x4  }
0xd8: {  	[tilespmem:v6+s24+$0x0] =	vst.idx.add.f32.msk $0xffff, v3;
	v6 =	vcvt.f32.s32 v12;
	v9 =	vshll.u32 v9, $0x4;
	v8 =	vor.u32 v0, v8  }
0xd9: {  	v10 =	vtrunc.f32 v10;
	v11 =	vshll.u32 v11, $0x4;
	v9 =	vor.u32 v0, v9  }
0xda: {  	[tilespmem:v5+s24+$0x0] =	vst.idx.add.f32.msk $0xffff, v3;
	v5 =	vcvt.f32.s32 v14;
	v12 =	vshll.u32 v13, $0x4;
	v11 =	vor.u32 v0, v11  }
0xdb: {  	[tilespmem:v4+s24+$0x0] =	vst.idx.add.f32.msk $0xffff, v3;
	v4 =	vcvt.f32.s32 v10;
	v6 =	vshll.u32 v6, $0x4;
	v10 =	vor.u32 v0, v12  }
0xdc: {  	[tilespmem:v7+s24+$0x0] =	vst.idx.add.f32.msk $0xffff, v3;
	v5 =	vshll.u32 v5, $0x4;
	v6 =	vor.u32 v0, v6  }
0xdd: {  	v4 =	vshll.u32 v4, $0x4;
	v5 =	vor.u32 v0, v5;
	[tilespmem:v8+s24+$0x0] =	vst.idx.add.f32.msk $0xffff, v3  }
0xde: {  	v4 =	vor.u32 v0, v4;
	[tilespmem:v9+s24+$0x0] =	vst.idx.add.f32.msk $0xffff, v3  }
0xdf: {  	[tilespmem:v11+s24+$0x0] =	vst.idx.add.f32.msk $0xffff, v3  }
0xe0: {  	[tilespmem:v10+s24+$0x0] =	vst.idx.add.f32.msk $0xffff, v3  }
0xe1: {  	[tilespmem:v6+s24+$0x0] =	vst.idx.add.f32.msk $0xffff, v3  }
0xe2: {  	[tilespmem:v5+s24+$0x0] =	vst.idx.add.f32.msk $0xffff, v3  }
0xe3: {  	s0 =	simm.s32 $0x0;
	[tilespmem:v4+s24+$0x0] =	vst.idx.add.f32.msk $0xffff, v3  }
0xe4: {  	[tilespmem:s0], [sflag:$0x1] =	stream.linear.gather [hbm4b:s7+s0], $0x8000, $0x38;
	[tilespmem:$0x10480] =	vst v63  }
0xe5: {  	s1 =	sand.u32 $0x7000, s0;
	s2 =	sand.u32 $0xC00, s0;
	_ =	swait.ge [sflag:s25], $0x8000  }
0xe6: {  	s1 =	sor.u32 s2, s1;
	s0 =	sand.u32 $0x380, s0;
	[sflag:s25] =	ssyncset.done $0x0  }
0xe7: {  	s0 =	sor.u32 s0, s1;
	[sflag:s25] =	ssyncadd.s32 $0xFFFF8000  }
0xe8: {  	v4 =	vld [tilespmem:s0+$0x8070]  }
0xe9: {  	v5 =	vld [tilespmem:s0+$0x8000]  }
0xea: {  	v6 =	vld [tilespmem:s0+$0x8010]  }
0xeb: {  	v7 =	vld [tilespmem:s0+$0x8020]  }
0xec: {  	v8 =	vld [tilespmem:s0+$0x8030]  }
0xed: {  	v9 =	vld [tilespmem:s0+$0x8040]  }
0xee: {  	v10 =	vld [tilespmem:s0+$0x8050]  }
0xef: {  	v11 =	vld [tilespmem:s0+$0x8060]  }
0xf0: {  	v4 =	vmul.f32 $5.000000000e+01, v4;
	v5 =	vmul.f32 $5.000000000e+01, v5  }
0xf1: {  	v6 =	vmul.f32 $5.000000000e+01, v6;
	v7 =	vmul.f32 $5.000000000e+01, v7  }
0xf2: {  	v8 =	vmul.f32 $5.000000000e+01, v8;
	v4 =	vtrunc.f32 v4  }
0xf3: {  	s3 =	simm.s32 $0x80;
	s2 =	simm.s32 $0x400;
	v9 =	vmul.f32 $5.000000000e+01, v9;
	v4 =	vcvt.f32.s32 v4  }
0xf4: {  	s30 =	simm.s32 $0x20;
	s1 =	sand.u32 $0x7000, s3;
	s0 =	sand.u32 $0xC00, s2;
	v10 =	vmul.f32 $5.000000000e+01, v10;
	v11 =	vmul.f32 $5.000000000e+01, v11  }
0xf5: {  	s4 =	sand.u32 $0x380, s30;
	s0 =	sor.u32 s0, s1;
	v5 =	vtrunc.f32 v5;
	v6 =	vtrunc.f32 v6;
	v4 =	vshll.u32 v4, $0x4  }
0xf6: {  	s0 =	sor.u32 s4, s0;
	v7 =	vtrunc.f32 v7;
	v8 =	vtrunc.f32 v8;
	v4 =	vor.u32 v0, v4  }
0xf7: {  	v14 =	vld [tilespmem:s0+$0x8020];
	v9 =	vtrunc.f32 v9;
	v10 =	vtrunc.f32 v10  }
0xf8: {  	v11 =	vtrunc.f32 v11;
	v5 =	vcvt.f32.s32 v5  }
0xf9: {  	v12 =	vld [tilespmem:s0+$0x8070];
	v6 =	vcvt.f32.s32 v6;
	v9 =	vcvt.f32.s32 v9  }
0xfa: {  	v13 =	vld [tilespmem:s0+$0x8010];
	v10 =	vcvt.f32.s32 v10;
	v11 =	vcvt.f32.s32 v11  }
0xfb: {  	v5 =	vshll.u32 v5, $0x4;
	[tilespmem:v4+s24+$0x0] =	vst.idx.add.f32.msk $0xffff, v3;
	v4 =	vcvt.f32.s32 v7;
	v7 =	vcvt.f32.s32 v8  }
0xfc: {  	v19 =	vld [tilespmem:s0+$0x8040];
	v14 =	vmul.f32 $5.000000000e+01, v14;
	v6 =	vshll.u32 v6, $0x4;
	v15 =	vor.u32 v0, v5  }
0xfd: {  	v16 =	vor.u32 v0, v6;
	v8 =	vld [tilespmem:s0+$0x8000];
	v4 =	vshll.u32 v4, $0x4;
	v5 =	vshll.u32 v7, $0x4  }
0xfe: {  	v7 =	vshll.u32 v9, $0x4;
	v9 =	vld [tilespmem:s0+$0x8030];
	v18 =	vor.u32 v0, v4;
	v4 =	vmul.f32 $5.000000000e+01, v12  }
0xff: {  	v21 =	vld [tilespmem:s0+$0x8050];
	v17 =	vshll.u32 v10, $0x4;
	v11 =	vshll.u32 v11, $0x4;
	v20 =	vor.u32 v0, v5  }
0x100: {  	v10 =	vld [tilespmem:s0+$0x8060];
	v6 =	vor.u32 v0, v7;
	v7 =	vmul.f32 $5.000000000e+01, v13;
	v4 =	vtrunc.f32 v4  }
0x101: {  	[tilespmem:v15+s24+$0x0] =	vst.idx.add.f32.msk $0xffff, v3;
	v5 =	vor.u32 v0, v17;
	v12 =	vmul.f32 $5.000000000e+01, v19;
	v17 =	vcvt.f32.s32 v4  }
0x102: {  	[tilespmem:v16+s24+$0x0] =	vst.idx.add.f32.msk $0xffff, v3;
	v8 =	vmul.f32 $5.000000000e+01, v8;
	v4 =	vor.u32 v0, v11;
	v11 =	vtrunc.f32 v14  }
0x103: {  	v13 =	vmul.f32 $5.000000000e+01, v9;
	v9 =	vtrunc.f32 v7;
	v7 =	vshll.u32 v17, $0x4;
	[tilespmem:v18+s24+$0x0] =	vst.idx.add.f32.msk $0xffff, v3  }
0x104: {  	s31 =	simm.s32 $0x8;
	s1 =	simm.s32 $0x800;
	s0 =	simm.s32 $0x100;
	v14 =	vmul.f32 $5.000000000e+01, v21;
	v8 =	vtrunc.f32 v8;
	[tilespmem:v20+s24+$0x0] =	vst.idx.add.f32.msk $0xffff, v3;
	v7 =	vor.u32 v0, v7  }
.LBB2_10:
0x105: {  	s2 =	sand.u32 $0x7000, s0;
	s3 =	sand.u32 $0xC00, s1;
	v13 =	vtrunc.f32 v13;
	v10 =	vmul.f32 $5.000000000e+01, v10;
	s30 =	sadd.s32 $0x20, s30;
	[tilespmem:v6+s24+$0x0] =	vst.idx.add.f32.msk $0xffff, v3  }
0x106: {  	s31 =	sadd.s32 $0x8, s31;
	v6 =	vtrunc.f32 v12;
	s4 =	sand.u32 $0x380, s30;
	s2 =	sor.u32 s3, s2;
	v12 =	vtrunc.f32 v14;
	[tilespmem:v5+s24+$0x0] =	vst.idx.add.f32.msk $0xffff, v3  }
0x107: {  	p0 =	slt.u32 s31, $0x7F8;
	v5 =	vcvt.f32.s32 v8;
	s2 =	sor.u32 s4, s2;
	v8 =	vtrunc.f32 v10;
	[tilespmem:v4+s24+$0x0] =	vst.idx.add.f32.msk $0xffff, v3  }
0x108: {  	v9 =	vcvt.f32.s32 v9;
	v10 =	vcvt.f32.s32 v11;
	v4 =	vld [tilespmem:s2+$0x8070]  }
0x109: {  	v6 =	vcvt.f32.s32 v6;
	v11 =	vcvt.f32.s32 v13;
	v5 =	vshll.u32 v5, $0x4;
	[tilespmem:v7+s24+$0x0] =	vst.idx.add.f32.msk $0xffff, v3  }
0x10a: {  	v9 =	vshll.u32 v9, $0x4;
	v12 =	vcvt.f32.s32 v12;
	v8 =	vcvt.f32.s32 v8;
	v7 =	vld [tilespmem:s2+$0x8000]  }
0x10b: {  	v6 =	vshll.u32 v6, $0x4;
	v10 =	vshll.u32 v10, $0x4;
	v11 =	vshll.u32 v11, $0x4;
	v13 =	vld [tilespmem:s2+$0x8010]  }
0x10c: {  	v15 =	vor.u32 v0, v5;
	v5 =	vshll.u32 v12, $0x4;
	v8 =	vshll.u32 v8, $0x4;
	v14 =	vld [tilespmem:s2+$0x8020]  }
0x10d: {  	v9 =	vor.u32 v0, v9;
	v16 =	vor.u32 v0, v10;
	v17 =	vor.u32 v0, v11;
	v12 =	vld [tilespmem:s2+$0x8030]  }
0x10e: {  	v6 =	vor.u32 v0, v6;
	v5 =	vor.u32 v0, v5;
	v18 =	vmul.f32 $5.000000000e+01, v4;
	v11 =	vld [tilespmem:s2+$0x8040]  }
0x10f: {  	v4 =	vor.u32 v0, v8;
	v7 =	vmul.f32 $5.000000000e+01, v7;
	v19 =	vld [tilespmem:s2+$0x8050]  }
.Ltmp4:
0x110: {  	v8 =	vtrunc.f32 v18;
	v20 =	vmul.f32 $5.000000000e+01, v13;
	v10 =	vld [tilespmem:s2+$0x8060];
	(pc) =	sbr.rel @p0 .LBB2_10-.Ltmp4, $4  }
0x111: {  	v18 =	vcvt.f32.s32 v8;
	v14 =	vmul.f32 $5.000000000e+01, v14;
	[tilespmem:v15+s24+$0x0] =	vst.idx.add.f32.msk $0xffff, v3  }
0x112: {  	v8 =	vtrunc.f32 v7;
	v13 =	vmul.f32 $5.000000000e+01, v12;
	[tilespmem:v9+s24+$0x0] =	vst.idx.add.f32.msk $0xffff, v3  }
0x113: {  	v9 =	vtrunc.f32 v20;
	v7 =	vshll.u32 v18, $0x4;
	v12 =	vmul.f32 $5.000000000e+01, v11;
	[tilespmem:v16+s24+$0x0] =	vst.idx.add.f32.msk $0xffff, v3  }
0x114: {  	s1 =	sadd.s32 $0x400, s1;
	s0 =	sadd.s32 $0x80, s0;
	v11 =	vtrunc.f32 v14;
	v7 =	vor.u32 v0, v7;
	v14 =	vmul.f32 $5.000000000e+01, v19;
	[tilespmem:v17+s24+$0x0] =	vst.idx.add.f32.msk $0xffff, v3  }
0x115: {  	v13 =	vtrunc.f32 v13;
	v10 =	vmul.f32 $5.000000000e+01, v10  }
0x116: {  	v12 =	vtrunc.f32 v12;
	v8 =	vcvt.f32.s32 v8  }
0x117: {  	v9 =	vcvt.f32.s32 v9;
	v11 =	vcvt.f32.s32 v11  }
0x118: {  	v14 =	vtrunc.f32 v14;
	v13 =	vcvt.f32.s32 v13;
	v8 =	vshll.u32 v8, $0x4  }
0x119: {  	[tilespmem:v6+s24+$0x0] =	vst.idx.add.f32.msk $0xffff, v3;
	v6 =	vcvt.f32.s32 v12;
	v9 =	vshll.u32 v9, $0x4;
	v8 =	vor.u32 v0, v8  }
0x11a: {  	v10 =	vtrunc.f32 v10;
	v11 =	vshll.u32 v11, $0x4;
	v9 =	vor.u32 v0, v9  }
0x11b: {  	[tilespmem:v5+s24+$0x0] =	vst.idx.add.f32.msk $0xffff, v3;
	v5 =	vcvt.f32.s32 v14;
	v12 =	vshll.u32 v13, $0x4;
	v11 =	vor.u32 v0, v11  }
0x11c: {  	[tilespmem:v4+s24+$0x0] =	vst.idx.add.f32.msk $0xffff, v3;
	v4 =	vcvt.f32.s32 v10;
	v6 =	vshll.u32 v6, $0x4;
	v10 =	vor.u32 v0, v12  }
0x11d: {  	[tilespmem:v7+s24+$0x0] =	vst.idx.add.f32.msk $0xffff, v3;
	v5 =	vshll.u32 v5, $0x4;
	v6 =	vor.u32 v0, v6  }
0x11e: {  	v4 =	vshll.u32 v4, $0x4;
	v5 =	vor.u32 v0, v5;
	[tilespmem:v8+s24+$0x0] =	vst.idx.add.f32.msk $0xffff, v3  }
0x11f: {  	v4 =	vor.u32 v0, v4;
	[tilespmem:v9+s24+$0x0] =	vst.idx.add.f32.msk $0xffff, v3  }
0x120: {  	[tilespmem:v11+s24+$0x0] =	vst.idx.add.f32.msk $0xffff, v3  }
0x121: {  	[tilespmem:v10+s24+$0x0] =	vst.idx.add.f32.msk $0xffff, v3  }
0x122: {  	[tilespmem:v6+s24+$0x0] =	vst.idx.add.f32.msk $0xffff, v3  }
0x123: {  	[tilespmem:v5+s24+$0x0] =	vst.idx.add.f32.msk $0xffff, v3  }
0x124: {  	s0 =	simm.s32 $0x0;
	[tilespmem:v4+s24+$0x0] =	vst.idx.add.f32.msk $0xffff, v3  }
0x125: {  	[tilespmem:s22], [sflag:$0x2] =	stream.linear.gather [hbm4b:s8+s0], $0x8000, $0x38;
	[tilespmem:$0x10480] =	vst v63  }
0x126: {  	s1 =	sand.u32 $0x7000, s0;
	s2 =	sand.u32 $0xC00, s0;
	_ =	swait.ge [sflag:s23], $0x8000  }
0x127: {  	s1 =	sor.u32 s2, s1;
	s0 =	sand.u32 $0x380, s0;
	[sflag:s23] =	ssyncset.done $0x0  }
0x128: {  	s0 =	sor.u32 s0, s1;
	[sflag:s23] =	ssyncadd.s32 $0xFFFF8000  }
0x129: {  	v4 =	vld [tilespmem:s0+$0x70]  }
0x12a: {  	v5 =	vld [tilespmem:s0+$0x0]  }
0x12b: {  	v6 =	vld [tilespmem:s0+$0x10]  }
0x12c: {  	v7 =	vld [tilespmem:s0+$0x20]  }
0x12d: {  	v8 =	vld [tilespmem:s0+$0x30]  }
0x12e: {  	v9 =	vld [tilespmem:s0+$0x40]  }
0x12f: {  	v10 =	vld [tilespmem:s0+$0x50]  }
0x130: {  	v11 =	vld [tilespmem:s0+$0x60]  }
0x131: {  	v4 =	vmul.f32 $5.000000000e+01, v4;
	v5 =	vmul.f32 $5.000000000e+01, v5  }
0x132: {  	v6 =	vmul.f32 $5.000000000e+01, v6;
	v7 =	vmul.f32 $5.000000000e+01, v7  }
0x133: {  	v8 =	vmul.f32 $5.000000000e+01, v8;
	v4 =	vtrunc.f32 v4  }
0x134: {  	s3 =	simm.s32 $0x80;
	s2 =	simm.s32 $0x400;
	v9 =	vmul.f32 $5.000000000e+01, v9;
	v4 =	vcvt.f32.s32 v4  }
0x135: {  	s30 =	simm.s32 $0x20;
	s1 =	sand.u32 $0x7000, s3;
	s0 =	sand.u32 $0xC00, s2;
	v10 =	vmul.f32 $5.000000000e+01, v10;
	v11 =	vmul.f32 $5.000000000e+01, v11  }
0x136: {  	s4 =	sand.u32 $0x380, s30;
	s0 =	sor.u32 s0, s1;
	v5 =	vtrunc.f32 v5;
	v6 =	vtrunc.f32 v6;
	v4 =	vshll.u32 v4, $0x4  }
0x137: {  	s0 =	sor.u32 s4, s0;
	v7 =	vtrunc.f32 v7;
	v8 =	vtrunc.f32 v8;
	v4 =	vor.u32 v0, v4  }
0x138: {  	v14 =	vld [tilespmem:s0+$0x20];
	v9 =	vtrunc.f32 v9;
	v10 =	vtrunc.f32 v10  }
0x139: {  	v11 =	vtrunc.f32 v11;
	v5 =	vcvt.f32.s32 v5  }
0x13a: {  	v12 =	vld [tilespmem:s0+$0x70];
	v6 =	vcvt.f32.s32 v6;
	v9 =	vcvt.f32.s32 v9  }
0x13b: {  	v13 =	vld [tilespmem:s0+$0x10];
	v10 =	vcvt.f32.s32 v10;
	v11 =	vcvt.f32.s32 v11  }
0x13c: {  	v5 =	vshll.u32 v5, $0x4;
	[tilespmem:v4+s24+$0x0] =	vst.idx.add.f32.msk $0xffff, v3;
	v4 =	vcvt.f32.s32 v7;
	v7 =	vcvt.f32.s32 v8  }
0x13d: {  	v19 =	vld [tilespmem:s0+$0x40];
	v14 =	vmul.f32 $5.000000000e+01, v14;
	v6 =	vshll.u32 v6, $0x4;
	v15 =	vor.u32 v0, v5  }
0x13e: {  	v16 =	vor.u32 v0, v6;
	v8 =	vld [tilespmem:s0+$0x0];
	v4 =	vshll.u32 v4, $0x4;
	v5 =	vshll.u32 v7, $0x4  }
0x13f: {  	v7 =	vshll.u32 v9, $0x4;
	v9 =	vld [tilespmem:s0+$0x30];
	v18 =	vor.u32 v0, v4;
	v4 =	vmul.f32 $5.000000000e+01, v12  }
0x140: {  	v21 =	vld [tilespmem:s0+$0x50];
	v17 =	vshll.u32 v10, $0x4;
	v11 =	vshll.u32 v11, $0x4;
	v20 =	vor.u32 v0, v5  }
0x141: {  	v10 =	vld [tilespmem:s0+$0x60];
	v6 =	vor.u32 v0, v7;
	v7 =	vmul.f32 $5.000000000e+01, v13;
	v4 =	vtrunc.f32 v4  }
0x142: {  	[tilespmem:v15+s24+$0x0] =	vst.idx.add.f32.msk $0xffff, v3;
	v5 =	vor.u32 v0, v17;
	v12 =	vmul.f32 $5.000000000e+01, v19;
	v17 =	vcvt.f32.s32 v4  }
0x143: {  	[tilespmem:v16+s24+$0x0] =	vst.idx.add.f32.msk $0xffff, v3;
	v8 =	vmul.f32 $5.000000000e+01, v8;
	v4 =	vor.u32 v0, v11;
	v11 =	vtrunc.f32 v14  }
0x144: {  	v13 =	vmul.f32 $5.000000000e+01, v9;
	v9 =	vtrunc.f32 v7;
	v7 =	vshll.u32 v17, $0x4;
	[tilespmem:v18+s24+$0x0] =	vst.idx.add.f32.msk $0xffff, v3  }
0x145: {  	s31 =	simm.s32 $0x8;
	s1 =	simm.s32 $0x800;
	s0 =	simm.s32 $0x100;
	v14 =	vmul.f32 $5.000000000e+01, v21;
	v8 =	vtrunc.f32 v8;
	[tilespmem:v20+s24+$0x0] =	vst.idx.add.f32.msk $0xffff, v3;
	v7 =	vor.u32 v0, v7  }
.LBB2_12:
0x146: {  	s2 =	sand.u32 $0x7000, s0;
	s3 =	sand.u32 $0xC00, s1;
	v13 =	vtrunc.f32 v13;
	v10 =	vmul.f32 $5.000000000e+01, v10;
	s30 =	sadd.s32 $0x20, s30;
	[tilespmem:v6+s24+$0x0] =	vst.idx.add.f32.msk $0xffff, v3  }
0x147: {  	s31 =	sadd.s32 $0x8, s31;
	v6 =	vtrunc.f32 v12;
	s4 =	sand.u32 $0x380, s30;
	s2 =	sor.u32 s3, s2;
	v12 =	vtrunc.f32 v14;
	[tilespmem:v5+s24+$0x0] =	vst.idx.add.f32.msk $0xffff, v3  }
0x148: {  	p0 =	slt.u32 s31, $0x7F8;
	v5 =	vcvt.f32.s32 v8;
	s2 =	sor.u32 s4, s2;
	v8 =	vtrunc.f32 v10;
	[tilespmem:v4+s24+$0x0] =	vst.idx.add.f32.msk $0xffff, v3  }
0x149: {  	v9 =	vcvt.f32.s32 v9;
	v10 =	vcvt.f32.s32 v11;
	v4 =	vld [tilespmem:s2+$0x70]  }
0x14a: {  	v6 =	vcvt.f32.s32 v6;
	v11 =	vcvt.f32.s32 v13;
	v5 =	vshll.u32 v5, $0x4;
	[tilespmem:v7+s24+$0x0] =	vst.idx.add.f32.msk $0xffff, v3  }
0x14b: {  	v9 =	vshll.u32 v9, $0x4;
	v12 =	vcvt.f32.s32 v12;
	v8 =	vcvt.f32.s32 v8;
	v7 =	vld [tilespmem:s2+$0x0]  }
0x14c: {  	v6 =	vshll.u32 v6, $0x4;
	v10 =	vshll.u32 v10, $0x4;
	v11 =	vshll.u32 v11, $0x4;
	v13 =	vld [tilespmem:s2+$0x10]  }
0x14d: {  	v15 =	vor.u32 v0, v5;
	v5 =	vshll.u32 v12, $0x4;
	v8 =	vshll.u32 v8, $0x4;
	v14 =	vld [tilespmem:s2+$0x20]  }
0x14e: {  	v9 =	vor.u32 v0, v9;
	v16 =	vor.u32 v0, v10;
	v17 =	vor.u32 v0, v11;
	v12 =	vld [tilespmem:s2+$0x30]  }
0x14f: {  	v6 =	vor.u32 v0, v6;
	v5 =	vor.u32 v0, v5;
	v18 =	vmul.f32 $5.000000000e+01, v4;
	v11 =	vld [tilespmem:s2+$0x40]  }
0x150: {  	v4 =	vor.u32 v0, v8;
	v7 =	vmul.f32 $5.000000000e+01, v7;
	v19 =	vld [tilespmem:s2+$0x50]  }
.Ltmp5:
0x151: {  	v8 =	vtrunc.f32 v18;
	v20 =	vmul.f32 $5.000000000e+01, v13;
	v10 =	vld [tilespmem:s2+$0x60];
	(pc) =	sbr.rel @p0 .LBB2_12-.Ltmp5, $4  }
0x152: {  	v18 =	vcvt.f32.s32 v8;
	v14 =	vmul.f32 $5.000000000e+01, v14;
	[tilespmem:v15+s24+$0x0] =	vst.idx.add.f32.msk $0xffff, v3  }
0x153: {  	v8 =	vtrunc.f32 v7;
	v13 =	vmul.f32 $5.000000000e+01, v12;
	[tilespmem:v9+s24+$0x0] =	vst.idx.add.f32.msk $0xffff, v3  }
0x154: {  	v9 =	vtrunc.f32 v20;
	v7 =	vshll.u32 v18, $0x4;
	v12 =	vmul.f32 $5.000000000e+01, v11;
	[tilespmem:v16+s24+$0x0] =	vst.idx.add.f32.msk $0xffff, v3  }
0x155: {  	s1 =	sadd.s32 $0x400, s1;
	s0 =	sadd.s32 $0x80, s0;
	v11 =	vtrunc.f32 v14;
	v7 =	vor.u32 v0, v7;
	v14 =	vmul.f32 $5.000000000e+01, v19;
	[tilespmem:v17+s24+$0x0] =	vst.idx.add.f32.msk $0xffff, v3  }
0x156: {  	v13 =	vtrunc.f32 v13;
	v10 =	vmul.f32 $5.000000000e+01, v10  }
0x157: {  	v12 =	vtrunc.f32 v12;
	v8 =	vcvt.f32.s32 v8  }
0x158: {  	v9 =	vcvt.f32.s32 v9;
	v11 =	vcvt.f32.s32 v11  }
0x159: {  	v14 =	vtrunc.f32 v14;
	v13 =	vcvt.f32.s32 v13;
	v8 =	vshll.u32 v8, $0x4  }
0x15a: {  	[tilespmem:v6+s24+$0x0] =	vst.idx.add.f32.msk $0xffff, v3;
	v6 =	vcvt.f32.s32 v12;
	v9 =	vshll.u32 v9, $0x4;
	v8 =	vor.u32 v0, v8  }
0x15b: {  	v10 =	vtrunc.f32 v10;
	v11 =	vshll.u32 v11, $0x4;
	v9 =	vor.u32 v0, v9  }
0x15c: {  	[tilespmem:v5+s24+$0x0] =	vst.idx.add.f32.msk $0xffff, v3;
	v5 =	vcvt.f32.s32 v14;
	v12 =	vshll.u32 v13, $0x4;
	v11 =	vor.u32 v0, v11  }
0x15d: {  	[tilespmem:v4+s24+$0x0] =	vst.idx.add.f32.msk $0xffff, v3;
	v4 =	vcvt.f32.s32 v10;
	v6 =	vshll.u32 v6, $0x4;
	v10 =	vor.u32 v0, v12  }
0x15e: {  	[tilespmem:v7+s24+$0x0] =	vst.idx.add.f32.msk $0xffff, v3;
	v5 =	vshll.u32 v5, $0x4;
	v6 =	vor.u32 v0, v6  }
0x15f: {  	v4 =	vshll.u32 v4, $0x4;
	v5 =	vor.u32 v0, v5;
	[tilespmem:v8+s24+$0x0] =	vst.idx.add.f32.msk $0xffff, v3  }
0x160: {  	v4 =	vor.u32 v0, v4;
	[tilespmem:v9+s24+$0x0] =	vst.idx.add.f32.msk $0xffff, v3  }
0x161: {  	[tilespmem:v11+s24+$0x0] =	vst.idx.add.f32.msk $0xffff, v3  }
0x162: {  	[tilespmem:v10+s24+$0x0] =	vst.idx.add.f32.msk $0xffff, v3  }
0x163: {  	[tilespmem:v6+s24+$0x0] =	vst.idx.add.f32.msk $0xffff, v3  }
0x164: {  	[tilespmem:v5+s24+$0x0] =	vst.idx.add.f32.msk $0xffff, v3  }
0x165: {  	s0 =	simm.s32 $0x0;
	[tilespmem:v4+s24+$0x0] =	vst.idx.add.f32.msk $0xffff, v3  }
0x166: {  	[tilespmem:s0], [sflag:$0x1] =	stream.linear.gather [hbm4b:s9+s0], $0x8000, $0x38;
	[tilespmem:$0x10480] =	vst v63  }
0x167: {  	s1 =	sand.u32 $0x7000, s0;
	s2 =	sand.u32 $0xC00, s0;
	_ =	swait.ge [sflag:s25], $0x8000  }
0x168: {  	s1 =	sor.u32 s2, s1;
	s0 =	sand.u32 $0x380, s0;
	[sflag:s25] =	ssyncset.done $0x0  }
0x169: {  	s0 =	sor.u32 s0, s1;
	[sflag:s25] =	ssyncadd.s32 $0xFFFF8000  }
0x16a: {  	v4 =	vld [tilespmem:s0+$0x8070]  }
0x16b: {  	v5 =	vld [tilespmem:s0+$0x8000]  }
0x16c: {  	v6 =	vld [tilespmem:s0+$0x8010]  }
0x16d: {  	v7 =	vld [tilespmem:s0+$0x8020]  }
0x16e: {  	v8 =	vld [tilespmem:s0+$0x8030]  }
0x16f: {  	v9 =	vld [tilespmem:s0+$0x8040]  }
0x170: {  	v10 =	vld [tilespmem:s0+$0x8050]  }
0x171: {  	v11 =	vld [tilespmem:s0+$0x8060]  }
0x172: {  	v4 =	vmul.f32 $5.000000000e+01, v4;
	v5 =	vmul.f32 $5.000000000e+01, v5  }
0x173: {  	v6 =	vmul.f32 $5.000000000e+01, v6;
	v7 =	vmul.f32 $5.000000000e+01, v7  }
0x174: {  	v8 =	vmul.f32 $5.000000000e+01, v8;
	v4 =	vtrunc.f32 v4  }
0x175: {  	s3 =	simm.s32 $0x80;
	s2 =	simm.s32 $0x400;
	v9 =	vmul.f32 $5.000000000e+01, v9;
	v4 =	vcvt.f32.s32 v4  }
0x176: {  	s30 =	simm.s32 $0x20;
	s1 =	sand.u32 $0x7000, s3;
	s0 =	sand.u32 $0xC00, s2;
	v10 =	vmul.f32 $5.000000000e+01, v10;
	v11 =	vmul.f32 $5.000000000e+01, v11  }
0x177: {  	s4 =	sand.u32 $0x380, s30;
	s0 =	sor.u32 s0, s1;
	v5 =	vtrunc.f32 v5;
	v6 =	vtrunc.f32 v6;
	v4 =	vshll.u32 v4, $0x4  }
0x178: {  	s0 =	sor.u32 s4, s0;
	v7 =	vtrunc.f32 v7;
	v8 =	vtrunc.f32 v8;
	v4 =	vor.u32 v0, v4  }
0x179: {  	v14 =	vld [tilespmem:s0+$0x8020];
	v9 =	vtrunc.f32 v9;
	v10 =	vtrunc.f32 v10  }
0x17a: {  	v11 =	vtrunc.f32 v11;
	v5 =	vcvt.f32.s32 v5  }
0x17b: {  	v12 =	vld [tilespmem:s0+$0x8070];
	v6 =	vcvt.f32.s32 v6;
	v9 =	vcvt.f32.s32 v9  }
0x17c: {  	v13 =	vld [tilespmem:s0+$0x8010];
	v10 =	vcvt.f32.s32 v10;
	v11 =	vcvt.f32.s32 v11  }
0x17d: {  	v5 =	vshll.u32 v5, $0x4;
	[tilespmem:v4+s24+$0x0] =	vst.idx.add.f32.msk $0xffff, v3;
	v4 =	vcvt.f32.s32 v7;
	v7 =	vcvt.f32.s32 v8  }
0x17e: {  	v19 =	vld [tilespmem:s0+$0x8040];
	v14 =	vmul.f32 $5.000000000e+01, v14;
	v6 =	vshll.u32 v6, $0x4;
	v15 =	vor.u32 v0, v5  }
0x17f: {  	v16 =	vor.u32 v0, v6;
	v8 =	vld [tilespmem:s0+$0x8000];
	v4 =	vshll.u32 v4, $0x4;
	v5 =	vshll.u32 v7, $0x4  }
0x180: {  	v7 =	vshll.u32 v9, $0x4;
	v9 =	vld [tilespmem:s0+$0x8030];
	v18 =	vor.u32 v0, v4;
	v4 =	vmul.f32 $5.000000000e+01, v12  }
0x181: {  	v21 =	vld [tilespmem:s0+$0x8050];
	v17 =	vshll.u32 v10, $0x4;
	v11 =	vshll.u32 v11, $0x4;
	v20 =	vor.u32 v0, v5  }
0x182: {  	v10 =	vld [tilespmem:s0+$0x8060];
	v6 =	vor.u32 v0, v7;
	v7 =	vmul.f32 $5.000000000e+01, v13;
	v4 =	vtrunc.f32 v4  }
0x183: {  	[tilespmem:v15+s24+$0x0] =	vst.idx.add.f32.msk $0xffff, v3;
	v5 =	vor.u32 v0, v17;
	v12 =	vmul.f32 $5.000000000e+01, v19;
	v17 =	vcvt.f32.s32 v4  }
0x184: {  	[tilespmem:v16+s24+$0x0] =	vst.idx.add.f32.msk $0xffff, v3;
	v8 =	vmul.f32 $5.000000000e+01, v8;
	v4 =	vor.u32 v0, v11;
	v11 =	vtrunc.f32 v14  }
0x185: {  	v13 =	vmul.f32 $5.000000000e+01, v9;
	v9 =	vtrunc.f32 v7;
	v7 =	vshll.u32 v17, $0x4;
	[tilespmem:v18+s24+$0x0] =	vst.idx.add.f32.msk $0xffff, v3  }
0x186: {  	s31 =	simm.s32 $0x8;
	s1 =	simm.s32 $0x800;
	s0 =	simm.s32 $0x100;
	v14 =	vmul.f32 $5.000000000e+01, v21;
	v8 =	vtrunc.f32 v8;
	[tilespmem:v20+s24+$0x0] =	vst.idx.add.f32.msk $0xffff, v3;
	v7 =	vor.u32 v0, v7  }
.LBB2_14:
0x187: {  	s2 =	sand.u32 $0x7000, s0;
	s3 =	sand.u32 $0xC00, s1;
	v13 =	vtrunc.f32 v13;
	v10 =	vmul.f32 $5.000000000e+01, v10;
	s30 =	sadd.s32 $0x20, s30;
	[tilespmem:v6+s24+$0x0] =	vst.idx.add.f32.msk $0xffff, v3  }
0x188: {  	s31 =	sadd.s32 $0x8, s31;
	v6 =	vtrunc.f32 v12;
	s4 =	sand.u32 $0x380, s30;
	s2 =	sor.u32 s3, s2;
	v12 =	vtrunc.f32 v14;
	[tilespmem:v5+s24+$0x0] =	vst.idx.add.f32.msk $0xffff, v3  }
0x189: {  	p0 =	slt.u32 s31, $0x7F8;
	v5 =	vcvt.f32.s32 v8;
	s2 =	sor.u32 s4, s2;
	v8 =	vtrunc.f32 v10;
	[tilespmem:v4+s24+$0x0] =	vst.idx.add.f32.msk $0xffff, v3  }
0x18a: {  	v9 =	vcvt.f32.s32 v9;
	v10 =	vcvt.f32.s32 v11;
	v4 =	vld [tilespmem:s2+$0x8070]  }
0x18b: {  	v6 =	vcvt.f32.s32 v6;
	v11 =	vcvt.f32.s32 v13;
	v5 =	vshll.u32 v5, $0x4;
	[tilespmem:v7+s24+$0x0] =	vst.idx.add.f32.msk $0xffff, v3  }
0x18c: {  	v9 =	vshll.u32 v9, $0x4;
	v12 =	vcvt.f32.s32 v12;
	v8 =	vcvt.f32.s32 v8;
	v7 =	vld [tilespmem:s2+$0x8000]  }
0x18d: {  	v6 =	vshll.u32 v6, $0x4;
	v10 =	vshll.u32 v10, $0x4;
	v11 =	vshll.u32 v11, $0x4;
	v13 =	vld [tilespmem:s2+$0x8010]  }
0x18e: {  	v15 =	vor.u32 v0, v5;
	v5 =	vshll.u32 v12, $0x4;
	v8 =	vshll.u32 v8, $0x4;
	v14 =	vld [tilespmem:s2+$0x8020]  }
0x18f: {  	v9 =	vor.u32 v0, v9;
	v16 =	vor.u32 v0, v10;
	v17 =	vor.u32 v0, v11;
	v12 =	vld [tilespmem:s2+$0x8030]  }
0x190: {  	v6 =	vor.u32 v0, v6;
	v5 =	vor.u32 v0, v5;
	v18 =	vmul.f32 $5.000000000e+01, v4;
	v11 =	vld [tilespmem:s2+$0x8040]  }
0x191: {  	v4 =	vor.u32 v0, v8;
	v7 =	vmul.f32 $5.000000000e+01, v7;
	v19 =	vld [tilespmem:s2+$0x8050]  }
.Ltmp6:
0x192: {  	v8 =	vtrunc.f32 v18;
	v20 =	vmul.f32 $5.000000000e+01, v13;
	v10 =	vld [tilespmem:s2+$0x8060];
	(pc) =	sbr.rel @p0 .LBB2_14-.Ltmp6, $4  }
0x193: {  	v18 =	vcvt.f32.s32 v8;
	v14 =	vmul.f32 $5.000000000e+01, v14;
	[tilespmem:v15+s24+$0x0] =	vst.idx.add.f32.msk $0xffff, v3  }
0x194: {  	v8 =	vtrunc.f32 v7;
	v13 =	vmul.f32 $5.000000000e+01, v12;
	[tilespmem:v9+s24+$0x0] =	vst.idx.add.f32.msk $0xffff, v3  }
0x195: {  	v9 =	vtrunc.f32 v20;
	v7 =	vshll.u32 v18, $0x4;
	v12 =	vmul.f32 $5.000000000e+01, v11;
	[tilespmem:v16+s24+$0x0] =	vst.idx.add.f32.msk $0xffff, v3  }
0x196: {  	s1 =	sadd.s32 $0x400, s1;
	s0 =	sadd.s32 $0x80, s0;
	v11 =	vtrunc.f32 v14;
	v7 =	vor.u32 v0, v7;
	v14 =	vmul.f32 $5.000000000e+01, v19;
	[tilespmem:v17+s24+$0x0] =	vst.idx.add.f32.msk $0xffff, v3  }
0x197: {  	v13 =	vtrunc.f32 v13;
	v10 =	vmul.f32 $5.000000000e+01, v10  }
0x198: {  	v12 =	vtrunc.f32 v12;
	v8 =	vcvt.f32.s32 v8  }
0x199: {  	v9 =	vcvt.f32.s32 v9;
	v11 =	vcvt.f32.s32 v11  }
0x19a: {  	v14 =	vtrunc.f32 v14;
	v13 =	vcvt.f32.s32 v13;
	v8 =	vshll.u32 v8, $0x4  }
0x19b: {  	[tilespmem:v6+s24+$0x0] =	vst.idx.add.f32.msk $0xffff, v3;
	v6 =	vcvt.f32.s32 v12;
	v9 =	vshll.u32 v9, $0x4;
	v8 =	vor.u32 v0, v8  }
0x19c: {  	v10 =	vtrunc.f32 v10;
	v11 =	vshll.u32 v11, $0x4;
	v9 =	vor.u32 v0, v9  }
0x19d: {  	[tilespmem:v5+s24+$0x0] =	vst.idx.add.f32.msk $0xffff, v3;
	v5 =	vcvt.f32.s32 v14;
	v12 =	vshll.u32 v13, $0x4;
	v11 =	vor.u32 v0, v11  }
0x19e: {  	[tilespmem:v4+s24+$0x0] =	vst.idx.add.f32.msk $0xffff, v3;
	v4 =	vcvt.f32.s32 v10;
	v6 =	vshll.u32 v6, $0x4;
	v10 =	vor.u32 v0, v12  }
0x19f: {  	[tilespmem:v7+s24+$0x0] =	vst.idx.add.f32.msk $0xffff, v3;
	v5 =	vshll.u32 v5, $0x4;
	v6 =	vor.u32 v0, v6  }
0x1a0: {  	v4 =	vshll.u32 v4, $0x4;
	v5 =	vor.u32 v0, v5;
	[tilespmem:v8+s24+$0x0] =	vst.idx.add.f32.msk $0xffff, v3  }
0x1a1: {  	v4 =	vor.u32 v0, v4;
	[tilespmem:v9+s24+$0x0] =	vst.idx.add.f32.msk $0xffff, v3  }
0x1a2: {  	[tilespmem:v11+s24+$0x0] =	vst.idx.add.f32.msk $0xffff, v3  }
0x1a3: {  	[tilespmem:v10+s24+$0x0] =	vst.idx.add.f32.msk $0xffff, v3  }
0x1a4: {  	[tilespmem:v6+s24+$0x0] =	vst.idx.add.f32.msk $0xffff, v3  }
0x1a5: {  	[tilespmem:v5+s24+$0x0] =	vst.idx.add.f32.msk $0xffff, v3  }
0x1a6: {  	s0 =	simm.s32 $0x0;
	[tilespmem:v4+s24+$0x0] =	vst.idx.add.f32.msk $0xffff, v3  }
0x1a7: {  	[tilespmem:s22], [sflag:$0x2] =	stream.linear.gather [hbm4b:s10+s0], $0x8000, $0x38;
	[tilespmem:$0x10480] =	vst v63  }
0x1a8: {  	s1 =	sand.u32 $0x7000, s0;
	s2 =	sand.u32 $0xC00, s0;
	_ =	swait.ge [sflag:s23], $0x8000  }
0x1a9: {  	s1 =	sor.u32 s2, s1;
	s0 =	sand.u32 $0x380, s0;
	[sflag:s23] =	ssyncset.done $0x0  }
0x1aa: {  	s0 =	sor.u32 s0, s1;
	[sflag:s23] =	ssyncadd.s32 $0xFFFF8000  }
0x1ab: {  	v4 =	vld [tilespmem:s0+$0x70]  }
0x1ac: {  	v5 =	vld [tilespmem:s0+$0x0]  }
0x1ad: {  	v6 =	vld [tilespmem:s0+$0x10]  }
0x1ae: {  	v7 =	vld [tilespmem:s0+$0x20]  }
0x1af: {  	v8 =	vld [tilespmem:s0+$0x30]  }
0x1b0: {  	v9 =	vld [tilespmem:s0+$0x40]  }
0x1b1: {  	v10 =	vld [tilespmem:s0+$0x50]  }
0x1b2: {  	v11 =	vld [tilespmem:s0+$0x60]  }
0x1b3: {  	v4 =	vmul.f32 $5.000000000e+01, v4;
	v5 =	vmul.f32 $5.000000000e+01, v5  }
0x1b4: {  	v6 =	vmul.f32 $5.000000000e+01, v6;
	v7 =	vmul.f32 $5.000000000e+01, v7  }
0x1b5: {  	v8 =	vmul.f32 $5.000000000e+01, v8;
	v4 =	vtrunc.f32 v4  }
0x1b6: {  	s3 =	simm.s32 $0x80;
	s2 =	simm.s32 $0x400;
	v9 =	vmul.f32 $5.000000000e+01, v9;
	v4 =	vcvt.f32.s32 v4  }
0x1b7: {  	s30 =	simm.s32 $0x20;
	s1 =	sand.u32 $0x7000, s3;
	s0 =	sand.u32 $0xC00, s2;
	v10 =	vmul.f32 $5.000000000e+01, v10;
	v11 =	vmul.f32 $5.000000000e+01, v11  }
0x1b8: {  	s4 =	sand.u32 $0x380, s30;
	s0 =	sor.u32 s0, s1;
	v5 =	vtrunc.f32 v5;
	v6 =	vtrunc.f32 v6;
	v4 =	vshll.u32 v4, $0x4  }
0x1b9: {  	s0 =	sor.u32 s4, s0;
	v7 =	vtrunc.f32 v7;
	v8 =	vtrunc.f32 v8;
	v4 =	vor.u32 v0, v4  }
0x1ba: {  	v14 =	vld [tilespmem:s0+$0x20];
	v9 =	vtrunc.f32 v9;
	v10 =	vtrunc.f32 v10  }
0x1bb: {  	v11 =	vtrunc.f32 v11;
	v5 =	vcvt.f32.s32 v5  }
0x1bc: {  	v12 =	vld [tilespmem:s0+$0x70];
	v6 =	vcvt.f32.s32 v6;
	v9 =	vcvt.f32.s32 v9  }
0x1bd: {  	v13 =	vld [tilespmem:s0+$0x10];
	v10 =	vcvt.f32.s32 v10;
	v11 =	vcvt.f32.s32 v11  }
0x1be: {  	v5 =	vshll.u32 v5, $0x4;
	[tilespmem:v4+s24+$0x0] =	vst.idx.add.f32.msk $0xffff, v3;
	v4 =	vcvt.f32.s32 v7;
	v7 =	vcvt.f32.s32 v8  }
0x1bf: {  	v19 =	vld [tilespmem:s0+$0x40];
	v14 =	vmul.f32 $5.000000000e+01, v14;
	v6 =	vshll.u32 v6, $0x4;
	v15 =	vor.u32 v0, v5  }
0x1c0: {  	v16 =	vor.u32 v0, v6;
	v8 =	vld [tilespmem:s0+$0x0];
	v4 =	vshll.u32 v4, $0x4;
	v5 =	vshll.u32 v7, $0x4  }
0x1c1: {  	v7 =	vshll.u32 v9, $0x4;
	v9 =	vld [tilespmem:s0+$0x30];
	v18 =	vor.u32 v0, v4;
	v4 =	vmul.f32 $5.000000000e+01, v12  }
0x1c2: {  	v21 =	vld [tilespmem:s0+$0x50];
	v17 =	vshll.u32 v10, $0x4;
	v11 =	vshll.u32 v11, $0x4;
	v20 =	vor.u32 v0, v5  }
0x1c3: {  	v10 =	vld [tilespmem:s0+$0x60];
	v6 =	vor.u32 v0, v7;
	v7 =	vmul.f32 $5.000000000e+01, v13;
	v4 =	vtrunc.f32 v4  }
0x1c4: {  	[tilespmem:v15+s24+$0x0] =	vst.idx.add.f32.msk $0xffff, v3;
	v5 =	vor.u32 v0, v17;
	v12 =	vmul.f32 $5.000000000e+01, v19;
	v17 =	vcvt.f32.s32 v4  }
0x1c5: {  	[tilespmem:v16+s24+$0x0] =	vst.idx.add.f32.msk $0xffff, v3;
	v8 =	vmul.f32 $5.000000000e+01, v8;
	v4 =	vor.u32 v0, v11;
	v11 =	vtrunc.f32 v14  }
0x1c6: {  	v13 =	vmul.f32 $5.000000000e+01, v9;
	v9 =	vtrunc.f32 v7;
	v7 =	vshll.u32 v17, $0x4;
	[tilespmem:v18+s24+$0x0] =	vst.idx.add.f32.msk $0xffff, v3  }
0x1c7: {  	s31 =	simm.s32 $0x8;
	s1 =	simm.s32 $0x800;
	s0 =	simm.s32 $0x100;
	v14 =	vmul.f32 $5.000000000e+01, v21;
	v8 =	vtrunc.f32 v8;
	[tilespmem:v20+s24+$0x0] =	vst.idx.add.f32.msk $0xffff, v3;
	v7 =	vor.u32 v0, v7  }
.LBB2_16:
0x1c8: {  	s2 =	sand.u32 $0x7000, s0;
	s3 =	sand.u32 $0xC00, s1;
	v13 =	vtrunc.f32 v13;
	v10 =	vmul.f32 $5.000000000e+01, v10;
	s30 =	sadd.s32 $0x20, s30;
	[tilespmem:v6+s24+$0x0] =	vst.idx.add.f32.msk $0xffff, v3  }
0x1c9: {  	s31 =	sadd.s32 $0x8, s31;
	v6 =	vtrunc.f32 v12;
	s4 =	sand.u32 $0x380, s30;
	s2 =	sor.u32 s3, s2;
	v12 =	vtrunc.f32 v14;
	[tilespmem:v5+s24+$0x0] =	vst.idx.add.f32.msk $0xffff, v3  }
0x1ca: {  	p0 =	slt.u32 s31, $0x7F8;
	v5 =	vcvt.f32.s32 v8;
	s2 =	sor.u32 s4, s2;
	v8 =	vtrunc.f32 v10;
	[tilespmem:v4+s24+$0x0] =	vst.idx.add.f32.msk $0xffff, v3  }
0x1cb: {  	v9 =	vcvt.f32.s32 v9;
	v10 =	vcvt.f32.s32 v11;
	v4 =	vld [tilespmem:s2+$0x70]  }
0x1cc: {  	v6 =	vcvt.f32.s32 v6;
	v11 =	vcvt.f32.s32 v13;
	v5 =	vshll.u32 v5, $0x4;
	[tilespmem:v7+s24+$0x0] =	vst.idx.add.f32.msk $0xffff, v3  }
0x1cd: {  	v9 =	vshll.u32 v9, $0x4;
	v12 =	vcvt.f32.s32 v12;
	v8 =	vcvt.f32.s32 v8;
	v7 =	vld [tilespmem:s2+$0x0]  }
0x1ce: {  	v6 =	vshll.u32 v6, $0x4;
	v10 =	vshll.u32 v10, $0x4;
	v11 =	vshll.u32 v11, $0x4;
	v13 =	vld [tilespmem:s2+$0x10]  }
0x1cf: {  	v15 =	vor.u32 v0, v5;
	v5 =	vshll.u32 v12, $0x4;
	v8 =	vshll.u32 v8, $0x4;
	v14 =	vld [tilespmem:s2+$0x20]  }
0x1d0: {  	v9 =	vor.u32 v0, v9;
	v16 =	vor.u32 v0, v10;
	v17 =	vor.u32 v0, v11;
	v12 =	vld [tilespmem:s2+$0x30]  }
0x1d1: {  	v6 =	vor.u32 v0, v6;
	v5 =	vor.u32 v0, v5;
	v18 =	vmul.f32 $5.000000000e+01, v4;
	v11 =	vld [tilespmem:s2+$0x40]  }
0x1d2: {  	v4 =	vor.u32 v0, v8;
	v7 =	vmul.f32 $5.000000000e+01, v7;
	v19 =	vld [tilespmem:s2+$0x50]  }
.Ltmp7:
0x1d3: {  	v8 =	vtrunc.f32 v18;
	v20 =	vmul.f32 $5.000000000e+01, v13;
	v10 =	vld [tilespmem:s2+$0x60];
	(pc) =	sbr.rel @p0 .LBB2_16-.Ltmp7, $4  }
0x1d4: {  	v18 =	vcvt.f32.s32 v8;
	v14 =	vmul.f32 $5.000000000e+01, v14;
	[tilespmem:v15+s24+$0x0] =	vst.idx.add.f32.msk $0xffff, v3  }
0x1d5: {  	v8 =	vtrunc.f32 v7;
	v13 =	vmul.f32 $5.000000000e+01, v12;
	[tilespmem:v9+s24+$0x0] =	vst.idx.add.f32.msk $0xffff, v3  }
0x1d6: {  	v9 =	vtrunc.f32 v20;
	v7 =	vshll.u32 v18, $0x4;
	v12 =	vmul.f32 $5.000000000e+01, v11;
	[tilespmem:v16+s24+$0x0] =	vst.idx.add.f32.msk $0xffff, v3  }
0x1d7: {  	s1 =	sadd.s32 $0x400, s1;
	s0 =	sadd.s32 $0x80, s0;
	v11 =	vtrunc.f32 v14;
	v7 =	vor.u32 v0, v7;
	v14 =	vmul.f32 $5.000000000e+01, v19;
	[tilespmem:v17+s24+$0x0] =	vst.idx.add.f32.msk $0xffff, v3  }
0x1d8: {  	v13 =	vtrunc.f32 v13;
	v10 =	vmul.f32 $5.000000000e+01, v10  }
0x1d9: {  	v12 =	vtrunc.f32 v12;
	v8 =	vcvt.f32.s32 v8  }
0x1da: {  	v9 =	vcvt.f32.s32 v9;
	v11 =	vcvt.f32.s32 v11  }
0x1db: {  	v14 =	vtrunc.f32 v14;
	v13 =	vcvt.f32.s32 v13;
	v8 =	vshll.u32 v8, $0x4  }
0x1dc: {  	[tilespmem:v6+s24+$0x0] =	vst.idx.add.f32.msk $0xffff, v3;
	v6 =	vcvt.f32.s32 v12;
	v9 =	vshll.u32 v9, $0x4;
	v8 =	vor.u32 v0, v8  }
0x1dd: {  	v10 =	vtrunc.f32 v10;
	v11 =	vshll.u32 v11, $0x4;
	v9 =	vor.u32 v0, v9  }
0x1de: {  	[tilespmem:v5+s24+$0x0] =	vst.idx.add.f32.msk $0xffff, v3;
	v5 =	vcvt.f32.s32 v14;
	v12 =	vshll.u32 v13, $0x4;
	v11 =	vor.u32 v0, v11  }
0x1df: {  	[tilespmem:v4+s24+$0x0] =	vst.idx.add.f32.msk $0xffff, v3;
	v4 =	vcvt.f32.s32 v10;
	v6 =	vshll.u32 v6, $0x4;
	v10 =	vor.u32 v0, v12  }
0x1e0: {  	[tilespmem:v7+s24+$0x0] =	vst.idx.add.f32.msk $0xffff, v3;
	v5 =	vshll.u32 v5, $0x4;
	v6 =	vor.u32 v0, v6  }
0x1e1: {  	v4 =	vshll.u32 v4, $0x4;
	v5 =	vor.u32 v0, v5;
	[tilespmem:v8+s24+$0x0] =	vst.idx.add.f32.msk $0xffff, v3  }
0x1e2: {  	v4 =	vor.u32 v0, v4;
	[tilespmem:v9+s24+$0x0] =	vst.idx.add.f32.msk $0xffff, v3  }
0x1e3: {  	[tilespmem:v11+s24+$0x0] =	vst.idx.add.f32.msk $0xffff, v3  }
0x1e4: {  	[tilespmem:v10+s24+$0x0] =	vst.idx.add.f32.msk $0xffff, v3  }
0x1e5: {  	[tilespmem:v6+s24+$0x0] =	vst.idx.add.f32.msk $0xffff, v3  }
0x1e6: {  	[tilespmem:v5+s24+$0x0] =	vst.idx.add.f32.msk $0xffff, v3  }
0x1e7: {  	s0 =	simm.s32 $0x0;
	[tilespmem:v4+s24+$0x0] =	vst.idx.add.f32.msk $0xffff, v3  }
0x1e8: {  	s1 =	sand.u32 $0x7000, s0;
	s2 =	sand.u32 $0xC00, s0;
	_ =	swait.ge [sflag:s25], $0x8000  }
0x1e9: {  	s0 =	sand.u32 $0x380, s0;
	s1 =	sor.u32 s2, s1;
	[sflag:s25] =	ssyncset.done $0x0  }
0x1ea: {  	s0 =	sor.u32 s0, s1;
	[sflag:s25] =	ssyncadd.s32 $0xFFFF8000  }
0x1eb: {  	v4 =	vld [tilespmem:s0+$0x8070]  }
0x1ec: {  	v5 =	vld [tilespmem:s0+$0x8000]  }
0x1ed: {  	v6 =	vld [tilespmem:s0+$0x8010]  }
0x1ee: {  	v7 =	vld [tilespmem:s0+$0x8020]  }
0x1ef: {  	v8 =	vld [tilespmem:s0+$0x8030]  }
0x1f0: {  	v9 =	vld [tilespmem:s0+$0x8040]  }
0x1f1: {  	v10 =	vld [tilespmem:s0+$0x8050]  }
0x1f2: {  	v11 =	vld [tilespmem:s0+$0x8060]  }
0x1f3: {  	v4 =	vmul.f32 $5.000000000e+01, v4;
	v5 =	vmul.f32 $5.000000000e+01, v5  }
0x1f4: {  	v6 =	vmul.f32 $5.000000000e+01, v6;
	v7 =	vmul.f32 $5.000000000e+01, v7  }
0x1f5: {  	v8 =	vmul.f32 $5.000000000e+01, v8;
	v4 =	vtrunc.f32 v4  }
0x1f6: {  	s3 =	simm.s32 $0x80;
	s2 =	simm.s32 $0x400;
	v9 =	vmul.f32 $5.000000000e+01, v9;
	v4 =	vcvt.f32.s32 v4  }
0x1f7: {  	s30 =	simm.s32 $0x20;
	s1 =	sand.u32 $0x7000, s3;
	s0 =	sand.u32 $0xC00, s2;
	v10 =	vmul.f32 $5.000000000e+01, v10;
	v11 =	vmul.f32 $5.000000000e+01, v11  }
0x1f8: {  	s4 =	sand.u32 $0x380, s30;
	s0 =	sor.u32 s0, s1;
	v5 =	vtrunc.f32 v5;
	v6 =	vtrunc.f32 v6;
	v4 =	vshll.u32 v4, $0x4  }
0x1f9: {  	s0 =	sor.u32 s4, s0;
	v7 =	vtrunc.f32 v7;
	v8 =	vtrunc.f32 v8;
	v4 =	vor.u32 v0, v4  }
0x1fa: {  	v14 =	vld [tilespmem:s0+$0x8020];
	v9 =	vtrunc.f32 v9;
	v10 =	vtrunc.f32 v10  }
0x1fb: {  	v11 =	vtrunc.f32 v11;
	v5 =	vcvt.f32.s32 v5  }
0x1fc: {  	v12 =	vld [tilespmem:s0+$0x8070];
	v6 =	vcvt.f32.s32 v6;
	v9 =	vcvt.f32.s32 v9  }
0x1fd: {  	v13 =	vld [tilespmem:s0+$0x8010];
	v10 =	vcvt.f32.s32 v10;
	v11 =	vcvt.f32.s32 v11  }
0x1fe: {  	v5 =	vshll.u32 v5, $0x4;
	[tilespmem:v4+s24+$0x0] =	vst.idx.add.f32.msk $0xffff, v3;
	v4 =	vcvt.f32.s32 v7;
	v7 =	vcvt.f32.s32 v8  }
0x1ff: {  	v19 =	vld [tilespmem:s0+$0x8040];
	v14 =	vmul.f32 $5.000000000e+01, v14;
	v6 =	vshll.u32 v6, $0x4;
	v15 =	vor.u32 v0, v5  }
0x200: {  	v16 =	vor.u32 v0, v6;
	v8 =	vld [tilespmem:s0+$0x8000];
	v4 =	vshll.u32 v4, $0x4;
	v5 =	vshll.u32 v7, $0x4  }
0x201: {  	v7 =	vshll.u32 v9, $0x4;
	v9 =	vld [tilespmem:s0+$0x8030];
	v18 =	vor.u32 v0, v4;
	v4 =	vmul.f32 $5.000000000e+01, v12  }
0x202: {  	v21 =	vld [tilespmem:s0+$0x8050];
	v17 =	vshll.u32 v10, $0x4;
	v11 =	vshll.u32 v11, $0x4;
	v20 =	vor.u32 v0, v5  }
0x203: {  	v10 =	vld [tilespmem:s0+$0x8060];
	v6 =	vor.u32 v0, v7;
	v7 =	vmul.f32 $5.000000000e+01, v13;
	v4 =	vtrunc.f32 v4  }
0x204: {  	[tilespmem:v15+s24+$0x0] =	vst.idx.add.f32.msk $0xffff, v3;
	v5 =	vor.u32 v0, v17;
	v12 =	vmul.f32 $5.000000000e+01, v19;
	v17 =	vcvt.f32.s32 v4  }
0x205: {  	[tilespmem:v16+s24+$0x0] =	vst.idx.add.f32.msk $0xffff, v3;
	v8 =	vmul.f32 $5.000000000e+01, v8;
	v4 =	vor.u32 v0, v11;
	v11 =	vtrunc.f32 v14  }
0x206: {  	v13 =	vmul.f32 $5.000000000e+01, v9;
	v9 =	vtrunc.f32 v7;
	v7 =	vshll.u32 v17, $0x4;
	[tilespmem:v18+s24+$0x0] =	vst.idx.add.f32.msk $0xffff, v3  }
0x207: {  	s31 =	simm.s32 $0x8;
	s1 =	simm.s32 $0x800;
	s0 =	simm.s32 $0x100;
	v14 =	vmul.f32 $5.000000000e+01, v21;
	v8 =	vtrunc.f32 v8;
	[tilespmem:v20+s24+$0x0] =	vst.idx.add.f32.msk $0xffff, v3;
	v7 =	vor.u32 v0, v7  }
.LBB2_18:
0x208: {  	s2 =	sand.u32 $0x7000, s0;
	s3 =	sand.u32 $0xC00, s1;
	v13 =	vtrunc.f32 v13;
	v10 =	vmul.f32 $5.000000000e+01, v10;
	s30 =	sadd.s32 $0x20, s30;
	[tilespmem:v6+s24+$0x0] =	vst.idx.add.f32.msk $0xffff, v3  }
0x209: {  	s31 =	sadd.s32 $0x8, s31;
	v6 =	vtrunc.f32 v12;
	s4 =	sand.u32 $0x380, s30;
	s2 =	sor.u32 s3, s2;
	v12 =	vtrunc.f32 v14;
	[tilespmem:v5+s24+$0x0] =	vst.idx.add.f32.msk $0xffff, v3  }
0x20a: {  	p0 =	slt.u32 s31, $0x7F8;
	v5 =	vcvt.f32.s32 v8;
	s2 =	sor.u32 s4, s2;
	v8 =	vtrunc.f32 v10;
	[tilespmem:v4+s24+$0x0] =	vst.idx.add.f32.msk $0xffff, v3  }
0x20b: {  	v9 =	vcvt.f32.s32 v9;
	v10 =	vcvt.f32.s32 v11;
	v4 =	vld [tilespmem:s2+$0x8070]  }
0x20c: {  	v6 =	vcvt.f32.s32 v6;
	v11 =	vcvt.f32.s32 v13;
	v5 =	vshll.u32 v5, $0x4;
	[tilespmem:v7+s24+$0x0] =	vst.idx.add.f32.msk $0xffff, v3  }
0x20d: {  	v9 =	vshll.u32 v9, $0x4;
	v12 =	vcvt.f32.s32 v12;
	v8 =	vcvt.f32.s32 v8;
	v7 =	vld [tilespmem:s2+$0x8000]  }
0x20e: {  	v6 =	vshll.u32 v6, $0x4;
	v10 =	vshll.u32 v10, $0x4;
	v11 =	vshll.u32 v11, $0x4;
	v13 =	vld [tilespmem:s2+$0x8010]  }
0x20f: {  	v15 =	vor.u32 v0, v5;
	v5 =	vshll.u32 v12, $0x4;
	v8 =	vshll.u32 v8, $0x4;
	v14 =	vld [tilespmem:s2+$0x8020]  }
0x210: {  	v9 =	vor.u32 v0, v9;
	v16 =	vor.u32 v0, v10;
	v17 =	vor.u32 v0, v11;
	v12 =	vld [tilespmem:s2+$0x8030]  }
0x211: {  	v6 =	vor.u32 v0, v6;
	v5 =	vor.u32 v0, v5;
	v18 =	vmul.f32 $5.000000000e+01, v4;
	v11 =	vld [tilespmem:s2+$0x8040]  }
0x212: {  	v4 =	vor.u32 v0, v8;
	v7 =	vmul.f32 $5.000000000e+01, v7;
	v19 =	vld [tilespmem:s2+$0x8050]  }
.Ltmp8:
0x213: {  	v8 =	vtrunc.f32 v18;
	v20 =	vmul.f32 $5.000000000e+01, v13;
	v10 =	vld [tilespmem:s2+$0x8060];
	(pc) =	sbr.rel @p0 .LBB2_18-.Ltmp8, $4  }
0x214: {  	v18 =	vcvt.f32.s32 v8;
	v14 =	vmul.f32 $5.000000000e+01, v14;
	[tilespmem:v15+s24+$0x0] =	vst.idx.add.f32.msk $0xffff, v3  }
0x215: {  	v8 =	vtrunc.f32 v7;
	v13 =	vmul.f32 $5.000000000e+01, v12;
	[tilespmem:v9+s24+$0x0] =	vst.idx.add.f32.msk $0xffff, v3  }
0x216: {  	v9 =	vtrunc.f32 v20;
	v7 =	vshll.u32 v18, $0x4;
	v12 =	vmul.f32 $5.000000000e+01, v11;
	[tilespmem:v16+s24+$0x0] =	vst.idx.add.f32.msk $0xffff, v3  }
0x217: {  	s1 =	sadd.s32 $0x400, s1;
	s0 =	sadd.s32 $0x80, s0;
	v11 =	vtrunc.f32 v14;
	v7 =	vor.u32 v0, v7;
	v14 =	vmul.f32 $5.000000000e+01, v19;
	[tilespmem:v17+s24+$0x0] =	vst.idx.add.f32.msk $0xffff, v3  }
0x218: {  	v13 =	vtrunc.f32 v13;
	v10 =	vmul.f32 $5.000000000e+01, v10  }
0x219: {  	v12 =	vtrunc.f32 v12;
	v8 =	vcvt.f32.s32 v8  }
0x21a: {  	v9 =	vcvt.f32.s32 v9;
	v11 =	vcvt.f32.s32 v11  }
0x21b: {  	v14 =	vtrunc.f32 v14;
	v13 =	vcvt.f32.s32 v13;
	v8 =	vshll.u32 v8, $0x4  }
0x21c: {  	[tilespmem:v6+s24+$0x0] =	vst.idx.add.f32.msk $0xffff, v3;
	v6 =	vcvt.f32.s32 v12;
	v9 =	vshll.u32 v9, $0x4;
	v8 =	vor.u32 v0, v8  }
0x21d: {  	v10 =	vtrunc.f32 v10;
	v11 =	vshll.u32 v11, $0x4;
	v9 =	vor.u32 v0, v9  }
0x21e: {  	[tilespmem:v5+s24+$0x0] =	vst.idx.add.f32.msk $0xffff, v3;
	v5 =	vcvt.f32.s32 v14;
	v20 =	vshll.u32 v13, $0x4;
	v11 =	vor.u32 v0, v11  }
0x21f: {  	[tilespmem:v4+s24+$0x0] =	vst.idx.add.f32.msk $0xffff, v3;
	v4 =	vcvt.f32.s32 v10;
	v6 =	vshll.u32 v6, $0x4;
	v21 =	vor.u32 v0, v20  }
0x220: {  	[tilespmem:v7+s24+$0x0] =	vst.idx.add.f32.msk $0xffff, v3;
	v5 =	vshll.u32 v5, $0x4;
	v6 =	vor.u32 v0, v6  }
0x221: {  	v4 =	vshll.u32 v4, $0x4;
	v5 =	vor.u32 v0, v5;
	[tilespmem:v8+s24+$0x0] =	vst.idx.add.f32.msk $0xffff, v3  }
0x222: {  	v4 =	vor.u32 v0, v4;
	[tilespmem:v9+s24+$0x0] =	vst.idx.add.f32.msk $0xffff, v3  }
0x223: {  	[tilespmem:v11+s24+$0x0] =	vst.idx.add.f32.msk $0xffff, v3  }
0x224: {  	[tilespmem:v21+s24+$0x0] =	vst.idx.add.f32.msk $0xffff, v3  }
0x225: {  	[tilespmem:v6+s24+$0x0] =	vst.idx.add.f32.msk $0xffff, v3  }
0x226: {  	[tilespmem:v5+s24+$0x0] =	vst.idx.add.f32.msk $0xffff, v3  }
0x227: {  	[tilespmem:v4+s24+$0x0] =	vst.idx.add.f32.msk $0xffff, v3  }
0x228: {  	v4 =	vld.idx.msk [tilespmem:v1+s24+$0x0], $0xffff;
	_ =	sdelay $0x1  }
0x229: {  	v5 =	vld.idx.msk [tilespmem:v22+s24+$0x0], $0xffff;
	_ =	sdelay $0x1  }
0x22a: {  	v6 =	vld.idx.msk [tilespmem:v23+s24+$0x0], $0xffff  }
0x22b: {  	v4 =	vadd.f32 $0.0e+00, v4  }
0x22c: {  	v7 =	vld.idx.msk [tilespmem:v24+s24+$0x0], $0xffff  }
0x22d: {  	v4 =	vadd.f32 v5, v4;
	v5 =	vld [tilespmem:$0x1FEB0];
	_ =	sdelay $0x1  }
0x22e: {  	v4 =	vadd.f32 v6, v4;
	v6 =	vld [tilespmem:$0x1FEC0];
	_ =	sdelay $0x1  }
0x22f: {  	v4 =	vadd.f32 v7, v4;
	v7 =	vld [tilespmem:$0x1FED0];
	_ =	sdelay $0x3  }
0x230: {  	v5 =	vld.idx.msk [tilespmem:v5+s24+$0x0], $0xffff;
	_ =	sdelay $0x1  }
0x231: {  	v6 =	vld.idx.msk [tilespmem:v6+s24+$0x0], $0xffff;
	_ =	sdelay $0x1  }
0x232: {  	v7 =	vld.idx.msk [tilespmem:v7+s24+$0x0], $0xffff  }
0x233: {  	v4 =	vadd.f32 v5, v4;
	v5 =	vld [tilespmem:$0x1FEE0];
	_ =	sdelay $0x1  }
0x234: {  	v4 =	vadd.f32 v6, v4;
	v6 =	vld [tilespmem:$0x1FEF0];
	_ =	sdelay $0x1  }
0x235: {  	v4 =	vadd.f32 v7, v4;
	v7 =	vld [tilespmem:$0x1FF00];
	_ =	sdelay $0x3  }
0x236: {  	v5 =	vld.idx.msk [tilespmem:v5+s24+$0x0], $0xffff;
	_ =	sdelay $0x1  }
0x237: {  	v6 =	vld.idx.msk [tilespmem:v6+s24+$0x0], $0xffff;
	_ =	sdelay $0x1  }
0x238: {  	v7 =	vld.idx.msk [tilespmem:v7+s24+$0x0], $0xffff  }
0x239: {  	v4 =	vadd.f32 v5, v4;
	v5 =	vld [tilespmem:$0x1FF10];
	_ =	sdelay $0x1  }
0x23a: {  	v4 =	vadd.f32 v6, v4;
	v6 =	vld [tilespmem:$0x1FF20];
	_ =	sdelay $0x1  }
0x23b: {  	v4 =	vadd.f32 v7, v4;
	v7 =	vld [tilespmem:$0x1FF30];
	_ =	sdelay $0x3  }
0x23c: {  	v5 =	vld.idx.msk [tilespmem:v5+s24+$0x0], $0xffff;
	_ =	sdelay $0x1  }
0x23d: {  	v6 =	vld.idx.msk [tilespmem:v6+s24+$0x0], $0xffff;
	_ =	sdelay $0x1  }
0x23e: {  	v7 =	vld.idx.msk [tilespmem:v7+s24+$0x0], $0xffff  }
0x23f: {  	v4 =	vadd.f32 v5, v4;
	v5 =	vld [tilespmem:$0x1FF40];
	_ =	sdelay $0x1  }
0x240: {  	v4 =	vadd.f32 v6, v4;
	v6 =	vld [tilespmem:$0x1FF50];
	_ =	sdelay $0x1  }
0x241: {  	v4 =	vadd.f32 v7, v4;
	v7 =	vld [tilespmem:$0x1FF60];
	_ =	sdelay $0x3  }
0x242: {  	v5 =	vld.idx.msk [tilespmem:v5+s24+$0x0], $0xffff;
	_ =	sdelay $0x1  }
0x243: {  	v6 =	vld.idx.msk [tilespmem:v6+s24+$0x0], $0xffff;
	_ =	sdelay $0x1  }
0x244: {  	v7 =	vld.idx.msk [tilespmem:v7+s24+$0x0], $0xffff  }
0x245: {  	v4 =	vadd.f32 v5, v4;
	_ =	sdelay $0x1  }
0x246: {  	v4 =	vadd.f32 v6, v4;
	_ =	sdelay $0x1  }
0x247: {  	v4 =	vadd.f32 v7, v4;
	_ =	sdelay $0x1  }
0x248: {  	[tilespmem:$0x10400] =	vst v4;
	v4 =	vld [tilespmem:$0x1FF70];
	_ =	sdelay $0x1  }
0x249: {  	v5 =	vld [tilespmem:$0x1FF80];
	_ =	sdelay $0x1  }
0x24a: {  	v6 =	vld [tilespmem:$0x1FF90];
	_ =	sdelay $0x3  }
0x24b: {  	v4 =	vld.idx.msk [tilespmem:v4+s24+$0x0], $0xffff;
	_ =	sdelay $0x1  }
0x24c: {  	v5 =	vld.idx.msk [tilespmem:v5+s24+$0x0], $0xffff;
	_ =	sdelay $0x1  }
0x24d: {  	v6 =	vld.idx.msk [tilespmem:v6+s24+$0x0], $0xffff  }
0x24e: {  	v7 =	vld [tilespmem:$0x1FFA0];
	v4 =	vadd.f32 $0.0e+00, v4;
	_ =	sdelay $0x1  }
0x24f: {  	v4 =	vadd.f32 v5, v4;
	v5 =	vld [tilespmem:$0x1FFB0];
	_ =	sdelay $0x1  }
0x250: {  	v4 =	vadd.f32 v6, v4;
	v6 =	vld [tilespmem:$0x1FFC0];
	_ =	sdelay $0x3  }
0x251: {  	v7 =	vld.idx.msk [tilespmem:v7+s24+$0x0], $0xffff;
	_ =	sdelay $0x1  }
0x252: {  	v5 =	vld.idx.msk [tilespmem:v5+s24+$0x0], $0xffff;
	_ =	sdelay $0x1  }
0x253: {  	v6 =	vld.idx.msk [tilespmem:v6+s24+$0x0], $0xffff  }
0x254: {  	v4 =	vadd.f32 v7, v4;
	v7 =	vld [tilespmem:$0x1FFD0];
	_ =	sdelay $0x1  }
0x255: {  	v4 =	vadd.f32 v5, v4;
	v5 =	vld [tilespmem:$0x1FFE0];
	_ =	sdelay $0x1  }
0x256: {  	v4 =	vadd.f32 v6, v4;
	v6 =	vld [tilespmem:$0x1FFF0];
	_ =	sdelay $0x3  }
0x257: {  	v7 =	vld.idx.msk [tilespmem:v7+s24+$0x0], $0xffff;
	_ =	sdelay $0x1  }
0x258: {  	v5 =	vld.idx.msk [tilespmem:v5+s24+$0x0], $0xffff;
	_ =	sdelay $0x1  }
0x259: {  	v6 =	vld.idx.msk [tilespmem:v6+s24+$0x0], $0xffff  }
0x25a: {  	v4 =	vadd.f32 v7, v4  }
0x25b: {  	v7 =	vld.idx.msk [tilespmem:v28+s24+$0x0], $0xffff  }
0x25c: {  	v4 =	vadd.f32 v5, v4  }
0x25d: {  	v5 =	vld.idx.msk [tilespmem:v29+s24+$0x0], $0xffff  }
0x25e: {  	v4 =	vadd.f32 v6, v4  }
0x25f: {  	v6 =	vld.idx.msk [tilespmem:v30+s24+$0x0], $0xffff  }
0x260: {  	v4 =	vadd.f32 v7, v4  }
0x261: {  	v7 =	vld.idx.msk [tilespmem:v31+s24+$0x0], $0xffff  }
0x262: {  	v4 =	vadd.f32 v5, v4  }
0x263: {  	v5 =	vld.idx.msk [tilespmem:v32+s24+$0x0], $0xffff  }
0x264: {  	v4 =	vadd.f32 v6, v4  }
0x265: {  	v6 =	vld.idx.msk [tilespmem:v33+s24+$0x0], $0xffff  }
0x266: {  	v4 =	vadd.f32 v7, v4  }
0x267: {  	v7 =	vld.idx.msk [tilespmem:v34+s24+$0x0], $0xffff  }
0x268: {  	v4 =	vadd.f32 v5, v4;
	_ =	sdelay $0x1  }
0x269: {  	v4 =	vadd.f32 v6, v4;
	_ =	sdelay $0x1  }
0x26a: {  	v4 =	vadd.f32 v7, v4;
	_ =	sdelay $0x1  }
0x26b: {  	[tilespmem:$0x10410] =	vst v4  }
0x26c: {  	v4 =	vld.idx.msk [tilespmem:v35+s24+$0x0], $0xffff;
	_ =	sdelay $0x1  }
0x26d: {  	v5 =	vld.idx.msk [tilespmem:v36+s24+$0x0], $0xffff;
	_ =	sdelay $0x1  }
0x26e: {  	v6 =	vld.idx.msk [tilespmem:v37+s24+$0x0], $0xffff  }
0x26f: {  	v4 =	vadd.f32 $0.0e+00, v4  }
0x270: {  	v7 =	vld.idx.msk [tilespmem:v38+s24+$0x0], $0xffff  }
0x271: {  	v4 =	vadd.f32 v5, v4  }
0x272: {  	v5 =	vld.idx.msk [tilespmem:v39+s24+$0x0], $0xffff  }
0x273: {  	v4 =	vadd.f32 v6, v4  }
0x274: {  	v6 =	vld.idx.msk [tilespmem:v40+s24+$0x0], $0xffff  }
0x275: {  	v4 =	vadd.f32 v7, v4  }
0x276: {  	v7 =	vld.idx.msk [tilespmem:v41+s24+$0x0], $0xffff  }
0x277: {  	v4 =	vadd.f32 v5, v4  }
0x278: {  	v5 =	vld.idx.msk [tilespmem:v42+s24+$0x0], $0xffff  }
0x279: {  	v4 =	vadd.f32 v6, v4  }
0x27a: {  	v6 =	vld.idx.msk [tilespmem:v43+s24+$0x0], $0xffff  }
0x27b: {  	v4 =	vadd.f32 v7, v4  }
0x27c: {  	v7 =	vld.idx.msk [tilespmem:v44+s24+$0x0], $0xffff  }
0x27d: {  	v4 =	vadd.f32 v5, v4  }
0x27e: {  	v5 =	vld.idx.msk [tilespmem:v45+s24+$0x0], $0xffff  }
0x27f: {  	v4 =	vadd.f32 v6, v4  }
0x280: {  	v6 =	vld.idx.msk [tilespmem:v46+s24+$0x0], $0xffff  }
0x281: {  	v4 =	vadd.f32 v7, v4  }
0x282: {  	v7 =	vld.idx.msk [tilespmem:v47+s24+$0x0], $0xffff  }
0x283: {  	v4 =	vadd.f32 v5, v4  }
0x284: {  	v5 =	vld.idx.msk [tilespmem:v48+s24+$0x0], $0xffff  }
0x285: {  	v4 =	vadd.f32 v6, v4  }
0x286: {  	v6 =	vld.idx.msk [tilespmem:v49+s24+$0x0], $0xffff  }
0x287: {  	v4 =	vadd.f32 v7, v4  }
0x288: {  	v7 =	vld.idx.msk [tilespmem:v50+s24+$0x0], $0xffff  }
0x289: {  	v4 =	vadd.f32 v5, v4;
	_ =	sdelay $0x1  }
0x28a: {  	v4 =	vadd.f32 v6, v4;
	_ =	sdelay $0x1  }
0x28b: {  	v4 =	vadd.f32 v7, v4;
	_ =	sdelay $0x1  }
0x28c: {  	[tilespmem:$0x10420] =	vst v4  }
0x28d: {  	v4 =	vld.idx.msk [tilespmem:v51+s24+$0x0], $0xffff;
	_ =	sdelay $0x1  }
0x28e: {  	v5 =	vld.idx.msk [tilespmem:v52+s24+$0x0], $0xffff;
	_ =	sdelay $0x1  }
0x28f: {  	v6 =	vld.idx.msk [tilespmem:v53+s24+$0x0], $0xffff  }
0x290: {  	v4 =	vadd.f32 $0.0e+00, v4  }
0x291: {  	v7 =	vld.idx.msk [tilespmem:v54+s24+$0x0], $0xffff  }
0x292: {  	v4 =	vadd.f32 v5, v4  }
0x293: {  	v5 =	vld.idx.msk [tilespmem:v55+s24+$0x0], $0xffff  }
0x294: {  	v4 =	vadd.f32 v6, v4  }
0x295: {  	v6 =	vld.idx.msk [tilespmem:v56+s24+$0x0], $0xffff  }
0x296: {  	v4 =	vadd.f32 v7, v4  }
0x297: {  	v7 =	vld.idx.msk [tilespmem:v57+s24+$0x0], $0xffff  }
0x298: {  	v4 =	vadd.f32 v5, v4  }
0x299: {  	v5 =	vld.idx.msk [tilespmem:v58+s24+$0x0], $0xffff  }
0x29a: {  	v4 =	vadd.f32 v6, v4  }
0x29b: {  	v6 =	vld.idx.msk [tilespmem:v59+s24+$0x0], $0xffff  }
0x29c: {  	v4 =	vadd.f32 v7, v4  }
0x29d: {  	v7 =	vld.idx.msk [tilespmem:v60+s24+$0x0], $0xffff  }
0x29e: {  	v4 =	vadd.f32 v5, v4  }
0x29f: {  	v8 =	vld.idx.msk [tilespmem:v61+s24+$0x0], $0xffff  }
0x2a0: {  	v5 =	vadd.f32 v6, v4;
	v4 =	vor.u32 $0x30D, v1  }
0x2a1: {  	v9 =	vld.idx.msk [tilespmem:v62+s24+$0x0], $0xffff  }
0x2a2: {  	v6 =	vadd.f32 v7, v5;
	v5 =	vor.u32 $0x30E, v1  }
0x2a3: {  	v7 =	vld.idx.msk [tilespmem:v63+s24+$0x0], $0xffff  }
0x2a4: {  	v8 =	vadd.f32 v8, v6;
	v6 =	vor.u32 $0x30F, v1  }
0x2a5: {  	v10 =	vld.idx.msk [tilespmem:v4+s24+$0x0], $0xffff  }
0x2a6: {  	v8 =	vadd.f32 v9, v8  }
0x2a7: {  	v26 =	vmov v23;
	v23 =	vld.idx.msk [tilespmem:v5+s24+$0x0], $0xffff  }
0x2a8: {  	v7 =	vadd.f32 v7, v8  }
0x2a9: {  	v8 =	vld.idx.msk [tilespmem:v6+s24+$0x0], $0xffff  }
0x2aa: {  	v7 =	vadd.f32 v10, v7;
	_ =	sdelay $0x1  }
0x2ab: {  	v7 =	vadd.f32 v23, v7;
	_ =	sdelay $0x1  }
0x2ac: {  	v7 =	vadd.f32 v8, v7;
	_ =	sdelay $0x1  }
0x2ad: {  	v7 =	vnsel vm0, $0xBF800000, v7  }
0x2ae: {  	s0 =	simm.s32 $0x0;
	[tilespmem:$0x10430] =	vst v7  }
0x2af: {  	[hbm4b:s11+s0] =	stream.linear.scatter [tilespmem:s26], [sflag:$0x3], $0x40, $0x38;
	[tilespmem:$0x10480] =	vst v63  }
0x2b0: {  	_ =	swait.ge [sflag:s28], $0x40  }
0x2b1: {  	[sflag:s28] =	ssyncset.done $0x0  }
0x2b2: {  	v25 =	vmov v22;
	v27 =	vmov v24;
	s1 =	simm.s32 $0x0;
	s0 =	simm.s32 $0x40;
	[sflag:s28] =	ssyncadd.s32 $0xFFFFFFC0  }
.LBB2_20:
0x2b3: {  	p0 =	sne.s32 s0, $0xFC0;
	[tilespmem:s1+$0x10000] =	vst v2;
	s1 =	smov.u32 s0;
	s0 =	sadd.s32 $0x40, s0  }
.Ltmp9:
0x2b4: {  	(pc) =	sbr.rel @p0 .LBB2_20-.Ltmp9, $2  }
0x2b5: {  	_ =	sdelay $0x2  }
0x2b6: {  	s1 =	sshra.s32 s1, $0x2  }
0x2b7: {  	[tilespmem:s1+$0x10000] =	vst v2;
	s0 =	simm.s32 $0x0  }
0x2b8: {  	[tilespmem:s0], [sflag:$0x1] =	stream.linear.gather [hbm4b:s12+s0], $0x8000, $0x38;
	[tilespmem:$0x10480] =	vst v63  }
0x2b9: {  	_ = 	snop  }
0x2ba: {  	[tilespmem:s22], [sflag:$0x2] =	stream.linear.gather [hbm4b:s13+s0], $0x8000, $0x38;
	[tilespmem:$0x10480] =	vst v63  }
0x2bb: {  	s4 =	sand.u32 $0x7000, s0;
	s2 =	sand.u32 $0xC00, s0;
	_ =	swait.ge [sflag:s23], $0x8000  }
0x2bc: {  	s1 =	sor.u32 s2, s4;
	s0 =	sand.u32 $0x380, s0;
	[sflag:s23] =	ssyncset.done $0x0  }
0x2bd: {  	s0 =	sor.u32 s0, s1;
	[sflag:s23] =	ssyncadd.s32 $0xFFFF8000  }
0x2be: {  	v7 =	vld [tilespmem:s0+$0x70]  }
0x2bf: {  	v8 =	vld [tilespmem:s0+$0x0]  }
0x2c0: {  	v9 =	vld [tilespmem:s0+$0x10]  }
0x2c1: {  	v10 =	vld [tilespmem:s0+$0x20]  }
0x2c2: {  	v11 =	vld [tilespmem:s0+$0x30]  }
0x2c3: {  	v12 =	vld [tilespmem:s0+$0x40]  }
0x2c4: {  	v13 =	vld [tilespmem:s0+$0x50]  }
0x2c5: {  	v14 =	vld [tilespmem:s0+$0x60]  }
0x2c6: {  	v7 =	vmul.f32 $5.000000000e+01, v7;
	v8 =	vmul.f32 $5.000000000e+01, v8  }
0x2c7: {  	v9 =	vmul.f32 $5.000000000e+01, v9;
	v10 =	vmul.f32 $5.000000000e+01, v10  }
0x2c8: {  	v11 =	vmul.f32 $5.000000000e+01, v11;
	v7 =	vtrunc.f32 v7  }
0x2c9: {  	s3 =	simm.s32 $0x80;
	s2 =	simm.s32 $0x400;
	v12 =	vmul.f32 $5.000000000e+01, v12;
	v7 =	vcvt.f32.s32 v7  }
0x2ca: {  	s30 =	simm.s32 $0x20;
	s1 =	sand.u32 $0x7000, s3;
	s0 =	sand.u32 $0xC00, s2;
	v13 =	vmul.f32 $5.000000000e+01, v13;
	v14 =	vmul.f32 $5.000000000e+01, v14  }
0x2cb: {  	s4 =	sand.u32 $0x380, s30;
	s0 =	sor.u32 s0, s1;
	v8 =	vtrunc.f32 v8;
	v9 =	vtrunc.f32 v9;
	v7 =	vshll.u32 v7, $0x4  }
0x2cc: {  	s0 =	sor.u32 s4, s0;
	v10 =	vtrunc.f32 v10;
	v11 =	vtrunc.f32 v11;
	v7 =	vor.u32 v0, v7  }
0x2cd: {  	v17 =	vld [tilespmem:s0+$0x20];
	v12 =	vtrunc.f32 v12;
	v13 =	vtrunc.f32 v13  }
0x2ce: {  	v14 =	vtrunc.f32 v14;
	v8 =	vcvt.f32.s32 v8  }
0x2cf: {  	v15 =	vld [tilespmem:s0+$0x70];
	v9 =	vcvt.f32.s32 v9;
	v12 =	vcvt.f32.s32 v12  }
0x2d0: {  	v16 =	vld [tilespmem:s0+$0x10];
	v13 =	vcvt.f32.s32 v13;
	v14 =	vcvt.f32.s32 v14  }
0x2d1: {  	v8 =	vshll.u32 v8, $0x4;
	[tilespmem:v7+s24+$0x0] =	vst.idx.add.f32.msk $0xffff, v3;
	v7 =	vcvt.f32.s32 v10;
	v10 =	vcvt.f32.s32 v11  }
0x2d2: {  	v22 =	vld [tilespmem:s0+$0x40];
	v17 =	vmul.f32 $5.000000000e+01, v17;
	v9 =	vshll.u32 v9, $0x4;
	v18 =	vor.u32 v0, v8  }
0x2d3: {  	v19 =	vor.u32 v0, v9;
	v11 =	vld [tilespmem:s0+$0x0];
	v7 =	vshll.u32 v7, $0x4;
	v8 =	vshll.u32 v10, $0x4  }
0x2d4: {  	v10 =	vshll.u32 v12, $0x4;
	v12 =	vld [tilespmem:s0+$0x30];
	v21 =	vor.u32 v0, v7;
	v7 =	vmul.f32 $5.000000000e+01, v15  }
0x2d5: {  	v24 =	vld [tilespmem:s0+$0x50];
	v20 =	vshll.u32 v13, $0x4;
	v14 =	vshll.u32 v14, $0x4;
	v23 =	vor.u32 v0, v8  }
0x2d6: {  	v13 =	vld [tilespmem:s0+$0x60];
	v9 =	vor.u32 v0, v10;
	v10 =	vmul.f32 $5.000000000e+01, v16;
	v7 =	vtrunc.f32 v7  }
0x2d7: {  	[tilespmem:v18+s24+$0x0] =	vst.idx.add.f32.msk $0xffff, v3;
	v8 =	vor.u32 v0, v20;
	v15 =	vmul.f32 $5.000000000e+01, v22;
	v20 =	vcvt.f32.s32 v7  }
0x2d8: {  	[tilespmem:v19+s24+$0x0] =	vst.idx.add.f32.msk $0xffff, v3;
	v11 =	vmul.f32 $5.000000000e+01, v11;
	v7 =	vor.u32 v0, v14;
	v14 =	vtrunc.f32 v17  }
0x2d9: {  	v16 =	vmul.f32 $5.000000000e+01, v12;
	v12 =	vtrunc.f32 v10;
	v10 =	vshll.u32 v20, $0x4;
	[tilespmem:v21+s24+$0x0] =	vst.idx.add.f32.msk $0xffff, v3  }
0x2da: {  	s31 =	simm.s32 $0x8;
	s1 =	simm.s32 $0x800;
	s0 =	simm.s32 $0x100;
	v17 =	vmul.f32 $5.000000000e+01, v24;
	v11 =	vtrunc.f32 v11;
	[tilespmem:v23+s24+$0x0] =	vst.idx.add.f32.msk $0xffff, v3;
	v10 =	vor.u32 v0, v10  }
.LBB2_22:
0x2db: {  	s2 =	sand.u32 $0x7000, s0;
	s3 =	sand.u32 $0xC00, s1;
	v16 =	vtrunc.f32 v16;
	v13 =	vmul.f32 $5.000000000e+01, v13;
	s30 =	sadd.s32 $0x20, s30;
	[tilespmem:v9+s24+$0x0] =	vst.idx.add.f32.msk $0xffff, v3  }
0x2dc: {  	s31 =	sadd.s32 $0x8, s31;
	v9 =	vtrunc.f32 v15;
	s4 =	sand.u32 $0x380, s30;
	s2 =	sor.u32 s3, s2;
	v15 =	vtrunc.f32 v17;
	[tilespmem:v8+s24+$0x0] =	vst.idx.add.f32.msk $0xffff, v3  }
0x2dd: {  	p0 =	slt.u32 s31, $0x7F8;
	v8 =	vcvt.f32.s32 v11;
	s2 =	sor.u32 s4, s2;
	v11 =	vtrunc.f32 v13;
	[tilespmem:v7+s24+$0x0] =	vst.idx.add.f32.msk $0xffff, v3  }
0x2de: {  	v12 =	vcvt.f32.s32 v12;
	v13 =	vcvt.f32.s32 v14;
	v7 =	vld [tilespmem:s2+$0x70]  }
0x2df: {  	v9 =	vcvt.f32.s32 v9;
	v14 =	vcvt.f32.s32 v16;
	v8 =	vshll.u32 v8, $0x4;
	[tilespmem:v10+s24+$0x0] =	vst.idx.add.f32.msk $0xffff, v3  }
0x2e0: {  	v12 =	vshll.u32 v12, $0x4;
	v15 =	vcvt.f32.s32 v15;
	v11 =	vcvt.f32.s32 v11;
	v10 =	vld [tilespmem:s2+$0x0]  }
0x2e1: {  	v9 =	vshll.u32 v9, $0x4;
	v13 =	vshll.u32 v13, $0x4;
	v14 =	vshll.u32 v14, $0x4;
	v16 =	vld [tilespmem:s2+$0x10]  }
0x2e2: {  	v18 =	vor.u32 v0, v8;
	v8 =	vshll.u32 v15, $0x4;
	v11 =	vshll.u32 v11, $0x4;
	v17 =	vld [tilespmem:s2+$0x20]  }
0x2e3: {  	v12 =	vor.u32 v0, v12;
	v19 =	vor.u32 v0, v13;
	v20 =	vor.u32 v0, v14;
	v15 =	vld [tilespmem:s2+$0x30]  }
0x2e4: {  	v9 =	vor.u32 v0, v9;
	v8 =	vor.u32 v0, v8;
	v21 =	vmul.f32 $5.000000000e+01, v7;
	v14 =	vld [tilespmem:s2+$0x40]  }
0x2e5: {  	v7 =	vor.u32 v0, v11;
	v10 =	vmul.f32 $5.000000000e+01, v10;
	v22 =	vld [tilespmem:s2+$0x50]  }
.Ltmp10:
0x2e6: {  	v11 =	vtrunc.f32 v21;
	v23 =	vmul.f32 $5.000000000e+01, v16;
	v13 =	vld [tilespmem:s2+$0x60];
	(pc) =	sbr.rel @p0 .LBB2_22-.Ltmp10, $4  }
0x2e7: {  	v21 =	vcvt.f32.s32 v11;
	v17 =	vmul.f32 $5.000000000e+01, v17;
	[tilespmem:v18+s24+$0x0] =	vst.idx.add.f32.msk $0xffff, v3  }
0x2e8: {  	v11 =	vtrunc.f32 v10;
	v16 =	vmul.f32 $5.000000000e+01, v15;
	[tilespmem:v12+s24+$0x0] =	vst.idx.add.f32.msk $0xffff, v3  }
0x2e9: {  	v12 =	vtrunc.f32 v23;
	v10 =	vshll.u32 v21, $0x4;
	v15 =	vmul.f32 $5.000000000e+01, v14;
	[tilespmem:v19+s24+$0x0] =	vst.idx.add.f32.msk $0xffff, v3  }
0x2ea: {  	s1 =	sadd.s32 $0x400, s1;
	s0 =	sadd.s32 $0x80, s0;
	v14 =	vtrunc.f32 v17;
	v10 =	vor.u32 v0, v10;
	v17 =	vmul.f32 $5.000000000e+01, v22;
	[tilespmem:v20+s24+$0x0] =	vst.idx.add.f32.msk $0xffff, v3  }
0x2eb: {  	v16 =	vtrunc.f32 v16;
	v13 =	vmul.f32 $5.000000000e+01, v13  }
0x2ec: {  	v15 =	vtrunc.f32 v15;
	v11 =	vcvt.f32.s32 v11  }
0x2ed: {  	v12 =	vcvt.f32.s32 v12;
	v14 =	vcvt.f32.s32 v14  }
0x2ee: {  	v17 =	vtrunc.f32 v17;
	v16 =	vcvt.f32.s32 v16;
	v11 =	vshll.u32 v11, $0x4  }
0x2ef: {  	[tilespmem:v9+s24+$0x0] =	vst.idx.add.f32.msk $0xffff, v3;
	v9 =	vcvt.f32.s32 v15;
	v12 =	vshll.u32 v12, $0x4;
	v11 =	vor.u32 v0, v11  }
0x2f0: {  	v13 =	vtrunc.f32 v13;
	v14 =	vshll.u32 v14, $0x4;
	v12 =	vor.u32 v0, v12  }
0x2f1: {  	[tilespmem:v8+s24+$0x0] =	vst.idx.add.f32.msk $0xffff, v3;
	v8 =	vcvt.f32.s32 v17;
	v15 =	vshll.u32 v16, $0x4;
	v14 =	vor.u32 v0, v14  }
0x2f2: {  	[tilespmem:v7+s24+$0x0] =	vst.idx.add.f32.msk $0xffff, v3;
	v7 =	vcvt.f32.s32 v13;
	v9 =	vshll.u32 v9, $0x4;
	v13 =	vor.u32 v0, v15  }
0x2f3: {  	[tilespmem:v10+s24+$0x0] =	vst.idx.add.f32.msk $0xffff, v3;
	v8 =	vshll.u32 v8, $0x4;
	v9 =	vor.u32 v0, v9  }
0x2f4: {  	v7 =	vshll.u32 v7, $0x4;
	v8 =	vor.u32 v0, v8;
	[tilespmem:v11+s24+$0x0] =	vst.idx.add.f32.msk $0xffff, v3  }
0x2f5: {  	v7 =	vor.u32 v0, v7;
	[tilespmem:v12+s24+$0x0] =	vst.idx.add.f32.msk $0xffff, v3  }
0x2f6: {  	[tilespmem:v14+s24+$0x0] =	vst.idx.add.f32.msk $0xffff, v3  }
0x2f7: {  	[tilespmem:v13+s24+$0x0] =	vst.idx.add.f32.msk $0xffff, v3  }
0x2f8: {  	[tilespmem:v9+s24+$0x0] =	vst.idx.add.f32.msk $0xffff, v3  }
0x2f9: {  	[tilespmem:v8+s24+$0x0] =	vst.idx.add.f32.msk $0xffff, v3  }
0x2fa: {  	s0 =	simm.s32 $0x0;
	[tilespmem:v7+s24+$0x0] =	vst.idx.add.f32.msk $0xffff, v3  }
0x2fb: {  	[tilespmem:s0], [sflag:$0x1] =	stream.linear.gather [hbm4b:s14+s0], $0x8000, $0x38;
	[tilespmem:$0x10480] =	vst v63  }
0x2fc: {  	s1 =	sand.u32 $0x7000, s0;
	s2 =	sand.u32 $0xC00, s0;
	_ =	swait.ge [sflag:s25], $0x8000  }
0x2fd: {  	s1 =	sor.u32 s2, s1;
	s0 =	sand.u32 $0x380, s0;
	[sflag:s25] =	ssyncset.done $0x0  }
0x2fe: {  	s0 =	sor.u32 s0, s1;
	[sflag:s25] =	ssyncadd.s32 $0xFFFF8000  }
0x2ff: {  	v7 =	vld [tilespmem:s0+$0x8070]  }
0x300: {  	v8 =	vld [tilespmem:s0+$0x8000]  }
0x301: {  	v9 =	vld [tilespmem:s0+$0x8010]  }
0x302: {  	v10 =	vld [tilespmem:s0+$0x8020]  }
0x303: {  	v11 =	vld [tilespmem:s0+$0x8030]  }
0x304: {  	v12 =	vld [tilespmem:s0+$0x8040]  }
0x305: {  	v13 =	vld [tilespmem:s0+$0x8050]  }
0x306: {  	v14 =	vld [tilespmem:s0+$0x8060]  }
0x307: {  	v7 =	vmul.f32 $5.000000000e+01, v7;
	v8 =	vmul.f32 $5.000000000e+01, v8  }
0x308: {  	v9 =	vmul.f32 $5.000000000e+01, v9;
	v10 =	vmul.f32 $5.000000000e+01, v10  }
0x309: {  	v11 =	vmul.f32 $5.000000000e+01, v11;
	v7 =	vtrunc.f32 v7  }
0x30a: {  	s3 =	simm.s32 $0x80;
	s2 =	simm.s32 $0x400;
	v12 =	vmul.f32 $5.000000000e+01, v12;
	v7 =	vcvt.f32.s32 v7  }
0x30b: {  	s30 =	simm.s32 $0x20;
	s1 =	sand.u32 $0x7000, s3;
	s0 =	sand.u32 $0xC00, s2;
	v13 =	vmul.f32 $5.000000000e+01, v13;
	v14 =	vmul.f32 $5.000000000e+01, v14  }
0x30c: {  	s4 =	sand.u32 $0x380, s30;
	s0 =	sor.u32 s0, s1;
	v8 =	vtrunc.f32 v8;
	v9 =	vtrunc.f32 v9;
	v7 =	vshll.u32 v7, $0x4  }
0x30d: {  	s0 =	sor.u32 s4, s0;
	v10 =	vtrunc.f32 v10;
	v11 =	vtrunc.f32 v11;
	v7 =	vor.u32 v0, v7  }
0x30e: {  	v17 =	vld [tilespmem:s0+$0x8020];
	v12 =	vtrunc.f32 v12;
	v13 =	vtrunc.f32 v13  }
0x30f: {  	v14 =	vtrunc.f32 v14;
	v8 =	vcvt.f32.s32 v8  }
0x310: {  	v15 =	vld [tilespmem:s0+$0x8070];
	v9 =	vcvt.f32.s32 v9;
	v12 =	vcvt.f32.s32 v12  }
0x311: {  	v16 =	vld [tilespmem:s0+$0x8010];
	v13 =	vcvt.f32.s32 v13;
	v14 =	vcvt.f32.s32 v14  }
0x312: {  	v8 =	vshll.u32 v8, $0x4;
	[tilespmem:v7+s24+$0x0] =	vst.idx.add.f32.msk $0xffff, v3;
	v7 =	vcvt.f32.s32 v10;
	v10 =	vcvt.f32.s32 v11  }
0x313: {  	v22 =	vld [tilespmem:s0+$0x8040];
	v17 =	vmul.f32 $5.000000000e+01, v17;
	v9 =	vshll.u32 v9, $0x4;
	v18 =	vor.u32 v0, v8  }
0x314: {  	v19 =	vor.u32 v0, v9;
	v11 =	vld [tilespmem:s0+$0x8000];
	v7 =	vshll.u32 v7, $0x4;
	v8 =	vshll.u32 v10, $0x4  }
0x315: {  	v10 =	vshll.u32 v12, $0x4;
	v12 =	vld [tilespmem:s0+$0x8030];
	v21 =	vor.u32 v0, v7;
	v7 =	vmul.f32 $5.000000000e+01, v15  }
0x316: {  	v24 =	vld [tilespmem:s0+$0x8050];
	v20 =	vshll.u32 v13, $0x4;
	v14 =	vshll.u32 v14, $0x4;
	v23 =	vor.u32 v0, v8  }
0x317: {  	v13 =	vld [tilespmem:s0+$0x8060];
	v9 =	vor.u32 v0, v10;
	v10 =	vmul.f32 $5.000000000e+01, v16;
	v7 =	vtrunc.f32 v7  }
0x318: {  	[tilespmem:v18+s24+$0x0] =	vst.idx.add.f32.msk $0xffff, v3;
	v8 =	vor.u32 v0, v20;
	v15 =	vmul.f32 $5.000000000e+01, v22;
	v20 =	vcvt.f32.s32 v7  }
0x319: {  	[tilespmem:v19+s24+$0x0] =	vst.idx.add.f32.msk $0xffff, v3;
	v11 =	vmul.f32 $5.000000000e+01, v11;
	v7 =	vor.u32 v0, v14;
	v14 =	vtrunc.f32 v17  }
0x31a: {  	v16 =	vmul.f32 $5.000000000e+01, v12;
	v12 =	vtrunc.f32 v10;
	v10 =	vshll.u32 v20, $0x4;
	[tilespmem:v21+s24+$0x0] =	vst.idx.add.f32.msk $0xffff, v3  }
0x31b: {  	s31 =	simm.s32 $0x8;
	s1 =	simm.s32 $0x800;
	s0 =	simm.s32 $0x100;
	v17 =	vmul.f32 $5.000000000e+01, v24;
	v11 =	vtrunc.f32 v11;
	[tilespmem:v23+s24+$0x0] =	vst.idx.add.f32.msk $0xffff, v3;
	v10 =	vor.u32 v0, v10  }
.LBB2_24:
0x31c: {  	s2 =	sand.u32 $0x7000, s0;
	s3 =	sand.u32 $0xC00, s1;
	v16 =	vtrunc.f32 v16;
	v13 =	vmul.f32 $5.000000000e+01, v13;
	s30 =	sadd.s32 $0x20, s30;
	[tilespmem:v9+s24+$0x0] =	vst.idx.add.f32.msk $0xffff, v3  }
0x31d: {  	s31 =	sadd.s32 $0x8, s31;
	v9 =	vtrunc.f32 v15;
	s4 =	sand.u32 $0x380, s30;
	s2 =	sor.u32 s3, s2;
	v15 =	vtrunc.f32 v17;
	[tilespmem:v8+s24+$0x0] =	vst.idx.add.f32.msk $0xffff, v3  }
0x31e: {  	p0 =	slt.u32 s31, $0x7F8;
	v8 =	vcvt.f32.s32 v11;
	s2 =	sor.u32 s4, s2;
	v11 =	vtrunc.f32 v13;
	[tilespmem:v7+s24+$0x0] =	vst.idx.add.f32.msk $0xffff, v3  }
0x31f: {  	v12 =	vcvt.f32.s32 v12;
	v13 =	vcvt.f32.s32 v14;
	v7 =	vld [tilespmem:s2+$0x8070]  }
0x320: {  	v9 =	vcvt.f32.s32 v9;
	v14 =	vcvt.f32.s32 v16;
	v8 =	vshll.u32 v8, $0x4;
	[tilespmem:v10+s24+$0x0] =	vst.idx.add.f32.msk $0xffff, v3  }
0x321: {  	v12 =	vshll.u32 v12, $0x4;
	v15 =	vcvt.f32.s32 v15;
	v11 =	vcvt.f32.s32 v11;
	v10 =	vld [tilespmem:s2+$0x8000]  }
0x322: {  	v9 =	vshll.u32 v9, $0x4;
	v13 =	vshll.u32 v13, $0x4;
	v14 =	vshll.u32 v14, $0x4;
	v16 =	vld [tilespmem:s2+$0x8010]  }
0x323: {  	v18 =	vor.u32 v0, v8;
	v8 =	vshll.u32 v15, $0x4;
	v11 =	vshll.u32 v11, $0x4;
	v17 =	vld [tilespmem:s2+$0x8020]  }
0x324: {  	v12 =	vor.u32 v0, v12;
	v19 =	vor.u32 v0, v13;
	v20 =	vor.u32 v0, v14;
	v15 =	vld [tilespmem:s2+$0x8030]  }
0x325: {  	v9 =	vor.u32 v0, v9;
	v8 =	vor.u32 v0, v8;
	v21 =	vmul.f32 $5.000000000e+01, v7;
	v14 =	vld [tilespmem:s2+$0x8040]  }
0x326: {  	v7 =	vor.u32 v0, v11;
	v10 =	vmul.f32 $5.000000000e+01, v10;
	v22 =	vld [tilespmem:s2+$0x8050]  }
.Ltmp11:
0x327: {  	v11 =	vtrunc.f32 v21;
	v23 =	vmul.f32 $5.000000000e+01, v16;
	v13 =	vld [tilespmem:s2+$0x8060];
	(pc) =	sbr.rel @p0 .LBB2_24-.Ltmp11, $4  }
0x328: {  	v21 =	vcvt.f32.s32 v11;
	v17 =	vmul.f32 $5.000000000e+01, v17;
	[tilespmem:v18+s24+$0x0] =	vst.idx.add.f32.msk $0xffff, v3  }
0x329: {  	v11 =	vtrunc.f32 v10;
	v16 =	vmul.f32 $5.000000000e+01, v15;
	[tilespmem:v12+s24+$0x0] =	vst.idx.add.f32.msk $0xffff, v3  }
0x32a: {  	v12 =	vtrunc.f32 v23;
	v10 =	vshll.u32 v21, $0x4;
	v15 =	vmul.f32 $5.000000000e+01, v14;
	[tilespmem:v19+s24+$0x0] =	vst.idx.add.f32.msk $0xffff, v3  }
0x32b: {  	s1 =	sadd.s32 $0x400, s1;
	s0 =	sadd.s32 $0x80, s0;
	v14 =	vtrunc.f32 v17;
	v10 =	vor.u32 v0, v10;
	v17 =	vmul.f32 $5.000000000e+01, v22;
	[tilespmem:v20+s24+$0x0] =	vst.idx.add.f32.msk $0xffff, v3  }
0x32c: {  	v16 =	vtrunc.f32 v16;
	v13 =	vmul.f32 $5.000000000e+01, v13  }
0x32d: {  	v15 =	vtrunc.f32 v15;
	v11 =	vcvt.f32.s32 v11  }
0x32e: {  	v12 =	vcvt.f32.s32 v12;
	v14 =	vcvt.f32.s32 v14  }
0x32f: {  	v17 =	vtrunc.f32 v17;
	v16 =	vcvt.f32.s32 v16;
	v11 =	vshll.u32 v11, $0x4  }
0x330: {  	[tilespmem:v9+s24+$0x0] =	vst.idx.add.f32.msk $0xffff, v3;
	v9 =	vcvt.f32.s32 v15;
	v12 =	vshll.u32 v12, $0x4;
	v11 =	vor.u32 v0, v11  }
0x331: {  	v13 =	vtrunc.f32 v13;
	v14 =	vshll.u32 v14, $0x4;
	v12 =	vor.u32 v0, v12  }
0x332: {  	[tilespmem:v8+s24+$0x0] =	vst.idx.add.f32.msk $0xffff, v3;
	v8 =	vcvt.f32.s32 v17;
	v15 =	vshll.u32 v16, $0x4;
	v14 =	vor.u32 v0, v14  }
0x333: {  	[tilespmem:v7+s24+$0x0] =	vst.idx.add.f32.msk $0xffff, v3;
	v7 =	vcvt.f32.s32 v13;
	v9 =	vshll.u32 v9, $0x4;
	v13 =	vor.u32 v0, v15  }
0x334: {  	[tilespmem:v10+s24+$0x0] =	vst.idx.add.f32.msk $0xffff, v3;
	v8 =	vshll.u32 v8, $0x4;
	v9 =	vor.u32 v0, v9  }
0x335: {  	v7 =	vshll.u32 v7, $0x4;
	v8 =	vor.u32 v0, v8;
	[tilespmem:v11+s24+$0x0] =	vst.idx.add.f32.msk $0xffff, v3  }
0x336: {  	v7 =	vor.u32 v0, v7;
	[tilespmem:v12+s24+$0x0] =	vst.idx.add.f32.msk $0xffff, v3  }
0x337: {  	[tilespmem:v14+s24+$0x0] =	vst.idx.add.f32.msk $0xffff, v3  }
0x338: {  	[tilespmem:v13+s24+$0x0] =	vst.idx.add.f32.msk $0xffff, v3  }
0x339: {  	[tilespmem:v9+s24+$0x0] =	vst.idx.add.f32.msk $0xffff, v3  }
0x33a: {  	[tilespmem:v8+s24+$0x0] =	vst.idx.add.f32.msk $0xffff, v3  }
0x33b: {  	s0 =	simm.s32 $0x0;
	[tilespmem:v7+s24+$0x0] =	vst.idx.add.f32.msk $0xffff, v3  }
0x33c: {  	[tilespmem:s22], [sflag:$0x2] =	stream.linear.gather [hbm4b:s15+s0], $0x8000, $0x38;
	[tilespmem:$0x10480] =	vst v63  }
0x33d: {  	s1 =	sand.u32 $0x7000, s0;
	s2 =	sand.u32 $0xC00, s0;
	_ =	swait.ge [sflag:s23], $0x8000  }
0x33e: {  	s1 =	sor.u32 s2, s1;
	s0 =	sand.u32 $0x380, s0;
	[sflag:s23] =	ssyncset.done $0x0  }
0x33f: {  	s0 =	sor.u32 s0, s1;
	[sflag:s23] =	ssyncadd.s32 $0xFFFF8000  }
0x340: {  	v7 =	vld [tilespmem:s0+$0x70]  }
0x341: {  	v8 =	vld [tilespmem:s0+$0x0]  }
0x342: {  	v9 =	vld [tilespmem:s0+$0x10]  }
0x343: {  	v10 =	vld [tilespmem:s0+$0x20]  }
0x344: {  	v11 =	vld [tilespmem:s0+$0x30]  }
0x345: {  	v12 =	vld [tilespmem:s0+$0x40]  }
0x346: {  	v13 =	vld [tilespmem:s0+$0x50]  }
0x347: {  	v14 =	vld [tilespmem:s0+$0x60]  }
0x348: {  	v7 =	vmul.f32 $5.000000000e+01, v7;
	v8 =	vmul.f32 $5.000000000e+01, v8  }
0x349: {  	v9 =	vmul.f32 $5.000000000e+01, v9;
	v10 =	vmul.f32 $5.000000000e+01, v10  }
0x34a: {  	v11 =	vmul.f32 $5.000000000e+01, v11;
	v7 =	vtrunc.f32 v7  }
0x34b: {  	s3 =	simm.s32 $0x80;
	s2 =	simm.s32 $0x400;
	v12 =	vmul.f32 $5.000000000e+01, v12;
	v7 =	vcvt.f32.s32 v7  }
0x34c: {  	s30 =	simm.s32 $0x20;
	s1 =	sand.u32 $0x7000, s3;
	s0 =	sand.u32 $0xC00, s2;
	v13 =	vmul.f32 $5.000000000e+01, v13;
	v14 =	vmul.f32 $5.000000000e+01, v14  }
0x34d: {  	s4 =	sand.u32 $0x380, s30;
	s0 =	sor.u32 s0, s1;
	v8 =	vtrunc.f32 v8;
	v9 =	vtrunc.f32 v9;
	v7 =	vshll.u32 v7, $0x4  }
0x34e: {  	s0 =	sor.u32 s4, s0;
	v10 =	vtrunc.f32 v10;
	v11 =	vtrunc.f32 v11;
	v7 =	vor.u32 v0, v7  }
0x34f: {  	v17 =	vld [tilespmem:s0+$0x20];
	v12 =	vtrunc.f32 v12;
	v13 =	vtrunc.f32 v13  }
0x350: {  	v14 =	vtrunc.f32 v14;
	v8 =	vcvt.f32.s32 v8  }
0x351: {  	v15 =	vld [tilespmem:s0+$0x70];
	v9 =	vcvt.f32.s32 v9;
	v12 =	vcvt.f32.s32 v12  }
0x352: {  	v16 =	vld [tilespmem:s0+$0x10];
	v13 =	vcvt.f32.s32 v13;
	v14 =	vcvt.f32.s32 v14  }
0x353: {  	v8 =	vshll.u32 v8, $0x4;
	[tilespmem:v7+s24+$0x0] =	vst.idx.add.f32.msk $0xffff, v3;
	v7 =	vcvt.f32.s32 v10;
	v10 =	vcvt.f32.s32 v11  }
0x354: {  	v22 =	vld [tilespmem:s0+$0x40];
	v17 =	vmul.f32 $5.000000000e+01, v17;
	v9 =	vshll.u32 v9, $0x4;
	v18 =	vor.u32 v0, v8  }
0x355: {  	v19 =	vor.u32 v0, v9;
	v11 =	vld [tilespmem:s0+$0x0];
	v7 =	vshll.u32 v7, $0x4;
	v8 =	vshll.u32 v10, $0x4  }
0x356: {  	v10 =	vshll.u32 v12, $0x4;
	v12 =	vld [tilespmem:s0+$0x30];
	v21 =	vor.u32 v0, v7;
	v7 =	vmul.f32 $5.000000000e+01, v15  }
0x357: {  	v24 =	vld [tilespmem:s0+$0x50];
	v20 =	vshll.u32 v13, $0x4;
	v14 =	vshll.u32 v14, $0x4;
	v23 =	vor.u32 v0, v8  }
0x358: {  	v13 =	vld [tilespmem:s0+$0x60];
	v9 =	vor.u32 v0, v10;
	v10 =	vmul.f32 $5.000000000e+01, v16;
	v7 =	vtrunc.f32 v7  }
0x359: {  	[tilespmem:v18+s24+$0x0] =	vst.idx.add.f32.msk $0xffff, v3;
	v8 =	vor.u32 v0, v20;
	v15 =	vmul.f32 $5.000000000e+01, v22;
	v20 =	vcvt.f32.s32 v7  }
0x35a: {  	[tilespmem:v19+s24+$0x0] =	vst.idx.add.f32.msk $0xffff, v3;
	v11 =	vmul.f32 $5.000000000e+01, v11;
	v7 =	vor.u32 v0, v14;
	v14 =	vtrunc.f32 v17  }
0x35b: {  	v16 =	vmul.f32 $5.000000000e+01, v12;
	v12 =	vtrunc.f32 v10;
	v10 =	vshll.u32 v20, $0x4;
	[tilespmem:v21+s24+$0x0] =	vst.idx.add.f32.msk $0xffff, v3  }
0x35c: {  	s31 =	simm.s32 $0x8;
	s1 =	simm.s32 $0x800;
	s0 =	simm.s32 $0x100;
	v17 =	vmul.f32 $5.000000000e+01, v24;
	v11 =	vtrunc.f32 v11;
	[tilespmem:v23+s24+$0x0] =	vst.idx.add.f32.msk $0xffff, v3;
	v10 =	vor.u32 v0, v10  }
.LBB2_26:
0x35d: {  	s2 =	sand.u32 $0x7000, s0;
	s3 =	sand.u32 $0xC00, s1;
	v16 =	vtrunc.f32 v16;
	v13 =	vmul.f32 $5.000000000e+01, v13;
	s30 =	sadd.s32 $0x20, s30;
	[tilespmem:v9+s24+$0x0] =	vst.idx.add.f32.msk $0xffff, v3  }
0x35e: {  	s31 =	sadd.s32 $0x8, s31;
	v9 =	vtrunc.f32 v15;
	s4 =	sand.u32 $0x380, s30;
	s2 =	sor.u32 s3, s2;
	v15 =	vtrunc.f32 v17;
	[tilespmem:v8+s24+$0x0] =	vst.idx.add.f32.msk $0xffff, v3  }
0x35f: {  	p0 =	slt.u32 s31, $0x7F8;
	v8 =	vcvt.f32.s32 v11;
	s2 =	sor.u32 s4, s2;
	v11 =	vtrunc.f32 v13;
	[tilespmem:v7+s24+$0x0] =	vst.idx.add.f32.msk $0xffff, v3  }
0x360: {  	v12 =	vcvt.f32.s32 v12;
	v13 =	vcvt.f32.s32 v14;
	v7 =	vld [tilespmem:s2+$0x70]  }
0x361: {  	v9 =	vcvt.f32.s32 v9;
	v14 =	vcvt.f32.s32 v16;
	v8 =	vshll.u32 v8, $0x4;
	[tilespmem:v10+s24+$0x0] =	vst.idx.add.f32.msk $0xffff, v3  }
0x362: {  	v12 =	vshll.u32 v12, $0x4;
	v15 =	vcvt.f32.s32 v15;
	v11 =	vcvt.f32.s32 v11;
	v10 =	vld [tilespmem:s2+$0x0]  }
0x363: {  	v9 =	vshll.u32 v9, $0x4;
	v13 =	vshll.u32 v13, $0x4;
	v14 =	vshll.u32 v14, $0x4;
	v16 =	vld [tilespmem:s2+$0x10]  }
0x364: {  	v18 =	vor.u32 v0, v8;
	v8 =	vshll.u32 v15, $0x4;
	v11 =	vshll.u32 v11, $0x4;
	v17 =	vld [tilespmem:s2+$0x20]  }
0x365: {  	v12 =	vor.u32 v0, v12;
	v19 =	vor.u32 v0, v13;
	v20 =	vor.u32 v0, v14;
	v15 =	vld [tilespmem:s2+$0x30]  }
0x366: {  	v9 =	vor.u32 v0, v9;
	v8 =	vor.u32 v0, v8;
	v21 =	vmul.f32 $5.000000000e+01, v7;
	v14 =	vld [tilespmem:s2+$0x40]  }
0x367: {  	v7 =	vor.u32 v0, v11;
	v10 =	vmul.f32 $5.000000000e+01, v10;
	v22 =	vld [tilespmem:s2+$0x50]  }
.Ltmp12:
0x368: {  	v11 =	vtrunc.f32 v21;
	v23 =	vmul.f32 $5.000000000e+01, v16;
	v13 =	vld [tilespmem:s2+$0x60];
	(pc) =	sbr.rel @p0 .LBB2_26-.Ltmp12, $4  }
0x369: {  	v21 =	vcvt.f32.s32 v11;
	v17 =	vmul.f32 $5.000000000e+01, v17;
	[tilespmem:v18+s24+$0x0] =	vst.idx.add.f32.msk $0xffff, v3  }
0x36a: {  	v11 =	vtrunc.f32 v10;
	v16 =	vmul.f32 $5.000000000e+01, v15;
	[tilespmem:v12+s24+$0x0] =	vst.idx.add.f32.msk $0xffff, v3  }
0x36b: {  	v12 =	vtrunc.f32 v23;
	v10 =	vshll.u32 v21, $0x4;
	v15 =	vmul.f32 $5.000000000e+01, v14;
	[tilespmem:v19+s24+$0x0] =	vst.idx.add.f32.msk $0xffff, v3  }
0x36c: {  	s1 =	sadd.s32 $0x400, s1;
	s0 =	sadd.s32 $0x80, s0;
	v14 =	vtrunc.f32 v17;
	v10 =	vor.u32 v0, v10;
	v17 =	vmul.f32 $5.000000000e+01, v22;
	[tilespmem:v20+s24+$0x0] =	vst.idx.add.f32.msk $0xffff, v3  }
0x36d: {  	v16 =	vtrunc.f32 v16;
	v13 =	vmul.f32 $5.000000000e+01, v13  }
0x36e: {  	v15 =	vtrunc.f32 v15;
	v11 =	vcvt.f32.s32 v11  }
0x36f: {  	v12 =	vcvt.f32.s32 v12;
	v14 =	vcvt.f32.s32 v14  }
0x370: {  	v17 =	vtrunc.f32 v17;
	v16 =	vcvt.f32.s32 v16;
	v11 =	vshll.u32 v11, $0x4  }
0x371: {  	[tilespmem:v9+s24+$0x0] =	vst.idx.add.f32.msk $0xffff, v3;
	v9 =	vcvt.f32.s32 v15;
	v12 =	vshll.u32 v12, $0x4;
	v11 =	vor.u32 v0, v11  }
0x372: {  	v13 =	vtrunc.f32 v13;
	v14 =	vshll.u32 v14, $0x4;
	v12 =	vor.u32 v0, v12  }
0x373: {  	[tilespmem:v8+s24+$0x0] =	vst.idx.add.f32.msk $0xffff, v3;
	v8 =	vcvt.f32.s32 v17;
	v15 =	vshll.u32 v16, $0x4;
	v14 =	vor.u32 v0, v14  }
0x374: {  	[tilespmem:v7+s24+$0x0] =	vst.idx.add.f32.msk $0xffff, v3;
	v7 =	vcvt.f32.s32 v13;
	v9 =	vshll.u32 v9, $0x4;
	v13 =	vor.u32 v0, v15  }
0x375: {  	[tilespmem:v10+s24+$0x0] =	vst.idx.add.f32.msk $0xffff, v3;
	v8 =	vshll.u32 v8, $0x4;
	v9 =	vor.u32 v0, v9  }
0x376: {  	v7 =	vshll.u32 v7, $0x4;
	v8 =	vor.u32 v0, v8;
	[tilespmem:v11+s24+$0x0] =	vst.idx.add.f32.msk $0xffff, v3  }
0x377: {  	v7 =	vor.u32 v0, v7;
	[tilespmem:v12+s24+$0x0] =	vst.idx.add.f32.msk $0xffff, v3  }
0x378: {  	[tilespmem:v14+s24+$0x0] =	vst.idx.add.f32.msk $0xffff, v3  }
0x379: {  	[tilespmem:v13+s24+$0x0] =	vst.idx.add.f32.msk $0xffff, v3  }
0x37a: {  	[tilespmem:v9+s24+$0x0] =	vst.idx.add.f32.msk $0xffff, v3  }
0x37b: {  	[tilespmem:v8+s24+$0x0] =	vst.idx.add.f32.msk $0xffff, v3  }
0x37c: {  	s0 =	simm.s32 $0x0;
	[tilespmem:v7+s24+$0x0] =	vst.idx.add.f32.msk $0xffff, v3  }
0x37d: {  	[tilespmem:s0], [sflag:$0x1] =	stream.linear.gather [hbm4b:s16+s0], $0x8000, $0x38;
	[tilespmem:$0x10480] =	vst v63  }
0x37e: {  	s1 =	sand.u32 $0x7000, s0;
	s2 =	sand.u32 $0xC00, s0;
	_ =	swait.ge [sflag:s25], $0x8000  }
0x37f: {  	s1 =	sor.u32 s2, s1;
	s0 =	sand.u32 $0x380, s0;
	[sflag:s25] =	ssyncset.done $0x0  }
0x380: {  	s0 =	sor.u32 s0, s1;
	[sflag:s25] =	ssyncadd.s32 $0xFFFF8000  }
0x381: {  	v7 =	vld [tilespmem:s0+$0x8070]  }
0x382: {  	v8 =	vld [tilespmem:s0+$0x8000]  }
0x383: {  	v9 =	vld [tilespmem:s0+$0x8010]  }
0x384: {  	v10 =	vld [tilespmem:s0+$0x8020]  }
0x385: {  	v11 =	vld [tilespmem:s0+$0x8030]  }
0x386: {  	v12 =	vld [tilespmem:s0+$0x8040]  }
0x387: {  	v13 =	vld [tilespmem:s0+$0x8050]  }
0x388: {  	v14 =	vld [tilespmem:s0+$0x8060]  }
0x389: {  	v7 =	vmul.f32 $5.000000000e+01, v7;
	v8 =	vmul.f32 $5.000000000e+01, v8  }
0x38a: {  	v9 =	vmul.f32 $5.000000000e+01, v9;
	v10 =	vmul.f32 $5.000000000e+01, v10  }
0x38b: {  	v11 =	vmul.f32 $5.000000000e+01, v11;
	v7 =	vtrunc.f32 v7  }
0x38c: {  	s3 =	simm.s32 $0x80;
	s2 =	simm.s32 $0x400;
	v12 =	vmul.f32 $5.000000000e+01, v12;
	v7 =	vcvt.f32.s32 v7  }
0x38d: {  	s30 =	simm.s32 $0x20;
	s1 =	sand.u32 $0x7000, s3;
	s0 =	sand.u32 $0xC00, s2;
	v13 =	vmul.f32 $5.000000000e+01, v13;
	v14 =	vmul.f32 $5.000000000e+01, v14  }
0x38e: {  	s4 =	sand.u32 $0x380, s30;
	s0 =	sor.u32 s0, s1;
	v8 =	vtrunc.f32 v8;
	v9 =	vtrunc.f32 v9;
	v7 =	vshll.u32 v7, $0x4  }
0x38f: {  	s0 =	sor.u32 s4, s0;
	v10 =	vtrunc.f32 v10;
	v11 =	vtrunc.f32 v11;
	v7 =	vor.u32 v0, v7  }
0x390: {  	v17 =	vld [tilespmem:s0+$0x8020];
	v12 =	vtrunc.f32 v12;
	v13 =	vtrunc.f32 v13  }
0x391: {  	v14 =	vtrunc.f32 v14;
	v8 =	vcvt.f32.s32 v8  }
0x392: {  	v15 =	vld [tilespmem:s0+$0x8070];
	v9 =	vcvt.f32.s32 v9;
	v12 =	vcvt.f32.s32 v12  }
0x393: {  	v16 =	vld [tilespmem:s0+$0x8010];
	v13 =	vcvt.f32.s32 v13;
	v14 =	vcvt.f32.s32 v14  }
0x394: {  	v8 =	vshll.u32 v8, $0x4;
	[tilespmem:v7+s24+$0x0] =	vst.idx.add.f32.msk $0xffff, v3;
	v7 =	vcvt.f32.s32 v10;
	v10 =	vcvt.f32.s32 v11  }
0x395: {  	v22 =	vld [tilespmem:s0+$0x8040];
	v17 =	vmul.f32 $5.000000000e+01, v17;
	v9 =	vshll.u32 v9, $0x4;
	v18 =	vor.u32 v0, v8  }
0x396: {  	v19 =	vor.u32 v0, v9;
	v11 =	vld [tilespmem:s0+$0x8000];
	v7 =	vshll.u32 v7, $0x4;
	v8 =	vshll.u32 v10, $0x4  }
0x397: {  	v10 =	vshll.u32 v12, $0x4;
	v12 =	vld [tilespmem:s0+$0x8030];
	v21 =	vor.u32 v0, v7;
	v7 =	vmul.f32 $5.000000000e+01, v15  }
0x398: {  	v24 =	vld [tilespmem:s0+$0x8050];
	v20 =	vshll.u32 v13, $0x4;
	v14 =	vshll.u32 v14, $0x4;
	v23 =	vor.u32 v0, v8  }
0x399: {  	v13 =	vld [tilespmem:s0+$0x8060];
	v9 =	vor.u32 v0, v10;
	v10 =	vmul.f32 $5.000000000e+01, v16;
	v7 =	vtrunc.f32 v7  }
0x39a: {  	[tilespmem:v18+s24+$0x0] =	vst.idx.add.f32.msk $0xffff, v3;
	v8 =	vor.u32 v0, v20;
	v15 =	vmul.f32 $5.000000000e+01, v22;
	v20 =	vcvt.f32.s32 v7  }
0x39b: {  	[tilespmem:v19+s24+$0x0] =	vst.idx.add.f32.msk $0xffff, v3;
	v11 =	vmul.f32 $5.000000000e+01, v11;
	v7 =	vor.u32 v0, v14;
	v14 =	vtrunc.f32 v17  }
0x39c: {  	v16 =	vmul.f32 $5.000000000e+01, v12;
	v12 =	vtrunc.f32 v10;
	v10 =	vshll.u32 v20, $0x4;
	[tilespmem:v21+s24+$0x0] =	vst.idx.add.f32.msk $0xffff, v3  }
0x39d: {  	s31 =	simm.s32 $0x8;
	s1 =	simm.s32 $0x800;
	s0 =	simm.s32 $0x100;
	v17 =	vmul.f32 $5.000000000e+01, v24;
	v11 =	vtrunc.f32 v11;
	[tilespmem:v23+s24+$0x0] =	vst.idx.add.f32.msk $0xffff, v3;
	v10 =	vor.u32 v0, v10  }
.LBB2_28:
0x39e: {  	s2 =	sand.u32 $0x7000, s0;
	s3 =	sand.u32 $0xC00, s1;
	v16 =	vtrunc.f32 v16;
	v13 =	vmul.f32 $5.000000000e+01, v13;
	s30 =	sadd.s32 $0x20, s30;
	[tilespmem:v9+s24+$0x0] =	vst.idx.add.f32.msk $0xffff, v3  }
0x39f: {  	s31 =	sadd.s32 $0x8, s31;
	v9 =	vtrunc.f32 v15;
	s4 =	sand.u32 $0x380, s30;
	s2 =	sor.u32 s3, s2;
	v15 =	vtrunc.f32 v17;
	[tilespmem:v8+s24+$0x0] =	vst.idx.add.f32.msk $0xffff, v3  }
0x3a0: {  	p0 =	slt.u32 s31, $0x7F8;
	v8 =	vcvt.f32.s32 v11;
	s2 =	sor.u32 s4, s2;
	v11 =	vtrunc.f32 v13;
	[tilespmem:v7+s24+$0x0] =	vst.idx.add.f32.msk $0xffff, v3  }
0x3a1: {  	v12 =	vcvt.f32.s32 v12;
	v13 =	vcvt.f32.s32 v14;
	v7 =	vld [tilespmem:s2+$0x8070]  }
0x3a2: {  	v9 =	vcvt.f32.s32 v9;
	v14 =	vcvt.f32.s32 v16;
	v8 =	vshll.u32 v8, $0x4;
	[tilespmem:v10+s24+$0x0] =	vst.idx.add.f32.msk $0xffff, v3  }
0x3a3: {  	v12 =	vshll.u32 v12, $0x4;
	v15 =	vcvt.f32.s32 v15;
	v11 =	vcvt.f32.s32 v11;
	v10 =	vld [tilespmem:s2+$0x8000]  }
0x3a4: {  	v9 =	vshll.u32 v9, $0x4;
	v13 =	vshll.u32 v13, $0x4;
	v14 =	vshll.u32 v14, $0x4;
	v16 =	vld [tilespmem:s2+$0x8010]  }
0x3a5: {  	v18 =	vor.u32 v0, v8;
	v8 =	vshll.u32 v15, $0x4;
	v11 =	vshll.u32 v11, $0x4;
	v17 =	vld [tilespmem:s2+$0x8020]  }
0x3a6: {  	v12 =	vor.u32 v0, v12;
	v19 =	vor.u32 v0, v13;
	v20 =	vor.u32 v0, v14;
	v15 =	vld [tilespmem:s2+$0x8030]  }
0x3a7: {  	v9 =	vor.u32 v0, v9;
	v8 =	vor.u32 v0, v8;
	v21 =	vmul.f32 $5.000000000e+01, v7;
	v14 =	vld [tilespmem:s2+$0x8040]  }
0x3a8: {  	v7 =	vor.u32 v0, v11;
	v10 =	vmul.f32 $5.000000000e+01, v10;
	v22 =	vld [tilespmem:s2+$0x8050]  }
.Ltmp13:
0x3a9: {  	v11 =	vtrunc.f32 v21;
	v23 =	vmul.f32 $5.000000000e+01, v16;
	v13 =	vld [tilespmem:s2+$0x8060];
	(pc) =	sbr.rel @p0 .LBB2_28-.Ltmp13, $4  }
0x3aa: {  	v21 =	vcvt.f32.s32 v11;
	v17 =	vmul.f32 $5.000000000e+01, v17;
	[tilespmem:v18+s24+$0x0] =	vst.idx.add.f32.msk $0xffff, v3  }
0x3ab: {  	v11 =	vtrunc.f32 v10;
	v16 =	vmul.f32 $5.000000000e+01, v15;
	[tilespmem:v12+s24+$0x0] =	vst.idx.add.f32.msk $0xffff, v3  }
0x3ac: {  	v12 =	vtrunc.f32 v23;
	v10 =	vshll.u32 v21, $0x4;
	v15 =	vmul.f32 $5.000000000e+01, v14;
	[tilespmem:v19+s24+$0x0] =	vst.idx.add.f32.msk $0xffff, v3  }
0x3ad: {  	s1 =	sadd.s32 $0x400, s1;
	s0 =	sadd.s32 $0x80, s0;
	v14 =	vtrunc.f32 v17;
	v10 =	vor.u32 v0, v10;
	v17 =	vmul.f32 $5.000000000e+01, v22;
	[tilespmem:v20+s24+$0x0] =	vst.idx.add.f32.msk $0xffff, v3  }
0x3ae: {  	v16 =	vtrunc.f32 v16;
	v13 =	vmul.f32 $5.000000000e+01, v13  }
0x3af: {  	v15 =	vtrunc.f32 v15;
	v11 =	vcvt.f32.s32 v11  }
0x3b0: {  	v12 =	vcvt.f32.s32 v12;
	v14 =	vcvt.f32.s32 v14  }
0x3b1: {  	v17 =	vtrunc.f32 v17;
	v16 =	vcvt.f32.s32 v16;
	v11 =	vshll.u32 v11, $0x4  }
0x3b2: {  	[tilespmem:v9+s24+$0x0] =	vst.idx.add.f32.msk $0xffff, v3;
	v9 =	vcvt.f32.s32 v15;
	v12 =	vshll.u32 v12, $0x4;
	v11 =	vor.u32 v0, v11  }
0x3b3: {  	v13 =	vtrunc.f32 v13;
	v14 =	vshll.u32 v14, $0x4;
	v12 =	vor.u32 v0, v12  }
0x3b4: {  	[tilespmem:v8+s24+$0x0] =	vst.idx.add.f32.msk $0xffff, v3;
	v8 =	vcvt.f32.s32 v17;
	v15 =	vshll.u32 v16, $0x4;
	v14 =	vor.u32 v0, v14  }
0x3b5: {  	[tilespmem:v7+s24+$0x0] =	vst.idx.add.f32.msk $0xffff, v3;
	v7 =	vcvt.f32.s32 v13;
	v9 =	vshll.u32 v9, $0x4;
	v13 =	vor.u32 v0, v15  }
0x3b6: {  	[tilespmem:v10+s24+$0x0] =	vst.idx.add.f32.msk $0xffff, v3;
	v8 =	vshll.u32 v8, $0x4;
	v9 =	vor.u32 v0, v9  }
0x3b7: {  	v7 =	vshll.u32 v7, $0x4;
	v8 =	vor.u32 v0, v8;
	[tilespmem:v11+s24+$0x0] =	vst.idx.add.f32.msk $0xffff, v3  }
0x3b8: {  	v7 =	vor.u32 v0, v7;
	[tilespmem:v12+s24+$0x0] =	vst.idx.add.f32.msk $0xffff, v3  }
0x3b9: {  	[tilespmem:v14+s24+$0x0] =	vst.idx.add.f32.msk $0xffff, v3  }
0x3ba: {  	[tilespmem:v13+s24+$0x0] =	vst.idx.add.f32.msk $0xffff, v3  }
0x3bb: {  	[tilespmem:v9+s24+$0x0] =	vst.idx.add.f32.msk $0xffff, v3  }
0x3bc: {  	[tilespmem:v8+s24+$0x0] =	vst.idx.add.f32.msk $0xffff, v3  }
0x3bd: {  	s0 =	simm.s32 $0x0;
	[tilespmem:v7+s24+$0x0] =	vst.idx.add.f32.msk $0xffff, v3  }
0x3be: {  	[tilespmem:s22], [sflag:$0x2] =	stream.linear.gather [hbm4b:s17+s0], $0x8000, $0x38;
	[tilespmem:$0x10480] =	vst v63  }
0x3bf: {  	s1 =	sand.u32 $0x7000, s0;
	s2 =	sand.u32 $0xC00, s0;
	_ =	swait.ge [sflag:s23], $0x8000  }
0x3c0: {  	s1 =	sor.u32 s2, s1;
	s0 =	sand.u32 $0x380, s0;
	[sflag:s23] =	ssyncset.done $0x0  }
0x3c1: {  	s0 =	sor.u32 s0, s1;
	[sflag:s23] =	ssyncadd.s32 $0xFFFF8000  }
0x3c2: {  	v7 =	vld [tilespmem:s0+$0x70]  }
0x3c3: {  	v8 =	vld [tilespmem:s0+$0x0]  }
0x3c4: {  	v9 =	vld [tilespmem:s0+$0x10]  }
0x3c5: {  	v10 =	vld [tilespmem:s0+$0x20]  }
0x3c6: {  	v11 =	vld [tilespmem:s0+$0x30]  }
0x3c7: {  	v12 =	vld [tilespmem:s0+$0x40]  }
0x3c8: {  	v13 =	vld [tilespmem:s0+$0x50]  }
0x3c9: {  	v14 =	vld [tilespmem:s0+$0x60]  }
0x3ca: {  	v7 =	vmul.f32 $5.000000000e+01, v7;
	v8 =	vmul.f32 $5.000000000e+01, v8  }
0x3cb: {  	v9 =	vmul.f32 $5.000000000e+01, v9;
	v10 =	vmul.f32 $5.000000000e+01, v10  }
0x3cc: {  	v11 =	vmul.f32 $5.000000000e+01, v11;
	v7 =	vtrunc.f32 v7  }
0x3cd: {  	s3 =	simm.s32 $0x80;
	s2 =	simm.s32 $0x400;
	v12 =	vmul.f32 $5.000000000e+01, v12;
	v7 =	vcvt.f32.s32 v7  }
0x3ce: {  	s30 =	simm.s32 $0x20;
	s1 =	sand.u32 $0x7000, s3;
	s0 =	sand.u32 $0xC00, s2;
	v13 =	vmul.f32 $5.000000000e+01, v13;
	v14 =	vmul.f32 $5.000000000e+01, v14  }
0x3cf: {  	s4 =	sand.u32 $0x380, s30;
	s0 =	sor.u32 s0, s1;
	v8 =	vtrunc.f32 v8;
	v9 =	vtrunc.f32 v9;
	v7 =	vshll.u32 v7, $0x4  }
0x3d0: {  	s0 =	sor.u32 s4, s0;
	v10 =	vtrunc.f32 v10;
	v11 =	vtrunc.f32 v11;
	v7 =	vor.u32 v0, v7  }
0x3d1: {  	v17 =	vld [tilespmem:s0+$0x20];
	v12 =	vtrunc.f32 v12;
	v13 =	vtrunc.f32 v13  }
0x3d2: {  	v14 =	vtrunc.f32 v14;
	v8 =	vcvt.f32.s32 v8  }
0x3d3: {  	v15 =	vld [tilespmem:s0+$0x70];
	v9 =	vcvt.f32.s32 v9;
	v12 =	vcvt.f32.s32 v12  }
0x3d4: {  	v16 =	vld [tilespmem:s0+$0x10];
	v13 =	vcvt.f32.s32 v13;
	v14 =	vcvt.f32.s32 v14  }
0x3d5: {  	v8 =	vshll.u32 v8, $0x4;
	[tilespmem:v7+s24+$0x0] =	vst.idx.add.f32.msk $0xffff, v3;
	v7 =	vcvt.f32.s32 v10;
	v10 =	vcvt.f32.s32 v11  }
0x3d6: {  	v22 =	vld [tilespmem:s0+$0x40];
	v17 =	vmul.f32 $5.000000000e+01, v17;
	v9 =	vshll.u32 v9, $0x4;
	v18 =	vor.u32 v0, v8  }
0x3d7: {  	v19 =	vor.u32 v0, v9;
	v11 =	vld [tilespmem:s0+$0x0];
	v7 =	vshll.u32 v7, $0x4;
	v8 =	vshll.u32 v10, $0x4  }
0x3d8: {  	v10 =	vshll.u32 v12, $0x4;
	v12 =	vld [tilespmem:s0+$0x30];
	v21 =	vor.u32 v0, v7;
	v7 =	vmul.f32 $5.000000000e+01, v15  }
0x3d9: {  	v24 =	vld [tilespmem:s0+$0x50];
	v20 =	vshll.u32 v13, $0x4;
	v14 =	vshll.u32 v14, $0x4;
	v23 =	vor.u32 v0, v8  }
0x3da: {  	v13 =	vld [tilespmem:s0+$0x60];
	v9 =	vor.u32 v0, v10;
	v10 =	vmul.f32 $5.000000000e+01, v16;
	v7 =	vtrunc.f32 v7  }
0x3db: {  	[tilespmem:v18+s24+$0x0] =	vst.idx.add.f32.msk $0xffff, v3;
	v8 =	vor.u32 v0, v20;
	v15 =	vmul.f32 $5.000000000e+01, v22;
	v20 =	vcvt.f32.s32 v7  }
0x3dc: {  	[tilespmem:v19+s24+$0x0] =	vst.idx.add.f32.msk $0xffff, v3;
	v11 =	vmul.f32 $5.000000000e+01, v11;
	v7 =	vor.u32 v0, v14;
	v14 =	vtrunc.f32 v17  }
0x3dd: {  	v16 =	vmul.f32 $5.000000000e+01, v12;
	v12 =	vtrunc.f32 v10;
	v10 =	vshll.u32 v20, $0x4;
	[tilespmem:v21+s24+$0x0] =	vst.idx.add.f32.msk $0xffff, v3  }
0x3de: {  	s31 =	simm.s32 $0x8;
	s1 =	simm.s32 $0x800;
	s0 =	simm.s32 $0x100;
	v17 =	vmul.f32 $5.000000000e+01, v24;
	v11 =	vtrunc.f32 v11;
	[tilespmem:v23+s24+$0x0] =	vst.idx.add.f32.msk $0xffff, v3;
	v10 =	vor.u32 v0, v10  }
.LBB2_30:
0x3df: {  	s2 =	sand.u32 $0x7000, s0;
	s3 =	sand.u32 $0xC00, s1;
	v16 =	vtrunc.f32 v16;
	v13 =	vmul.f32 $5.000000000e+01, v13;
	s30 =	sadd.s32 $0x20, s30;
	[tilespmem:v9+s24+$0x0] =	vst.idx.add.f32.msk $0xffff, v3  }
0x3e0: {  	s31 =	sadd.s32 $0x8, s31;
	v9 =	vtrunc.f32 v15;
	s4 =	sand.u32 $0x380, s30;
	s2 =	sor.u32 s3, s2;
	v15 =	vtrunc.f32 v17;
	[tilespmem:v8+s24+$0x0] =	vst.idx.add.f32.msk $0xffff, v3  }
0x3e1: {  	p0 =	slt.u32 s31, $0x7F8;
	v8 =	vcvt.f32.s32 v11;
	s2 =	sor.u32 s4, s2;
	v11 =	vtrunc.f32 v13;
	[tilespmem:v7+s24+$0x0] =	vst.idx.add.f32.msk $0xffff, v3  }
0x3e2: {  	v12 =	vcvt.f32.s32 v12;
	v13 =	vcvt.f32.s32 v14;
	v7 =	vld [tilespmem:s2+$0x70]  }
0x3e3: {  	v9 =	vcvt.f32.s32 v9;
	v14 =	vcvt.f32.s32 v16;
	v8 =	vshll.u32 v8, $0x4;
	[tilespmem:v10+s24+$0x0] =	vst.idx.add.f32.msk $0xffff, v3  }
0x3e4: {  	v12 =	vshll.u32 v12, $0x4;
	v15 =	vcvt.f32.s32 v15;
	v11 =	vcvt.f32.s32 v11;
	v10 =	vld [tilespmem:s2+$0x0]  }
0x3e5: {  	v9 =	vshll.u32 v9, $0x4;
	v13 =	vshll.u32 v13, $0x4;
	v14 =	vshll.u32 v14, $0x4;
	v16 =	vld [tilespmem:s2+$0x10]  }
0x3e6: {  	v18 =	vor.u32 v0, v8;
	v8 =	vshll.u32 v15, $0x4;
	v11 =	vshll.u32 v11, $0x4;
	v17 =	vld [tilespmem:s2+$0x20]  }
0x3e7: {  	v12 =	vor.u32 v0, v12;
	v19 =	vor.u32 v0, v13;
	v20 =	vor.u32 v0, v14;
	v15 =	vld [tilespmem:s2+$0x30]  }
0x3e8: {  	v9 =	vor.u32 v0, v9;
	v8 =	vor.u32 v0, v8;
	v21 =	vmul.f32 $5.000000000e+01, v7;
	v14 =	vld [tilespmem:s2+$0x40]  }
0x3e9: {  	v7 =	vor.u32 v0, v11;
	v10 =	vmul.f32 $5.000000000e+01, v10;
	v22 =	vld [tilespmem:s2+$0x50]  }
.Ltmp14:
0x3ea: {  	v11 =	vtrunc.f32 v21;
	v23 =	vmul.f32 $5.000000000e+01, v16;
	v13 =	vld [tilespmem:s2+$0x60];
	(pc) =	sbr.rel @p0 .LBB2_30-.Ltmp14, $4  }
0x3eb: {  	v21 =	vcvt.f32.s32 v11;
	v17 =	vmul.f32 $5.000000000e+01, v17;
	[tilespmem:v18+s24+$0x0] =	vst.idx.add.f32.msk $0xffff, v3  }
0x3ec: {  	v11 =	vtrunc.f32 v10;
	v16 =	vmul.f32 $5.000000000e+01, v15;
	[tilespmem:v12+s24+$0x0] =	vst.idx.add.f32.msk $0xffff, v3  }
0x3ed: {  	v12 =	vtrunc.f32 v23;
	v10 =	vshll.u32 v21, $0x4;
	v15 =	vmul.f32 $5.000000000e+01, v14;
	[tilespmem:v19+s24+$0x0] =	vst.idx.add.f32.msk $0xffff, v3  }
0x3ee: {  	s1 =	sadd.s32 $0x400, s1;
	s0 =	sadd.s32 $0x80, s0;
	v14 =	vtrunc.f32 v17;
	v10 =	vor.u32 v0, v10;
	v17 =	vmul.f32 $5.000000000e+01, v22;
	[tilespmem:v20+s24+$0x0] =	vst.idx.add.f32.msk $0xffff, v3  }
0x3ef: {  	v16 =	vtrunc.f32 v16;
	v13 =	vmul.f32 $5.000000000e+01, v13  }
0x3f0: {  	v15 =	vtrunc.f32 v15;
	v11 =	vcvt.f32.s32 v11  }
0x3f1: {  	v12 =	vcvt.f32.s32 v12;
	v14 =	vcvt.f32.s32 v14  }
0x3f2: {  	v17 =	vtrunc.f32 v17;
	v16 =	vcvt.f32.s32 v16;
	v11 =	vshll.u32 v11, $0x4  }
0x3f3: {  	[tilespmem:v9+s24+$0x0] =	vst.idx.add.f32.msk $0xffff, v3;
	v9 =	vcvt.f32.s32 v15;
	v12 =	vshll.u32 v12, $0x4;
	v11 =	vor.u32 v0, v11  }
0x3f4: {  	v13 =	vtrunc.f32 v13;
	v14 =	vshll.u32 v14, $0x4;
	v12 =	vor.u32 v0, v12  }
0x3f5: {  	[tilespmem:v8+s24+$0x0] =	vst.idx.add.f32.msk $0xffff, v3;
	v8 =	vcvt.f32.s32 v17;
	v15 =	vshll.u32 v16, $0x4;
	v14 =	vor.u32 v0, v14  }
0x3f6: {  	[tilespmem:v7+s24+$0x0] =	vst.idx.add.f32.msk $0xffff, v3;
	v7 =	vcvt.f32.s32 v13;
	v9 =	vshll.u32 v9, $0x4;
	v13 =	vor.u32 v0, v15  }
0x3f7: {  	[tilespmem:v10+s24+$0x0] =	vst.idx.add.f32.msk $0xffff, v3;
	v8 =	vshll.u32 v8, $0x4;
	v9 =	vor.u32 v0, v9  }
0x3f8: {  	v7 =	vshll.u32 v7, $0x4;
	v8 =	vor.u32 v0, v8;
	[tilespmem:v11+s24+$0x0] =	vst.idx.add.f32.msk $0xffff, v3  }
0x3f9: {  	v7 =	vor.u32 v0, v7;
	[tilespmem:v12+s24+$0x0] =	vst.idx.add.f32.msk $0xffff, v3  }
0x3fa: {  	[tilespmem:v14+s24+$0x0] =	vst.idx.add.f32.msk $0xffff, v3  }
0x3fb: {  	[tilespmem:v13+s24+$0x0] =	vst.idx.add.f32.msk $0xffff, v3  }
0x3fc: {  	[tilespmem:v9+s24+$0x0] =	vst.idx.add.f32.msk $0xffff, v3  }
0x3fd: {  	[tilespmem:v8+s24+$0x0] =	vst.idx.add.f32.msk $0xffff, v3  }
0x3fe: {  	s0 =	simm.s32 $0x0;
	[tilespmem:v7+s24+$0x0] =	vst.idx.add.f32.msk $0xffff, v3  }
0x3ff: {  	[tilespmem:s0], [sflag:$0x1] =	stream.linear.gather [hbm4b:s18+s0], $0x8000, $0x38;
	[tilespmem:$0x10480] =	vst v63  }
0x400: {  	s1 =	sand.u32 $0x7000, s0;
	s2 =	sand.u32 $0xC00, s0;
	_ =	swait.ge [sflag:s25], $0x8000  }
0x401: {  	s1 =	sor.u32 s2, s1;
	s0 =	sand.u32 $0x380, s0;
	[sflag:s25] =	ssyncset.done $0x0  }
0x402: {  	s0 =	sor.u32 s0, s1;
	[sflag:s25] =	ssyncadd.s32 $0xFFFF8000  }
0x403: {  	v7 =	vld [tilespmem:s0+$0x8070]  }
0x404: {  	v8 =	vld [tilespmem:s0+$0x8000]  }
0x405: {  	v9 =	vld [tilespmem:s0+$0x8010]  }
0x406: {  	v10 =	vld [tilespmem:s0+$0x8020]  }
0x407: {  	v11 =	vld [tilespmem:s0+$0x8030]  }
0x408: {  	v12 =	vld [tilespmem:s0+$0x8040]  }
0x409: {  	v13 =	vld [tilespmem:s0+$0x8050]  }
0x40a: {  	v14 =	vld [tilespmem:s0+$0x8060]  }
0x40b: {  	v7 =	vmul.f32 $5.000000000e+01, v7;
	v8 =	vmul.f32 $5.000000000e+01, v8  }
0x40c: {  	v9 =	vmul.f32 $5.000000000e+01, v9;
	v10 =	vmul.f32 $5.000000000e+01, v10  }
0x40d: {  	v11 =	vmul.f32 $5.000000000e+01, v11;
	v7 =	vtrunc.f32 v7  }
0x40e: {  	s3 =	simm.s32 $0x80;
	s2 =	simm.s32 $0x400;
	v12 =	vmul.f32 $5.000000000e+01, v12;
	v7 =	vcvt.f32.s32 v7  }
0x40f: {  	s30 =	simm.s32 $0x20;
	s1 =	sand.u32 $0x7000, s3;
	s0 =	sand.u32 $0xC00, s2;
	v13 =	vmul.f32 $5.000000000e+01, v13;
	v14 =	vmul.f32 $5.000000000e+01, v14  }
0x410: {  	s4 =	sand.u32 $0x380, s30;
	s0 =	sor.u32 s0, s1;
	v8 =	vtrunc.f32 v8;
	v9 =	vtrunc.f32 v9;
	v7 =	vshll.u32 v7, $0x4  }
0x411: {  	s0 =	sor.u32 s4, s0;
	v10 =	vtrunc.f32 v10;
	v11 =	vtrunc.f32 v11;
	v7 =	vor.u32 v0, v7  }
0x412: {  	v17 =	vld [tilespmem:s0+$0x8020];
	v12 =	vtrunc.f32 v12;
	v13 =	vtrunc.f32 v13  }
0x413: {  	v14 =	vtrunc.f32 v14;
	v8 =	vcvt.f32.s32 v8  }
0x414: {  	v15 =	vld [tilespmem:s0+$0x8070];
	v9 =	vcvt.f32.s32 v9;
	v12 =	vcvt.f32.s32 v12  }
0x415: {  	v16 =	vld [tilespmem:s0+$0x8010];
	v13 =	vcvt.f32.s32 v13;
	v14 =	vcvt.f32.s32 v14  }
0x416: {  	v8 =	vshll.u32 v8, $0x4;
	[tilespmem:v7+s24+$0x0] =	vst.idx.add.f32.msk $0xffff, v3;
	v7 =	vcvt.f32.s32 v10;
	v10 =	vcvt.f32.s32 v11  }
0x417: {  	v22 =	vld [tilespmem:s0+$0x8040];
	v17 =	vmul.f32 $5.000000000e+01, v17;
	v9 =	vshll.u32 v9, $0x4;
	v18 =	vor.u32 v0, v8  }
0x418: {  	v19 =	vor.u32 v0, v9;
	v11 =	vld [tilespmem:s0+$0x8000];
	v7 =	vshll.u32 v7, $0x4;
	v8 =	vshll.u32 v10, $0x4  }
0x419: {  	v10 =	vshll.u32 v12, $0x4;
	v12 =	vld [tilespmem:s0+$0x8030];
	v21 =	vor.u32 v0, v7;
	v7 =	vmul.f32 $5.000000000e+01, v15  }
0x41a: {  	v24 =	vld [tilespmem:s0+$0x8050];
	v20 =	vshll.u32 v13, $0x4;
	v14 =	vshll.u32 v14, $0x4;
	v23 =	vor.u32 v0, v8  }
0x41b: {  	v13 =	vld [tilespmem:s0+$0x8060];
	v9 =	vor.u32 v0, v10;
	v10 =	vmul.f32 $5.000000000e+01, v16;
	v7 =	vtrunc.f32 v7  }
0x41c: {  	[tilespmem:v18+s24+$0x0] =	vst.idx.add.f32.msk $0xffff, v3;
	v8 =	vor.u32 v0, v20;
	v15 =	vmul.f32 $5.000000000e+01, v22;
	v20 =	vcvt.f32.s32 v7  }
0x41d: {  	[tilespmem:v19+s24+$0x0] =	vst.idx.add.f32.msk $0xffff, v3;
	v11 =	vmul.f32 $5.000000000e+01, v11;
	v7 =	vor.u32 v0, v14;
	v14 =	vtrunc.f32 v17  }
0x41e: {  	v16 =	vmul.f32 $5.000000000e+01, v12;
	v12 =	vtrunc.f32 v10;
	v10 =	vshll.u32 v20, $0x4;
	[tilespmem:v21+s24+$0x0] =	vst.idx.add.f32.msk $0xffff, v3  }
0x41f: {  	s31 =	simm.s32 $0x8;
	s1 =	simm.s32 $0x800;
	s0 =	simm.s32 $0x100;
	v17 =	vmul.f32 $5.000000000e+01, v24;
	v11 =	vtrunc.f32 v11;
	[tilespmem:v23+s24+$0x0] =	vst.idx.add.f32.msk $0xffff, v3;
	v10 =	vor.u32 v0, v10  }
.LBB2_32:
0x420: {  	s2 =	sand.u32 $0x7000, s0;
	s3 =	sand.u32 $0xC00, s1;
	v16 =	vtrunc.f32 v16;
	v13 =	vmul.f32 $5.000000000e+01, v13;
	s30 =	sadd.s32 $0x20, s30;
	[tilespmem:v9+s24+$0x0] =	vst.idx.add.f32.msk $0xffff, v3  }
0x421: {  	s31 =	sadd.s32 $0x8, s31;
	v9 =	vtrunc.f32 v15;
	s4 =	sand.u32 $0x380, s30;
	s2 =	sor.u32 s3, s2;
	v15 =	vtrunc.f32 v17;
	[tilespmem:v8+s24+$0x0] =	vst.idx.add.f32.msk $0xffff, v3  }
0x422: {  	p0 =	slt.u32 s31, $0x7F8;
	v8 =	vcvt.f32.s32 v11;
	s2 =	sor.u32 s4, s2;
	v11 =	vtrunc.f32 v13;
	[tilespmem:v7+s24+$0x0] =	vst.idx.add.f32.msk $0xffff, v3  }
0x423: {  	v12 =	vcvt.f32.s32 v12;
	v13 =	vcvt.f32.s32 v14;
	v7 =	vld [tilespmem:s2+$0x8070]  }
0x424: {  	v9 =	vcvt.f32.s32 v9;
	v14 =	vcvt.f32.s32 v16;
	v8 =	vshll.u32 v8, $0x4;
	[tilespmem:v10+s24+$0x0] =	vst.idx.add.f32.msk $0xffff, v3  }
0x425: {  	v12 =	vshll.u32 v12, $0x4;
	v15 =	vcvt.f32.s32 v15;
	v11 =	vcvt.f32.s32 v11;
	v10 =	vld [tilespmem:s2+$0x8000]  }
0x426: {  	v9 =	vshll.u32 v9, $0x4;
	v13 =	vshll.u32 v13, $0x4;
	v14 =	vshll.u32 v14, $0x4;
	v16 =	vld [tilespmem:s2+$0x8010]  }
0x427: {  	v18 =	vor.u32 v0, v8;
	v8 =	vshll.u32 v15, $0x4;
	v11 =	vshll.u32 v11, $0x4;
	v17 =	vld [tilespmem:s2+$0x8020]  }
0x428: {  	v12 =	vor.u32 v0, v12;
	v19 =	vor.u32 v0, v13;
	v20 =	vor.u32 v0, v14;
	v15 =	vld [tilespmem:s2+$0x8030]  }
0x429: {  	v9 =	vor.u32 v0, v9;
	v8 =	vor.u32 v0, v8;
	v21 =	vmul.f32 $5.000000000e+01, v7;
	v14 =	vld [tilespmem:s2+$0x8040]  }
0x42a: {  	v7 =	vor.u32 v0, v11;
	v10 =	vmul.f32 $5.000000000e+01, v10;
	v22 =	vld [tilespmem:s2+$0x8050]  }
.Ltmp15:
0x42b: {  	v11 =	vtrunc.f32 v21;
	v23 =	vmul.f32 $5.000000000e+01, v16;
	v13 =	vld [tilespmem:s2+$0x8060];
	(pc) =	sbr.rel @p0 .LBB2_32-.Ltmp15, $4  }
0x42c: {  	v21 =	vcvt.f32.s32 v11;
	v17 =	vmul.f32 $5.000000000e+01, v17;
	[tilespmem:v18+s24+$0x0] =	vst.idx.add.f32.msk $0xffff, v3  }
0x42d: {  	v11 =	vtrunc.f32 v10;
	v16 =	vmul.f32 $5.000000000e+01, v15;
	[tilespmem:v12+s24+$0x0] =	vst.idx.add.f32.msk $0xffff, v3  }
0x42e: {  	v12 =	vtrunc.f32 v23;
	v10 =	vshll.u32 v21, $0x4;
	v15 =	vmul.f32 $5.000000000e+01, v14;
	[tilespmem:v19+s24+$0x0] =	vst.idx.add.f32.msk $0xffff, v3  }
0x42f: {  	s1 =	sadd.s32 $0x400, s1;
	s0 =	sadd.s32 $0x80, s0;
	v14 =	vtrunc.f32 v17;
	v10 =	vor.u32 v0, v10;
	v17 =	vmul.f32 $5.000000000e+01, v22;
	[tilespmem:v20+s24+$0x0] =	vst.idx.add.f32.msk $0xffff, v3  }
0x430: {  	v16 =	vtrunc.f32 v16;
	v13 =	vmul.f32 $5.000000000e+01, v13  }
0x431: {  	v15 =	vtrunc.f32 v15;
	v11 =	vcvt.f32.s32 v11  }
0x432: {  	v12 =	vcvt.f32.s32 v12;
	v14 =	vcvt.f32.s32 v14  }
0x433: {  	v17 =	vtrunc.f32 v17;
	v16 =	vcvt.f32.s32 v16;
	v11 =	vshll.u32 v11, $0x4  }
0x434: {  	[tilespmem:v9+s24+$0x0] =	vst.idx.add.f32.msk $0xffff, v3;
	v9 =	vcvt.f32.s32 v15;
	v12 =	vshll.u32 v12, $0x4;
	v11 =	vor.u32 v0, v11  }
0x435: {  	v13 =	vtrunc.f32 v13;
	v14 =	vshll.u32 v14, $0x4;
	v12 =	vor.u32 v0, v12  }
0x436: {  	[tilespmem:v8+s24+$0x0] =	vst.idx.add.f32.msk $0xffff, v3;
	v8 =	vcvt.f32.s32 v17;
	v15 =	vshll.u32 v16, $0x4;
	v14 =	vor.u32 v0, v14  }
0x437: {  	[tilespmem:v7+s24+$0x0] =	vst.idx.add.f32.msk $0xffff, v3;
	v7 =	vcvt.f32.s32 v13;
	v9 =	vshll.u32 v9, $0x4;
	v13 =	vor.u32 v0, v15  }
0x438: {  	[tilespmem:v10+s24+$0x0] =	vst.idx.add.f32.msk $0xffff, v3;
	v8 =	vshll.u32 v8, $0x4;
	v9 =	vor.u32 v0, v9  }
0x439: {  	v7 =	vshll.u32 v7, $0x4;
	v8 =	vor.u32 v0, v8;
	[tilespmem:v11+s24+$0x0] =	vst.idx.add.f32.msk $0xffff, v3  }
0x43a: {  	v7 =	vor.u32 v0, v7;
	[tilespmem:v12+s24+$0x0] =	vst.idx.add.f32.msk $0xffff, v3  }
0x43b: {  	[tilespmem:v14+s24+$0x0] =	vst.idx.add.f32.msk $0xffff, v3  }
0x43c: {  	[tilespmem:v13+s24+$0x0] =	vst.idx.add.f32.msk $0xffff, v3  }
0x43d: {  	[tilespmem:v9+s24+$0x0] =	vst.idx.add.f32.msk $0xffff, v3  }
0x43e: {  	[tilespmem:v8+s24+$0x0] =	vst.idx.add.f32.msk $0xffff, v3  }
0x43f: {  	s0 =	simm.s32 $0x0;
	[tilespmem:v7+s24+$0x0] =	vst.idx.add.f32.msk $0xffff, v3  }
0x440: {  	[tilespmem:s22], [sflag:$0x2] =	stream.linear.gather [hbm4b:s19+s0], $0x8000, $0x38;
	[tilespmem:$0x10480] =	vst v63  }
0x441: {  	s1 =	sand.u32 $0x7000, s0;
	s2 =	sand.u32 $0xC00, s0;
	_ =	swait.ge [sflag:s23], $0x8000  }
0x442: {  	s1 =	sor.u32 s2, s1;
	s0 =	sand.u32 $0x380, s0;
	[sflag:s23] =	ssyncset.done $0x0  }
0x443: {  	s0 =	sor.u32 s0, s1;
	[sflag:s23] =	ssyncadd.s32 $0xFFFF8000  }
0x444: {  	v7 =	vld [tilespmem:s0+$0x70]  }
0x445: {  	v8 =	vld [tilespmem:s0+$0x0]  }
0x446: {  	v9 =	vld [tilespmem:s0+$0x10]  }
0x447: {  	v10 =	vld [tilespmem:s0+$0x20]  }
0x448: {  	v11 =	vld [tilespmem:s0+$0x30]  }
0x449: {  	v12 =	vld [tilespmem:s0+$0x40]  }
0x44a: {  	v13 =	vld [tilespmem:s0+$0x50]  }
0x44b: {  	v14 =	vld [tilespmem:s0+$0x60]  }
0x44c: {  	v7 =	vmul.f32 $5.000000000e+01, v7;
	v8 =	vmul.f32 $5.000000000e+01, v8  }
0x44d: {  	v9 =	vmul.f32 $5.000000000e+01, v9;
	v10 =	vmul.f32 $5.000000000e+01, v10  }
0x44e: {  	v11 =	vmul.f32 $5.000000000e+01, v11;
	v7 =	vtrunc.f32 v7  }
0x44f: {  	s3 =	simm.s32 $0x80;
	s2 =	simm.s32 $0x400;
	v12 =	vmul.f32 $5.000000000e+01, v12;
	v7 =	vcvt.f32.s32 v7  }
0x450: {  	s30 =	simm.s32 $0x20;
	s1 =	sand.u32 $0x7000, s3;
	s0 =	sand.u32 $0xC00, s2;
	v13 =	vmul.f32 $5.000000000e+01, v13;
	v14 =	vmul.f32 $5.000000000e+01, v14  }
0x451: {  	s4 =	sand.u32 $0x380, s30;
	s0 =	sor.u32 s0, s1;
	v8 =	vtrunc.f32 v8;
	v9 =	vtrunc.f32 v9;
	v7 =	vshll.u32 v7, $0x4  }
0x452: {  	s0 =	sor.u32 s4, s0;
	v10 =	vtrunc.f32 v10;
	v11 =	vtrunc.f32 v11;
	v7 =	vor.u32 v0, v7  }
0x453: {  	v17 =	vld [tilespmem:s0+$0x20];
	v12 =	vtrunc.f32 v12;
	v13 =	vtrunc.f32 v13  }
0x454: {  	v14 =	vtrunc.f32 v14;
	v8 =	vcvt.f32.s32 v8  }
0x455: {  	v15 =	vld [tilespmem:s0+$0x70];
	v9 =	vcvt.f32.s32 v9;
	v12 =	vcvt.f32.s32 v12  }
0x456: {  	v16 =	vld [tilespmem:s0+$0x10];
	v13 =	vcvt.f32.s32 v13;
	v14 =	vcvt.f32.s32 v14  }
0x457: {  	v8 =	vshll.u32 v8, $0x4;
	[tilespmem:v7+s24+$0x0] =	vst.idx.add.f32.msk $0xffff, v3;
	v7 =	vcvt.f32.s32 v10;
	v10 =	vcvt.f32.s32 v11  }
0x458: {  	v22 =	vld [tilespmem:s0+$0x40];
	v17 =	vmul.f32 $5.000000000e+01, v17;
	v9 =	vshll.u32 v9, $0x4;
	v18 =	vor.u32 v0, v8  }
0x459: {  	v19 =	vor.u32 v0, v9;
	v11 =	vld [tilespmem:s0+$0x0];
	v7 =	vshll.u32 v7, $0x4;
	v8 =	vshll.u32 v10, $0x4  }
0x45a: {  	v10 =	vshll.u32 v12, $0x4;
	v12 =	vld [tilespmem:s0+$0x30];
	v21 =	vor.u32 v0, v7;
	v7 =	vmul.f32 $5.000000000e+01, v15  }
0x45b: {  	v24 =	vld [tilespmem:s0+$0x50];
	v20 =	vshll.u32 v13, $0x4;
	v14 =	vshll.u32 v14, $0x4;
	v23 =	vor.u32 v0, v8  }
0x45c: {  	v13 =	vld [tilespmem:s0+$0x60];
	v9 =	vor.u32 v0, v10;
	v10 =	vmul.f32 $5.000000000e+01, v16;
	v7 =	vtrunc.f32 v7  }
0x45d: {  	[tilespmem:v18+s24+$0x0] =	vst.idx.add.f32.msk $0xffff, v3;
	v8 =	vor.u32 v0, v20;
	v15 =	vmul.f32 $5.000000000e+01, v22;
	v20 =	vcvt.f32.s32 v7  }
0x45e: {  	[tilespmem:v19+s24+$0x0] =	vst.idx.add.f32.msk $0xffff, v3;
	v11 =	vmul.f32 $5.000000000e+01, v11;
	v7 =	vor.u32 v0, v14;
	v14 =	vtrunc.f32 v17  }
0x45f: {  	v16 =	vmul.f32 $5.000000000e+01, v12;
	v12 =	vtrunc.f32 v10;
	v10 =	vshll.u32 v20, $0x4;
	[tilespmem:v21+s24+$0x0] =	vst.idx.add.f32.msk $0xffff, v3  }
0x460: {  	s31 =	simm.s32 $0x8;
	s1 =	simm.s32 $0x800;
	s0 =	simm.s32 $0x100;
	v17 =	vmul.f32 $5.000000000e+01, v24;
	v11 =	vtrunc.f32 v11;
	[tilespmem:v23+s24+$0x0] =	vst.idx.add.f32.msk $0xffff, v3;
	v10 =	vor.u32 v0, v10  }
.LBB2_34:
0x461: {  	s2 =	sand.u32 $0x7000, s0;
	s3 =	sand.u32 $0xC00, s1;
	v16 =	vtrunc.f32 v16;
	v13 =	vmul.f32 $5.000000000e+01, v13;
	s30 =	sadd.s32 $0x20, s30;
	[tilespmem:v9+s24+$0x0] =	vst.idx.add.f32.msk $0xffff, v3  }
0x462: {  	s31 =	sadd.s32 $0x8, s31;
	v9 =	vtrunc.f32 v15;
	s4 =	sand.u32 $0x380, s30;
	s2 =	sor.u32 s3, s2;
	v15 =	vtrunc.f32 v17;
	[tilespmem:v8+s24+$0x0] =	vst.idx.add.f32.msk $0xffff, v3  }
0x463: {  	p0 =	slt.u32 s31, $0x7F8;
	v8 =	vcvt.f32.s32 v11;
	s2 =	sor.u32 s4, s2;
	v11 =	vtrunc.f32 v13;
	[tilespmem:v7+s24+$0x0] =	vst.idx.add.f32.msk $0xffff, v3  }
0x464: {  	v12 =	vcvt.f32.s32 v12;
	v13 =	vcvt.f32.s32 v14;
	v7 =	vld [tilespmem:s2+$0x70]  }
0x465: {  	v9 =	vcvt.f32.s32 v9;
	v14 =	vcvt.f32.s32 v16;
	v8 =	vshll.u32 v8, $0x4;
	[tilespmem:v10+s24+$0x0] =	vst.idx.add.f32.msk $0xffff, v3  }
0x466: {  	v12 =	vshll.u32 v12, $0x4;
	v15 =	vcvt.f32.s32 v15;
	v11 =	vcvt.f32.s32 v11;
	v10 =	vld [tilespmem:s2+$0x0]  }
0x467: {  	v9 =	vshll.u32 v9, $0x4;
	v13 =	vshll.u32 v13, $0x4;
	v14 =	vshll.u32 v14, $0x4;
	v16 =	vld [tilespmem:s2+$0x10]  }
0x468: {  	v18 =	vor.u32 v0, v8;
	v8 =	vshll.u32 v15, $0x4;
	v11 =	vshll.u32 v11, $0x4;
	v17 =	vld [tilespmem:s2+$0x20]  }
0x469: {  	v12 =	vor.u32 v0, v12;
	v19 =	vor.u32 v0, v13;
	v20 =	vor.u32 v0, v14;
	v15 =	vld [tilespmem:s2+$0x30]  }
0x46a: {  	v9 =	vor.u32 v0, v9;
	v8 =	vor.u32 v0, v8;
	v21 =	vmul.f32 $5.000000000e+01, v7;
	v14 =	vld [tilespmem:s2+$0x40]  }
0x46b: {  	v7 =	vor.u32 v0, v11;
	v10 =	vmul.f32 $5.000000000e+01, v10;
	v22 =	vld [tilespmem:s2+$0x50]  }
.Ltmp16:
0x46c: {  	v11 =	vtrunc.f32 v21;
	v23 =	vmul.f32 $5.000000000e+01, v16;
	v13 =	vld [tilespmem:s2+$0x60];
	(pc) =	sbr.rel @p0 .LBB2_34-.Ltmp16, $4  }
0x46d: {  	v21 =	vcvt.f32.s32 v11;
	v17 =	vmul.f32 $5.000000000e+01, v17;
	[tilespmem:v18+s24+$0x0] =	vst.idx.add.f32.msk $0xffff, v3  }
0x46e: {  	v11 =	vtrunc.f32 v10;
	v16 =	vmul.f32 $5.000000000e+01, v15;
	[tilespmem:v12+s24+$0x0] =	vst.idx.add.f32.msk $0xffff, v3  }
0x46f: {  	v12 =	vtrunc.f32 v23;
	v10 =	vshll.u32 v21, $0x4;
	v15 =	vmul.f32 $5.000000000e+01, v14;
	[tilespmem:v19+s24+$0x0] =	vst.idx.add.f32.msk $0xffff, v3  }
0x470: {  	s1 =	sadd.s32 $0x400, s1;
	s0 =	sadd.s32 $0x80, s0;
	v14 =	vtrunc.f32 v17;
	v10 =	vor.u32 v0, v10;
	v17 =	vmul.f32 $5.000000000e+01, v22;
	[tilespmem:v20+s24+$0x0] =	vst.idx.add.f32.msk $0xffff, v3  }
0x471: {  	v16 =	vtrunc.f32 v16;
	v13 =	vmul.f32 $5.000000000e+01, v13  }
0x472: {  	v15 =	vtrunc.f32 v15;
	v11 =	vcvt.f32.s32 v11  }
0x473: {  	v12 =	vcvt.f32.s32 v12;
	v14 =	vcvt.f32.s32 v14  }
0x474: {  	v17 =	vtrunc.f32 v17;
	v16 =	vcvt.f32.s32 v16;
	v11 =	vshll.u32 v11, $0x4  }
0x475: {  	[tilespmem:v9+s24+$0x0] =	vst.idx.add.f32.msk $0xffff, v3;
	v9 =	vcvt.f32.s32 v15;
	v12 =	vshll.u32 v12, $0x4;
	v11 =	vor.u32 v0, v11  }
0x476: {  	v13 =	vtrunc.f32 v13;
	v14 =	vshll.u32 v14, $0x4;
	v12 =	vor.u32 v0, v12  }
0x477: {  	[tilespmem:v8+s24+$0x0] =	vst.idx.add.f32.msk $0xffff, v3;
	v8 =	vcvt.f32.s32 v17;
	v15 =	vshll.u32 v16, $0x4;
	v14 =	vor.u32 v0, v14  }
0x478: {  	[tilespmem:v7+s24+$0x0] =	vst.idx.add.f32.msk $0xffff, v3;
	v7 =	vcvt.f32.s32 v13;
	v9 =	vshll.u32 v9, $0x4;
	v13 =	vor.u32 v0, v15  }
0x479: {  	[tilespmem:v10+s24+$0x0] =	vst.idx.add.f32.msk $0xffff, v3;
	v8 =	vshll.u32 v8, $0x4;
	v9 =	vor.u32 v0, v9  }
0x47a: {  	v7 =	vshll.u32 v7, $0x4;
	v8 =	vor.u32 v0, v8;
	[tilespmem:v11+s24+$0x0] =	vst.idx.add.f32.msk $0xffff, v3  }
0x47b: {  	v7 =	vor.u32 v0, v7;
	[tilespmem:v12+s24+$0x0] =	vst.idx.add.f32.msk $0xffff, v3  }
0x47c: {  	[tilespmem:v14+s24+$0x0] =	vst.idx.add.f32.msk $0xffff, v3  }
0x47d: {  	[tilespmem:v13+s24+$0x0] =	vst.idx.add.f32.msk $0xffff, v3  }
0x47e: {  	[tilespmem:v9+s24+$0x0] =	vst.idx.add.f32.msk $0xffff, v3  }
0x47f: {  	[tilespmem:v8+s24+$0x0] =	vst.idx.add.f32.msk $0xffff, v3  }
0x480: {  	s0 =	simm.s32 $0x0;
	[tilespmem:v7+s24+$0x0] =	vst.idx.add.f32.msk $0xffff, v3  }
0x481: {  	s1 =	sand.u32 $0x7000, s0;
	s2 =	sand.u32 $0xC00, s0;
	_ =	swait.ge [sflag:s25], $0x8000  }
0x482: {  	s0 =	sand.u32 $0x380, s0;
	s1 =	sor.u32 s2, s1;
	[sflag:s25] =	ssyncset.done $0x0  }
0x483: {  	s0 =	sor.u32 s0, s1;
	[sflag:s25] =	ssyncadd.s32 $0xFFFF8000  }
0x484: {  	v7 =	vld [tilespmem:s0+$0x8070]  }
0x485: {  	v8 =	vld [tilespmem:s0+$0x8000]  }
0x486: {  	v9 =	vld [tilespmem:s0+$0x8010]  }
0x487: {  	v10 =	vld [tilespmem:s0+$0x8020]  }
0x488: {  	v11 =	vld [tilespmem:s0+$0x8030]  }
0x489: {  	v12 =	vld [tilespmem:s0+$0x8040]  }
0x48a: {  	v13 =	vld [tilespmem:s0+$0x8050]  }
0x48b: {  	v14 =	vld [tilespmem:s0+$0x8060]  }
0x48c: {  	v7 =	vmul.f32 $5.000000000e+01, v7;
	v8 =	vmul.f32 $5.000000000e+01, v8  }
0x48d: {  	v9 =	vmul.f32 $5.000000000e+01, v9;
	v10 =	vmul.f32 $5.000000000e+01, v10  }
0x48e: {  	v11 =	vmul.f32 $5.000000000e+01, v11;
	v7 =	vtrunc.f32 v7  }
0x48f: {  	s3 =	simm.s32 $0x80;
	s2 =	simm.s32 $0x400;
	v12 =	vmul.f32 $5.000000000e+01, v12;
	v7 =	vcvt.f32.s32 v7  }
0x490: {  	s30 =	simm.s32 $0x20;
	s1 =	sand.u32 $0x7000, s3;
	s0 =	sand.u32 $0xC00, s2;
	v13 =	vmul.f32 $5.000000000e+01, v13;
	v14 =	vmul.f32 $5.000000000e+01, v14  }
0x491: {  	s4 =	sand.u32 $0x380, s30;
	s0 =	sor.u32 s0, s1;
	v8 =	vtrunc.f32 v8;
	v9 =	vtrunc.f32 v9;
	v7 =	vshll.u32 v7, $0x4  }
0x492: {  	s0 =	sor.u32 s4, s0;
	v10 =	vtrunc.f32 v10;
	v11 =	vtrunc.f32 v11;
	v7 =	vor.u32 v0, v7  }
0x493: {  	v17 =	vld [tilespmem:s0+$0x8020];
	v12 =	vtrunc.f32 v12;
	v13 =	vtrunc.f32 v13  }
0x494: {  	v14 =	vtrunc.f32 v14;
	v8 =	vcvt.f32.s32 v8  }
0x495: {  	v15 =	vld [tilespmem:s0+$0x8070];
	v9 =	vcvt.f32.s32 v9;
	v12 =	vcvt.f32.s32 v12  }
0x496: {  	v16 =	vld [tilespmem:s0+$0x8010];
	v13 =	vcvt.f32.s32 v13;
	v14 =	vcvt.f32.s32 v14  }
0x497: {  	v8 =	vshll.u32 v8, $0x4;
	[tilespmem:v7+s24+$0x0] =	vst.idx.add.f32.msk $0xffff, v3;
	v7 =	vcvt.f32.s32 v10;
	v10 =	vcvt.f32.s32 v11  }
0x498: {  	v22 =	vld [tilespmem:s0+$0x8040];
	v17 =	vmul.f32 $5.000000000e+01, v17;
	v9 =	vshll.u32 v9, $0x4;
	v18 =	vor.u32 v0, v8  }
0x499: {  	v19 =	vor.u32 v0, v9;
	v11 =	vld [tilespmem:s0+$0x8000];
	v7 =	vshll.u32 v7, $0x4;
	v8 =	vshll.u32 v10, $0x4  }
0x49a: {  	v10 =	vshll.u32 v12, $0x4;
	v12 =	vld [tilespmem:s0+$0x8030];
	v21 =	vor.u32 v0, v7;
	v7 =	vmul.f32 $5.000000000e+01, v15  }
0x49b: {  	v24 =	vld [tilespmem:s0+$0x8050];
	v20 =	vshll.u32 v13, $0x4;
	v14 =	vshll.u32 v14, $0x4;
	v23 =	vor.u32 v0, v8  }
0x49c: {  	v13 =	vld [tilespmem:s0+$0x8060];
	v9 =	vor.u32 v0, v10;
	v10 =	vmul.f32 $5.000000000e+01, v16;
	v7 =	vtrunc.f32 v7  }
0x49d: {  	[tilespmem:v18+s24+$0x0] =	vst.idx.add.f32.msk $0xffff, v3;
	v8 =	vor.u32 v0, v20;
	v15 =	vmul.f32 $5.000000000e+01, v22;
	v20 =	vcvt.f32.s32 v7  }
0x49e: {  	[tilespmem:v19+s24+$0x0] =	vst.idx.add.f32.msk $0xffff, v3;
	v11 =	vmul.f32 $5.000000000e+01, v11;
	v7 =	vor.u32 v0, v14;
	v14 =	vtrunc.f32 v17  }
0x49f: {  	v16 =	vmul.f32 $5.000000000e+01, v12;
	v12 =	vtrunc.f32 v10;
	v10 =	vshll.u32 v20, $0x4;
	[tilespmem:v21+s24+$0x0] =	vst.idx.add.f32.msk $0xffff, v3  }
0x4a0: {  	s31 =	simm.s32 $0x8;
	s1 =	simm.s32 $0x800;
	s0 =	simm.s32 $0x100;
	v17 =	vmul.f32 $5.000000000e+01, v24;
	v11 =	vtrunc.f32 v11;
	[tilespmem:v23+s24+$0x0] =	vst.idx.add.f32.msk $0xffff, v3;
	v10 =	vor.u32 v0, v10  }
.LBB2_36:
0x4a1: {  	s2 =	sand.u32 $0x7000, s0;
	s3 =	sand.u32 $0xC00, s1;
	v16 =	vtrunc.f32 v16;
	v13 =	vmul.f32 $5.000000000e+01, v13;
	s30 =	sadd.s32 $0x20, s30;
	[tilespmem:v9+s24+$0x0] =	vst.idx.add.f32.msk $0xffff, v3  }
0x4a2: {  	s31 =	sadd.s32 $0x8, s31;
	v9 =	vtrunc.f32 v15;
	s4 =	sand.u32 $0x380, s30;
	s2 =	sor.u32 s3, s2;
	v15 =	vtrunc.f32 v17;
	[tilespmem:v8+s24+$0x0] =	vst.idx.add.f32.msk $0xffff, v3  }
0x4a3: {  	p0 =	slt.u32 s31, $0x7F8;
	v8 =	vcvt.f32.s32 v11;
	s2 =	sor.u32 s4, s2;
	v11 =	vtrunc.f32 v13;
	[tilespmem:v7+s24+$0x0] =	vst.idx.add.f32.msk $0xffff, v3  }
0x4a4: {  	v12 =	vcvt.f32.s32 v12;
	v13 =	vcvt.f32.s32 v14;
	v7 =	vld [tilespmem:s2+$0x8070]  }
0x4a5: {  	v9 =	vcvt.f32.s32 v9;
	v14 =	vcvt.f32.s32 v16;
	v8 =	vshll.u32 v8, $0x4;
	[tilespmem:v10+s24+$0x0] =	vst.idx.add.f32.msk $0xffff, v3  }
0x4a6: {  	v12 =	vshll.u32 v12, $0x4;
	v15 =	vcvt.f32.s32 v15;
	v11 =	vcvt.f32.s32 v11;
	v10 =	vld [tilespmem:s2+$0x8000]  }
0x4a7: {  	v9 =	vshll.u32 v9, $0x4;
	v13 =	vshll.u32 v13, $0x4;
	v14 =	vshll.u32 v14, $0x4;
	v16 =	vld [tilespmem:s2+$0x8010]  }
0x4a8: {  	v18 =	vor.u32 v0, v8;
	v8 =	vshll.u32 v15, $0x4;
	v11 =	vshll.u32 v11, $0x4;
	v17 =	vld [tilespmem:s2+$0x8020]  }
0x4a9: {  	v12 =	vor.u32 v0, v12;
	v19 =	vor.u32 v0, v13;
	v20 =	vor.u32 v0, v14;
	v15 =	vld [tilespmem:s2+$0x8030]  }
0x4aa: {  	v9 =	vor.u32 v0, v9;
	v8 =	vor.u32 v0, v8;
	v21 =	vmul.f32 $5.000000000e+01, v7;
	v14 =	vld [tilespmem:s2+$0x8040]  }
0x4ab: {  	v7 =	vor.u32 v0, v11;
	v10 =	vmul.f32 $5.000000000e+01, v10;
	v22 =	vld [tilespmem:s2+$0x8050]  }
.Ltmp17:
0x4ac: {  	v11 =	vtrunc.f32 v21;
	v23 =	vmul.f32 $5.000000000e+01, v16;
	v13 =	vld [tilespmem:s2+$0x8060];
	(pc) =	sbr.rel @p0 .LBB2_36-.Ltmp17, $4  }
0x4ad: {  	v21 =	vcvt.f32.s32 v11;
	v17 =	vmul.f32 $5.000000000e+01, v17;
	[tilespmem:v18+s24+$0x0] =	vst.idx.add.f32.msk $0xffff, v3  }
0x4ae: {  	v11 =	vtrunc.f32 v10;
	v16 =	vmul.f32 $5.000000000e+01, v15;
	[tilespmem:v12+s24+$0x0] =	vst.idx.add.f32.msk $0xffff, v3  }
0x4af: {  	v12 =	vtrunc.f32 v23;
	v10 =	vshll.u32 v21, $0x4;
	v15 =	vmul.f32 $5.000000000e+01, v14;
	[tilespmem:v19+s24+$0x0] =	vst.idx.add.f32.msk $0xffff, v3  }
0x4b0: {  	s1 =	sadd.s32 $0x400, s1;
	s0 =	sadd.s32 $0x80, s0;
	v14 =	vtrunc.f32 v17;
	v10 =	vor.u32 v0, v10;
	v17 =	vmul.f32 $5.000000000e+01, v22;
	[tilespmem:v20+s24+$0x0] =	vst.idx.add.f32.msk $0xffff, v3  }
0x4b1: {  	v16 =	vtrunc.f32 v16;
	v13 =	vmul.f32 $5.000000000e+01, v13  }
0x4b2: {  	v15 =	vtrunc.f32 v15;
	v11 =	vcvt.f32.s32 v11  }
0x4b3: {  	v12 =	vcvt.f32.s32 v12;
	v14 =	vcvt.f32.s32 v14  }
0x4b4: {  	v17 =	vtrunc.f32 v17;
	v16 =	vcvt.f32.s32 v16;
	v11 =	vshll.u32 v11, $0x4  }
0x4b5: {  	[tilespmem:v9+s24+$0x0] =	vst.idx.add.f32.msk $0xffff, v3;
	v9 =	vcvt.f32.s32 v15;
	v12 =	vshll.u32 v12, $0x4;
	v11 =	vor.u32 v0, v11  }
0x4b6: {  	v13 =	vtrunc.f32 v13;
	v14 =	vshll.u32 v14, $0x4;
	v12 =	vor.u32 v0, v12  }
0x4b7: {  	[tilespmem:v8+s24+$0x0] =	vst.idx.add.f32.msk $0xffff, v3;
	v8 =	vcvt.f32.s32 v17;
	v19 =	vshll.u32 v16, $0x4;
	v14 =	vor.u32 v0, v14  }
0x4b8: {  	[tilespmem:v7+s24+$0x0] =	vst.idx.add.f32.msk $0xffff, v3;
	v18 =	vcvt.f32.s32 v13;
	v9 =	vshll.u32 v9, $0x4;
	v19 =	vor.u32 v0, v19  }
0x4b9: {  	[tilespmem:v10+s24+$0x0] =	vst.idx.add.f32.msk $0xffff, v3;
	v8 =	vshll.u32 v8, $0x4;
	v9 =	vor.u32 v0, v9  }
0x4ba: {  	v7 =	vshll.u32 v18, $0x4;
	v8 =	vor.u32 v0, v8;
	[tilespmem:v11+s24+$0x0] =	vst.idx.add.f32.msk $0xffff, v3  }
0x4bb: {  	v7 =	vor.u32 v0, v7;
	[tilespmem:v12+s24+$0x0] =	vst.idx.add.f32.msk $0xffff, v3  }
0x4bc: {  	[tilespmem:v14+s24+$0x0] =	vst.idx.add.f32.msk $0xffff, v3  }
0x4bd: {  	[tilespmem:v19+s24+$0x0] =	vst.idx.add.f32.msk $0xffff, v3  }
0x4be: {  	[tilespmem:v9+s24+$0x0] =	vst.idx.add.f32.msk $0xffff, v3  }
0x4bf: {  	[tilespmem:v8+s24+$0x0] =	vst.idx.add.f32.msk $0xffff, v3  }
0x4c0: {  	[tilespmem:v7+s24+$0x0] =	vst.idx.add.f32.msk $0xffff, v3  }
0x4c1: {  	v7 =	vld.idx.msk [tilespmem:v1+s24+$0x0], $0xffff  }
0x4c2: {  	v13 =	vld [tilespmem:$0x1FEB0]  }
0x4c3: {  	v8 =	vld.idx.msk [tilespmem:v25+s24+$0x0], $0xffff  }
0x4c4: {  	v14 =	vld [tilespmem:$0x1FEC0]  }
0x4c5: {  	v9 =	vld.idx.msk [tilespmem:v26+s24+$0x0], $0xffff  }
0x4c6: {  	v15 =	vld [tilespmem:$0x1FED0]  }
0x4c7: {  	v10 =	vld.idx.msk [tilespmem:v27+s24+$0x0], $0xffff;
	v7 =	vadd.f32 $0.0e+00, v7  }
0x4c8: {  	v16 =	vld [tilespmem:$0x1FEE0]  }
0x4c9: {  	v17 =	vld [tilespmem:$0x1FEF0];
	v7 =	vadd.f32 v8, v7  }
0x4ca: {  	v8 =	vld.idx.msk [tilespmem:v13+s24+$0x0], $0xffff  }
0x4cb: {  	v18 =	vld [tilespmem:$0x1FF00];
	v7 =	vadd.f32 v9, v7  }
0x4cc: {  	v9 =	vld.idx.msk [tilespmem:v14+s24+$0x0], $0xffff  }
0x4cd: {  	v19 =	vld [tilespmem:$0x1FF10];
	v7 =	vadd.f32 v10, v7  }
0x4ce: {  	v10 =	vld.idx.msk [tilespmem:v15+s24+$0x0], $0xffff  }
0x4cf: {  	v12 =	vld [tilespmem:$0x1FF20];
	v7 =	vadd.f32 v8, v7  }
0x4d0: {  	v8 =	vld.idx.msk [tilespmem:v16+s24+$0x0], $0xffff  }
0x4d1: {  	v13 =	vld [tilespmem:$0x1FF30];
	v7 =	vadd.f32 v9, v7  }
0x4d2: {  	v9 =	vld.idx.msk [tilespmem:v17+s24+$0x0], $0xffff  }
0x4d3: {  	v14 =	vld [tilespmem:$0x1FF40];
	v7 =	vadd.f32 v10, v7  }
0x4d4: {  	v10 =	vld.idx.msk [tilespmem:v18+s24+$0x0], $0xffff  }
0x4d5: {  	v15 =	vld [tilespmem:$0x1FF50];
	v7 =	vadd.f32 v8, v7  }
0x4d6: {  	v8 =	vld.idx.msk [tilespmem:v19+s24+$0x0], $0xffff  }
0x4d7: {  	v16 =	vld [tilespmem:$0x1FF60];
	v7 =	vadd.f32 v9, v7  }
0x4d8: {  	v9 =	vld.idx.msk [tilespmem:v12+s24+$0x0], $0xffff  }
0x4d9: {  	v7 =	vadd.f32 v10, v7  }
0x4da: {  	v10 =	vld.idx.msk [tilespmem:v13+s24+$0x0], $0xffff  }
0x4db: {  	v7 =	vadd.f32 v8, v7  }
0x4dc: {  	v8 =	vld.idx.msk [tilespmem:v14+s24+$0x0], $0xffff  }
0x4dd: {  	v7 =	vadd.f32 v9, v7  }
0x4de: {  	v9 =	vld.idx.msk [tilespmem:v15+s24+$0x0], $0xffff  }
0x4df: {  	v17 =	vld [tilespmem:$0x1FF70];
	v7 =	vadd.f32 v10, v7  }
0x4e0: {  	v10 =	vld.idx.msk [tilespmem:v16+s24+$0x0], $0xffff  }
0x4e1: {  	v7 =	vadd.f32 v8, v7  }
0x4e2: {  	v18 =	vld [tilespmem:$0x1FF80]  }
0x4e3: {  	v7 =	vadd.f32 v9, v7  }
0x4e4: {  	v19 =	vld [tilespmem:$0x1FF90]  }
0x4e5: {  	v7 =	vadd.f32 v10, v7  }
0x4e6: {  	v12 =	vld [tilespmem:$0x1FFA0]  }
0x4e7: {  	v13 =	vld [tilespmem:$0x1FFB0];
	[tilespmem:$0x10400] =	vst v7  }
0x4e8: {  	v7 =	vld.idx.msk [tilespmem:v17+s24+$0x0], $0xffff  }
0x4e9: {  	v14 =	vld [tilespmem:$0x1FFC0]  }
0x4ea: {  	v8 =	vld.idx.msk [tilespmem:v18+s24+$0x0], $0xffff  }
0x4eb: {  	v15 =	vld [tilespmem:$0x1FFD0]  }
0x4ec: {  	v9 =	vld.idx.msk [tilespmem:v19+s24+$0x0], $0xffff  }
0x4ed: {  	v16 =	vld [tilespmem:$0x1FFE0];
	v7 =	vadd.f32 $0.0e+00, v7  }
0x4ee: {  	v10 =	vld.idx.msk [tilespmem:v12+s24+$0x0], $0xffff  }
0x4ef: {  	v17 =	vld [tilespmem:$0x1FFF0];
	v7 =	vadd.f32 v8, v7  }
0x4f0: {  	v8 =	vld.idx.msk [tilespmem:v13+s24+$0x0], $0xffff  }
0x4f1: {  	v7 =	vadd.f32 v9, v7  }
0x4f2: {  	v9 =	vld.idx.msk [tilespmem:v14+s24+$0x0], $0xffff  }
0x4f3: {  	v7 =	vadd.f32 v10, v7  }
0x4f4: {  	v10 =	vld.idx.msk [tilespmem:v15+s24+$0x0], $0xffff  }
0x4f5: {  	v7 =	vadd.f32 v8, v7  }
0x4f6: {  	v8 =	vld.idx.msk [tilespmem:v16+s24+$0x0], $0xffff  }
0x4f7: {  	v7 =	vadd.f32 v9, v7  }
0x4f8: {  	v9 =	vld.idx.msk [tilespmem:v17+s24+$0x0], $0xffff  }
0x4f9: {  	v7 =	vadd.f32 v10, v7  }
0x4fa: {  	v18 =	vld.idx.msk [tilespmem:v28+s24+$0x0], $0xffff  }
0x4fb: {  	v7 =	vadd.f32 v8, v7  }
0x4fc: {  	v19 =	vld.idx.msk [tilespmem:v29+s24+$0x0], $0xffff  }
0x4fd: {  	v7 =	vadd.f32 v9, v7  }
0x4fe: {  	v12 =	vld.idx.msk [tilespmem:v30+s24+$0x0], $0xffff  }
0x4ff: {  	v7 =	vadd.f32 v18, v7  }
0x500: {  	v13 =	vld.idx.msk [tilespmem:v31+s24+$0x0], $0xffff  }
0x501: {  	v7 =	vadd.f32 v19, v7  }
0x502: {  	v14 =	vld.idx.msk [tilespmem:v32+s24+$0x0], $0xffff  }
0x503: {  	v7 =	vadd.f32 v12, v7  }
0x504: {  	v15 =	vld.idx.msk [tilespmem:v33+s24+$0x0], $0xffff  }
0x505: {  	v7 =	vadd.f32 v13, v7  }
0x506: {  	v16 =	vld.idx.msk [tilespmem:v34+s24+$0x0], $0xffff  }
0x507: {  	v7 =	vadd.f32 v14, v7;
	_ =	sdelay $0x1  }
0x508: {  	v7 =	vadd.f32 v15, v7;
	_ =	sdelay $0x1  }
0x509: {  	v7 =	vadd.f32 v16, v7;
	_ =	sdelay $0x1  }
0x50a: {  	[tilespmem:$0x10410] =	vst v7  }
0x50b: {  	v7 =	vld.idx.msk [tilespmem:v35+s24+$0x0], $0xffff;
	_ =	sdelay $0x1  }
0x50c: {  	v17 =	vld.idx.msk [tilespmem:v36+s24+$0x0], $0xffff;
	_ =	sdelay $0x1  }
0x50d: {  	v18 =	vld.idx.msk [tilespmem:v37+s24+$0x0], $0xffff  }
0x50e: {  	v7 =	vadd.f32 $0.0e+00, v7  }
0x50f: {  	v19 =	vld.idx.msk [tilespmem:v38+s24+$0x0], $0xffff  }
0x510: {  	v7 =	vadd.f32 v17, v7  }
0x511: {  	v12 =	vld.idx.msk [tilespmem:v39+s24+$0x0], $0xffff  }
0x512: {  	v7 =	vadd.f32 v18, v7  }
0x513: {  	v13 =	vld.idx.msk [tilespmem:v40+s24+$0x0], $0xffff  }
0x514: {  	v7 =	vadd.f32 v19, v7  }
0x515: {  	v14 =	vld.idx.msk [tilespmem:v41+s24+$0x0], $0xffff  }
0x516: {  	v7 =	vadd.f32 v12, v7  }
0x517: {  	v15 =	vld.idx.msk [tilespmem:v42+s24+$0x0], $0xffff  }
0x518: {  	v7 =	vadd.f32 v13, v7  }
0x519: {  	v16 =	vld.idx.msk [tilespmem:v43+s24+$0x0], $0xffff  }
0x51a: {  	v7 =	vadd.f32 v14, v7  }
0x51b: {  	v17 =	vld.idx.msk [tilespmem:v44+s24+$0x0], $0xffff  }
0x51c: {  	v7 =	vadd.f32 v15, v7  }
0x51d: {  	v18 =	vld.idx.msk [tilespmem:v45+s24+$0x0], $0xffff  }
0x51e: {  	v7 =	vadd.f32 v16, v7  }
0x51f: {  	v19 =	vld.idx.msk [tilespmem:v46+s24+$0x0], $0xffff  }
0x520: {  	v7 =	vadd.f32 v17, v7  }
0x521: {  	v12 =	vld.idx.msk [tilespmem:v47+s24+$0x0], $0xffff  }
0x522: {  	v7 =	vadd.f32 v18, v7  }
0x523: {  	v13 =	vld.idx.msk [tilespmem:v48+s24+$0x0], $0xffff  }
0x524: {  	v7 =	vadd.f32 v19, v7  }
0x525: {  	v14 =	vld.idx.msk [tilespmem:v49+s24+$0x0], $0xffff  }
0x526: {  	v7 =	vadd.f32 v12, v7  }
0x527: {  	v15 =	vld.idx.msk [tilespmem:v50+s24+$0x0], $0xffff  }
0x528: {  	v7 =	vadd.f32 v13, v7;
	_ =	sdelay $0x1  }
0x529: {  	v7 =	vadd.f32 v14, v7;
	_ =	sdelay $0x1  }
0x52a: {  	v7 =	vadd.f32 v15, v7;
	_ =	sdelay $0x1  }
0x52b: {  	[tilespmem:$0x10420] =	vst v7  }
0x52c: {  	v7 =	vld.idx.msk [tilespmem:v51+s24+$0x0], $0xffff;
	_ =	sdelay $0x1  }
0x52d: {  	v16 =	vld.idx.msk [tilespmem:v52+s24+$0x0], $0xffff;
	_ =	sdelay $0x1  }
0x52e: {  	v17 =	vld.idx.msk [tilespmem:v53+s24+$0x0], $0xffff  }
0x52f: {  	v7 =	vadd.f32 $0.0e+00, v7  }
0x530: {  	v18 =	vld.idx.msk [tilespmem:v54+s24+$0x0], $0xffff  }
0x531: {  	v7 =	vadd.f32 v16, v7  }
0x532: {  	v19 =	vld.idx.msk [tilespmem:v55+s24+$0x0], $0xffff  }
0x533: {  	v7 =	vadd.f32 v17, v7  }
0x534: {  	v12 =	vld.idx.msk [tilespmem:v56+s24+$0x0], $0xffff  }
0x535: {  	v7 =	vadd.f32 v18, v7  }
0x536: {  	v13 =	vld.idx.msk [tilespmem:v57+s24+$0x0], $0xffff  }
0x537: {  	v7 =	vadd.f32 v19, v7  }
0x538: {  	v14 =	vld.idx.msk [tilespmem:v58+s24+$0x0], $0xffff  }
0x539: {  	v7 =	vadd.f32 v12, v7  }
0x53a: {  	v15 =	vld.idx.msk [tilespmem:v59+s24+$0x0], $0xffff  }
0x53b: {  	v7 =	vadd.f32 v13, v7  }
0x53c: {  	v16 =	vld.idx.msk [tilespmem:v60+s24+$0x0], $0xffff  }
0x53d: {  	v7 =	vadd.f32 v14, v7  }
0x53e: {  	v17 =	vld.idx.msk [tilespmem:v61+s24+$0x0], $0xffff  }
0x53f: {  	v7 =	vadd.f32 v15, v7  }
0x540: {  	v18 =	vld.idx.msk [tilespmem:v62+s24+$0x0], $0xffff  }
0x541: {  	v7 =	vadd.f32 v16, v7  }
0x542: {  	v19 =	vld.idx.msk [tilespmem:v63+s24+$0x0], $0xffff  }
0x543: {  	v7 =	vadd.f32 v17, v7  }
0x544: {  	v4 =	vld.idx.msk [tilespmem:v4+s24+$0x0], $0xffff  }
0x545: {  	v7 =	vadd.f32 v18, v7  }
0x546: {  	v5 =	vld.idx.msk [tilespmem:v5+s24+$0x0], $0xffff  }
0x547: {  	v7 =	vadd.f32 v19, v7  }
0x548: {  	v6 =	vld.idx.msk [tilespmem:v6+s24+$0x0], $0xffff  }
0x549: {  	v4 =	vadd.f32 v4, v7;
	_ =	sdelay $0x1  }
0x54a: {  	v4 =	vadd.f32 v5, v4;
	_ =	sdelay $0x1  }
0x54b: {  	v4 =	vadd.f32 v6, v4  }
0x54c: {  	s29 =	sadd.s32 $0x1, s29  }
0x54d: {  	p0 =	sne.s32 s29, s21;
	v4 =	vnsel vm0, $0xBF800000, v4  }
.Ltmp18:
0x54e: {  	s0 =	simm.s32 $0x0;
	[tilespmem:$0x10430] =	vst v4;
	(pc) =	sbr.rel @p0 .LBB2_1-.Ltmp18, $4  }
0x54f: {  	[hbm4b:s20+s0] =	stream.linear.scatter [tilespmem:s26], [sflag:$0x3], $0x40, $0x38;
	[tilespmem:$0x10480] =	vst v63  }
0x550: {  	_ =	swait.ge [sflag:s28], $0x40  }
0x551: {  	[sflag:s28] =	ssyncset.done $0x0  }
0x552: {  	v22 =	vmov v25;
	v23 =	vmov v26;
	v24 =	vmov v27;
	[sflag:s28] =	ssyncadd.s32 $0xFFFFFFC0  }
0x553: {  	_ =	sfence.sel $0x180000  }
0x554: {  	[bflag:$0x0] =	sbarrier.arrive $0xFFFF  }
0x555: {  	_ =	strace $0x90000047  }
0x556: {  	s0 =	stileid.u32;
	[bflag:$0x2] =	sbarrier.arrive $0xFFFF  }
0x557: {  	p0 =	sne.s32 s0, $0x0;
	s0 =	rddreg [dreg:$0x2]  }
0x558: {  	s0 =	sadd.s32 @!p0 $0x100000, s0  }
0x559: {  	[sflag:s0] =	ssyncadd.tile.s32 @!p0 $0x1;
	_ =	shalt  }
.Lfunc_end2:
_tile_overlayer_lowered:
.L_overlay_start_2:
0x55a: {  	(tag) =	ssettag $0x2  }
0x55b: {  	s0 =	rddreg [dreg:$0x0];
	s2 =	stileid.u32  }
0x55c: {  	s1 =	rddreg [dreg:$0x1];
	p0 =	sne.s32 s2, $0x0  }
0x55d: {  	s3 =	rddreg [dreg:$0x2];
	[bflag:$0x3] =	sbarrier.arrive $0xFFFF;
	s2 =	simm.s32 @!p0 $0x1C03  }
0x55e: {  	[timem:s3], [sflag:s2] =	dma.local @!p0 [hbm:s0], s1  }
0x55f: {  	s0 =	simm.s32 @!p0 $0x3  }
0x560: {  	_ =	swait.ge @!p0 [sflag:s0], s1  }
0x561: {  	s1 =	ssub.s32 @!p0 $0x0, s1;
	[sflag:s0] =	ssyncset.done @!p0 $0x0  }
0x562: {  	[sflag:s0] =	ssyncadd.s32 @!p0 s1  }
0x563: {  	[bflag:$0x3] =	sbarrier.arrive $0xFFFF  }
0x564: {  	_ =	shalt  }

</sc_bundles>
